<compile_context>
chip_gen: v7x
topology: tpu7x:2x2x1
jax: 0.10.2.dev20260603
libtpu: 0.0.44.dev20260713+nightly
codegen_flags: <defaults>
</compile_context>

<pallas_src>
import functools

import jax
import jax.numpy as jnp
from jax import lax
from jax.experimental import pallas as pl
from jax.experimental.pallas import tpu as pltpu
from jax.experimental.pallas import tpu_sc as plsc

F32 = jnp.float32
NC = 2
NS = 16
NW = NC * NS
WIN = 128
LANES = 16
G = 5


def _ceil_to(v, m):
    return (v + m - 1) // m * m


def _sc_mesh():
    return plsc.VectorSubcoreMesh(core_axis_name="c", subcore_axis_name="s")


_SC_PARAMS = pltpu.CompilerParams(use_tc_tiling_on_sc=False,
                                  needs_layout_passes=False)


def _deg_kernel(n1, nwin):
    stripe = n1 // NS

    @functools.partial(
        pl.kernel,
        out_type=jax.ShapeDtypeStruct((NC, n1), F32),
        mesh=_sc_mesh(),
        scratch_types=[
            pltpu.VMEM((nwin, WIN), jnp.int32),
            pltpu.VMEM((WIN,), F32),
            pltpu.VMEM((stripe,), F32),
            pltpu.VMEM_SHARED((n1,), F32),
            pltpu.SemaphoreType.DMA,
        ],
        compiler_params=_SC_PARAMS,
    )
    def deg(eip_hbm, out_hbm, idx_v, ones_v, zb_v, acc_sh, sem):
        c = lax.axis_index("c")
        s = lax.axis_index("s")
        wid = s * NC + c

        @pl.loop(0, WIN, step=LANES)
        def _(i):
            ones_v[pl.ds(i, LANES)] = jnp.full((LANES,), 1.0, F32)

        @pl.loop(0, stripe, step=LANES)
        def _(i):
            zb_v[pl.ds(i, LANES)] = jnp.zeros((LANES,), F32)

        base = s * stripe
        pltpu.sync_copy(zb_v, acc_sh.at[pl.ds(base, stripe)])
        pltpu.sync_copy(eip_hbm.at[1].at[wid], idx_v)
        plsc.subcore_barrier()

        @pl.loop(0, nwin, step=2 * G)
        def _(j):
            for k in range(2 * G):
                pltpu.async_copy(ones_v, acc_sh.at[idx_v.at[j + k]], sem,
                                 add=True)
            for k in range(2 * G):
                pltpu.make_async_copy(
                    ones_v, acc_sh.at[idx_v.at[j + k]], sem).wait()

        plsc.subcore_barrier()
        pltpu.sync_copy(acc_sh.at[pl.ds(base, stripe)], zb_v)
        pltpu.sync_copy(zb_v, out_hbm.at[c].at[pl.ds(base, stripe)])

    return deg


def _hop_kernel(n2, cp, nwin, second):
    stripe = n2 // NS
    rb = max(G * WIN, stripe)
    ngrp = nwin // G
    npairs = ngrp // 2
    cols = list(range(0, cp - 15, LANES))
    if cols[-1] + LANES < cp:
        cols.append(cp - LANES)

    @functools.partial(
        pl.kernel,
        out_type=jax.ShapeDtypeStruct((NC, n2, cp), F32),
        mesh=_sc_mesh(),
        scratch_types=[
            pltpu.VMEM((nwin, WIN), jnp.int32),
            pltpu.VMEM((nwin, WIN), jnp.int32),
            pltpu.VMEM((rb, cp), F32),
            pltpu.VMEM((rb, cp), F32),
            pltpu.VMEM((stripe,), F32),
            pltpu.VMEM_SHARED((n2, cp), F32),
            pltpu.VMEM_SHARED((n2, cp), F32),
            pltpu.SemaphoreType.DMA,
            pltpu.SemaphoreType.DMA,
            pltpu.SemaphoreType.DMA,
            pltpu.SemaphoreType.DMA,
        ],
        compiler_params=_SC_PARAMS,
    )
    def hop(h_hbm, dv_hbm, eip_hbm, out_hbm, src_v, dst_v, rows_a,
            rows_b, dv_v, u_sh, acc_sh, gsa, gsb, ssa, ssb):
        c = lax.axis_index("c")
        s = lax.axis_index("s")
        wid = s * NC + c
        base = s * stripe

        if second:
            pltpu.async_copy(h_hbm.at[0].at[pl.ds(base, stripe), :],
                             rows_a.at[pl.ds(0, stripe), :], gsa)
            pltpu.async_copy(h_hbm.at[1].at[pl.ds(base, stripe), :],
                             rows_b.at[pl.ds(0, stripe), :], gsb)
        else:
            pltpu.async_copy(h_hbm.at[pl.ds(base, stripe), :],
                             rows_a.at[pl.ds(0, stripe), :], gsa)
        pltpu.sync_copy(eip_hbm.at[0].at[wid], src_v)
        pltpu.sync_copy(eip_hbm.at[1].at[wid], dst_v)
        pltpu.sync_copy(dv_hbm.at[pl.ds(base, stripe)], dv_v)

        if second:
            pltpu.make_async_copy(h_hbm.at[0].at[pl.ds(base, stripe), :],
                                  rows_a.at[pl.ds(0, stripe), :], gsa).wait()
            pltpu.make_async_copy(h_hbm.at[1].at[pl.ds(base, stripe), :],
                                  rows_b.at[pl.ds(0, stripe), :], gsb).wait()
        else:
            pltpu.make_async_copy(h_hbm.at[pl.ds(base, stripe), :],
                                  rows_a.at[pl.ds(0, stripe), :], gsa).wait()

        @pl.loop(0, stripe, step=2)
        def _(r):
            for rr in range(2):
                vs = plsc.load_gather(
                    dv_v, [jnp.full((LANES,), r + rr, jnp.int32)])
                va = [rows_a[r + rr, pl.ds(c0, LANES)] for c0 in cols]
                if second:
                    va = [v + rows_b[r + rr, pl.ds(c0, LANES)]
                          for v, c0 in zip(va, cols)]
                for v, c0 in zip(va, cols):
                    rows_a[r + rr, pl.ds(c0, LANES)] = v * vs

        pltpu.async_copy(rows_a.at[pl.ds(0, stripe), :],
                         u_sh.at[pl.ds(base, stripe), :], gsa)

        @pl.when(c == 0)
        def _():
            pltpu.async_copy(rows_a.at[pl.ds(0, stripe), :],
                             acc_sh.at[pl.ds(base, stripe), :], gsb)

        @pl.when(c != 0)
        def _():
            @pl.loop(0, stripe)
            def _(r):
                for c0 in cols:
                    rows_b[r, pl.ds(c0, LANES)] = jnp.zeros((LANES,), F32)

            pltpu.async_copy(rows_b.at[pl.ds(0, stripe), :],
                             acc_sh.at[pl.ds(base, stripe), :], gsb)

        pltpu.make_async_copy(rows_a.at[pl.ds(0, stripe), :],
                              u_sh.at[pl.ds(base, stripe), :], gsa).wait()
        pltpu.make_async_copy(rows_a.at[pl.ds(0, stripe), :],
                              acc_sh.at[pl.ds(base, stripe), :], gsb).wait()

        def grp_gather(buf, sem, g):
            for k in range(G):
                pltpu.async_copy(u_sh.at[src_v.at[g * G + k]],
                                 buf.at[pl.ds(k * WIN, WIN), :], sem)

        def grp_gather_wait(buf, sem, g):
            for k in range(G):
                pltpu.make_async_copy(u_sh.at[src_v.at[g * G + k]],
                                      buf.at[pl.ds(k * WIN, WIN), :],
                                      sem).wait()

        def grp_scatter(buf, sem, g):
            for k in range(G):
                pltpu.async_copy(buf.at[pl.ds(k * WIN, WIN), :],
                                 acc_sh.at[dst_v.at[g * G + k]], sem,
                                 add=True)

        def grp_scatter_wait(buf, sem, g):
            for k in range(G):
                pltpu.make_async_copy(buf.at[pl.ds(k * WIN, WIN), :],
                                      acc_sh.at[dst_v.at[g * G + k]],
                                      sem).wait()

        plsc.subcore_barrier()
        grp_gather(rows_a, gsa, 0)

        @pl.loop(0, npairs)
        def _(it):
            g = it * 2
            grp_gather(rows_b, gsb, g + 1)
            grp_gather_wait(rows_a, gsa, g)
            grp_scatter(rows_a, ssa, g)
            grp_scatter_wait(rows_a, ssa, g)

            @pl.when(it + 1 < npairs)
            def _():
                grp_gather(rows_a, gsa, g + 2)

            grp_gather_wait(rows_b, gsb, g + 1)
            grp_scatter(rows_b, ssb, g + 1)
            grp_scatter_wait(rows_b, ssb, g + 1)

        plsc.subcore_barrier()
        pltpu.sync_copy(acc_sh.at[pl.ds(base, stripe), :],
                        out_hbm.at[c].at[pl.ds(base, stripe), :])

    return hop


def _matmul(x, w48, n, n2, cp):
    def body(x_ref, w_ref, o_ref):
        o_ref[0:n, :] = jnp.dot(x_ref[...], w_ref[...],
                                preferred_element_type=F32)
        o_ref[n:n2, :] = jnp.zeros((n2 - n, cp), F32)

    return pl.pallas_call(
        body, out_shape=jax.ShapeDtypeStruct((n2, cp), F32))(x, w48)


def _dv_kernel(degp, n1):
    def body(degp_ref, dv1_ref, dv2_ref):
        deg = degp_ref[0:1, :] + degp_ref[1:2, :] + 1.0
        dv1_ref[...] = lax.rsqrt(deg).reshape(n1)
        dv2_ref[...] = (1.0 / deg).reshape(n1)

    return pl.pallas_call(
        body,
        out_shape=(jax.ShapeDtypeStruct((n1,), F32),
                   jax.ShapeDtypeStruct((n1,), F32)))(degp)


def _finalize(h2, dv1, b2, n, c):
    def body(h2_ref, dv1_ref, b_ref, o_ref):
        dinv = dv1_ref[0:n].reshape(n, 1)
        h = (h2_ref[0, 0:n, :] + h2_ref[1, 0:n, :]) * dinv
        logits = h[:, :c] + b_ref[...]
        m = jnp.max(logits, axis=1, keepdims=True)
        e = jnp.exp(logits - m)
        lse = jnp.log(jnp.sum(e, axis=1, keepdims=True)) + m
        o_ref[...] = logits - lse

    return pl.pallas_call(
        body, out_shape=jax.ShapeDtypeStruct((n, c), F32))(h2, dv1, b2)


def kernel(x, edge_index, W, b):
    n, d = x.shape
    e = edge_index.shape[1]
    c = W.shape[1]
    cp = _ceil_to(c, 8)

    ew = _ceil_to(-(-e // NW), 2 * G * WIN)
    nwin = ew // WIN
    ep = NW * ew
    n1 = _ceil_to(n + 16, NS * LANES)
    n2 = _ceil_to(n + 16, NS * 8)

    pad = ep - e
    pad2 = jnp.concatenate(
        [jnp.zeros((1, pad), jnp.int32),
         (n + (jnp.arange(pad, dtype=jnp.int32) % 16)).reshape(1, pad)],
        axis=0)
    eip = jnp.concatenate([edge_index, pad2], axis=1).reshape(
        2, NW, nwin, WIN)

    w48 = jnp.pad(W, ((0, 0), (0, cp - c)))
    b2 = b.reshape(1, c)

    degp = _deg_kernel(n1, nwin)(eip)
    y = _matmul(x, w48, n, n2, cp)
    dv1, dv2 = _dv_kernel(degp, n1)

    h1 = _hop_kernel(n2, cp, nwin, second=False)(y, dv1, eip)
    h2 = _hop_kernel(n2, cp, nwin, second=True)(h1, dv2, eip)
    return _finalize(h2, dv1, b2, n, c)

# --- scband reference (transcript-rebuilt; emitter-appended) ---
"""Pipeline reference for scband-sgcnode-clf-16020228014933 (READ-ONLY COPY).

The authoritative reference and input builder live on the scoring server;
editing this copy changes nothing except your own understanding.
"""

import jax, jax.numpy as jnp
import numpy as np

N = 10000
E = 320000
D = 128
C = 40
K = 2

def setup_inputs(seed: int = 0) -> dict:
    key = jax.random.key(seed)
    k1, k2, k3 = jax.random.split(key, 3)
    x = jax.random.normal(k1, (N, D), dtype=jnp.float32)
    edge_index = jax.random.randint(k2, (2, E), 0, N, dtype=jnp.int32)
    # Linear layer params of SGConv (in_dim -> num_classes), stored as [D, C] for x @ W
    W = jax.random.normal(k3, (D, C), dtype=jnp.float32) * 0.05
    b = jnp.zeros((C,), dtype=jnp.float32)
    return {"x": x, "edge_index": edge_index, "W": W, "b": b}

def reference(x, edge_index, W, b):
    # SGConv: K-step propagation with GCN-normalized adjacency (self-loops added),
    # then a single linear layer; model wraps it with log_softmax.
    src = edge_index[0]
    dst = edge_index[1]
    loop = jnp.arange(N, dtype=src.dtype)
    src = jnp.concatenate([src, loop])
    dst = jnp.concatenate([dst, loop])
    ew = jnp.ones(src.shape[0], dtype=x.dtype)
    deg = jnp.zeros((N,), dtype=x.dtype).at[dst].add(ew)
    dinv = jnp.where(deg > 0, 1.0 / jnp.sqrt(deg), 0.0)
    norm = dinv[src] * ew * dinv[dst]
    h = x
    for _ in range(K):
        msgs = h[src] * norm[:, None]          # gather + scale (edge-wise)
        h = jax.ops.segment_sum(msgs, dst, num_segments=N)  # scatter-add to dst nodes
    out = h @ W + b
    return jax.nn.log_softmax(out, axis=1)

if __name__ == "__main__":
    import jax
    _d = setup_inputs()
    print(jax.jit(kernel)(*tuple(_d.values())))

</pallas_src>

<mosaic_0001>
#map = affine_map<(d0, d1) -> (0, 0, 0, 0)>
#map1 = affine_map<(d0, d1) -> (0, 0)>
module attributes {stable_mosaic.version = 14 : i64} {
  func.func @deg(%arg0: i32, %arg1: i32, %arg2: memref<2x32x80x128xi32, #tpu.memory_space<hbm>>, %arg3: memref<2x10240xf32, #tpu.memory_space<hbm>>, %arg4: memref<80x128xi32, #tpu.memory_space<vmem>>, %arg5: memref<128xf32, #tpu.memory_space<vmem>>, %arg6: memref<640xf32, #tpu.memory_space<vmem>>, %arg7: memref<10240xf32, #tpu.memory_space<vmem_shared>>, %arg8: memref<!tpu.dma_semaphore, #tpu.memory_space<semaphore_mem>>) attributes {dimension_semantics = [#tpu.dimension_semantics<core_parallel>, #tpu.dimension_semantics<subcore_parallel>], iteration_bounds = array<i64: 2, 16>, scalar_prefetch = 0 : i64, scratch_operands = 5 : i64, tpu.core_type = #tpu.core_type<sc_vector_subcore>, window_params = [{transform_indices = #map}, {transform_indices = #map1}]} {
    %mul3A = arith.constant 2 : i32
    %mul3A_0 = arith.muli %arg1, %mul3A : i32
    %add3A = arith.addi %mul3A_0, %arg0 : i32
    %scan3A = arith.constant 0 : i32
    %scan3A_1 = arith.constant 8 : i32
    %scan3A_2 = arith.addi %scan3A, %scan3A_1 : i32
    %scan3A_3 = arith.constant 1 : i32
    scf.for %scan3A_18 = %scan3A to %scan3A_2 step %scan3A_3  : i32 {
      %mul3A_19 = arith.constant 16 : i32
      %mul3A_20 = arith.muli %scan3A_18, %mul3A_19 : i32
      %add3A_21 = arith.constant 0 : i32
      %add3A_22 = arith.addi %add3A_21, %mul3A_20 : i32
      %broadcast_in_dim3A = arith.constant 1.000000e+00 : f32
      %broadcast_in_dim3A_23 = vector.broadcast %broadcast_in_dim3A : f32 to vector<16xf32>
      %swap3A = arith.index_cast %add3A_22 : i32 to index
      %swap3A_24 = tpu.vector_load %arg5[%swap3A] {strides = array<i32>} : memref<128xf32, #tpu.memory_space<vmem>>, vector<16xf32>,
      tpu.vector_store %arg5[%swap3A], %broadcast_in_dim3A_23 {strides = array<i32>} : memref<128xf32, #tpu.memory_space<vmem>>, vector<16xf32>,
    }
    %scan3A_4 = arith.constant 8 : i32
    %scan3A_5 = arith.constant 0 : i32
    %scan3A_6 = arith.constant 40 : i32
    %scan3A_7 = arith.addi %scan3A_5, %scan3A_6 : i32
    %scan3A_8 = arith.constant 1 : i32
    scf.for %scan3A_18 = %scan3A_5 to %scan3A_7 step %scan3A_8  : i32 {
      %mul3A_19 = arith.constant 16 : i32
      %mul3A_20 = arith.muli %scan3A_18, %mul3A_19 : i32
      %add3A_21 = arith.constant 0 : i32
      %add3A_22 = arith.addi %add3A_21, %mul3A_20 : i32
      %broadcast_in_dim3A = arith.constant 0.000000e+00 : f32
      %broadcast_in_dim3A_23 = vector.broadcast %broadcast_in_dim3A : f32 to vector<16xf32>
      %swap3A = arith.index_cast %add3A_22 : i32 to index
      %swap3A_24 = tpu.vector_load %arg6[%swap3A] {strides = array<i32>} : memref<640xf32, #tpu.memory_space<vmem>>, vector<16xf32>,
      tpu.vector_store %arg6[%swap3A], %broadcast_in_dim3A_23 {strides = array<i32>} : memref<640xf32, #tpu.memory_space<vmem>>, vector<16xf32>,
    }
    %scan3A_9 = arith.constant 40 : i32
    %mul3A_10 = arith.constant 640 : i32
    %mul3A_11 = arith.muli %arg1, %mul3A_10 : i32
    "tpu.region"() ({
      %run_scoped3A_18 = tpu.sem_alloc : memref<!tpu.dma_semaphore, #tpu.memory_space<semaphore_mem>>
      %dma_start3A = tpu.memref_slice %arg7[%mul3A_11] : memref<10240xf32, #tpu.memory_space<vmem_shared>> -> memref<640xf32, #tpu.memory_space<vmem_shared>>
      %dma_start3A_19 = tpu.memref_slice %arg7[%mul3A_11] : memref<10240xf32, #tpu.memory_space<vmem_shared>> -> memref<640xf32, #tpu.memory_space<vmem_shared>>
      tpu.enqueue_dma source(%arg6 : memref<640xf32, #tpu.memory_space<vmem>>) target(%dma_start3A_19 : memref<640xf32, #tpu.memory_space<vmem_shared>>) target_semaphore(%run_scoped3A_18 : memref<!tpu.dma_semaphore, #tpu.memory_space<semaphore_mem>>)
      %dma_wait3A = tpu.memref_slice %arg7[%mul3A_11] : memref<10240xf32, #tpu.memory_space<vmem_shared>> -> memref<640xf32, #tpu.memory_space<vmem_shared>>
      %dma_wait3A_20 = tpu.memref_slice %arg7[%mul3A_11] : memref<10240xf32, #tpu.memory_space<vmem_shared>> -> memref<640xf32, #tpu.memory_space<vmem_shared>>
      tpu.wait_dma2 semaphore(%run_scoped3A_18 : memref<!tpu.dma_semaphore, #tpu.memory_space<semaphore_mem>>) src(%arg6 : memref<640xf32, #tpu.memory_space<vmem>>) dst(%dma_wait3A_20 : memref<640xf32, #tpu.memory_space<vmem_shared>>)
      tpu.yield
    }) : () -> ()
    %run_scoped3A = arith.constant 1 : i32
    "tpu.region"() ({
      %run_scoped3A_18 = tpu.sem_alloc : memref<!tpu.dma_semaphore, #tpu.memory_space<semaphore_mem>>
      %dma_start3A = arith.constant 0 : i32
      %dma_start3A_19 = arith.constant 0 : i32
      %dma_start3A_20 = arith.constant 0 : i32
      %dma_start3A_21 = tpu.memref_slice %arg2[%run_scoped3A, %dma_start3A, %dma_start3A_19, %dma_start3A_20] : memref<2x32x80x128xi32, #tpu.memory_space<hbm>> -> memref<1x32x80x128xi32, #tpu.memory_space<hbm>>
      %dma_start3A_22 = tpu.memref_squeeze %dma_start3A_21 : memref<1x32x80x128xi32, #tpu.memory_space<hbm>> -> memref<32x80x128xi32, #tpu.memory_space<hbm>>
      %dma_start3A_23 = arith.constant 0 : i32
      %dma_start3A_24 = arith.constant 0 : i32
      %dma_start3A_25 = tpu.memref_slice %dma_start3A_22[%add3A, %dma_start3A_23, %dma_start3A_24] : memref<32x80x128xi32, #tpu.memory_space<hbm>> -> memref<1x80x128xi32, #tpu.memory_space<hbm>>
      %dma_start3A_26 = tpu.memref_squeeze %dma_start3A_25 : memref<1x80x128xi32, #tpu.memory_space<hbm>> -> memref<80x128xi32, #tpu.memory_space<hbm>>
      %dma_start3A_27 = arith.constant 0 : i32
      %dma_start3A_28 = arith.constant 0 : i32
      %dma_start3A_29 = arith.constant 0 : i32
      %dma_start3A_30 = tpu.memref_slice %arg2[%run_scoped3A, %dma_start3A_27, %dma_start3A_28, %dma_start3A_29] : memref<2x32x80x128xi32, #tpu.memory_space<hbm>> -> memref<1x32x80x128xi32, #tpu.memory_space<hbm>>
      %dma_start3A_31 = tpu.memref_squeeze %dma_start3A_30 : memref<1x32x80x128xi32, #tpu.memory_space<hbm>> -> memref<32x80x128xi32, #tpu.memory_space<hbm>>
      %dma_start3A_32 = arith.constant 0 : i32
      %dma_start3A_33 = arith.constant 0 : i32
      %dma_start3A_34 = tpu.memref_slice %dma_start3A_31[%add3A, %dma_start3A_32, %dma_start3A_33] : memref<32x80x128xi32, #tpu.memory_space<hbm>> -> memref<1x80x128xi32, #tpu.memory_space<hbm>>
      %dma_start3A_35 = tpu.memref_squeeze %dma_start3A_34 : memref<1x80x128xi32, #tpu.memory_space<hbm>> -> memref<80x128xi32, #tpu.memory_space<hbm>>
      tpu.enqueue_dma source(%dma_start3A_35 : memref<80x128xi32, #tpu.memory_space<hbm>>) target(%arg4 : memref<80x128xi32, #tpu.memory_space<vmem>>) target_semaphore(%run_scoped3A_18 : memref<!tpu.dma_semaphore, #tpu.memory_space<semaphore_mem>>)
      %dma_wait3A = arith.constant 0 : i32
      %dma_wait3A_36 = arith.constant 0 : i32
      %dma_wait3A_37 = arith.constant 0 : i32
      %dma_wait3A_38 = tpu.memref_slice %arg2[%run_scoped3A, %dma_wait3A, %dma_wait3A_36, %dma_wait3A_37] : memref<2x32x80x128xi32, #tpu.memory_space<hbm>> -> memref<1x32x80x128xi32, #tpu.memory_space<hbm>>
      %dma_wait3A_39 = tpu.memref_squeeze %dma_wait3A_38 : memref<1x32x80x128xi32, #tpu.memory_space<hbm>> -> memref<32x80x128xi32, #tpu.memory_space<hbm>>
      %dma_wait3A_40 = arith.constant 0 : i32
      %dma_wait3A_41 = arith.constant 0 : i32
      %dma_wait3A_42 = tpu.memref_slice %dma_wait3A_39[%add3A, %dma_wait3A_40, %dma_wait3A_41] : memref<32x80x128xi32, #tpu.memory_space<hbm>> -> memref<1x80x128xi32, #tpu.memory_space<hbm>>
      %dma_wait3A_43 = tpu.memref_squeeze %dma_wait3A_42 : memref<1x80x128xi32, #tpu.memory_space<hbm>> -> memref<80x128xi32, #tpu.memory_space<hbm>>
      %dma_wait3A_44 = arith.constant 0 : i32
      %dma_wait3A_45 = arith.constant 0 : i32
      %dma_wait3A_46 = arith.constant 0 : i32
      %dma_wait3A_47 = tpu.memref_slice %arg2[%run_scoped3A, %dma_wait3A_44, %dma_wait3A_45, %dma_wait3A_46] : memref<2x32x80x128xi32, #tpu.memory_space<hbm>> -> memref<1x32x80x128xi32, #tpu.memory_space<hbm>>
      %dma_wait3A_48 = tpu.memref_squeeze %dma_wait3A_47 : memref<1x32x80x128xi32, #tpu.memory_space<hbm>> -> memref<32x80x128xi32, #tpu.memory_space<hbm>>
      %dma_wait3A_49 = arith.constant 0 : i32
      %dma_wait3A_50 = arith.constant 0 : i32
      %dma_wait3A_51 = tpu.memref_slice %dma_wait3A_48[%add3A, %dma_wait3A_49, %dma_wait3A_50] : memref<32x80x128xi32, #tpu.memory_space<hbm>> -> memref<1x80x128xi32, #tpu.memory_space<hbm>>
      %dma_wait3A_52 = tpu.memref_squeeze %dma_wait3A_51 : memref<1x80x128xi32, #tpu.memory_space<hbm>> -> memref<80x128xi32, #tpu.memory_space<hbm>>
      tpu.wait_dma2 semaphore(%run_scoped3A_18 : memref<!tpu.dma_semaphore, #tpu.memory_space<semaphore_mem>>) src(%dma_wait3A_52 : memref<80x128xi32, #tpu.memory_space<hbm>>) dst(%arg4 : memref<80x128xi32, #tpu.memory_space<vmem>>)
      tpu.yield
    }) : () -> ()
    %barrier3A = arith.constant 0 : index
    tpu.barrier barrier_id(%barrier3A)
    %scan3A_12 = arith.constant 0 : i32
    %scan3A_13 = arith.constant 8 : i32
    %scan3A_14 = arith.addi %scan3A_12, %scan3A_13 : i32
    %scan3A_15 = arith.constant 1 : i32
    scf.for %scan3A_18 = %scan3A_12 to %scan3A_14 step %scan3A_15  : i32 {
      %mul3A_19 = arith.constant 10 : i32
      %mul3A_20 = arith.muli %scan3A_18, %mul3A_19 : i32
      %add3A_21 = arith.constant 0 : i32
      %add3A_22 = arith.addi %add3A_21, %mul3A_20 : i32
      %add3A_23 = arith.constant 0 : i32
      %add3A_24 = arith.addi %add3A_22, %add3A_23 : i32
      %dma_start3A = arith.constant 0 : i32
      %dma_start3A_25 = tpu.memref_slice %arg4[%add3A_24, %dma_start3A] : memref<80x128xi32, #tpu.memory_space<vmem>> -> memref<1x128xi32, #tpu.memory_space<vmem>>
      %dma_start3A_26 = tpu.memref_squeeze %dma_start3A_25 : memref<1x128xi32, #tpu.memory_space<vmem>> -> memref<128xi32, #tpu.memory_space<vmem>>
      %dma_start3A_27 = arith.constant 0 : i32
      %dma_start3A_28 = tpu.memref_slice %arg7[%dma_start3A_27] : memref<10240xf32, #tpu.memory_space<vmem_shared>> -> memref<10240xf32, #tpu.memory_space<vmem_shared>>
      tpu.enqueue_indirect_dma source(%arg5 : memref<128xf32, #tpu.memory_space<vmem>>) target(%dma_start3A_28 : memref<10240xf32, #tpu.memory_space<vmem_shared>>) offsets(%dma_start3A_26 : memref<128xi32, #tpu.memory_space<vmem>>) semaphore(%arg8 : memref<!tpu.dma_semaphore, #tpu.memory_space<semaphore_mem>>) {add = true}
      %add3A_29 = arith.constant 1 : i32
      %add3A_30 = arith.addi %add3A_22, %add3A_29 : i32
      %dma_start3A_31 = arith.constant 0 : i32
      %dma_start3A_32 = tpu.memref_slice %arg4[%add3A_30, %dma_start3A_31] : memref<80x128xi32, #tpu.memory_space<vmem>> -> memref<1x128xi32, #tpu.memory_space<vmem>>
      %dma_start3A_33 = tpu.memref_squeeze %dma_start3A_32 : memref<1x128xi32, #tpu.memory_space<vmem>> -> memref<128xi32, #tpu.memory_space<vmem>>
      %dma_start3A_34 = arith.constant 0 : i32
      %dma_start3A_35 = tpu.memref_slice %arg7[%dma_start3A_34] : memref<10240xf32, #tpu.memory_space<vmem_shared>> -> memref<10240xf32, #tpu.memory_space<vmem_shared>>
      tpu.enqueue_indirect_dma source(%arg5 : memref<128xf32, #tpu.memory_space<vmem>>) target(%dma_start3A_35 : memref<10240xf32, #tpu.memory_space<vmem_shared>>) offsets(%dma_start3A_33 : memref<128xi32, #tpu.memory_space<vmem>>) semaphore(%arg8 : memref<!tpu.dma_semaphore, #tpu.memory_space<semaphore_mem>>) {add = true}
      %add3A_36 = arith.constant 2 : i32
      %add3A_37 = arith.addi %add3A_22, %add3A_36 : i32
      %dma_start3A_38 = arith.constant 0 : i32
      %dma_start3A_39 = tpu.memref_slice %arg4[%add3A_37, %dma_start3A_38] : memref<80x128xi32, #tpu.memory_space<vmem>> -> memref<1x128xi32, #tpu.memory_space<vmem>>
      %dma_start3A_40 = tpu.memref_squeeze %dma_start3A_39 : memref<1x128xi32, #tpu.memory_space<vmem>> -> memref<128xi32, #tpu.memory_space<vmem>>
      %dma_start3A_41 = arith.constant 0 : i32
      %dma_start3A_42 = tpu.memref_slice %arg7[%dma_start3A_41] : memref<10240xf32, #tpu.memory_space<vmem_shared>> -> memref<10240xf32, #tpu.memory_space<vmem_shared>>
      tpu.enqueue_indirect_dma source(%arg5 : memref<128xf32, #tpu.memory_space<vmem>>) target(%dma_start3A_42 : memref<10240xf32, #tpu.memory_space<vmem_shared>>) offsets(%dma_start3A_40 : memref<128xi32, #tpu.memory_space<vmem>>) semaphore(%arg8 : memref<!tpu.dma_semaphore, #tpu.memory_space<semaphore_mem>>) {add = true}
      %add3A_43 = arith.constant 3 : i32
      %add3A_44 = arith.addi %add3A_22, %add3A_43 : i32
      %dma_start3A_45 = arith.constant 0 : i32
      %dma_start3A_46 = tpu.memref_slice %arg4[%add3A_44, %dma_start3A_45] : memref<80x128xi32, #tpu.memory_space<vmem>> -> memref<1x128xi32, #tpu.memory_space<vmem>>
      %dma_start3A_47 = tpu.memref_squeeze %dma_start3A_46 : memref<1x128xi32, #tpu.memory_space<vmem>> -> memref<128xi32, #tpu.memory_space<vmem>>
      %dma_start3A_48 = arith.constant 0 : i32
      %dma_start3A_49 = tpu.memref_slice %arg7[%dma_start3A_48] : memref<10240xf32, #tpu.memory_space<vmem_shared>> -> memref<10240xf32, #tpu.memory_space<vmem_shared>>
      tpu.enqueue_indirect_dma source(%arg5 : memref<128xf32, #tpu.memory_space<vmem>>) target(%dma_start3A_49 : memref<10240xf32, #tpu.memory_space<vmem_shared>>) offsets(%dma_start3A_47 : memref<128xi32, #tpu.memory_space<vmem>>) semaphore(%arg8 : memref<!tpu.dma_semaphore, #tpu.memory_space<semaphore_mem>>) {add = true}
      %add3A_50 = arith.constant 4 : i32
      %add3A_51 = arith.addi %add3A_22, %add3A_50 : i32
      %dma_start3A_52 = arith.constant 0 : i32
      %dma_start3A_53 = tpu.memref_slice %arg4[%add3A_51, %dma_start3A_52] : memref<80x128xi32, #tpu.memory_space<vmem>> -> memref<1x128xi32, #tpu.memory_space<vmem>>
      %dma_start3A_54 = tpu.memref_squeeze %dma_start3A_53 : memref<1x128xi32, #tpu.memory_space<vmem>> -> memref<128xi32, #tpu.memory_space<vmem>>
      %dma_start3A_55 = arith.constant 0 : i32
      %dma_start3A_56 = tpu.memref_slice %arg7[%dma_start3A_55] : memref<10240xf32, #tpu.memory_space<vmem_shared>> -> memref<10240xf32, #tpu.memory_space<vmem_shared>>
      tpu.enqueue_indirect_dma source(%arg5 : memref<128xf32, #tpu.memory_space<vmem>>) target(%dma_start3A_56 : memref<10240xf32, #tpu.memory_space<vmem_shared>>) offsets(%dma_start3A_54 : memref<128xi32, #tpu.memory_space<vmem>>) semaphore(%arg8 : memref<!tpu.dma_semaphore, #tpu.memory_space<semaphore_mem>>) {add = true}
      %add3A_57 = arith.constant 5 : i32
      %add3A_58 = arith.addi %add3A_22, %add3A_57 : i32
      %dma_start3A_59 = arith.constant 0 : i32
      %dma_start3A_60 = tpu.memref_slice %arg4[%add3A_58, %dma_start3A_59] : memref<80x128xi32, #tpu.memory_space<vmem>> -> memref<1x128xi32, #tpu.memory_space<vmem>>
      %dma_start3A_61 = tpu.memref_squeeze %dma_start3A_60 : memref<1x128xi32, #tpu.memory_space<vmem>> -> memref<128xi32, #tpu.memory_space<vmem>>
      %dma_start3A_62 = arith.constant 0 : i32
      %dma_start3A_63 = tpu.memref_slice %arg7[%dma_start3A_62] : memref<10240xf32, #tpu.memory_space<vmem_shared>> -> memref<10240xf32, #tpu.memory_space<vmem_shared>>
      tpu.enqueue_indirect_dma source(%arg5 : memref<128xf32, #tpu.memory_space<vmem>>) target(%dma_start3A_63 : memref<10240xf32, #tpu.memory_space<vmem_shared>>) offsets(%dma_start3A_61 : memref<128xi32, #tpu.memory_space<vmem>>) semaphore(%arg8 : memref<!tpu.dma_semaphore, #tpu.memory_space<semaphore_mem>>) {add = true}
      %add3A_64 = arith.constant 6 : i32
      %add3A_65 = arith.addi %add3A_22, %add3A_64 : i32
      %dma_start3A_66 = arith.constant 0 : i32
      %dma_start3A_67 = tpu.memref_slice %arg4[%add3A_65, %dma_start3A_66] : memref<80x128xi32, #tpu.memory_space<vmem>> -> memref<1x128xi32, #tpu.memory_space<vmem>>
      %dma_start3A_68 = tpu.memref_squeeze %dma_start3A_67 : memref<1x128xi32, #tpu.memory_space<vmem>> -> memref<128xi32, #tpu.memory_space<vmem>>
      %dma_start3A_69 = arith.constant 0 : i32
      %dma_start3A_70 = tpu.memref_slice %arg7[%dma_start3A_69] : memref<10240xf32, #tpu.memory_space<vmem_shared>> -> memref<10240xf32, #tpu.memory_space<vmem_shared>>
      tpu.enqueue_indirect_dma source(%arg5 : memref<128xf32, #tpu.memory_space<vmem>>) target(%dma_start3A_70 : memref<10240xf32, #tpu.memory_space<vmem_shared>>) offsets(%dma_start3A_68 : memref<128xi32, #tpu.memory_space<vmem>>) semaphore(%arg8 : memref<!tpu.dma_semaphore, #tpu.memory_space<semaphore_mem>>) {add = true}
      %add3A_71 = arith.constant 7 : i32
      %add3A_72 = arith.addi %add3A_22, %add3A_71 : i32
      %dma_start3A_73 = arith.constant 0 : i32
      %dma_start3A_74 = tpu.memref_slice %arg4[%add3A_72, %dma_start3A_73] : memref<80x128xi32, #tpu.memory_space<vmem>> -> memref<1x128xi32, #tpu.memory_space<vmem>>
      %dma_start3A_75 = tpu.memref_squeeze %dma_start3A_74 : memref<1x128xi32, #tpu.memory_space<vmem>> -> memref<128xi32, #tpu.memory_space<vmem>>
      %dma_start3A_76 = arith.constant 0 : i32
      %dma_start3A_77 = tpu.memref_slice %arg7[%dma_start3A_76] : memref<10240xf32, #tpu.memory_space<vmem_shared>> -> memref<10240xf32, #tpu.memory_space<vmem_shared>>
      tpu.enqueue_indirect_dma source(%arg5 : memref<128xf32, #tpu.memory_space<vmem>>) target(%dma_start3A_77 : memref<10240xf32, #tpu.memory_space<vmem_shared>>) offsets(%dma_start3A_75 : memref<128xi32, #tpu.memory_space<vmem>>) semaphore(%arg8 : memref<!tpu.dma_semaphore, #tpu.memory_space<semaphore_mem>>) {add = true}
      %add3A_78 = arith.constant 8 : i32
      %add3A_79 = arith.addi %add3A_22, %add3A_78 : i32
      %dma_start3A_80 = arith.constant 0 : i32
      %dma_start3A_81 = tpu.memref_slice %arg4[%add3A_79, %dma_start3A_80] : memref<80x128xi32, #tpu.memory_space<vmem>> -> memref<1x128xi32, #tpu.memory_space<vmem>>
      %dma_start3A_82 = tpu.memref_squeeze %dma_start3A_81 : memref<1x128xi32, #tpu.memory_space<vmem>> -> memref<128xi32, #tpu.memory_space<vmem>>
      %dma_start3A_83 = arith.constant 0 : i32
      %dma_start3A_84 = tpu.memref_slice %arg7[%dma_start3A_83] : memref<10240xf32, #tpu.memory_space<vmem_shared>> -> memref<10240xf32, #tpu.memory_space<vmem_shared>>
      tpu.enqueue_indirect_dma source(%arg5 : memref<128xf32, #tpu.memory_space<vmem>>) target(%dma_start3A_84 : memref<10240xf32, #tpu.memory_space<vmem_shared>>) offsets(%dma_start3A_82 : memref<128xi32, #tpu.memory_space<vmem>>) semaphore(%arg8 : memref<!tpu.dma_semaphore, #tpu.memory_space<semaphore_mem>>) {add = true}
      %add3A_85 = arith.constant 9 : i32
      %add3A_86 = arith.addi %add3A_22, %add3A_85 : i32
      %dma_start3A_87 = arith.constant 0 : i32
      %dma_start3A_88 = tpu.memref_slice %arg4[%add3A_86, %dma_start3A_87] : memref<80x128xi32, #tpu.memory_space<vmem>> -> memref<1x128xi32, #tpu.memory_space<vmem>>
      %dma_start3A_89 = tpu.memref_squeeze %dma_start3A_88 : memref<1x128xi32, #tpu.memory_space<vmem>> -> memref<128xi32, #tpu.memory_space<vmem>>
      %dma_start3A_90 = arith.constant 0 : i32
      %dma_start3A_91 = tpu.memref_slice %arg7[%dma_start3A_90] : memref<10240xf32, #tpu.memory_space<vmem_shared>> -> memref<10240xf32, #tpu.memory_space<vmem_shared>>
      tpu.enqueue_indirect_dma source(%arg5 : memref<128xf32, #tpu.memory_space<vmem>>) target(%dma_start3A_91 : memref<10240xf32, #tpu.memory_space<vmem_shared>>) offsets(%dma_start3A_89 : memref<128xi32, #tpu.memory_space<vmem>>) semaphore(%arg8 : memref<!tpu.dma_semaphore, #tpu.memory_space<semaphore_mem>>) {add = true}
      %add3A_92 = arith.constant 0 : i32
      %add3A_93 = arith.addi %add3A_22, %add3A_92 : i32
      %dma_wait3A = arith.constant 0 : i32
      %dma_wait3A_94 = tpu.memref_slice %arg4[%add3A_93, %dma_wait3A] : memref<80x128xi32, #tpu.memory_space<vmem>> -> memref<1x128xi32, #tpu.memory_space<vmem>>
      %dma_wait3A_95 = tpu.memref_squeeze %dma_wait3A_94 : memref<1x128xi32, #tpu.memory_space<vmem>> -> memref<128xi32, #tpu.memory_space<vmem>>
      %dma_wait3A_96 = arith.constant 0 : i32
      %dma_wait3A_97 = tpu.memref_slice %arg7[%dma_wait3A_96] : memref<10240xf32, #tpu.memory_space<vmem_shared>> -> memref<10240xf32, #tpu.memory_space<vmem_shared>>
      tpu.wait_indirect_dma semaphore(%arg8 : memref<!tpu.dma_semaphore, #tpu.memory_space<semaphore_mem>>) src(%arg5 : memref<128xf32, #tpu.memory_space<vmem>>) dst(%dma_wait3A_97 : memref<10240xf32, #tpu.memory_space<vmem_shared>>)
      %add3A_98 = arith.constant 1 : i32
      %add3A_99 = arith.addi %add3A_22, %add3A_98 : i32
      %dma_wait3A_100 = arith.constant 0 : i32
      %dma_wait3A_101 = tpu.memref_slice %arg4[%add3A_99, %dma_wait3A_100] : memref<80x128xi32, #tpu.memory_space<vmem>> -> memref<1x128xi32, #tpu.memory_space<vmem>>
      %dma_wait3A_102 = tpu.memref_squeeze %dma_wait3A_101 : memref<1x128xi32, #tpu.memory_space<vmem>> -> memref<128xi32, #tpu.memory_space<vmem>>
      %dma_wait3A_103 = arith.constant 0 : i32
      %dma_wait3A_104 = tpu.memref_slice %arg7[%dma_wait3A_103] : memref<10240xf32, #tpu.memory_space<vmem_shared>> -> memref<10240xf32, #tpu.memory_space<vmem_shared>>
      tpu.wait_indirect_dma semaphore(%arg8 : memref<!tpu.dma_semaphore, #tpu.memory_space<semaphore_mem>>) src(%arg5 : memref<128xf32, #tpu.memory_space<vmem>>) dst(%dma_wait3A_104 : memref<10240xf32, #tpu.memory_space<vmem_shared>>)
      %add3A_105 = arith.constant 2 : i32
      %add3A_106 = arith.addi %add3A_22, %add3A_105 : i32
      %dma_wait3A_107 = arith.constant 0 : i32
      %dma_wait3A_108 = tpu.memref_slice %arg4[%add3A_106, %dma_wait3A_107] : memref<80x128xi32, #tpu.memory_space<vmem>> -> memref<1x128xi32, #tpu.memory_space<vmem>>
      %dma_wait3A_109 = tpu.memref_squeeze %dma_wait3A_108 : memref<1x128xi32, #tpu.memory_space<vmem>> -> memref<128xi32, #tpu.memory_space<vmem>>
      %dma_wait3A_110 = arith.constant 0 : i32
      %dma_wait3A_111 = tpu.memref_slice %arg7[%dma_wait3A_110] : memref<10240xf32, #tpu.memory_space<vmem_shared>> -> memref<10240xf32, #tpu.memory_space<vmem_shared>>
      tpu.wait_indirect_dma semaphore(%arg8 : memref<!tpu.dma_semaphore, #tpu.memory_space<semaphore_mem>>) src(%arg5 : memref<128xf32, #tpu.memory_space<vmem>>) dst(%dma_wait3A_111 : memref<10240xf32, #tpu.memory_space<vmem_shared>>)
      %add3A_112 = arith.constant 3 : i32
      %add3A_113 = arith.addi %add3A_22, %add3A_112 : i32
      %dma_wait3A_114 = arith.constant 0 : i32
      %dma_wait3A_115 = tpu.memref_slice %arg4[%add3A_113, %dma_wait3A_114] : memref<80x128xi32, #tpu.memory_space<vmem>> -> memref<1x128xi32, #tpu.memory_space<vmem>>
      %dma_wait3A_116 = tpu.memref_squeeze %dma_wait3A_115 : memref<1x128xi32, #tpu.memory_space<vmem>> -> memref<128xi32, #tpu.memory_space<vmem>>
      %dma_wait3A_117 = arith.constant 0 : i32
      %dma_wait3A_118 = tpu.memref_slice %arg7[%dma_wait3A_117] : memref<10240xf32, #tpu.memory_space<vmem_shared>> -> memref<10240xf32, #tpu.memory_space<vmem_shared>>
      tpu.wait_indirect_dma semaphore(%arg8 : memref<!tpu.dma_semaphore, #tpu.memory_space<semaphore_mem>>) src(%arg5 : memref<128xf32, #tpu.memory_space<vmem>>) dst(%dma_wait3A_118 : memref<10240xf32, #tpu.memory_space<vmem_shared>>)
      %add3A_119 = arith.constant 4 : i32
      %add3A_120 = arith.addi %add3A_22, %add3A_119 : i32
      %dma_wait3A_121 = arith.constant 0 : i32
      %dma_wait3A_122 = tpu.memref_slice %arg4[%add3A_120, %dma_wait3A_121] : memref<80x128xi32, #tpu.memory_space<vmem>> -> memref<1x128xi32, #tpu.memory_space<vmem>>
      %dma_wait3A_123 = tpu.memref_squeeze %dma_wait3A_122 : memref<1x128xi32, #tpu.memory_space<vmem>> -> memref<128xi32, #tpu.memory_space<vmem>>
      %dma_wait3A_124 = arith.constant 0 : i32
      %dma_wait3A_125 = tpu.memref_slice %arg7[%dma_wait3A_124] : memref<10240xf32, #tpu.memory_space<vmem_shared>> -> memref<10240xf32, #tpu.memory_space<vmem_shared>>
      tpu.wait_indirect_dma semaphore(%arg8 : memref<!tpu.dma_semaphore, #tpu.memory_space<semaphore_mem>>) src(%arg5 : memref<128xf32, #tpu.memory_space<vmem>>) dst(%dma_wait3A_125 : memref<10240xf32, #tpu.memory_space<vmem_shared>>)
      %add3A_126 = arith.constant 5 : i32
      %add3A_127 = arith.addi %add3A_22, %add3A_126 : i32
      %dma_wait3A_128 = arith.constant 0 : i32
      %dma_wait3A_129 = tpu.memref_slice %arg4[%add3A_127, %dma_wait3A_128] : memref<80x128xi32, #tpu.memory_space<vmem>> -> memref<1x128xi32, #tpu.memory_space<vmem>>
      %dma_wait3A_130 = tpu.memref_squeeze %dma_wait3A_129 : memref<1x128xi32, #tpu.memory_space<vmem>> -> memref<128xi32, #tpu.memory_space<vmem>>
      %dma_wait3A_131 = arith.constant 0 : i32
      %dma_wait3A_132 = tpu.memref_slice %arg7[%dma_wait3A_131] : memref<10240xf32, #tpu.memory_space<vmem_shared>> -> memref<10240xf32, #tpu.memory_space<vmem_shared>>
      tpu.wait_indirect_dma semaphore(%arg8 : memref<!tpu.dma_semaphore, #tpu.memory_space<semaphore_mem>>) src(%arg5 : memref<128xf32, #tpu.memory_space<vmem>>) dst(%dma_wait3A_132 : memref<10240xf32, #tpu.memory_space<vmem_shared>>)
      %add3A_133 = arith.constant 6 : i32
      %add3A_134 = arith.addi %add3A_22, %add3A_133 : i32
      %dma_wait3A_135 = arith.constant 0 : i32
      %dma_wait3A_136 = tpu.memref_slice %arg4[%add3A_134, %dma_wait3A_135] : memref<80x128xi32, #tpu.memory_space<vmem>> -> memref<1x128xi32, #tpu.memory_space<vmem>>
      %dma_wait3A_137 = tpu.memref_squeeze %dma_wait3A_136 : memref<1x128xi32, #tpu.memory_space<vmem>> -> memref<128xi32, #tpu.memory_space<vmem>>
      %dma_wait3A_138 = arith.constant 0 : i32
      %dma_wait3A_139 = tpu.memref_slice %arg7[%dma_wait3A_138] : memref<10240xf32, #tpu.memory_space<vmem_shared>> -> memref<10240xf32, #tpu.memory_space<vmem_shared>>
      tpu.wait_indirect_dma semaphore(%arg8 : memref<!tpu.dma_semaphore, #tpu.memory_space<semaphore_mem>>) src(%arg5 : memref<128xf32, #tpu.memory_space<vmem>>) dst(%dma_wait3A_139 : memref<10240xf32, #tpu.memory_space<vmem_shared>>)
      %add3A_140 = arith.constant 7 : i32
      %add3A_141 = arith.addi %add3A_22, %add3A_140 : i32
      %dma_wait3A_142 = arith.constant 0 : i32
      %dma_wait3A_143 = tpu.memref_slice %arg4[%add3A_141, %dma_wait3A_142] : memref<80x128xi32, #tpu.memory_space<vmem>> -> memref<1x128xi32, #tpu.memory_space<vmem>>
      %dma_wait3A_144 = tpu.memref_squeeze %dma_wait3A_143 : memref<1x128xi32, #tpu.memory_space<vmem>> -> memref<128xi32, #tpu.memory_space<vmem>>
      %dma_wait3A_145 = arith.constant 0 : i32
      %dma_wait3A_146 = tpu.memref_slice %arg7[%dma_wait3A_145] : memref<10240xf32, #tpu.memory_space<vmem_shared>> -> memref<10240xf32, #tpu.memory_space<vmem_shared>>
      tpu.wait_indirect_dma semaphore(%arg8 : memref<!tpu.dma_semaphore, #tpu.memory_space<semaphore_mem>>) src(%arg5 : memref<128xf32, #tpu.memory_space<vmem>>) dst(%dma_wait3A_146 : memref<10240xf32, #tpu.memory_space<vmem_shared>>)
      %add3A_147 = arith.constant 8 : i32
      %add3A_148 = arith.addi %add3A_22, %add3A_147 : i32
      %dma_wait3A_149 = arith.constant 0 : i32
      %dma_wait3A_150 = tpu.memref_slice %arg4[%add3A_148, %dma_wait3A_149] : memref<80x128xi32, #tpu.memory_space<vmem>> -> memref<1x128xi32, #tpu.memory_space<vmem>>
      %dma_wait3A_151 = tpu.memref_squeeze %dma_wait3A_150 : memref<1x128xi32, #tpu.memory_space<vmem>> -> memref<128xi32, #tpu.memory_space<vmem>>
      %dma_wait3A_152 = arith.constant 0 : i32
      %dma_wait3A_153 = tpu.memref_slice %arg7[%dma_wait3A_152] : memref<10240xf32, #tpu.memory_space<vmem_shared>> -> memref<10240xf32, #tpu.memory_space<vmem_shared>>
      tpu.wait_indirect_dma semaphore(%arg8 : memref<!tpu.dma_semaphore, #tpu.memory_space<semaphore_mem>>) src(%arg5 : memref<128xf32, #tpu.memory_space<vmem>>) dst(%dma_wait3A_153 : memref<10240xf32, #tpu.memory_space<vmem_shared>>)
      %add3A_154 = arith.constant 9 : i32
      %add3A_155 = arith.addi %add3A_22, %add3A_154 : i32
      %dma_wait3A_156 = arith.constant 0 : i32
      %dma_wait3A_157 = tpu.memref_slice %arg4[%add3A_155, %dma_wait3A_156] : memref<80x128xi32, #tpu.memory_space<vmem>> -> memref<1x128xi32, #tpu.memory_space<vmem>>
      %dma_wait3A_158 = tpu.memref_squeeze %dma_wait3A_157 : memref<1x128xi32, #tpu.memory_space<vmem>> -> memref<128xi32, #tpu.memory_space<vmem>>
      %dma_wait3A_159 = arith.constant 0 : i32
      %dma_wait3A_160 = tpu.memref_slice %arg7[%dma_wait3A_159] : memref<10240xf32, #tpu.memory_space<vmem_shared>> -> memref<10240xf32, #tpu.memory_space<vmem_shared>>
      tpu.wait_indirect_dma semaphore(%arg8 : memref<!tpu.dma_semaphore, #tpu.memory_space<semaphore_mem>>) src(%arg5 : memref<128xf32, #tpu.memory_space<vmem>>) dst(%dma_wait3A_160 : memref<10240xf32, #tpu.memory_space<vmem_shared>>)
    }
    %scan3A_16 = arith.constant 8 : i32
    %barrier3A_17 = arith.constant 0 : index
    tpu.barrier barrier_id(%barrier3A_17)
    "tpu.region"() ({
      %run_scoped3A_18 = tpu.sem_alloc : memref<!tpu.dma_semaphore, #tpu.memory_space<semaphore_mem>>
      %dma_start3A = tpu.memref_slice %arg7[%mul3A_11] : memref<10240xf32, #tpu.memory_space<vmem_shared>> -> memref<640xf32, #tpu.memory_space<vmem_shared>>
      %dma_start3A_19 = tpu.memref_slice %arg7[%mul3A_11] : memref<10240xf32, #tpu.memory_space<vmem_shared>> -> memref<640xf32, #tpu.memory_space<vmem_shared>>
      tpu.enqueue_dma source(%dma_start3A_19 : memref<640xf32, #tpu.memory_space<vmem_shared>>) target(%arg6 : memref<640xf32, #tpu.memory_space<vmem>>) target_semaphore(%run_scoped3A_18 : memref<!tpu.dma_semaphore, #tpu.memory_space<semaphore_mem>>)
      %dma_wait3A = tpu.memref_slice %arg7[%mul3A_11] : memref<10240xf32, #tpu.memory_space<vmem_shared>> -> memref<640xf32, #tpu.memory_space<vmem_shared>>
      %dma_wait3A_20 = tpu.memref_slice %arg7[%mul3A_11] : memref<10240xf32, #tpu.memory_space<vmem_shared>> -> memref<640xf32, #tpu.memory_space<vmem_shared>>
      tpu.wait_dma2 semaphore(%run_scoped3A_18 : memref<!tpu.dma_semaphore, #tpu.memory_space<semaphore_mem>>) src(%dma_wait3A_20 : memref<640xf32, #tpu.memory_space<vmem_shared>>) dst(%arg6 : memref<640xf32, #tpu.memory_space<vmem>>)
      tpu.yield
    }) : () -> ()
    "tpu.region"() ({
      %run_scoped3A_18 = tpu.sem_alloc : memref<!tpu.dma_semaphore, #tpu.memory_space<semaphore_mem>>
      %dma_start3A = arith.constant 0 : i32
      %dma_start3A_19 = tpu.memref_slice %arg3[%arg0, %dma_start3A] : memref<2x10240xf32, #tpu.memory_space<hbm>> -> memref<1x10240xf32, #tpu.memory_space<hbm>>
      %dma_start3A_20 = tpu.memref_squeeze %dma_start3A_19 : memref<1x10240xf32, #tpu.memory_space<hbm>> -> memref<10240xf32, #tpu.memory_space<hbm>>
      %dma_start3A_21 = tpu.memref_slice %dma_start3A_20[%mul3A_11] : memref<10240xf32, #tpu.memory_space<hbm>> -> memref<640xf32, #tpu.memory_space<hbm>>
      %dma_start3A_22 = arith.constant 0 : i32
      %dma_start3A_23 = tpu.memref_slice %arg3[%arg0, %dma_start3A_22] : memref<2x10240xf32, #tpu.memory_space<hbm>> -> memref<1x10240xf32, #tpu.memory_space<hbm>>
      %dma_start3A_24 = tpu.memref_squeeze %dma_start3A_23 : memref<1x10240xf32, #tpu.memory_space<hbm>> -> memref<10240xf32, #tpu.memory_space<hbm>>
      %dma_start3A_25 = tpu.memref_slice %dma_start3A_24[%mul3A_11] : memref<10240xf32, #tpu.memory_space<hbm>> -> memref<640xf32, #tpu.memory_space<hbm>>
      tpu.enqueue_dma source(%arg6 : memref<640xf32, #tpu.memory_space<vmem>>) target(%dma_start3A_25 : memref<640xf32, #tpu.memory_space<hbm>>) target_semaphore(%run_scoped3A_18 : memref<!tpu.dma_semaphore, #tpu.memory_space<semaphore_mem>>)
      %dma_wait3A = arith.constant 0 : i32
      %dma_wait3A_26 = tpu.memref_slice %arg3[%arg0, %dma_wait3A] : memref<2x10240xf32, #tpu.memory_space<hbm>> -> memref<1x10240xf32, #tpu.memory_space<hbm>>
      %dma_wait3A_27 = tpu.memref_squeeze %dma_wait3A_26 : memref<1x10240xf32, #tpu.memory_space<hbm>> -> memref<10240xf32, #tpu.memory_space<hbm>>
      %dma_wait3A_28 = tpu.memref_slice %dma_wait3A_27[%mul3A_11] : memref<10240xf32, #tpu.memory_space<hbm>> -> memref<640xf32, #tpu.memory_space<hbm>>
      %dma_wait3A_29 = arith.constant 0 : i32
      %dma_wait3A_30 = tpu.memref_slice %arg3[%arg0, %dma_wait3A_29] : memref<2x10240xf32, #tpu.memory_space<hbm>> -> memref<1x10240xf32, #tpu.memory_space<hbm>>
      %dma_wait3A_31 = tpu.memref_squeeze %dma_wait3A_30 : memref<1x10240xf32, #tpu.memory_space<hbm>> -> memref<10240xf32, #tpu.memory_space<hbm>>
      %dma_wait3A_32 = tpu.memref_slice %dma_wait3A_31[%mul3A_11] : memref<10240xf32, #tpu.memory_space<hbm>> -> memref<640xf32, #tpu.memory_space<hbm>>
      tpu.wait_dma2 semaphore(%run_scoped3A_18 : memref<!tpu.dma_semaphore, #tpu.memory_space<semaphore_mem>>) src(%arg6 : memref<640xf32, #tpu.memory_space<vmem>>) dst(%dma_wait3A_32 : memref<640xf32, #tpu.memory_space<hbm>>)
      tpu.yield
    }) : () -> ()
    return
  }
}

#map = affine_map<(d0, d1) -> (0, 0)>
#map1 = affine_map<(d0, d1) -> (0)>
#map2 = affine_map<(d0, d1) -> (0, 0, 0, 0)>
#map3 = affine_map<(d0, d1) -> (0, 0, 0)>
module attributes {stable_mosaic.version = 14 : i64} {
  func.func @hop(%arg0: i32, %arg1: i32, %arg2: memref<10112x40xf32, #tpu.memory_space<hbm>>, %arg3: memref<10240xf32, #tpu.memory_space<hbm>>, %arg4: memref<2x32x80x128xi32, #tpu.memory_space<hbm>>, %arg5: memref<2x10112x40xf32, #tpu.memory_space<hbm>>, %arg6: memref<80x128xi32, #tpu.memory_space<vmem>>, %arg7: memref<80x128xi32, #tpu.memory_space<vmem>>, %arg8: memref<640x40xf32, #tpu.memory_space<vmem>>, %arg9: memref<640x40xf32, #tpu.memory_space<vmem>>, %arg10: memref<632xf32, #tpu.memory_space<vmem>>, %arg11: memref<10112x40xf32, #tpu.memory_space<vmem_shared>>, %arg12: memref<10112x40xf32, #tpu.memory_space<vmem_shared>>, %arg13: memref<!tpu.dma_semaphore, #tpu.memory_space<semaphore_mem>>, %arg14: memref<!tpu.dma_semaphore, #tpu.memory_space<semaphore_mem>>, %arg15: memref<!tpu.dma_semaphore, #tpu.memory_space<semaphore_mem>>, %arg16: memref<!tpu.dma_semaphore, #tpu.memory_space<semaphore_mem>>) attributes {dimension_semantics = [#tpu.dimension_semantics<core_parallel>, #tpu.dimension_semantics<subcore_parallel>], iteration_bounds = array<i64: 2, 16>, scalar_prefetch = 0 : i64, scratch_operands = 11 : i64, tpu.core_type = #tpu.core_type<sc_vector_subcore>, window_params = [{transform_indices = #map}, {transform_indices = #map1}, {transform_indices = #map2}, {transform_indices = #map3}]} {
    %mul3A = arith.constant 2 : i32
    %mul3A_0 = arith.muli %arg1, %mul3A : i32
    %add3A = arith.addi %mul3A_0, %arg0 : i32
    %mul3A_1 = arith.constant 632 : i32
    %mul3A_2 = arith.muli %arg1, %mul3A_1 : i32
    %dma_start3A = arith.constant 0 : i32
    %dma_start3A_3 = arith.constant 0 : i32
    %dma_start3A_4 = tpu.memref_slice %arg8[%dma_start3A, %dma_start3A_3] : memref<640x40xf32, #tpu.memory_space<vmem>> -> memref<632x40xf32, #tpu.memory_space<vmem>>
    %dma_start3A_5 = arith.constant 0 : i32
    %dma_start3A_6 = tpu.memref_slice %arg2[%mul3A_2, %dma_start3A_5] : memref<10112x40xf32, #tpu.memory_space<hbm>> -> memref<632x40xf32, #tpu.memory_space<hbm>>
    %dma_start3A_7 = arith.constant 0 : i32
    %dma_start3A_8 = arith.constant 0 : i32
    %dma_start3A_9 = tpu.memref_slice %arg8[%dma_start3A_7, %dma_start3A_8] : memref<640x40xf32, #tpu.memory_space<vmem>> -> memref<632x40xf32, #tpu.memory_space<vmem>>
    %dma_start3A_10 = arith.constant 0 : i32
    %dma_start3A_11 = tpu.memref_slice %arg2[%mul3A_2, %dma_start3A_10] : memref<10112x40xf32, #tpu.memory_space<hbm>> -> memref<632x40xf32, #tpu.memory_space<hbm>>
    tpu.enqueue_dma source(%dma_start3A_11 : memref<632x40xf32, #tpu.memory_space<hbm>>) target(%dma_start3A_9 : memref<632x40xf32, #tpu.memory_space<vmem>>) target_semaphore(%arg13 : memref<!tpu.dma_semaphore, #tpu.memory_space<semaphore_mem>>)
    %run_scoped3A = arith.constant 0 : i32
    "tpu.region"() ({
      %run_scoped3A_118 = tpu.sem_alloc : memref<!tpu.dma_semaphore, #tpu.memory_space<semaphore_mem>>
      %dma_start3A_119 = arith.constant 0 : i32
      %dma_start3A_120 = arith.constant 0 : i32
      %dma_start3A_121 = arith.constant 0 : i32
      %dma_start3A_122 = tpu.memref_slice %arg4[%run_scoped3A, %dma_start3A_119, %dma_start3A_120, %dma_start3A_121] : memref<2x32x80x128xi32, #tpu.memory_space<hbm>> -> memref<1x32x80x128xi32, #tpu.memory_space<hbm>>
      %dma_start3A_123 = tpu.memref_squeeze %dma_start3A_122 : memref<1x32x80x128xi32, #tpu.memory_space<hbm>> -> memref<32x80x128xi32, #tpu.memory_space<hbm>>
      %dma_start3A_124 = arith.constant 0 : i32
      %dma_start3A_125 = arith.constant 0 : i32
      %dma_start3A_126 = tpu.memref_slice %dma_start3A_123[%add3A, %dma_start3A_124, %dma_start3A_125] : memref<32x80x128xi32, #tpu.memory_space<hbm>> -> memref<1x80x128xi32, #tpu.memory_space<hbm>>
      %dma_start3A_127 = tpu.memref_squeeze %dma_start3A_126 : memref<1x80x128xi32, #tpu.memory_space<hbm>> -> memref<80x128xi32, #tpu.memory_space<hbm>>
      %dma_start3A_128 = arith.constant 0 : i32
      %dma_start3A_129 = arith.constant 0 : i32
      %dma_start3A_130 = arith.constant 0 : i32
      %dma_start3A_131 = tpu.memref_slice %arg4[%run_scoped3A, %dma_start3A_128, %dma_start3A_129, %dma_start3A_130] : memref<2x32x80x128xi32, #tpu.memory_space<hbm>> -> memref<1x32x80x128xi32, #tpu.memory_space<hbm>>
      %dma_start3A_132 = tpu.memref_squeeze %dma_start3A_131 : memref<1x32x80x128xi32, #tpu.memory_space<hbm>> -> memref<32x80x128xi32, #tpu.memory_space<hbm>>
      %dma_start3A_133 = arith.constant 0 : i32
      %dma_start3A_134 = arith.constant 0 : i32
      %dma_start3A_135 = tpu.memref_slice %dma_start3A_132[%add3A, %dma_start3A_133, %dma_start3A_134] : memref<32x80x128xi32, #tpu.memory_space<hbm>> -> memref<1x80x128xi32, #tpu.memory_space<hbm>>
      %dma_start3A_136 = tpu.memref_squeeze %dma_start3A_135 : memref<1x80x128xi32, #tpu.memory_space<hbm>> -> memref<80x128xi32, #tpu.memory_space<hbm>>
      tpu.enqueue_dma source(%dma_start3A_136 : memref<80x128xi32, #tpu.memory_space<hbm>>) target(%arg6 : memref<80x128xi32, #tpu.memory_space<vmem>>) target_semaphore(%run_scoped3A_118 : memref<!tpu.dma_semaphore, #tpu.memory_space<semaphore_mem>>)
      %dma_wait3A_137 = arith.constant 0 : i32
      %dma_wait3A_138 = arith.constant 0 : i32
      %dma_wait3A_139 = arith.constant 0 : i32
      %dma_wait3A_140 = tpu.memref_slice %arg4[%run_scoped3A, %dma_wait3A_137, %dma_wait3A_138, %dma_wait3A_139] : memref<2x32x80x128xi32, #tpu.memory_space<hbm>> -> memref<1x32x80x128xi32, #tpu.memory_space<hbm>>
      %dma_wait3A_141 = tpu.memref_squeeze %dma_wait3A_140 : memref<1x32x80x128xi32, #tpu.memory_space<hbm>> -> memref<32x80x128xi32, #tpu.memory_space<hbm>>
      %dma_wait3A_142 = arith.constant 0 : i32
      %dma_wait3A_143 = arith.constant 0 : i32
      %dma_wait3A_144 = tpu.memref_slice %dma_wait3A_141[%add3A, %dma_wait3A_142, %dma_wait3A_143] : memref<32x80x128xi32, #tpu.memory_space<hbm>> -> memref<1x80x128xi32, #tpu.memory_space<hbm>>
      %dma_wait3A_145 = tpu.memref_squeeze %dma_wait3A_144 : memref<1x80x128xi32, #tpu.memory_space<hbm>> -> memref<80x128xi32, #tpu.memory_space<hbm>>
      %dma_wait3A_146 = arith.constant 0 : i32
      %dma_wait3A_147 = arith.constant 0 : i32
      %dma_wait3A_148 = arith.constant 0 : i32
      %dma_wait3A_149 = tpu.memref_slice %arg4[%run_scoped3A, %dma_wait3A_146, %dma_wait3A_147, %dma_wait3A_148] : memref<2x32x80x128xi32, #tpu.memory_space<hbm>> -> memref<1x32x80x128xi32, #tpu.memory_space<hbm>>
      %dma_wait3A_150 = tpu.memref_squeeze %dma_wait3A_149 : memref<1x32x80x128xi32, #tpu.memory_space<hbm>> -> memref<32x80x128xi32, #tpu.memory_space<hbm>>
      %dma_wait3A_151 = arith.constant 0 : i32
      %dma_wait3A_152 = arith.constant 0 : i32
      %dma_wait3A_153 = tpu.memref_slice %dma_wait3A_150[%add3A, %dma_wait3A_151, %dma_wait3A_152] : memref<32x80x128xi32, #tpu.memory_space<hbm>> -> memref<1x80x128xi32, #tpu.memory_space<hbm>>
      %dma_wait3A_154 = tpu.memref_squeeze %dma_wait3A_153 : memref<1x80x128xi32, #tpu.memory_space<hbm>> -> memref<80x128xi32, #tpu.memory_space<hbm>>
      tpu.wait_dma2 semaphore(%run_scoped3A_118 : memref<!tpu.dma_semaphore, #tpu.memory_space<semaphore_mem>>) src(%dma_wait3A_154 : memref<80x128xi32, #tpu.memory_space<hbm>>) dst(%arg6 : memref<80x128xi32, #tpu.memory_space<vmem>>)
      tpu.yield
    }) : () -> ()
    %run_scoped3A_12 = arith.constant 1 : i32
    "tpu.region"() ({
      %run_scoped3A_118 = tpu.sem_alloc : memref<!tpu.dma_semaphore, #tpu.memory_space<semaphore_mem>>
      %dma_start3A_119 = arith.constant 0 : i32
      %dma_start3A_120 = arith.constant 0 : i32
      %dma_start3A_121 = arith.constant 0 : i32
      %dma_start3A_122 = tpu.memref_slice %arg4[%run_scoped3A_12, %dma_start3A_119, %dma_start3A_120, %dma_start3A_121] : memref<2x32x80x128xi32, #tpu.memory_space<hbm>> -> memref<1x32x80x128xi32, #tpu.memory_space<hbm>>
      %dma_start3A_123 = tpu.memref_squeeze %dma_start3A_122 : memref<1x32x80x128xi32, #tpu.memory_space<hbm>> -> memref<32x80x128xi32, #tpu.memory_space<hbm>>
      %dma_start3A_124 = arith.constant 0 : i32
      %dma_start3A_125 = arith.constant 0 : i32
      %dma_start3A_126 = tpu.memref_slice %dma_start3A_123[%add3A, %dma_start3A_124, %dma_start3A_125] : memref<32x80x128xi32, #tpu.memory_space<hbm>> -> memref<1x80x128xi32, #tpu.memory_space<hbm>>
      %dma_start3A_127 = tpu.memref_squeeze %dma_start3A_126 : memref<1x80x128xi32, #tpu.memory_space<hbm>> -> memref<80x128xi32, #tpu.memory_space<hbm>>
      %dma_start3A_128 = arith.constant 0 : i32
      %dma_start3A_129 = arith.constant 0 : i32
      %dma_start3A_130 = arith.constant 0 : i32
      %dma_start3A_131 = tpu.memref_slice %arg4[%run_scoped3A_12, %dma_start3A_128, %dma_start3A_129, %dma_start3A_130] : memref<2x32x80x128xi32, #tpu.memory_space<hbm>> -> memref<1x32x80x128xi32, #tpu.memory_space<hbm>>
      %dma_start3A_132 = tpu.memref_squeeze %dma_start3A_131 : memref<1x32x80x128xi32, #tpu.memory_space<hbm>> -> memref<32x80x128xi32, #tpu.memory_space<hbm>>
      %dma_start3A_133 = arith.constant 0 : i32
      %dma_start3A_134 = arith.constant 0 : i32
      %dma_start3A_135 = tpu.memref_slice %dma_start3A_132[%add3A, %dma_start3A_133, %dma_start3A_134] : memref<32x80x128xi32, #tpu.memory_space<hbm>> -> memref<1x80x128xi32, #tpu.memory_space<hbm>>
      %dma_start3A_136 = tpu.memref_squeeze %dma_start3A_135 : memref<1x80x128xi32, #tpu.memory_space<hbm>> -> memref<80x128xi32, #tpu.memory_space<hbm>>
      tpu.enqueue_dma source(%dma_start3A_136 : memref<80x128xi32, #tpu.memory_space<hbm>>) target(%arg7 : memref<80x128xi32, #tpu.memory_space<vmem>>) target_semaphore(%run_scoped3A_118 : memref<!tpu.dma_semaphore, #tpu.memory_space<semaphore_mem>>)
      %dma_wait3A_137 = arith.constant 0 : i32
      %dma_wait3A_138 = arith.constant 0 : i32
      %dma_wait3A_139 = arith.constant 0 : i32
      %dma_wait3A_140 = tpu.memref_slice %arg4[%run_scoped3A_12, %dma_wait3A_137, %dma_wait3A_138, %dma_wait3A_139] : memref<2x32x80x128xi32, #tpu.memory_space<hbm>> -> memref<1x32x80x128xi32, #tpu.memory_space<hbm>>
      %dma_wait3A_141 = tpu.memref_squeeze %dma_wait3A_140 : memref<1x32x80x128xi32, #tpu.memory_space<hbm>> -> memref<32x80x128xi32, #tpu.memory_space<hbm>>
      %dma_wait3A_142 = arith.constant 0 : i32
      %dma_wait3A_143 = arith.constant 0 : i32
      %dma_wait3A_144 = tpu.memref_slice %dma_wait3A_141[%add3A, %dma_wait3A_142, %dma_wait3A_143] : memref<32x80x128xi32, #tpu.memory_space<hbm>> -> memref<1x80x128xi32, #tpu.memory_space<hbm>>
      %dma_wait3A_145 = tpu.memref_squeeze %dma_wait3A_144 : memref<1x80x128xi32, #tpu.memory_space<hbm>> -> memref<80x128xi32, #tpu.memory_space<hbm>>
      %dma_wait3A_146 = arith.constant 0 : i32
      %dma_wait3A_147 = arith.constant 0 : i32
      %dma_wait3A_148 = arith.constant 0 : i32
      %dma_wait3A_149 = tpu.memref_slice %arg4[%run_scoped3A_12, %dma_wait3A_146, %dma_wait3A_147, %dma_wait3A_148] : memref<2x32x80x128xi32, #tpu.memory_space<hbm>> -> memref<1x32x80x128xi32, #tpu.memory_space<hbm>>
      %dma_wait3A_150 = tpu.memref_squeeze %dma_wait3A_149 : memref<1x32x80x128xi32, #tpu.memory_space<hbm>> -> memref<32x80x128xi32, #tpu.memory_space<hbm>>
      %dma_wait3A_151 = arith.constant 0 : i32
      %dma_wait3A_152 = arith.constant 0 : i32
      %dma_wait3A_153 = tpu.memref_slice %dma_wait3A_150[%add3A, %dma_wait3A_151, %dma_wait3A_152] : memref<32x80x128xi32, #tpu.memory_space<hbm>> -> memref<1x80x128xi32, #tpu.memory_space<hbm>>
      %dma_wait3A_154 = tpu.memref_squeeze %dma_wait3A_153 : memref<1x80x128xi32, #tpu.memory_space<hbm>> -> memref<80x128xi32, #tpu.memory_space<hbm>>
      tpu.wait_dma2 semaphore(%run_scoped3A_118 : memref<!tpu.dma_semaphore, #tpu.memory_space<semaphore_mem>>) src(%dma_wait3A_154 : memref<80x128xi32, #tpu.memory_space<hbm>>) dst(%arg7 : memref<80x128xi32, #tpu.memory_space<vmem>>)
      tpu.yield
    }) : () -> ()
    "tpu.region"() ({
      %run_scoped3A_118 = tpu.sem_alloc : memref<!tpu.dma_semaphore, #tpu.memory_space<semaphore_mem>>
      %dma_start3A_119 = tpu.memref_slice %arg3[%mul3A_2] : memref<10240xf32, #tpu.memory_space<hbm>> -> memref<632xf32, #tpu.memory_space<hbm>>
      %dma_start3A_120 = tpu.memref_slice %arg3[%mul3A_2] : memref<10240xf32, #tpu.memory_space<hbm>> -> memref<632xf32, #tpu.memory_space<hbm>>
      tpu.enqueue_dma source(%dma_start3A_120 : memref<632xf32, #tpu.memory_space<hbm>>) target(%arg10 : memref<632xf32, #tpu.memory_space<vmem>>) target_semaphore(%run_scoped3A_118 : memref<!tpu.dma_semaphore, #tpu.memory_space<semaphore_mem>>)
      %dma_wait3A_121 = tpu.memref_slice %arg3[%mul3A_2] : memref<10240xf32, #tpu.memory_space<hbm>> -> memref<632xf32, #tpu.memory_space<hbm>>
      %dma_wait3A_122 = tpu.memref_slice %arg3[%mul3A_2] : memref<10240xf32, #tpu.memory_space<hbm>> -> memref<632xf32, #tpu.memory_space<hbm>>
      tpu.wait_dma2 semaphore(%run_scoped3A_118 : memref<!tpu.dma_semaphore, #tpu.memory_space<semaphore_mem>>) src(%dma_wait3A_122 : memref<632xf32, #tpu.memory_space<hbm>>) dst(%arg10 : memref<632xf32, #tpu.memory_space<vmem>>)
      tpu.yield
    }) : () -> ()
    %dma_wait3A = arith.constant 0 : i32
    %dma_wait3A_13 = arith.constant 0 : i32
    %dma_wait3A_14 = tpu.memref_slice %arg8[%dma_wait3A, %dma_wait3A_13] : memref<640x40xf32, #tpu.memory_space<vmem>> -> memref<632x40xf32, #tpu.memory_space<vmem>>
    %dma_wait3A_15 = arith.constant 0 : i32
    %dma_wait3A_16 = tpu.memref_slice %arg2[%mul3A_2, %dma_wait3A_15] : memref<10112x40xf32, #tpu.memory_space<hbm>> -> memref<632x40xf32, #tpu.memory_space<hbm>>
    %dma_wait3A_17 = arith.constant 0 : i32
    %dma_wait3A_18 = arith.constant 0 : i32
    %dma_wait3A_19 = tpu.memref_slice %arg8[%dma_wait3A_17, %dma_wait3A_18] : memref<640x40xf32, #tpu.memory_space<vmem>> -> memref<632x40xf32, #tpu.memory_space<vmem>>
    %dma_wait3A_20 = arith.constant 0 : i32
    %dma_wait3A_21 = tpu.memref_slice %arg2[%mul3A_2, %dma_wait3A_20] : memref<10112x40xf32, #tpu.memory_space<hbm>> -> memref<632x40xf32, #tpu.memory_space<hbm>>
    tpu.wait_dma2 semaphore(%arg13 : memref<!tpu.dma_semaphore, #tpu.memory_space<semaphore_mem>>) src(%dma_wait3A_21 : memref<632x40xf32, #tpu.memory_space<hbm>>) dst(%dma_wait3A_19 : memref<632x40xf32, #tpu.memory_space<vmem>>)
    %scan3A = arith.constant 0 : i32
    %scan3A_22 = arith.constant 316 : i32
    %scan3A_23 = arith.addi %scan3A, %scan3A_22 : i32
    %scan3A_24 = arith.constant 1 : i32
    scf.for %scan3A_118 = %scan3A to %scan3A_23 step %scan3A_24  : i32 {
      %mul3A_119 = arith.constant 2 : i32
      %mul3A_120 = arith.muli %scan3A_118, %mul3A_119 : i32
      %add3A_121 = arith.constant 0 : i32
      %add3A_122 = arith.addi %add3A_121, %mul3A_120 : i32
      %add3A_123 = arith.constant 0 : i32
      %add3A_124 = arith.addi %add3A_122, %add3A_123 : i32
      %broadcast_in_dim3A = vector.broadcast %add3A_124 : i32 to vector<16xi32>
      %gather3A = tpu.vector_load_idx %arg10[%broadcast_in_dim3A] : memref<632xf32, #tpu.memory_space<vmem>>[vector<16xi32>], vector<16xf32>,
      %add3A_125 = arith.constant 0 : i32
      %add3A_126 = arith.addi %add3A_122, %add3A_125 : i32
      %get3A = arith.index_cast %add3A_126 : i32 to index
      %get3A_127 = arith.constant 0 : index
      %get3A_128 = tpu.vector_load %arg8[%get3A, %get3A_127] {strides = array<i32>} : memref<640x40xf32, #tpu.memory_space<vmem>>, vector<16xf32>,
      %add3A_129 = arith.constant 0 : i32
      %add3A_130 = arith.addi %add3A_122, %add3A_129 : i32
      %get3A_131 = arith.index_cast %add3A_130 : i32 to index
      %get3A_132 = arith.constant 16 : index
      %get3A_133 = tpu.vector_load %arg8[%get3A_131, %get3A_132] {strides = array<i32>} : memref<640x40xf32, #tpu.memory_space<vmem>>, vector<16xf32>,
      %add3A_134 = arith.constant 0 : i32
      %add3A_135 = arith.addi %add3A_122, %add3A_134 : i32
      %get3A_136 = arith.index_cast %add3A_135 : i32 to index
      %get3A_137 = arith.constant 24 : index
      %get3A_138 = tpu.vector_load %arg8[%get3A_136, %get3A_137] {strides = array<i32>} : memref<640x40xf32, #tpu.memory_space<vmem>>, vector<16xf32>,
      %mul3A_139 = arith.mulf %get3A_128, %gather3A : vector<16xf32>
      %add3A_140 = arith.constant 0 : i32
      %add3A_141 = arith.addi %add3A_122, %add3A_140 : i32
      %swap3A = arith.index_cast %add3A_141 : i32 to index
      %swap3A_142 = arith.constant 0 : index
      %swap3A_143 = tpu.vector_load %arg8[%swap3A, %swap3A_142] {strides = array<i32>} : memref<640x40xf32, #tpu.memory_space<vmem>>, vector<16xf32>,
      tpu.vector_store %arg8[%swap3A, %swap3A_142], %mul3A_139 {strides = array<i32>} : memref<640x40xf32, #tpu.memory_space<vmem>>, vector<16xf32>,
      %mul3A_144 = arith.mulf %get3A_133, %gather3A : vector<16xf32>
      %add3A_145 = arith.constant 0 : i32
      %add3A_146 = arith.addi %add3A_122, %add3A_145 : i32
      %swap3A_147 = arith.index_cast %add3A_146 : i32 to index
      %swap3A_148 = arith.constant 16 : index
      %swap3A_149 = tpu.vector_load %arg8[%swap3A_147, %swap3A_148] {strides = array<i32>} : memref<640x40xf32, #tpu.memory_space<vmem>>, vector<16xf32>,
      tpu.vector_store %arg8[%swap3A_147, %swap3A_148], %mul3A_144 {strides = array<i32>} : memref<640x40xf32, #tpu.memory_space<vmem>>, vector<16xf32>,
      %mul3A_150 = arith.mulf %get3A_138, %gather3A : vector<16xf32>
      %add3A_151 = arith.constant 0 : i32
      %add3A_152 = arith.addi %add3A_122, %add3A_151 : i32
      %swap3A_153 = arith.index_cast %add3A_152 : i32 to index
      %swap3A_154 = arith.constant 24 : index
      %swap3A_155 = tpu.vector_load %arg8[%swap3A_153, %swap3A_154] {strides = array<i32>} : memref<640x40xf32, #tpu.memory_space<vmem>>, vector<16xf32>,
      tpu.vector_store %arg8[%swap3A_153, %swap3A_154], %mul3A_150 {strides = array<i32>} : memref<640x40xf32, #tpu.memory_space<vmem>>, vector<16xf32>,
      %add3A_156 = arith.constant 1 : i32
      %add3A_157 = arith.addi %add3A_122, %add3A_156 : i32
      %broadcast_in_dim3A_158 = vector.broadcast %add3A_157 : i32 to vector<16xi32>
      %gather3A_159 = tpu.vector_load_idx %arg10[%broadcast_in_dim3A_158] : memref<632xf32, #tpu.memory_space<vmem>>[vector<16xi32>], vector<16xf32>,
      %add3A_160 = arith.constant 1 : i32
      %add3A_161 = arith.addi %add3A_122, %add3A_160 : i32
      %get3A_162 = arith.index_cast %add3A_161 : i32 to index
      %get3A_163 = arith.constant 0 : index
      %get3A_164 = tpu.vector_load %arg8[%get3A_162, %get3A_163] {strides = array<i32>} : memref<640x40xf32, #tpu.memory_space<vmem>>, vector<16xf32>,
      %add3A_165 = arith.constant 1 : i32
      %add3A_166 = arith.addi %add3A_122, %add3A_165 : i32
      %get3A_167 = arith.index_cast %add3A_166 : i32 to index
      %get3A_168 = arith.constant 16 : index
      %get3A_169 = tpu.vector_load %arg8[%get3A_167, %get3A_168] {strides = array<i32>} : memref<640x40xf32, #tpu.memory_space<vmem>>, vector<16xf32>,
      %add3A_170 = arith.constant 1 : i32
      %add3A_171 = arith.addi %add3A_122, %add3A_170 : i32
      %get3A_172 = arith.index_cast %add3A_171 : i32 to index
      %get3A_173 = arith.constant 24 : index
      %get3A_174 = tpu.vector_load %arg8[%get3A_172, %get3A_173] {strides = array<i32>} : memref<640x40xf32, #tpu.memory_space<vmem>>, vector<16xf32>,
      %mul3A_175 = arith.mulf %get3A_164, %gather3A_159 : vector<16xf32>
      %add3A_176 = arith.constant 1 : i32
      %add3A_177 = arith.addi %add3A_122, %add3A_176 : i32
      %swap3A_178 = arith.index_cast %add3A_177 : i32 to index
      %swap3A_179 = arith.constant 0 : index
      %swap3A_180 = tpu.vector_load %arg8[%swap3A_178, %swap3A_179] {strides = array<i32>} : memref<640x40xf32, #tpu.memory_space<vmem>>, vector<16xf32>,
      tpu.vector_store %arg8[%swap3A_178, %swap3A_179], %mul3A_175 {strides = array<i32>} : memref<640x40xf32, #tpu.memory_space<vmem>>, vector<16xf32>,
      %mul3A_181 = arith.mulf %get3A_169, %gather3A_159 : vector<16xf32>
      %add3A_182 = arith.constant 1 : i32
      %add3A_183 = arith.addi %add3A_122, %add3A_182 : i32
      %swap3A_184 = arith.index_cast %add3A_183 : i32 to index
      %swap3A_185 = arith.constant 16 : index
      %swap3A_186 = tpu.vector_load %arg8[%swap3A_184, %swap3A_185] {strides = array<i32>} : memref<640x40xf32, #tpu.memory_space<vmem>>, vector<16xf32>,
      tpu.vector_store %arg8[%swap3A_184, %swap3A_185], %mul3A_181 {strides = array<i32>} : memref<640x40xf32, #tpu.memory_space<vmem>>, vector<16xf32>,
      %mul3A_187 = arith.mulf %get3A_174, %gather3A_159 : vector<16xf32>
      %add3A_188 = arith.constant 1 : i32
      %add3A_189 = arith.addi %add3A_122, %add3A_188 : i32
      %swap3A_190 = arith.index_cast %add3A_189 : i32 to index
      %swap3A_191 = arith.constant 24 : index
      %swap3A_192 = tpu.vector_load %arg8[%swap3A_190, %swap3A_191] {strides = array<i32>} : memref<640x40xf32, #tpu.memory_space<vmem>>, vector<16xf32>,
      tpu.vector_store %arg8[%swap3A_190, %swap3A_191], %mul3A_187 {strides = array<i32>} : memref<640x40xf32, #tpu.memory_space<vmem>>, vector<16xf32>,
    }
    %scan3A_25 = arith.constant 316 : i32
    %dma_start3A_26 = arith.constant 0 : i32
    %dma_start3A_27 = arith.constant 0 : i32
    %dma_start3A_28 = tpu.memref_slice %arg8[%dma_start3A_26, %dma_start3A_27] : memref<640x40xf32, #tpu.memory_space<vmem>> -> memref<632x40xf32, #tpu.memory_space<vmem>>
    %dma_start3A_29 = arith.constant 0 : i32
    %dma_start3A_30 = tpu.memref_slice %arg11[%mul3A_2, %dma_start3A_29] : memref<10112x40xf32, #tpu.memory_space<vmem_shared>> -> memref<632x40xf32, #tpu.memory_space<vmem_shared>>
    %dma_start3A_31 = arith.constant 0 : i32
    %dma_start3A_32 = tpu.memref_slice %arg11[%mul3A_2, %dma_start3A_31] : memref<10112x40xf32, #tpu.memory_space<vmem_shared>> -> memref<632x40xf32, #tpu.memory_space<vmem_shared>>
    %dma_start3A_33 = arith.constant 0 : i32
    %dma_start3A_34 = arith.constant 0 : i32
    %dma_start3A_35 = tpu.memref_slice %arg8[%dma_start3A_33, %dma_start3A_34] : memref<640x40xf32, #tpu.memory_space<vmem>> -> memref<632x40xf32, #tpu.memory_space<vmem>>
    tpu.enqueue_dma source(%dma_start3A_35 : memref<632x40xf32, #tpu.memory_space<vmem>>) target(%dma_start3A_32 : memref<632x40xf32, #tpu.memory_space<vmem_shared>>) target_semaphore(%arg13 : memref<!tpu.dma_semaphore, #tpu.memory_space<semaphore_mem>>)
    %eq3A = arith.constant 0 : i32
    %eq3A_36 = arith.cmpi eq, %arg0, %eq3A : i32
    %convert_element_type3A = arith.extui %eq3A_36 : i1 to i32
    %cond3A = arith.constant 0 : i32
    %cond3A_37 = arith.cmpi ne, %convert_element_type3A, %cond3A : i32
    scf.if %cond3A_37 {
      %dma_start3A_118 = arith.constant 0 : i32
      %dma_start3A_119 = arith.constant 0 : i32
      %dma_start3A_120 = tpu.memref_slice %arg8[%dma_start3A_118, %dma_start3A_119] : memref<640x40xf32, #tpu.memory_space<vmem>> -> memref<632x40xf32, #tpu.memory_space<vmem>>
      %dma_start3A_121 = arith.constant 0 : i32
      %dma_start3A_122 = tpu.memref_slice %arg12[%mul3A_2, %dma_start3A_121] : memref<10112x40xf32, #tpu.memory_space<vmem_shared>> -> memref<632x40xf32, #tpu.memory_space<vmem_shared>>
      %dma_start3A_123 = arith.constant 0 : i32
      %dma_start3A_124 = tpu.memref_slice %arg12[%mul3A_2, %dma_start3A_123] : memref<10112x40xf32, #tpu.memory_space<vmem_shared>> -> memref<632x40xf32, #tpu.memory_space<vmem_shared>>
      %dma_start3A_125 = arith.constant 0 : i32
      %dma_start3A_126 = arith.constant 0 : i32
      %dma_start3A_127 = tpu.memref_slice %arg8[%dma_start3A_125, %dma_start3A_126] : memref<640x40xf32, #tpu.memory_space<vmem>> -> memref<632x40xf32, #tpu.memory_space<vmem>>
      tpu.enqueue_dma source(%dma_start3A_127 : memref<632x40xf32, #tpu.memory_space<vmem>>) target(%dma_start3A_124 : memref<632x40xf32, #tpu.memory_space<vmem_shared>>) target_semaphore(%arg14 : memref<!tpu.dma_semaphore, #tpu.memory_space<semaphore_mem>>)
    } else {
    }
    %ne3A = arith.constant 0 : i32
    %ne3A_38 = arith.cmpi ne, %arg0, %ne3A : i32
    %convert_element_type3A_39 = arith.extui %ne3A_38 : i1 to i32
    %cond3A_40 = arith.constant 0 : i32
    %cond3A_41 = arith.cmpi ne, %convert_element_type3A_39, %cond3A_40 : i32
    scf.if %cond3A_41 {
      %scan3A_118 = arith.constant 0 : i32
      %scan3A_119 = arith.constant 632 : i32
      %scan3A_120 = arith.addi %scan3A_118, %scan3A_119 : i32
      %scan3A_121 = arith.constant 1 : i32
      scf.for %scan3A_133 = %scan3A_118 to %scan3A_120 step %scan3A_121  : i32 {
        %mul3A_134 = arith.constant 1 : i32
        %mul3A_135 = arith.muli %scan3A_133, %mul3A_134 : i32
        %add3A_136 = arith.constant 0 : i32
        %add3A_137 = arith.addi %add3A_136, %mul3A_135 : i32
        %broadcast_in_dim3A = arith.constant 0.000000e+00 : f32
        %broadcast_in_dim3A_138 = vector.broadcast %broadcast_in_dim3A : f32 to vector<16xf32>
        %swap3A = arith.index_cast %add3A_137 : i32 to index
        %swap3A_139 = arith.constant 0 : index
        %swap3A_140 = tpu.vector_load %arg9[%swap3A, %swap3A_139] {strides = array<i32>} : memref<640x40xf32, #tpu.memory_space<vmem>>, vector<16xf32>,
        tpu.vector_store %arg9[%swap3A, %swap3A_139], %broadcast_in_dim3A_138 {strides = array<i32>} : memref<640x40xf32, #tpu.memory_space<vmem>>, vector<16xf32>,
        %broadcast_in_dim3A_141 = arith.constant 0.000000e+00 : f32
        %broadcast_in_dim3A_142 = vector.broadcast %broadcast_in_dim3A_141 : f32 to vector<16xf32>
        %swap3A_143 = arith.index_cast %add3A_137 : i32 to index
        %swap3A_144 = arith.constant 16 : index
        %swap3A_145 = tpu.vector_load %arg9[%swap3A_143, %swap3A_144] {strides = array<i32>} : memref<640x40xf32, #tpu.memory_space<vmem>>, vector<16xf32>,
        tpu.vector_store %arg9[%swap3A_143, %swap3A_144], %broadcast_in_dim3A_142 {strides = array<i32>} : memref<640x40xf32, #tpu.memory_space<vmem>>, vector<16xf32>,
        %broadcast_in_dim3A_146 = arith.constant 0.000000e+00 : f32
        %broadcast_in_dim3A_147 = vector.broadcast %broadcast_in_dim3A_146 : f32 to vector<16xf32>
        %swap3A_148 = arith.index_cast %add3A_137 : i32 to index
        %swap3A_149 = arith.constant 24 : index
        %swap3A_150 = tpu.vector_load %arg9[%swap3A_148, %swap3A_149] {strides = array<i32>} : memref<640x40xf32, #tpu.memory_space<vmem>>, vector<16xf32>,
        tpu.vector_store %arg9[%swap3A_148, %swap3A_149], %broadcast_in_dim3A_147 {strides = array<i32>} : memref<640x40xf32, #tpu.memory_space<vmem>>, vector<16xf32>,
      }
      %scan3A_122 = arith.constant 632 : i32
      %dma_start3A_123 = arith.constant 0 : i32
      %dma_start3A_124 = arith.constant 0 : i32
      %dma_start3A_125 = tpu.memref_slice %arg9[%dma_start3A_123, %dma_start3A_124] : memref<640x40xf32, #tpu.memory_space<vmem>> -> memref<632x40xf32, #tpu.memory_space<vmem>>
      %dma_start3A_126 = arith.constant 0 : i32
      %dma_start3A_127 = tpu.memref_slice %arg12[%mul3A_2, %dma_start3A_126] : memref<10112x40xf32, #tpu.memory_space<vmem_shared>> -> memref<632x40xf32, #tpu.memory_space<vmem_shared>>
      %dma_start3A_128 = arith.constant 0 : i32
      %dma_start3A_129 = tpu.memref_slice %arg12[%mul3A_2, %dma_start3A_128] : memref<10112x40xf32, #tpu.memory_space<vmem_shared>> -> memref<632x40xf32, #tpu.memory_space<vmem_shared>>
      %dma_start3A_130 = arith.constant 0 : i32
      %dma_start3A_131 = arith.constant 0 : i32
      %dma_start3A_132 = tpu.memref_slice %arg9[%dma_start3A_130, %dma_start3A_131] : memref<640x40xf32, #tpu.memory_space<vmem>> -> memref<632x40xf32, #tpu.memory_space<vmem>>
      tpu.enqueue_dma source(%dma_start3A_132 : memref<632x40xf32, #tpu.memory_space<vmem>>) target(%dma_start3A_129 : memref<632x40xf32, #tpu.memory_space<vmem_shared>>) target_semaphore(%arg14 : memref<!tpu.dma_semaphore, #tpu.memory_space<semaphore_mem>>)
    } else {
    }
    %dma_wait3A_42 = arith.constant 0 : i32
    %dma_wait3A_43 = arith.constant 0 : i32
    %dma_wait3A_44 = tpu.memref_slice %arg8[%dma_wait3A_42, %dma_wait3A_43] : memref<640x40xf32, #tpu.memory_space<vmem>> -> memref<632x40xf32, #tpu.memory_space<vmem>>
    %dma_wait3A_45 = arith.constant 0 : i32
    %dma_wait3A_46 = tpu.memref_slice %arg11[%mul3A_2, %dma_wait3A_45] : memref<10112x40xf32, #tpu.memory_space<vmem_shared>> -> memref<632x40xf32, #tpu.memory_space<vmem_shared>>
    %dma_wait3A_47 = arith.constant 0 : i32
    %dma_wait3A_48 = tpu.memref_slice %arg11[%mul3A_2, %dma_wait3A_47] : memref<10112x40xf32, #tpu.memory_space<vmem_shared>> -> memref<632x40xf32, #tpu.memory_space<vmem_shared>>
    %dma_wait3A_49 = arith.constant 0 : i32
    %dma_wait3A_50 = arith.constant 0 : i32
    %dma_wait3A_51 = tpu.memref_slice %arg8[%dma_wait3A_49, %dma_wait3A_50] : memref<640x40xf32, #tpu.memory_space<vmem>> -> memref<632x40xf32, #tpu.memory_space<vmem>>
    tpu.wait_dma2 semaphore(%arg13 : memref<!tpu.dma_semaphore, #tpu.memory_space<semaphore_mem>>) src(%dma_wait3A_51 : memref<632x40xf32, #tpu.memory_space<vmem>>) dst(%dma_wait3A_48 : memref<632x40xf32, #tpu.memory_space<vmem_shared>>)
    %dma_wait3A_52 = arith.constant 0 : i32
    %dma_wait3A_53 = arith.constant 0 : i32
    %dma_wait3A_54 = tpu.memref_slice %arg8[%dma_wait3A_52, %dma_wait3A_53] : memref<640x40xf32, #tpu.memory_space<vmem>> -> memref<632x40xf32, #tpu.memory_space<vmem>>
    %dma_wait3A_55 = arith.constant 0 : i32
    %dma_wait3A_56 = tpu.memref_slice %arg12[%mul3A_2, %dma_wait3A_55] : memref<10112x40xf32, #tpu.memory_space<vmem_shared>> -> memref<632x40xf32, #tpu.memory_space<vmem_shared>>
    %dma_wait3A_57 = arith.constant 0 : i32
    %dma_wait3A_58 = tpu.memref_slice %arg12[%mul3A_2, %dma_wait3A_57] : memref<10112x40xf32, #tpu.memory_space<vmem_shared>> -> memref<632x40xf32, #tpu.memory_space<vmem_shared>>
    %dma_wait3A_59 = arith.constant 0 : i32
    %dma_wait3A_60 = arith.constant 0 : i32
    %dma_wait3A_61 = tpu.memref_slice %arg8[%dma_wait3A_59, %dma_wait3A_60] : memref<640x40xf32, #tpu.memory_space<vmem>> -> memref<632x40xf32, #tpu.memory_space<vmem>>
    tpu.wait_dma2 semaphore(%arg14 : memref<!tpu.dma_semaphore, #tpu.memory_space<semaphore_mem>>) src(%dma_wait3A_61 : memref<632x40xf32, #tpu.memory_space<vmem>>) dst(%dma_wait3A_58 : memref<632x40xf32, #tpu.memory_space<vmem_shared>>)
    %barrier3A = arith.constant 0 : index
    tpu.barrier barrier_id(%barrier3A)
    %dma_start3A_62 = arith.constant 0 : i32
    %dma_start3A_63 = arith.constant 0 : i32
    %dma_start3A_64 = arith.constant 0 : i32
    %dma_start3A_65 = tpu.memref_slice %arg8[%dma_start3A_63, %dma_start3A_64] : memref<640x40xf32, #tpu.memory_space<vmem>> -> memref<128x40xf32, #tpu.memory_space<vmem>>
    %dma_start3A_66 = arith.constant 0 : i32
    %dma_start3A_67 = tpu.memref_slice %arg6[%dma_start3A_62, %dma_start3A_66] : memref<80x128xi32, #tpu.memory_space<vmem>> -> memref<1x128xi32, #tpu.memory_space<vmem>>
    %dma_start3A_68 = tpu.memref_squeeze %dma_start3A_67 : memref<1x128xi32, #tpu.memory_space<vmem>> -> memref<128xi32, #tpu.memory_space<vmem>>
    %dma_start3A_69 = arith.constant 0 : i32
    %dma_start3A_70 = arith.constant 0 : i32
    %dma_start3A_71 = tpu.memref_slice %arg11[%dma_start3A_69, %dma_start3A_70] : memref<10112x40xf32, #tpu.memory_space<vmem_shared>> -> memref<10112x40xf32, #tpu.memory_space<vmem_shared>>
    tpu.enqueue_indirect_dma source(%dma_start3A_71 : memref<10112x40xf32, #tpu.memory_space<vmem_shared>>) target(%dma_start3A_65 : memref<128x40xf32, #tpu.memory_space<vmem>>) offsets(%dma_start3A_68 : memref<128xi32, #tpu.memory_space<vmem>>) semaphore(%arg13 : memref<!tpu.dma_semaphore, #tpu.memory_space<semaphore_mem>>)
    %dma_start3A_72 = arith.constant 1 : i32
    %dma_start3A_73 = arith.constant 128 : i32
    %dma_start3A_74 = arith.constant 0 : i32
    %dma_start3A_75 = tpu.memref_slice %arg8[%dma_start3A_73, %dma_start3A_74] : memref<640x40xf32, #tpu.memory_space<vmem>> -> memref<128x40xf32, #tpu.memory_space<vmem>>
    %dma_start3A_76 = arith.constant 0 : i32
    %dma_start3A_77 = tpu.memref_slice %arg6[%dma_start3A_72, %dma_start3A_76] : memref<80x128xi32, #tpu.memory_space<vmem>> -> memref<1x128xi32, #tpu.memory_space<vmem>>
    %dma_start3A_78 = tpu.memref_squeeze %dma_start3A_77 : memref<1x128xi32, #tpu.memory_space<vmem>> -> memref<128xi32, #tpu.memory_space<vmem>>
    %dma_start3A_79 = arith.constant 0 : i32
    %dma_start3A_80 = arith.constant 0 : i32
    %dma_start3A_81 = tpu.memref_slice %arg11[%dma_start3A_79, %dma_start3A_80] : memref<10112x40xf32, #tpu.memory_space<vmem_shared>> -> memref<10112x40xf32, #tpu.memory_space<vmem_shared>>
    tpu.enqueue_indirect_dma source(%dma_start3A_81 : memref<10112x40xf32, #tpu.memory_space<vmem_shared>>) target(%dma_start3A_75 : memref<128x40xf32, #tpu.memory_space<vmem>>) offsets(%dma_start3A_78 : memref<128xi32, #tpu.memory_space<vmem>>) semaphore(%arg13 : memref<!tpu.dma_semaphore, #tpu.memory_space<semaphore_mem>>)
    %dma_start3A_82 = arith.constant 2 : i32
    %dma_start3A_83 = arith.constant 256 : i32
    %dma_start3A_84 = arith.constant 0 : i32
    %dma_start3A_85 = tpu.memref_slice %arg8[%dma_start3A_83, %dma_start3A_84] : memref<640x40xf32, #tpu.memory_space<vmem>> -> memref<128x40xf32, #tpu.memory_space<vmem>>
    %dma_start3A_86 = arith.constant 0 : i32
    %dma_start3A_87 = tpu.memref_slice %arg6[%dma_start3A_82, %dma_start3A_86] : memref<80x128xi32, #tpu.memory_space<vmem>> -> memref<1x128xi32, #tpu.memory_space<vmem>>
    %dma_start3A_88 = tpu.memref_squeeze %dma_start3A_87 : memref<1x128xi32, #tpu.memory_space<vmem>> -> memref<128xi32, #tpu.memory_space<vmem>>
    %dma_start3A_89 = arith.constant 0 : i32
    %dma_start3A_90 = arith.constant 0 : i32
    %dma_start3A_91 = tpu.memref_slice %arg11[%dma_start3A_89, %dma_start3A_90] : memref<10112x40xf32, #tpu.memory_space<vmem_shared>> -> memref<10112x40xf32, #tpu.memory_space<vmem_shared>>
    tpu.enqueue_indirect_dma source(%dma_start3A_91 : memref<10112x40xf32, #tpu.memory_space<vmem_shared>>) target(%dma_start3A_85 : memref<128x40xf32, #tpu.memory_space<vmem>>) offsets(%dma_start3A_88 : memref<128xi32, #tpu.memory_space<vmem>>) semaphore(%arg13 : memref<!tpu.dma_semaphore, #tpu.memory_space<semaphore_mem>>)
    %dma_start3A_92 = arith.constant 3 : i32
    %dma_start3A_93 = arith.constant 384 : i32
    %dma_start3A_94 = arith.constant 0 : i32
    %dma_start3A_95 = tpu.memref_slice %arg8[%dma_start3A_93, %dma_start3A_94] : memref<640x40xf32, #tpu.memory_space<vmem>> -> memref<128x40xf32, #tpu.memory_space<vmem>>
    %dma_start3A_96 = arith.constant 0 : i32
    %dma_start3A_97 = tpu.memref_slice %arg6[%dma_start3A_92, %dma_start3A_96] : memref<80x128xi32, #tpu.memory_space<vmem>> -> memref<1x128xi32, #tpu.memory_space<vmem>>
    %dma_start3A_98 = tpu.memref_squeeze %dma_start3A_97 : memref<1x128xi32, #tpu.memory_space<vmem>> -> memref<128xi32, #tpu.memory_space<vmem>>
    %dma_start3A_99 = arith.constant 0 : i32
    %dma_start3A_100 = arith.constant 0 : i32
    %dma_start3A_101 = tpu.memref_slice %arg11[%dma_start3A_99, %dma_start3A_100] : memref<10112x40xf32, #tpu.memory_space<vmem_shared>> -> memref<10112x40xf32, #tpu.memory_space<vmem_shared>>
    tpu.enqueue_indirect_dma source(%dma_start3A_101 : memref<10112x40xf32, #tpu.memory_space<vmem_shared>>) target(%dma_start3A_95 : memref<128x40xf32, #tpu.memory_space<vmem>>) offsets(%dma_start3A_98 : memref<128xi32, #tpu.memory_space<vmem>>) semaphore(%arg13 : memref<!tpu.dma_semaphore, #tpu.memory_space<semaphore_mem>>)
    %dma_start3A_102 = arith.constant 4 : i32
    %dma_start3A_103 = arith.constant 512 : i32
    %dma_start3A_104 = arith.constant 0 : i32
    %dma_start3A_105 = tpu.memref_slice %arg8[%dma_start3A_103, %dma_start3A_104] : memref<640x40xf32, #tpu.memory_space<vmem>> -> memref<128x40xf32, #tpu.memory_space<vmem>>
    %dma_start3A_106 = arith.constant 0 : i32
    %dma_start3A_107 = tpu.memref_slice %arg6[%dma_start3A_102, %dma_start3A_106] : memref<80x128xi32, #tpu.memory_space<vmem>> -> memref<1x128xi32, #tpu.memory_space<vmem>>
    %dma_start3A_108 = tpu.memref_squeeze %dma_start3A_107 : memref<1x128xi32, #tpu.memory_space<vmem>> -> memref<128xi32, #tpu.memory_space<vmem>>
    %dma_start3A_109 = arith.constant 0 : i32
    %dma_start3A_110 = arith.constant 0 : i32
    %dma_start3A_111 = tpu.memref_slice %arg11[%dma_start3A_109, %dma_start3A_110] : memref<10112x40xf32, #tpu.memory_space<vmem_shared>> -> memref<10112x40xf32, #tpu.memory_space<vmem_shared>>
    tpu.enqueue_indirect_dma source(%dma_start3A_111 : memref<10112x40xf32, #tpu.memory_space<vmem_shared>>) target(%dma_start3A_105 : memref<128x40xf32, #tpu.memory_space<vmem>>) offsets(%dma_start3A_108 : memref<128xi32, #tpu.memory_space<vmem>>) semaphore(%arg13 : memref<!tpu.dma_semaphore, #tpu.memory_space<semaphore_mem>>)
    %scan3A_112 = arith.constant 0 : i32
    %scan3A_113 = arith.constant 8 : i32
    %scan3A_114 = arith.addi %scan3A_112, %scan3A_113 : i32
    %scan3A_115 = arith.constant 1 : i32
    scf.for %scan3A_118 = %scan3A_112 to %scan3A_114 step %scan3A_115  : i32 {
      %mul3A_119 = arith.constant 1 : i32
      %mul3A_120 = arith.muli %scan3A_118, %mul3A_119 : i32
      %add3A_121 = arith.constant 0 : i32
      %add3A_122 = arith.addi %add3A_121, %mul3A_120 : i32
      %mul3A_123 = arith.constant 2 : i32
      %mul3A_124 = arith.muli %add3A_122, %mul3A_123 : i32
      %add3A_125 = arith.constant 1 : i32
      %add3A_126 = arith.addi %mul3A_124, %add3A_125 : i32
      %mul3A_127 = arith.constant 5 : i32
      %mul3A_128 = arith.muli %add3A_126, %mul3A_127 : i32
      %add3A_129 = arith.constant 0 : i32
      %add3A_130 = arith.addi %mul3A_128, %add3A_129 : i32
      %dma_start3A_131 = arith.constant 0 : i32
      %dma_start3A_132 = arith.constant 0 : i32
      %dma_start3A_133 = tpu.memref_slice %arg9[%dma_start3A_131, %dma_start3A_132] : memref<640x40xf32, #tpu.memory_space<vmem>> -> memref<128x40xf32, #tpu.memory_space<vmem>>
      %dma_start3A_134 = arith.constant 0 : i32
      %dma_start3A_135 = tpu.memref_slice %arg6[%add3A_130, %dma_start3A_134] : memref<80x128xi32, #tpu.memory_space<vmem>> -> memref<1x128xi32, #tpu.memory_space<vmem>>
      %dma_start3A_136 = tpu.memref_squeeze %dma_start3A_135 : memref<1x128xi32, #tpu.memory_space<vmem>> -> memref<128xi32, #tpu.memory_space<vmem>>
      %dma_start3A_137 = arith.constant 0 : i32
      %dma_start3A_138 = arith.constant 0 : i32
      %dma_start3A_139 = tpu.memref_slice %arg11[%dma_start3A_137, %dma_start3A_138] : memref<10112x40xf32, #tpu.memory_space<vmem_shared>> -> memref<10112x40xf32, #tpu.memory_space<vmem_shared>>
      tpu.enqueue_indirect_dma source(%dma_start3A_139 : memref<10112x40xf32, #tpu.memory_space<vmem_shared>>) target(%dma_start3A_133 : memref<128x40xf32, #tpu.memory_space<vmem>>) offsets(%dma_start3A_136 : memref<128xi32, #tpu.memory_space<vmem>>) semaphore(%arg14 : memref<!tpu.dma_semaphore, #tpu.memory_space<semaphore_mem>>)
      %mul3A_140 = arith.constant 5 : i32
      %mul3A_141 = arith.muli %add3A_126, %mul3A_140 : i32
      %add3A_142 = arith.constant 1 : i32
      %add3A_143 = arith.addi %mul3A_141, %add3A_142 : i32
      %dma_start3A_144 = arith.constant 128 : i32
      %dma_start3A_145 = arith.constant 0 : i32
      %dma_start3A_146 = tpu.memref_slice %arg9[%dma_start3A_144, %dma_start3A_145] : memref<640x40xf32, #tpu.memory_space<vmem>> -> memref<128x40xf32, #tpu.memory_space<vmem>>
      %dma_start3A_147 = arith.constant 0 : i32
      %dma_start3A_148 = tpu.memref_slice %arg6[%add3A_143, %dma_start3A_147] : memref<80x128xi32, #tpu.memory_space<vmem>> -> memref<1x128xi32, #tpu.memory_space<vmem>>
      %dma_start3A_149 = tpu.memref_squeeze %dma_start3A_148 : memref<1x128xi32, #tpu.memory_space<vmem>> -> memref<128xi32, #tpu.memory_space<vmem>>
      %dma_start3A_150 = arith.constant 0 : i32
      %dma_start3A_151 = arith.constant 0 : i32
      %dma_start3A_152 = tpu.memref_slice %arg11[%dma_start3A_150, %dma_start3A_151] : memref<10112x40xf32, #tpu.memory_space<vmem_shared>> -> memref<10112x40xf32, #tpu.memory_space<vmem_shared>>
      tpu.enqueue_indirect_dma source(%dma_start3A_152 : memref<10112x40xf32, #tpu.memory_space<vmem_shared>>) target(%dma_start3A_146 : memref<128x40xf32, #tpu.memory_space<vmem>>) offsets(%dma_start3A_149 : memref<128xi32, #tpu.memory_space<vmem>>) semaphore(%arg14 : memref<!tpu.dma_semaphore, #tpu.memory_space<semaphore_mem>>)
      %mul3A_153 = arith.constant 5 : i32
      %mul3A_154 = arith.muli %add3A_126, %mul3A_153 : i32
      %add3A_155 = arith.constant 2 : i32
      %add3A_156 = arith.addi %mul3A_154, %add3A_155 : i32
      %dma_start3A_157 = arith.constant 256 : i32
      %dma_start3A_158 = arith.constant 0 : i32
      %dma_start3A_159 = tpu.memref_slice %arg9[%dma_start3A_157, %dma_start3A_158] : memref<640x40xf32, #tpu.memory_space<vmem>> -> memref<128x40xf32, #tpu.memory_space<vmem>>
      %dma_start3A_160 = arith.constant 0 : i32
      %dma_start3A_161 = tpu.memref_slice %arg6[%add3A_156, %dma_start3A_160] : memref<80x128xi32, #tpu.memory_space<vmem>> -> memref<1x128xi32, #tpu.memory_space<vmem>>
      %dma_start3A_162 = tpu.memref_squeeze %dma_start3A_161 : memref<1x128xi32, #tpu.memory_space<vmem>> -> memref<128xi32, #tpu.memory_space<vmem>>
      %dma_start3A_163 = arith.constant 0 : i32
      %dma_start3A_164 = arith.constant 0 : i32
      %dma_start3A_165 = tpu.memref_slice %arg11[%dma_start3A_163, %dma_start3A_164] : memref<10112x40xf32, #tpu.memory_space<vmem_shared>> -> memref<10112x40xf32, #tpu.memory_space<vmem_shared>>
      tpu.enqueue_indirect_dma source(%dma_start3A_165 : memref<10112x40xf32, #tpu.memory_space<vmem_shared>>) target(%dma_start3A_159 : memref<128x40xf32, #tpu.memory_space<vmem>>) offsets(%dma_start3A_162 : memref<128xi32, #tpu.memory_space<vmem>>) semaphore(%arg14 : memref<!tpu.dma_semaphore, #tpu.memory_space<semaphore_mem>>)
      %mul3A_166 = arith.constant 5 : i32
      %mul3A_167 = arith.muli %add3A_126, %mul3A_166 : i32
      %add3A_168 = arith.constant 3 : i32
      %add3A_169 = arith.addi %mul3A_167, %add3A_168 : i32
      %dma_start3A_170 = arith.constant 384 : i32
      %dma_start3A_171 = arith.constant 0 : i32
      %dma_start3A_172 = tpu.memref_slice %arg9[%dma_start3A_170, %dma_start3A_171] : memref<640x40xf32, #tpu.memory_space<vmem>> -> memref<128x40xf32, #tpu.memory_space<vmem>>
      %dma_start3A_173 = arith.constant 0 : i32
      %dma_start3A_174 = tpu.memref_slice %arg6[%add3A_169, %dma_start3A_173] : memref<80x128xi32, #tpu.memory_space<vmem>> -> memref<1x128xi32, #tpu.memory_space<vmem>>
      %dma_start3A_175 = tpu.memref_squeeze %dma_start3A_174 : memref<1x128xi32, #tpu.memory_space<vmem>> -> memref<128xi32, #tpu.memory_space<vmem>>
      %dma_start3A_176 = arith.constant 0 : i32
      %dma_start3A_177 = arith.constant 0 : i32
      %dma_start3A_178 = tpu.memref_slice %arg11[%dma_start3A_176, %dma_start3A_177] : memref<10112x40xf32, #tpu.memory_space<vmem_shared>> -> memref<10112x40xf32, #tpu.memory_space<vmem_shared>>
      tpu.enqueue_indirect_dma source(%dma_start3A_178 : memref<10112x40xf32, #tpu.memory_space<vmem_shared>>) target(%dma_start3A_172 : memref<128x40xf32, #tpu.memory_space<vmem>>) offsets(%dma_start3A_175 : memref<128xi32, #tpu.memory_space<vmem>>) semaphore(%arg14 : memref<!tpu.dma_semaphore, #tpu.memory_space<semaphore_mem>>)
      %mul3A_179 = arith.constant 5 : i32
      %mul3A_180 = arith.muli %add3A_126, %mul3A_179 : i32
      %add3A_181 = arith.constant 4 : i32
      %add3A_182 = arith.addi %mul3A_180, %add3A_181 : i32
      %dma_start3A_183 = arith.constant 512 : i32
      %dma_start3A_184 = arith.constant 0 : i32
      %dma_start3A_185 = tpu.memref_slice %arg9[%dma_start3A_183, %dma_start3A_184] : memref<640x40xf32, #tpu.memory_space<vmem>> -> memref<128x40xf32, #tpu.memory_space<vmem>>
      %dma_start3A_186 = arith.constant 0 : i32
      %dma_start3A_187 = tpu.memref_slice %arg6[%add3A_182, %dma_start3A_186] : memref<80x128xi32, #tpu.memory_space<vmem>> -> memref<1x128xi32, #tpu.memory_space<vmem>>
      %dma_start3A_188 = tpu.memref_squeeze %dma_start3A_187 : memref<1x128xi32, #tpu.memory_space<vmem>> -> memref<128xi32, #tpu.memory_space<vmem>>
      %dma_start3A_189 = arith.constant 0 : i32
      %dma_start3A_190 = arith.constant 0 : i32
      %dma_start3A_191 = tpu.memref_slice %arg11[%dma_start3A_189, %dma_start3A_190] : memref<10112x40xf32, #tpu.memory_space<vmem_shared>> -> memref<10112x40xf32, #tpu.memory_space<vmem_shared>>
      tpu.enqueue_indirect_dma source(%dma_start3A_191 : memref<10112x40xf32, #tpu.memory_space<vmem_shared>>) target(%dma_start3A_185 : memref<128x40xf32, #tpu.memory_space<vmem>>) offsets(%dma_start3A_188 : memref<128xi32, #tpu.memory_space<vmem>>) semaphore(%arg14 : memref<!tpu.dma_semaphore, #tpu.memory_space<semaphore_mem>>)
      %mul3A_192 = arith.constant 5 : i32
      %mul3A_193 = arith.muli %mul3A_124, %mul3A_192 : i32
      %add3A_194 = arith.constant 0 : i32
      %add3A_195 = arith.addi %mul3A_193, %add3A_194 : i32
      %dma_wait3A_196 = arith.constant 0 : i32
      %dma_wait3A_197 = arith.constant 0 : i32
      %dma_wait3A_198 = tpu.memref_slice %arg8[%dma_wait3A_196, %dma_wait3A_197] : memref<640x40xf32, #tpu.memory_space<vmem>> -> memref<128x40xf32, #tpu.memory_space<vmem>>
      %dma_wait3A_199 = arith.constant 0 : i32
      %dma_wait3A_200 = tpu.memref_slice %arg6[%add3A_195, %dma_wait3A_199] : memref<80x128xi32, #tpu.memory_space<vmem>> -> memref<1x128xi32, #tpu.memory_space<vmem>>
      %dma_wait3A_201 = tpu.memref_squeeze %dma_wait3A_200 : memref<1x128xi32, #tpu.memory_space<vmem>> -> memref<128xi32, #tpu.memory_space<vmem>>
      %dma_wait3A_202 = arith.constant 0 : i32
      %dma_wait3A_203 = arith.constant 0 : i32
      %dma_wait3A_204 = tpu.memref_slice %arg11[%dma_wait3A_202, %dma_wait3A_203] : memref<10112x40xf32, #tpu.memory_space<vmem_shared>> -> memref<10112x40xf32, #tpu.memory_space<vmem_shared>>
      tpu.wait_indirect_dma semaphore(%arg13 : memref<!tpu.dma_semaphore, #tpu.memory_space<semaphore_mem>>) src(%dma_wait3A_204 : memref<10112x40xf32, #tpu.memory_space<vmem_shared>>) dst(%dma_wait3A_198 : memref<128x40xf32, #tpu.memory_space<vmem>>)
      %mul3A_205 = arith.constant 5 : i32
      %mul3A_206 = arith.muli %mul3A_124, %mul3A_205 : i32
      %add3A_207 = arith.constant 1 : i32
      %add3A_208 = arith.addi %mul3A_206, %add3A_207 : i32
      %dma_wait3A_209 = arith.constant 128 : i32
      %dma_wait3A_210 = arith.constant 0 : i32
      %dma_wait3A_211 = tpu.memref_slice %arg8[%dma_wait3A_209, %dma_wait3A_210] : memref<640x40xf32, #tpu.memory_space<vmem>> -> memref<128x40xf32, #tpu.memory_space<vmem>>
      %dma_wait3A_212 = arith.constant 0 : i32
      %dma_wait3A_213 = tpu.memref_slice %arg6[%add3A_208, %dma_wait3A_212] : memref<80x128xi32, #tpu.memory_space<vmem>> -> memref<1x128xi32, #tpu.memory_space<vmem>>
      %dma_wait3A_214 = tpu.memref_squeeze %dma_wait3A_213 : memref<1x128xi32, #tpu.memory_space<vmem>> -> memref<128xi32, #tpu.memory_space<vmem>>
      %dma_wait3A_215 = arith.constant 0 : i32
      %dma_wait3A_216 = arith.constant 0 : i32
      %dma_wait3A_217 = tpu.memref_slice %arg11[%dma_wait3A_215, %dma_wait3A_216] : memref<10112x40xf32, #tpu.memory_space<vmem_shared>> -> memref<10112x40xf32, #tpu.memory_space<vmem_shared>>
      tpu.wait_indirect_dma semaphore(%arg13 : memref<!tpu.dma_semaphore, #tpu.memory_space<semaphore_mem>>) src(%dma_wait3A_217 : memref<10112x40xf32, #tpu.memory_space<vmem_shared>>) dst(%dma_wait3A_211 : memref<128x40xf32, #tpu.memory_space<vmem>>)
      %mul3A_218 = arith.constant 5 : i32
      %mul3A_219 = arith.muli %mul3A_124, %mul3A_218 : i32
      %add3A_220 = arith.constant 2 : i32
      %add3A_221 = arith.addi %mul3A_219, %add3A_220 : i32
      %dma_wait3A_222 = arith.constant 256 : i32
      %dma_wait3A_223 = arith.constant 0 : i32
      %dma_wait3A_224 = tpu.memref_slice %arg8[%dma_wait3A_222, %dma_wait3A_223] : memref<640x40xf32, #tpu.memory_space<vmem>> -> memref<128x40xf32, #tpu.memory_space<vmem>>
      %dma_wait3A_225 = arith.constant 0 : i32
      %dma_wait3A_226 = tpu.memref_slice %arg6[%add3A_221, %dma_wait3A_225] : memref<80x128xi32, #tpu.memory_space<vmem>> -> memref<1x128xi32, #tpu.memory_space<vmem>>
      %dma_wait3A_227 = tpu.memref_squeeze %dma_wait3A_226 : memref<1x128xi32, #tpu.memory_space<vmem>> -> memref<128xi32, #tpu.memory_space<vmem>>
      %dma_wait3A_228 = arith.constant 0 : i32
      %dma_wait3A_229 = arith.constant 0 : i32
      %dma_wait3A_230 = tpu.memref_slice %arg11[%dma_wait3A_228, %dma_wait3A_229] : memref<10112x40xf32, #tpu.memory_space<vmem_shared>> -> memref<10112x40xf32, #tpu.memory_space<vmem_shared>>
      tpu.wait_indirect_dma semaphore(%arg13 : memref<!tpu.dma_semaphore, #tpu.memory_space<semaphore_mem>>) src(%dma_wait3A_230 : memref<10112x40xf32, #tpu.memory_space<vmem_shared>>) dst(%dma_wait3A_224 : memref<128x40xf32, #tpu.memory_space<vmem>>)
      %mul3A_231 = arith.constant 5 : i32
      %mul3A_232 = arith.muli %mul3A_124, %mul3A_231 : i32
      %add3A_233 = arith.constant 3 : i32
      %add3A_234 = arith.addi %mul3A_232, %add3A_233 : i32
      %dma_wait3A_235 = arith.constant 384 : i32
      %dma_wait3A_236 = arith.constant 0 : i32
      %dma_wait3A_237 = tpu.memref_slice %arg8[%dma_wait3A_235, %dma_wait3A_236] : memref<640x40xf32, #tpu.memory_space<vmem>> -> memref<128x40xf32, #tpu.memory_space<vmem>>
      %dma_wait3A_238 = arith.constant 0 : i32
      %dma_wait3A_239 = tpu.memref_slice %arg6[%add3A_234, %dma_wait3A_238] : memref<80x128xi32, #tpu.memory_space<vmem>> -> memref<1x128xi32, #tpu.memory_space<vmem>>
      %dma_wait3A_240 = tpu.memref_squeeze %dma_wait3A_239 : memref<1x128xi32, #tpu.memory_space<vmem>> -> memref<128xi32, #tpu.memory_space<vmem>>
      %dma_wait3A_241 = arith.constant 0 : i32
      %dma_wait3A_242 = arith.constant 0 : i32
      %dma_wait3A_243 = tpu.memref_slice %arg11[%dma_wait3A_241, %dma_wait3A_242] : memref<10112x40xf32, #tpu.memory_space<vmem_shared>> -> memref<10112x40xf32, #tpu.memory_space<vmem_shared>>
      tpu.wait_indirect_dma semaphore(%arg13 : memref<!tpu.dma_semaphore, #tpu.memory_space<semaphore_mem>>) src(%dma_wait3A_243 : memref<10112x40xf32, #tpu.memory_space<vmem_shared>>) dst(%dma_wait3A_237 : memref<128x40xf32, #tpu.memory_space<vmem>>)
      %mul3A_244 = arith.constant 5 : i32
      %mul3A_245 = arith.muli %mul3A_124, %mul3A_244 : i32
      %add3A_246 = arith.constant 4 : i32
      %add3A_247 = arith.addi %mul3A_245, %add3A_246 : i32
      %dma_wait3A_248 = arith.constant 512 : i32
      %dma_wait3A_249 = arith.constant 0 : i32
      %dma_wait3A_250 = tpu.memref_slice %arg8[%dma_wait3A_248, %dma_wait3A_249] : memref<640x40xf32, #tpu.memory_space<vmem>> -> memref<128x40xf32, #tpu.memory_space<vmem>>
      %dma_wait3A_251 = arith.constant 0 : i32
      %dma_wait3A_252 = tpu.memref_slice %arg6[%add3A_247, %dma_wait3A_251] : memref<80x128xi32, #tpu.memory_space<vmem>> -> memref<1x128xi32, #tpu.memory_space<vmem>>
      %dma_wait3A_253 = tpu.memref_squeeze %dma_wait3A_252 : memref<1x128xi32, #tpu.memory_space<vmem>> -> memref<128xi32, #tpu.memory_space<vmem>>
      %dma_wait3A_254 = arith.constant 0 : i32
      %dma_wait3A_255 = arith.constant 0 : i32
      %dma_wait3A_256 = tpu.memref_slice %arg11[%dma_wait3A_254, %dma_wait3A_255] : memref<10112x40xf32, #tpu.memory_space<vmem_shared>> -> memref<10112x40xf32, #tpu.memory_space<vmem_shared>>
      tpu.wait_indirect_dma semaphore(%arg13 : memref<!tpu.dma_semaphore, #tpu.memory_space<semaphore_mem>>) src(%dma_wait3A_256 : memref<10112x40xf32, #tpu.memory_space<vmem_shared>>) dst(%dma_wait3A_250 : memref<128x40xf32, #tpu.memory_space<vmem>>)
      %mul3A_257 = arith.constant 5 : i32
      %mul3A_258 = arith.muli %mul3A_124, %mul3A_257 : i32
      %add3A_259 = arith.constant 0 : i32
      %add3A_260 = arith.addi %mul3A_258, %add3A_259 : i32
      %dma_start3A_261 = arith.constant 0 : i32
      %dma_start3A_262 = arith.constant 0 : i32
      %dma_start3A_263 = tpu.memref_slice %arg8[%dma_start3A_261, %dma_start3A_262] : memref<640x40xf32, #tpu.memory_space<vmem>> -> memref<128x40xf32, #tpu.memory_space<vmem>>
      %dma_start3A_264 = arith.constant 0 : i32
      %dma_start3A_265 = tpu.memref_slice %arg7[%add3A_260, %dma_start3A_264] : memref<80x128xi32, #tpu.memory_space<vmem>> -> memref<1x128xi32, #tpu.memory_space<vmem>>
      %dma_start3A_266 = tpu.memref_squeeze %dma_start3A_265 : memref<1x128xi32, #tpu.memory_space<vmem>> -> memref<128xi32, #tpu.memory_space<vmem>>
      %dma_start3A_267 = arith.constant 0 : i32
      %dma_start3A_268 = arith.constant 0 : i32
      %dma_start3A_269 = tpu.memref_slice %arg12[%dma_start3A_267, %dma_start3A_268] : memref<10112x40xf32, #tpu.memory_space<vmem_shared>> -> memref<10112x40xf32, #tpu.memory_space<vmem_shared>>
      tpu.enqueue_indirect_dma source(%dma_start3A_263 : memref<128x40xf32, #tpu.memory_space<vmem>>) target(%dma_start3A_269 : memref<10112x40xf32, #tpu.memory_space<vmem_shared>>) offsets(%dma_start3A_266 : memref<128xi32, #tpu.memory_space<vmem>>) semaphore(%arg15 : memref<!tpu.dma_semaphore, #tpu.memory_space<semaphore_mem>>) {add = true}
      %mul3A_270 = arith.constant 5 : i32
      %mul3A_271 = arith.muli %mul3A_124, %mul3A_270 : i32
      %add3A_272 = arith.constant 1 : i32
      %add3A_273 = arith.addi %mul3A_271, %add3A_272 : i32
      %dma_start3A_274 = arith.constant 128 : i32
      %dma_start3A_275 = arith.constant 0 : i32
      %dma_start3A_276 = tpu.memref_slice %arg8[%dma_start3A_274, %dma_start3A_275] : memref<640x40xf32, #tpu.memory_space<vmem>> -> memref<128x40xf32, #tpu.memory_space<vmem>>
      %dma_start3A_277 = arith.constant 0 : i32
      %dma_start3A_278 = tpu.memref_slice %arg7[%add3A_273, %dma_start3A_277] : memref<80x128xi32, #tpu.memory_space<vmem>> -> memref<1x128xi32, #tpu.memory_space<vmem>>
      %dma_start3A_279 = tpu.memref_squeeze %dma_start3A_278 : memref<1x128xi32, #tpu.memory_space<vmem>> -> memref<128xi32, #tpu.memory_space<vmem>>
      %dma_start3A_280 = arith.constant 0 : i32
      %dma_start3A_281 = arith.constant 0 : i32
      %dma_start3A_282 = tpu.memref_slice %arg12[%dma_start3A_280, %dma_start3A_281] : memref<10112x40xf32, #tpu.memory_space<vmem_shared>> -> memref<10112x40xf32, #tpu.memory_space<vmem_shared>>
      tpu.enqueue_indirect_dma source(%dma_start3A_276 : memref<128x40xf32, #tpu.memory_space<vmem>>) target(%dma_start3A_282 : memref<10112x40xf32, #tpu.memory_space<vmem_shared>>) offsets(%dma_start3A_279 : memref<128xi32, #tpu.memory_space<vmem>>) semaphore(%arg15 : memref<!tpu.dma_semaphore, #tpu.memory_space<semaphore_mem>>) {add = true}
      %mul3A_283 = arith.constant 5 : i32
      %mul3A_284 = arith.muli %mul3A_124, %mul3A_283 : i32
      %add3A_285 = arith.constant 2 : i32
      %add3A_286 = arith.addi %mul3A_284, %add3A_285 : i32
      %dma_start3A_287 = arith.constant 256 : i32
      %dma_start3A_288 = arith.constant 0 : i32
      %dma_start3A_289 = tpu.memref_slice %arg8[%dma_start3A_287, %dma_start3A_288] : memref<640x40xf32, #tpu.memory_space<vmem>> -> memref<128x40xf32, #tpu.memory_space<vmem>>
      %dma_start3A_290 = arith.constant 0 : i32
      %dma_start3A_291 = tpu.memref_slice %arg7[%add3A_286, %dma_start3A_290] : memref<80x128xi32, #tpu.memory_space<vmem>> -> memref<1x128xi32, #tpu.memory_space<vmem>>
      %dma_start3A_292 = tpu.memref_squeeze %dma_start3A_291 : memref<1x128xi32, #tpu.memory_space<vmem>> -> memref<128xi32, #tpu.memory_space<vmem>>
      %dma_start3A_293 = arith.constant 0 : i32
      %dma_start3A_294 = arith.constant 0 : i32
      %dma_start3A_295 = tpu.memref_slice %arg12[%dma_start3A_293, %dma_start3A_294] : memref<10112x40xf32, #tpu.memory_space<vmem_shared>> -> memref<10112x40xf32, #tpu.memory_space<vmem_shared>>
      tpu.enqueue_indirect_dma source(%dma_start3A_289 : memref<128x40xf32, #tpu.memory_space<vmem>>) target(%dma_start3A_295 : memref<10112x40xf32, #tpu.memory_space<vmem_shared>>) offsets(%dma_start3A_292 : memref<128xi32, #tpu.memory_space<vmem>>) semaphore(%arg15 : memref<!tpu.dma_semaphore, #tpu.memory_space<semaphore_mem>>) {add = true}
      %mul3A_296 = arith.constant 5 : i32
      %mul3A_297 = arith.muli %mul3A_124, %mul3A_296 : i32
      %add3A_298 = arith.constant 3 : i32
      %add3A_299 = arith.addi %mul3A_297, %add3A_298 : i32
      %dma_start3A_300 = arith.constant 384 : i32
      %dma_start3A_301 = arith.constant 0 : i32
      %dma_start3A_302 = tpu.memref_slice %arg8[%dma_start3A_300, %dma_start3A_301] : memref<640x40xf32, #tpu.memory_space<vmem>> -> memref<128x40xf32, #tpu.memory_space<vmem>>
      %dma_start3A_303 = arith.constant 0 : i32
      %dma_start3A_304 = tpu.memref_slice %arg7[%add3A_299, %dma_start3A_303] : memref<80x128xi32, #tpu.memory_space<vmem>> -> memref<1x128xi32, #tpu.memory_space<vmem>>
      %dma_start3A_305 = tpu.memref_squeeze %dma_start3A_304 : memref<1x128xi32, #tpu.memory_space<vmem>> -> memref<128xi32, #tpu.memory_space<vmem>>
      %dma_start3A_306 = arith.constant 0 : i32
      %dma_start3A_307 = arith.constant 0 : i32
      %dma_start3A_308 = tpu.memref_slice %arg12[%dma_start3A_306, %dma_start3A_307] : memref<10112x40xf32, #tpu.memory_space<vmem_shared>> -> memref<10112x40xf32, #tpu.memory_space<vmem_shared>>
      tpu.enqueue_indirect_dma source(%dma_start3A_302 : memref<128x40xf32, #tpu.memory_space<vmem>>) target(%dma_start3A_308 : memref<10112x40xf32, #tpu.memory_space<vmem_shared>>) offsets(%dma_start3A_305 : memref<128xi32, #tpu.memory_space<vmem>>) semaphore(%arg15 : memref<!tpu.dma_semaphore, #tpu.memory_space<semaphore_mem>>) {add = true}
      %mul3A_309 = arith.constant 5 : i32
      %mul3A_310 = arith.muli %mul3A_124, %mul3A_309 : i32
      %add3A_311 = arith.constant 4 : i32
      %add3A_312 = arith.addi %mul3A_310, %add3A_311 : i32
      %dma_start3A_313 = arith.constant 512 : i32
      %dma_start3A_314 = arith.constant 0 : i32
      %dma_start3A_315 = tpu.memref_slice %arg8[%dma_start3A_313, %dma_start3A_314] : memref<640x40xf32, #tpu.memory_space<vmem>> -> memref<128x40xf32, #tpu.memory_space<vmem>>
      %dma_start3A_316 = arith.constant 0 : i32
      %dma_start3A_317 = tpu.memref_slice %arg7[%add3A_312, %dma_start3A_316] : memref<80x128xi32, #tpu.memory_space<vmem>> -> memref<1x128xi32, #tpu.memory_space<vmem>>
      %dma_start3A_318 = tpu.memref_squeeze %dma_start3A_317 : memref<1x128xi32, #tpu.memory_space<vmem>> -> memref<128xi32, #tpu.memory_space<vmem>>
      %dma_start3A_319 = arith.constant 0 : i32
      %dma_start3A_320 = arith.constant 0 : i32
      %dma_start3A_321 = tpu.memref_slice %arg12[%dma_start3A_319, %dma_start3A_320] : memref<10112x40xf32, #tpu.memory_space<vmem_shared>> -> memref<10112x40xf32, #tpu.memory_space<vmem_shared>>
      tpu.enqueue_indirect_dma source(%dma_start3A_315 : memref<128x40xf32, #tpu.memory_space<vmem>>) target(%dma_start3A_321 : memref<10112x40xf32, #tpu.memory_space<vmem_shared>>) offsets(%dma_start3A_318 : memref<128xi32, #tpu.memory_space<vmem>>) semaphore(%arg15 : memref<!tpu.dma_semaphore, #tpu.memory_space<semaphore_mem>>) {add = true}
      %mul3A_322 = arith.constant 5 : i32
      %mul3A_323 = arith.muli %mul3A_124, %mul3A_322 : i32
      %add3A_324 = arith.constant 0 : i32
      %add3A_325 = arith.addi %mul3A_323, %add3A_324 : i32
      %dma_wait3A_326 = arith.constant 0 : i32
      %dma_wait3A_327 = arith.constant 0 : i32
      %dma_wait3A_328 = tpu.memref_slice %arg8[%dma_wait3A_326, %dma_wait3A_327] : memref<640x40xf32, #tpu.memory_space<vmem>> -> memref<128x40xf32, #tpu.memory_space<vmem>>
      %dma_wait3A_329 = arith.constant 0 : i32
      %dma_wait3A_330 = tpu.memref_slice %arg7[%add3A_325, %dma_wait3A_329] : memref<80x128xi32, #tpu.memory_space<vmem>> -> memref<1x128xi32, #tpu.memory_space<vmem>>
      %dma_wait3A_331 = tpu.memref_squeeze %dma_wait3A_330 : memref<1x128xi32, #tpu.memory_space<vmem>> -> memref<128xi32, #tpu.memory_space<vmem>>
      %dma_wait3A_332 = arith.constant 0 : i32
      %dma_wait3A_333 = arith.constant 0 : i32
      %dma_wait3A_334 = tpu.memref_slice %arg12[%dma_wait3A_332, %dma_wait3A_333] : memref<10112x40xf32, #tpu.memory_space<vmem_shared>> -> memref<10112x40xf32, #tpu.memory_space<vmem_shared>>
      tpu.wait_indirect_dma semaphore(%arg15 : memref<!tpu.dma_semaphore, #tpu.memory_space<semaphore_mem>>) src(%dma_wait3A_328 : memref<128x40xf32, #tpu.memory_space<vmem>>) dst(%dma_wait3A_334 : memref<10112x40xf32, #tpu.memory_space<vmem_shared>>)
      %mul3A_335 = arith.constant 5 : i32
      %mul3A_336 = arith.muli %mul3A_124, %mul3A_335 : i32
      %add3A_337 = arith.constant 1 : i32
      %add3A_338 = arith.addi %mul3A_336, %add3A_337 : i32
      %dma_wait3A_339 = arith.constant 128 : i32
      %dma_wait3A_340 = arith.constant 0 : i32
      %dma_wait3A_341 = tpu.memref_slice %arg8[%dma_wait3A_339, %dma_wait3A_340] : memref<640x40xf32, #tpu.memory_space<vmem>> -> memref<128x40xf32, #tpu.memory_space<vmem>>
      %dma_wait3A_342 = arith.constant 0 : i32
      %dma_wait3A_343 = tpu.memref_slice %arg7[%add3A_338, %dma_wait3A_342] : memref<80x128xi32, #tpu.memory_space<vmem>> -> memref<1x128xi32, #tpu.memory_space<vmem>>
      %dma_wait3A_344 = tpu.memref_squeeze %dma_wait3A_343 : memref<1x128xi32, #tpu.memory_space<vmem>> -> memref<128xi32, #tpu.memory_space<vmem>>
      %dma_wait3A_345 = arith.constant 0 : i32
      %dma_wait3A_346 = arith.constant 0 : i32
      %dma_wait3A_347 = tpu.memref_slice %arg12[%dma_wait3A_345, %dma_wait3A_346] : memref<10112x40xf32, #tpu.memory_space<vmem_shared>> -> memref<10112x40xf32, #tpu.memory_space<vmem_shared>>
      tpu.wait_indirect_dma semaphore(%arg15 : memref<!tpu.dma_semaphore, #tpu.memory_space<semaphore_mem>>) src(%dma_wait3A_341 : memref<128x40xf32, #tpu.memory_space<vmem>>) dst(%dma_wait3A_347 : memref<10112x40xf32, #tpu.memory_space<vmem_shared>>)
      %mul3A_348 = arith.constant 5 : i32
      %mul3A_349 = arith.muli %mul3A_124, %mul3A_348 : i32
      %add3A_350 = arith.constant 2 : i32
      %add3A_351 = arith.addi %mul3A_349, %add3A_350 : i32
      %dma_wait3A_352 = arith.constant 256 : i32
      %dma_wait3A_353 = arith.constant 0 : i32
      %dma_wait3A_354 = tpu.memref_slice %arg8[%dma_wait3A_352, %dma_wait3A_353] : memref<640x40xf32, #tpu.memory_space<vmem>> -> memref<128x40xf32, #tpu.memory_space<vmem>>
      %dma_wait3A_355 = arith.constant 0 : i32
      %dma_wait3A_356 = tpu.memref_slice %arg7[%add3A_351, %dma_wait3A_355] : memref<80x128xi32, #tpu.memory_space<vmem>> -> memref<1x128xi32, #tpu.memory_space<vmem>>
      %dma_wait3A_357 = tpu.memref_squeeze %dma_wait3A_356 : memref<1x128xi32, #tpu.memory_space<vmem>> -> memref<128xi32, #tpu.memory_space<vmem>>
      %dma_wait3A_358 = arith.constant 0 : i32
      %dma_wait3A_359 = arith.constant 0 : i32
      %dma_wait3A_360 = tpu.memref_slice %arg12[%dma_wait3A_358, %dma_wait3A_359] : memref<10112x40xf32, #tpu.memory_space<vmem_shared>> -> memref<10112x40xf32, #tpu.memory_space<vmem_shared>>
      tpu.wait_indirect_dma semaphore(%arg15 : memref<!tpu.dma_semaphore, #tpu.memory_space<semaphore_mem>>) src(%dma_wait3A_354 : memref<128x40xf32, #tpu.memory_space<vmem>>) dst(%dma_wait3A_360 : memref<10112x40xf32, #tpu.memory_space<vmem_shared>>)
      %mul3A_361 = arith.constant 5 : i32
      %mul3A_362 = arith.muli %mul3A_124, %mul3A_361 : i32
      %add3A_363 = arith.constant 3 : i32
      %add3A_364 = arith.addi %mul3A_362, %add3A_363 : i32
      %dma_wait3A_365 = arith.constant 384 : i32
      %dma_wait3A_366 = arith.constant 0 : i32
      %dma_wait3A_367 = tpu.memref_slice %arg8[%dma_wait3A_365, %dma_wait3A_366] : memref<640x40xf32, #tpu.memory_space<vmem>> -> memref<128x40xf32, #tpu.memory_space<vmem>>
      %dma_wait3A_368 = arith.constant 0 : i32
      %dma_wait3A_369 = tpu.memref_slice %arg7[%add3A_364, %dma_wait3A_368] : memref<80x128xi32, #tpu.memory_space<vmem>> -> memref<1x128xi32, #tpu.memory_space<vmem>>
      %dma_wait3A_370 = tpu.memref_squeeze %dma_wait3A_369 : memref<1x128xi32, #tpu.memory_space<vmem>> -> memref<128xi32, #tpu.memory_space<vmem>>
      %dma_wait3A_371 = arith.constant 0 : i32
      %dma_wait3A_372 = arith.constant 0 : i32
      %dma_wait3A_373 = tpu.memref_slice %arg12[%dma_wait3A_371, %dma_wait3A_372] : memref<10112x40xf32, #tpu.memory_space<vmem_shared>> -> memref<10112x40xf32, #tpu.memory_space<vmem_shared>>
      tpu.wait_indirect_dma semaphore(%arg15 : memref<!tpu.dma_semaphore, #tpu.memory_space<semaphore_mem>>) src(%dma_wait3A_367 : memref<128x40xf32, #tpu.memory_space<vmem>>) dst(%dma_wait3A_373 : memref<10112x40xf32, #tpu.memory_space<vmem_shared>>)
      %mul3A_374 = arith.constant 5 : i32
      %mul3A_375 = arith.muli %mul3A_124, %mul3A_374 : i32
      %add3A_376 = arith.constant 4 : i32
      %add3A_377 = arith.addi %mul3A_375, %add3A_376 : i32
      %dma_wait3A_378 = arith.constant 512 : i32
      %dma_wait3A_379 = arith.constant 0 : i32
      %dma_wait3A_380 = tpu.memref_slice %arg8[%dma_wait3A_378, %dma_wait3A_379] : memref<640x40xf32, #tpu.memory_space<vmem>> -> memref<128x40xf32, #tpu.memory_space<vmem>>
      %dma_wait3A_381 = arith.constant 0 : i32
      %dma_wait3A_382 = tpu.memref_slice %arg7[%add3A_377, %dma_wait3A_381] : memref<80x128xi32, #tpu.memory_space<vmem>> -> memref<1x128xi32, #tpu.memory_space<vmem>>
      %dma_wait3A_383 = tpu.memref_squeeze %dma_wait3A_382 : memref<1x128xi32, #tpu.memory_space<vmem>> -> memref<128xi32, #tpu.memory_space<vmem>>
      %dma_wait3A_384 = arith.constant 0 : i32
      %dma_wait3A_385 = arith.constant 0 : i32
      %dma_wait3A_386 = tpu.memref_slice %arg12[%dma_wait3A_384, %dma_wait3A_385] : memref<10112x40xf32, #tpu.memory_space<vmem_shared>> -> memref<10112x40xf32, #tpu.memory_space<vmem_shared>>
      tpu.wait_indirect_dma semaphore(%arg15 : memref<!tpu.dma_semaphore, #tpu.memory_space<semaphore_mem>>) src(%dma_wait3A_380 : memref<128x40xf32, #tpu.memory_space<vmem>>) dst(%dma_wait3A_386 : memref<10112x40xf32, #tpu.memory_space<vmem_shared>>)
      %add3A_387 = arith.constant 1 : i32
      %add3A_388 = arith.addi %add3A_122, %add3A_387 : i32
      %lt3A = arith.constant 8 : i32
      %lt3A_389 = arith.cmpi slt, %add3A_388, %lt3A : i32
      %convert_element_type3A_390 = arith.extui %lt3A_389 : i1 to i32
      %cond3A_391 = arith.constant 0 : i32
      %cond3A_392 = arith.cmpi ne, %convert_element_type3A_390, %cond3A_391 : i32
      scf.if %cond3A_392 {
        %add3A_594 = arith.constant 2 : i32
        %add3A_595 = arith.addi %mul3A_124, %add3A_594 : i32
        %mul3A_596 = arith.constant 5 : i32
        %mul3A_597 = arith.muli %add3A_595, %mul3A_596 : i32
        %add3A_598 = arith.constant 0 : i32
        %add3A_599 = arith.addi %mul3A_597, %add3A_598 : i32
        %dma_start3A_600 = arith.constant 0 : i32
        %dma_start3A_601 = arith.constant 0 : i32
        %dma_start3A_602 = tpu.memref_slice %arg8[%dma_start3A_600, %dma_start3A_601] : memref<640x40xf32, #tpu.memory_space<vmem>> -> memref<128x40xf32, #tpu.memory_space<vmem>>
        %dma_start3A_603 = arith.constant 0 : i32
        %dma_start3A_604 = tpu.memref_slice %arg6[%add3A_599, %dma_start3A_603] : memref<80x128xi32, #tpu.memory_space<vmem>> -> memref<1x128xi32, #tpu.memory_space<vmem>>
        %dma_start3A_605 = tpu.memref_squeeze %dma_start3A_604 : memref<1x128xi32, #tpu.memory_space<vmem>> -> memref<128xi32, #tpu.memory_space<vmem>>
        %dma_start3A_606 = arith.constant 0 : i32
        %dma_start3A_607 = arith.constant 0 : i32
        %dma_start3A_608 = tpu.memref_slice %arg11[%dma_start3A_606, %dma_start3A_607] : memref<10112x40xf32, #tpu.memory_space<vmem_shared>> -> memref<10112x40xf32, #tpu.memory_space<vmem_shared>>
        tpu.enqueue_indirect_dma source(%dma_start3A_608 : memref<10112x40xf32, #tpu.memory_space<vmem_shared>>) target(%dma_start3A_602 : memref<128x40xf32, #tpu.memory_space<vmem>>) offsets(%dma_start3A_605 : memref<128xi32, #tpu.memory_space<vmem>>) semaphore(%arg13 : memref<!tpu.dma_semaphore, #tpu.memory_space<semaphore_mem>>)
        %mul3A_609 = arith.constant 5 : i32
        %mul3A_610 = arith.muli %add3A_595, %mul3A_609 : i32
        %add3A_611 = arith.constant 1 : i32
        %add3A_612 = arith.addi %mul3A_610, %add3A_611 : i32
        %dma_start3A_613 = arith.constant 128 : i32
        %dma_start3A_614 = arith.constant 0 : i32
        %dma_start3A_615 = tpu.memref_slice %arg8[%dma_start3A_613, %dma_start3A_614] : memref<640x40xf32, #tpu.memory_space<vmem>> -> memref<128x40xf32, #tpu.memory_space<vmem>>
        %dma_start3A_616 = arith.constant 0 : i32
        %dma_start3A_617 = tpu.memref_slice %arg6[%add3A_612, %dma_start3A_616] : memref<80x128xi32, #tpu.memory_space<vmem>> -> memref<1x128xi32, #tpu.memory_space<vmem>>
        %dma_start3A_618 = tpu.memref_squeeze %dma_start3A_617 : memref<1x128xi32, #tpu.memory_space<vmem>> -> memref<128xi32, #tpu.memory_space<vmem>>
        %dma_start3A_619 = arith.constant 0 : i32
        %dma_start3A_620 = arith.constant 0 : i32
        %dma_start3A_621 = tpu.memref_slice %arg11[%dma_start3A_619, %dma_start3A_620] : memref<10112x40xf32, #tpu.memory_space<vmem_shared>> -> memref<10112x40xf32, #tpu.memory_space<vmem_shared>>
        tpu.enqueue_indirect_dma source(%dma_start3A_621 : memref<10112x40xf32, #tpu.memory_space<vmem_shared>>) target(%dma_start3A_615 : memref<128x40xf32, #tpu.memory_space<vmem>>) offsets(%dma_start3A_618 : memref<128xi32, #tpu.memory_space<vmem>>) semaphore(%arg13 : memref<!tpu.dma_semaphore, #tpu.memory_space<semaphore_mem>>)
        %mul3A_622 = arith.constant 5 : i32
        %mul3A_623 = arith.muli %add3A_595, %mul3A_622 : i32
        %add3A_624 = arith.constant 2 : i32
        %add3A_625 = arith.addi %mul3A_623, %add3A_624 : i32
        %dma_start3A_626 = arith.constant 256 : i32
        %dma_start3A_627 = arith.constant 0 : i32
        %dma_start3A_628 = tpu.memref_slice %arg8[%dma_start3A_626, %dma_start3A_627] : memref<640x40xf32, #tpu.memory_space<vmem>> -> memref<128x40xf32, #tpu.memory_space<vmem>>
        %dma_start3A_629 = arith.constant 0 : i32
        %dma_start3A_630 = tpu.memref_slice %arg6[%add3A_625, %dma_start3A_629] : memref<80x128xi32, #tpu.memory_space<vmem>> -> memref<1x128xi32, #tpu.memory_space<vmem>>
        %dma_start3A_631 = tpu.memref_squeeze %dma_start3A_630 : memref<1x128xi32, #tpu.memory_space<vmem>> -> memref<128xi32, #tpu.memory_space<vmem>>
        %dma_start3A_632 = arith.constant 0 : i32
        %dma_start3A_633 = arith.constant 0 : i32
        %dma_start3A_634 = tpu.memref_slice %arg11[%dma_start3A_632, %dma_start3A_633] : memref<10112x40xf32, #tpu.memory_space<vmem_shared>> -> memref<10112x40xf32, #tpu.memory_space<vmem_shared>>
        tpu.enqueue_indirect_dma source(%dma_start3A_634 : memref<10112x40xf32, #tpu.memory_space<vmem_shared>>) target(%dma_start3A_628 : memref<128x40xf32, #tpu.memory_space<vmem>>) offsets(%dma_start3A_631 : memref<128xi32, #tpu.memory_space<vmem>>) semaphore(%arg13 : memref<!tpu.dma_semaphore, #tpu.memory_space<semaphore_mem>>)
        %mul3A_635 = arith.constant 5 : i32
        %mul3A_636 = arith.muli %add3A_595, %mul3A_635 : i32
        %add3A_637 = arith.constant 3 : i32
        %add3A_638 = arith.addi %mul3A_636, %add3A_637 : i32
        %dma_start3A_639 = arith.constant 384 : i32
        %dma_start3A_640 = arith.constant 0 : i32
        %dma_start3A_641 = tpu.memref_slice %arg8[%dma_start3A_639, %dma_start3A_640] : memref<640x40xf32, #tpu.memory_space<vmem>> -> memref<128x40xf32, #tpu.memory_space<vmem>>
        %dma_start3A_642 = arith.constant 0 : i32
        %dma_start3A_643 = tpu.memref_slice %arg6[%add3A_638, %dma_start3A_642] : memref<80x128xi32, #tpu.memory_space<vmem>> -> memref<1x128xi32, #tpu.memory_space<vmem>>
        %dma_start3A_644 = tpu.memref_squeeze %dma_start3A_643 : memref<1x128xi32, #tpu.memory_space<vmem>> -> memref<128xi32, #tpu.memory_space<vmem>>
        %dma_start3A_645 = arith.constant 0 : i32
        %dma_start3A_646 = arith.constant 0 : i32
        %dma_start3A_647 = tpu.memref_slice %arg11[%dma_start3A_645, %dma_start3A_646] : memref<10112x40xf32, #tpu.memory_space<vmem_shared>> -> memref<10112x40xf32, #tpu.memory_space<vmem_shared>>
        tpu.enqueue_indirect_dma source(%dma_start3A_647 : memref<10112x40xf32, #tpu.memory_space<vmem_shared>>) target(%dma_start3A_641 : memref<128x40xf32, #tpu.memory_space<vmem>>) offsets(%dma_start3A_644 : memref<128xi32, #tpu.memory_space<vmem>>) semaphore(%arg13 : memref<!tpu.dma_semaphore, #tpu.memory_space<semaphore_mem>>)
        %mul3A_648 = arith.constant 5 : i32
        %mul3A_649 = arith.muli %add3A_595, %mul3A_648 : i32
        %add3A_650 = arith.constant 4 : i32
        %add3A_651 = arith.addi %mul3A_649, %add3A_650 : i32
        %dma_start3A_652 = arith.constant 512 : i32
        %dma_start3A_653 = arith.constant 0 : i32
        %dma_start3A_654 = tpu.memref_slice %arg8[%dma_start3A_652, %dma_start3A_653] : memref<640x40xf32, #tpu.memory_space<vmem>> -> memref<128x40xf32, #tpu.memory_space<vmem>>
        %dma_start3A_655 = arith.constant 0 : i32
        %dma_start3A_656 = tpu.memref_slice %arg6[%add3A_651, %dma_start3A_655] : memref<80x128xi32, #tpu.memory_space<vmem>> -> memref<1x128xi32, #tpu.memory_space<vmem>>
        %dma_start3A_657 = tpu.memref_squeeze %dma_start3A_656 : memref<1x128xi32, #tpu.memory_space<vmem>> -> memref<128xi32, #tpu.memory_space<vmem>>
        %dma_start3A_658 = arith.constant 0 : i32
        %dma_start3A_659 = arith.constant 0 : i32
        %dma_start3A_660 = tpu.memref_slice %arg11[%dma_start3A_658, %dma_start3A_659] : memref<10112x40xf32, #tpu.memory_space<vmem_shared>> -> memref<10112x40xf32, #tpu.memory_space<vmem_shared>>
        tpu.enqueue_indirect_dma source(%dma_start3A_660 : memref<10112x40xf32, #tpu.memory_space<vmem_shared>>) target(%dma_start3A_654 : memref<128x40xf32, #tpu.memory_space<vmem>>) offsets(%dma_start3A_657 : memref<128xi32, #tpu.memory_space<vmem>>) semaphore(%arg13 : memref<!tpu.dma_semaphore, #tpu.memory_space<semaphore_mem>>)
      } else {
      }
      %add3A_393 = arith.constant 1 : i32
      %add3A_394 = arith.addi %mul3A_124, %add3A_393 : i32
      %mul3A_395 = arith.constant 5 : i32
      %mul3A_396 = arith.muli %add3A_394, %mul3A_395 : i32
      %add3A_397 = arith.constant 0 : i32
      %add3A_398 = arith.addi %mul3A_396, %add3A_397 : i32
      %dma_wait3A_399 = arith.constant 0 : i32
      %dma_wait3A_400 = arith.constant 0 : i32
      %dma_wait3A_401 = tpu.memref_slice %arg9[%dma_wait3A_399, %dma_wait3A_400] : memref<640x40xf32, #tpu.memory_space<vmem>> -> memref<128x40xf32, #tpu.memory_space<vmem>>
      %dma_wait3A_402 = arith.constant 0 : i32
      %dma_wait3A_403 = tpu.memref_slice %arg6[%add3A_398, %dma_wait3A_402] : memref<80x128xi32, #tpu.memory_space<vmem>> -> memref<1x128xi32, #tpu.memory_space<vmem>>
      %dma_wait3A_404 = tpu.memref_squeeze %dma_wait3A_403 : memref<1x128xi32, #tpu.memory_space<vmem>> -> memref<128xi32, #tpu.memory_space<vmem>>
      %dma_wait3A_405 = arith.constant 0 : i32
      %dma_wait3A_406 = arith.constant 0 : i32
      %dma_wait3A_407 = tpu.memref_slice %arg11[%dma_wait3A_405, %dma_wait3A_406] : memref<10112x40xf32, #tpu.memory_space<vmem_shared>> -> memref<10112x40xf32, #tpu.memory_space<vmem_shared>>
      tpu.wait_indirect_dma semaphore(%arg14 : memref<!tpu.dma_semaphore, #tpu.memory_space<semaphore_mem>>) src(%dma_wait3A_407 : memref<10112x40xf32, #tpu.memory_space<vmem_shared>>) dst(%dma_wait3A_401 : memref<128x40xf32, #tpu.memory_space<vmem>>)
      %mul3A_408 = arith.constant 5 : i32
      %mul3A_409 = arith.muli %add3A_394, %mul3A_408 : i32
      %add3A_410 = arith.constant 1 : i32
      %add3A_411 = arith.addi %mul3A_409, %add3A_410 : i32
      %dma_wait3A_412 = arith.constant 128 : i32
      %dma_wait3A_413 = arith.constant 0 : i32
      %dma_wait3A_414 = tpu.memref_slice %arg9[%dma_wait3A_412, %dma_wait3A_413] : memref<640x40xf32, #tpu.memory_space<vmem>> -> memref<128x40xf32, #tpu.memory_space<vmem>>
      %dma_wait3A_415 = arith.constant 0 : i32
      %dma_wait3A_416 = tpu.memref_slice %arg6[%add3A_411, %dma_wait3A_415] : memref<80x128xi32, #tpu.memory_space<vmem>> -> memref<1x128xi32, #tpu.memory_space<vmem>>
      %dma_wait3A_417 = tpu.memref_squeeze %dma_wait3A_416 : memref<1x128xi32, #tpu.memory_space<vmem>> -> memref<128xi32, #tpu.memory_space<vmem>>
      %dma_wait3A_418 = arith.constant 0 : i32
      %dma_wait3A_419 = arith.constant 0 : i32
      %dma_wait3A_420 = tpu.memref_slice %arg11[%dma_wait3A_418, %dma_wait3A_419] : memref<10112x40xf32, #tpu.memory_space<vmem_shared>> -> memref<10112x40xf32, #tpu.memory_space<vmem_shared>>
      tpu.wait_indirect_dma semaphore(%arg14 : memref<!tpu.dma_semaphore, #tpu.memory_space<semaphore_mem>>) src(%dma_wait3A_420 : memref<10112x40xf32, #tpu.memory_space<vmem_shared>>) dst(%dma_wait3A_414 : memref<128x40xf32, #tpu.memory_space<vmem>>)
      %mul3A_421 = arith.constant 5 : i32
      %mul3A_422 = arith.muli %add3A_394, %mul3A_421 : i32
      %add3A_423 = arith.constant 2 : i32
      %add3A_424 = arith.addi %mul3A_422, %add3A_423 : i32
      %dma_wait3A_425 = arith.constant 256 : i32
      %dma_wait3A_426 = arith.constant 0 : i32
      %dma_wait3A_427 = tpu.memref_slice %arg9[%dma_wait3A_425, %dma_wait3A_426] : memref<640x40xf32, #tpu.memory_space<vmem>> -> memref<128x40xf32, #tpu.memory_space<vmem>>
      %dma_wait3A_428 = arith.constant 0 : i32
      %dma_wait3A_429 = tpu.memref_slice %arg6[%add3A_424, %dma_wait3A_428] : memref<80x128xi32, #tpu.memory_space<vmem>> -> memref<1x128xi32, #tpu.memory_space<vmem>>
      %dma_wait3A_430 = tpu.memref_squeeze %dma_wait3A_429 : memref<1x128xi32, #tpu.memory_space<vmem>> -> memref<128xi32, #tpu.memory_space<vmem>>
      %dma_wait3A_431 = arith.constant 0 : i32
      %dma_wait3A_432 = arith.constant 0 : i32
      %dma_wait3A_433 = tpu.memref_slice %arg11[%dma_wait3A_431, %dma_wait3A_432] : memref<10112x40xf32, #tpu.memory_space<vmem_shared>> -> memref<10112x40xf32, #tpu.memory_space<vmem_shared>>
      tpu.wait_indirect_dma semaphore(%arg14 : memref<!tpu.dma_semaphore, #tpu.memory_space<semaphore_mem>>) src(%dma_wait3A_433 : memref<10112x40xf32, #tpu.memory_space<vmem_shared>>) dst(%dma_wait3A_427 : memref<128x40xf32, #tpu.memory_space<vmem>>)
      %mul3A_434 = arith.constant 5 : i32
      %mul3A_435 = arith.muli %add3A_394, %mul3A_434 : i32
      %add3A_436 = arith.constant 3 : i32
      %add3A_437 = arith.addi %mul3A_435, %add3A_436 : i32
      %dma_wait3A_438 = arith.constant 384 : i32
      %dma_wait3A_439 = arith.constant 0 : i32
      %dma_wait3A_440 = tpu.memref_slice %arg9[%dma_wait3A_438, %dma_wait3A_439] : memref<640x40xf32, #tpu.memory_space<vmem>> -> memref<128x40xf32, #tpu.memory_space<vmem>>
      %dma_wait3A_441 = arith.constant 0 : i32
      %dma_wait3A_442 = tpu.memref_slice %arg6[%add3A_437, %dma_wait3A_441] : memref<80x128xi32, #tpu.memory_space<vmem>> -> memref<1x128xi32, #tpu.memory_space<vmem>>
      %dma_wait3A_443 = tpu.memref_squeeze %dma_wait3A_442 : memref<1x128xi32, #tpu.memory_space<vmem>> -> memref<128xi32, #tpu.memory_space<vmem>>
      %dma_wait3A_444 = arith.constant 0 : i32
      %dma_wait3A_445 = arith.constant 0 : i32
      %dma_wait3A_446 = tpu.memref_slice %arg11[%dma_wait3A_444, %dma_wait3A_445] : memref<10112x40xf32, #tpu.memory_space<vmem_shared>> -> memref<10112x40xf32, #tpu.memory_space<vmem_shared>>
      tpu.wait_indirect_dma semaphore(%arg14 : memref<!tpu.dma_semaphore, #tpu.memory_space<semaphore_mem>>) src(%dma_wait3A_446 : memref<10112x40xf32, #tpu.memory_space<vmem_shared>>) dst(%dma_wait3A_440 : memref<128x40xf32, #tpu.memory_space<vmem>>)
      %mul3A_447 = arith.constant 5 : i32
      %mul3A_448 = arith.muli %add3A_394, %mul3A_447 : i32
      %add3A_449 = arith.constant 4 : i32
      %add3A_450 = arith.addi %mul3A_448, %add3A_449 : i32
      %dma_wait3A_451 = arith.constant 512 : i32
      %dma_wait3A_452 = arith.constant 0 : i32
      %dma_wait3A_453 = tpu.memref_slice %arg9[%dma_wait3A_451, %dma_wait3A_452] : memref<640x40xf32, #tpu.memory_space<vmem>> -> memref<128x40xf32, #tpu.memory_space<vmem>>
      %dma_wait3A_454 = arith.constant 0 : i32
      %dma_wait3A_455 = tpu.memref_slice %arg6[%add3A_450, %dma_wait3A_454] : memref<80x128xi32, #tpu.memory_space<vmem>> -> memref<1x128xi32, #tpu.memory_space<vmem>>
      %dma_wait3A_456 = tpu.memref_squeeze %dma_wait3A_455 : memref<1x128xi32, #tpu.memory_space<vmem>> -> memref<128xi32, #tpu.memory_space<vmem>>
      %dma_wait3A_457 = arith.constant 0 : i32
      %dma_wait3A_458 = arith.constant 0 : i32
      %dma_wait3A_459 = tpu.memref_slice %arg11[%dma_wait3A_457, %dma_wait3A_458] : memref<10112x40xf32, #tpu.memory_space<vmem_shared>> -> memref<10112x40xf32, #tpu.memory_space<vmem_shared>>
      tpu.wait_indirect_dma semaphore(%arg14 : memref<!tpu.dma_semaphore, #tpu.memory_space<semaphore_mem>>) src(%dma_wait3A_459 : memref<10112x40xf32, #tpu.memory_space<vmem_shared>>) dst(%dma_wait3A_453 : memref<128x40xf32, #tpu.memory_space<vmem>>)
      %add3A_460 = arith.constant 1 : i32
      %add3A_461 = arith.addi %mul3A_124, %add3A_460 : i32
      %mul3A_462 = arith.constant 5 : i32
      %mul3A_463 = arith.muli %add3A_461, %mul3A_462 : i32
      %add3A_464 = arith.constant 0 : i32
      %add3A_465 = arith.addi %mul3A_463, %add3A_464 : i32
      %dma_start3A_466 = arith.constant 0 : i32
      %dma_start3A_467 = arith.constant 0 : i32
      %dma_start3A_468 = tpu.memref_slice %arg9[%dma_start3A_466, %dma_start3A_467] : memref<640x40xf32, #tpu.memory_space<vmem>> -> memref<128x40xf32, #tpu.memory_space<vmem>>
      %dma_start3A_469 = arith.constant 0 : i32
      %dma_start3A_470 = tpu.memref_slice %arg7[%add3A_465, %dma_start3A_469] : memref<80x128xi32, #tpu.memory_space<vmem>> -> memref<1x128xi32, #tpu.memory_space<vmem>>
      %dma_start3A_471 = tpu.memref_squeeze %dma_start3A_470 : memref<1x128xi32, #tpu.memory_space<vmem>> -> memref<128xi32, #tpu.memory_space<vmem>>
      %dma_start3A_472 = arith.constant 0 : i32
      %dma_start3A_473 = arith.constant 0 : i32
      %dma_start3A_474 = tpu.memref_slice %arg12[%dma_start3A_472, %dma_start3A_473] : memref<10112x40xf32, #tpu.memory_space<vmem_shared>> -> memref<10112x40xf32, #tpu.memory_space<vmem_shared>>
      tpu.enqueue_indirect_dma source(%dma_start3A_468 : memref<128x40xf32, #tpu.memory_space<vmem>>) target(%dma_start3A_474 : memref<10112x40xf32, #tpu.memory_space<vmem_shared>>) offsets(%dma_start3A_471 : memref<128xi32, #tpu.memory_space<vmem>>) semaphore(%arg16 : memref<!tpu.dma_semaphore, #tpu.memory_space<semaphore_mem>>) {add = true}
      %mul3A_475 = arith.constant 5 : i32
      %mul3A_476 = arith.muli %add3A_461, %mul3A_475 : i32
      %add3A_477 = arith.constant 1 : i32
      %add3A_478 = arith.addi %mul3A_476, %add3A_477 : i32
      %dma_start3A_479 = arith.constant 128 : i32
      %dma_start3A_480 = arith.constant 0 : i32
      %dma_start3A_481 = tpu.memref_slice %arg9[%dma_start3A_479, %dma_start3A_480] : memref<640x40xf32, #tpu.memory_space<vmem>> -> memref<128x40xf32, #tpu.memory_space<vmem>>
      %dma_start3A_482 = arith.constant 0 : i32
      %dma_start3A_483 = tpu.memref_slice %arg7[%add3A_478, %dma_start3A_482] : memref<80x128xi32, #tpu.memory_space<vmem>> -> memref<1x128xi32, #tpu.memory_space<vmem>>
      %dma_start3A_484 = tpu.memref_squeeze %dma_start3A_483 : memref<1x128xi32, #tpu.memory_space<vmem>> -> memref<128xi32, #tpu.memory_space<vmem>>
      %dma_start3A_485 = arith.constant 0 : i32
      %dma_start3A_486 = arith.constant 0 : i32
      %dma_start3A_487 = tpu.memref_slice %arg12[%dma_start3A_485, %dma_start3A_486] : memref<10112x40xf32, #tpu.memory_space<vmem_shared>> -> memref<10112x40xf32, #tpu.memory_space<vmem_shared>>
      tpu.enqueue_indirect_dma source(%dma_start3A_481 : memref<128x40xf32, #tpu.memory_space<vmem>>) target(%dma_start3A_487 : memref<10112x40xf32, #tpu.memory_space<vmem_shared>>) offsets(%dma_start3A_484 : memref<128xi32, #tpu.memory_space<vmem>>) semaphore(%arg16 : memref<!tpu.dma_semaphore, #tpu.memory_space<semaphore_mem>>) {add = true}
      %mul3A_488 = arith.constant 5 : i32
      %mul3A_489 = arith.muli %add3A_461, %mul3A_488 : i32
      %add3A_490 = arith.constant 2 : i32
      %add3A_491 = arith.addi %mul3A_489, %add3A_490 : i32
      %dma_start3A_492 = arith.constant 256 : i32
      %dma_start3A_493 = arith.constant 0 : i32
      %dma_start3A_494 = tpu.memref_slice %arg9[%dma_start3A_492, %dma_start3A_493] : memref<640x40xf32, #tpu.memory_space<vmem>> -> memref<128x40xf32, #tpu.memory_space<vmem>>
      %dma_start3A_495 = arith.constant 0 : i32
      %dma_start3A_496 = tpu.memref_slice %arg7[%add3A_491, %dma_start3A_495] : memref<80x128xi32, #tpu.memory_space<vmem>> -> memref<1x128xi32, #tpu.memory_space<vmem>>
      %dma_start3A_497 = tpu.memref_squeeze %dma_start3A_496 : memref<1x128xi32, #tpu.memory_space<vmem>> -> memref<128xi32, #tpu.memory_space<vmem>>
      %dma_start3A_498 = arith.constant 0 : i32
      %dma_start3A_499 = arith.constant 0 : i32
      %dma_start3A_500 = tpu.memref_slice %arg12[%dma_start3A_498, %dma_start3A_499] : memref<10112x40xf32, #tpu.memory_space<vmem_shared>> -> memref<10112x40xf32, #tpu.memory_space<vmem_shared>>
      tpu.enqueue_indirect_dma source(%dma_start3A_494 : memref<128x40xf32, #tpu.memory_space<vmem>>) target(%dma_start3A_500 : memref<10112x40xf32, #tpu.memory_space<vmem_shared>>) offsets(%dma_start3A_497 : memref<128xi32, #tpu.memory_space<vmem>>) semaphore(%arg16 : memref<!tpu.dma_semaphore, #tpu.memory_space<semaphore_mem>>) {add = true}
      %mul3A_501 = arith.constant 5 : i32
      %mul3A_502 = arith.muli %add3A_461, %mul3A_501 : i32
      %add3A_503 = arith.constant 3 : i32
      %add3A_504 = arith.addi %mul3A_502, %add3A_503 : i32
      %dma_start3A_505 = arith.constant 384 : i32
      %dma_start3A_506 = arith.constant 0 : i32
      %dma_start3A_507 = tpu.memref_slice %arg9[%dma_start3A_505, %dma_start3A_506] : memref<640x40xf32, #tpu.memory_space<vmem>> -> memref<128x40xf32, #tpu.memory_space<vmem>>
      %dma_start3A_508 = arith.constant 0 : i32
      %dma_start3A_509 = tpu.memref_slice %arg7[%add3A_504, %dma_start3A_508] : memref<80x128xi32, #tpu.memory_space<vmem>> -> memref<1x128xi32, #tpu.memory_space<vmem>>
      %dma_start3A_510 = tpu.memref_squeeze %dma_start3A_509 : memref<1x128xi32, #tpu.memory_space<vmem>> -> memref<128xi32, #tpu.memory_space<vmem>>
      %dma_start3A_511 = arith.constant 0 : i32
      %dma_start3A_512 = arith.constant 0 : i32
      %dma_start3A_513 = tpu.memref_slice %arg12[%dma_start3A_511, %dma_start3A_512] : memref<10112x40xf32, #tpu.memory_space<vmem_shared>> -> memref<10112x40xf32, #tpu.memory_space<vmem_shared>>
      tpu.enqueue_indirect_dma source(%dma_start3A_507 : memref<128x40xf32, #tpu.memory_space<vmem>>) target(%dma_start3A_513 : memref<10112x40xf32, #tpu.memory_space<vmem_shared>>) offsets(%dma_start3A_510 : memref<128xi32, #tpu.memory_space<vmem>>) semaphore(%arg16 : memref<!tpu.dma_semaphore, #tpu.memory_space<semaphore_mem>>) {add = true}
      %mul3A_514 = arith.constant 5 : i32
      %mul3A_515 = arith.muli %add3A_461, %mul3A_514 : i32
      %add3A_516 = arith.constant 4 : i32
      %add3A_517 = arith.addi %mul3A_515, %add3A_516 : i32
      %dma_start3A_518 = arith.constant 512 : i32
      %dma_start3A_519 = arith.constant 0 : i32
      %dma_start3A_520 = tpu.memref_slice %arg9[%dma_start3A_518, %dma_start3A_519] : memref<640x40xf32, #tpu.memory_space<vmem>> -> memref<128x40xf32, #tpu.memory_space<vmem>>
      %dma_start3A_521 = arith.constant 0 : i32
      %dma_start3A_522 = tpu.memref_slice %arg7[%add3A_517, %dma_start3A_521] : memref<80x128xi32, #tpu.memory_space<vmem>> -> memref<1x128xi32, #tpu.memory_space<vmem>>
      %dma_start3A_523 = tpu.memref_squeeze %dma_start3A_522 : memref<1x128xi32, #tpu.memory_space<vmem>> -> memref<128xi32, #tpu.memory_space<vmem>>
      %dma_start3A_524 = arith.constant 0 : i32
      %dma_start3A_525 = arith.constant 0 : i32
      %dma_start3A_526 = tpu.memref_slice %arg12[%dma_start3A_524, %dma_start3A_525] : memref<10112x40xf32, #tpu.memory_space<vmem_shared>> -> memref<10112x40xf32, #tpu.memory_space<vmem_shared>>
      tpu.enqueue_indirect_dma source(%dma_start3A_520 : memref<128x40xf32, #tpu.memory_space<vmem>>) target(%dma_start3A_526 : memref<10112x40xf32, #tpu.memory_space<vmem_shared>>) offsets(%dma_start3A_523 : memref<128xi32, #tpu.memory_space<vmem>>) semaphore(%arg16 : memref<!tpu.dma_semaphore, #tpu.memory_space<semaphore_mem>>) {add = true}
      %add3A_527 = arith.constant 1 : i32
      %add3A_528 = arith.addi %mul3A_124, %add3A_527 : i32
      %mul3A_529 = arith.constant 5 : i32
      %mul3A_530 = arith.muli %add3A_528, %mul3A_529 : i32
      %add3A_531 = arith.constant 0 : i32
      %add3A_532 = arith.addi %mul3A_530, %add3A_531 : i32
      %dma_wait3A_533 = arith.constant 0 : i32
      %dma_wait3A_534 = arith.constant 0 : i32
      %dma_wait3A_535 = tpu.memref_slice %arg9[%dma_wait3A_533, %dma_wait3A_534] : memref<640x40xf32, #tpu.memory_space<vmem>> -> memref<128x40xf32, #tpu.memory_space<vmem>>
      %dma_wait3A_536 = arith.constant 0 : i32
      %dma_wait3A_537 = tpu.memref_slice %arg7[%add3A_532, %dma_wait3A_536] : memref<80x128xi32, #tpu.memory_space<vmem>> -> memref<1x128xi32, #tpu.memory_space<vmem>>
      %dma_wait3A_538 = tpu.memref_squeeze %dma_wait3A_537 : memref<1x128xi32, #tpu.memory_space<vmem>> -> memref<128xi32, #tpu.memory_space<vmem>>
      %dma_wait3A_539 = arith.constant 0 : i32
      %dma_wait3A_540 = arith.constant 0 : i32
      %dma_wait3A_541 = tpu.memref_slice %arg12[%dma_wait3A_539, %dma_wait3A_540] : memref<10112x40xf32, #tpu.memory_space<vmem_shared>> -> memref<10112x40xf32, #tpu.memory_space<vmem_shared>>
      tpu.wait_indirect_dma semaphore(%arg16 : memref<!tpu.dma_semaphore, #tpu.memory_space<semaphore_mem>>) src(%dma_wait3A_535 : memref<128x40xf32, #tpu.memory_space<vmem>>) dst(%dma_wait3A_541 : memref<10112x40xf32, #tpu.memory_space<vmem_shared>>)
      %mul3A_542 = arith.constant 5 : i32
      %mul3A_543 = arith.muli %add3A_528, %mul3A_542 : i32
      %add3A_544 = arith.constant 1 : i32
      %add3A_545 = arith.addi %mul3A_543, %add3A_544 : i32
      %dma_wait3A_546 = arith.constant 128 : i32
      %dma_wait3A_547 = arith.constant 0 : i32
      %dma_wait3A_548 = tpu.memref_slice %arg9[%dma_wait3A_546, %dma_wait3A_547] : memref<640x40xf32, #tpu.memory_space<vmem>> -> memref<128x40xf32, #tpu.memory_space<vmem>>
      %dma_wait3A_549 = arith.constant 0 : i32
      %dma_wait3A_550 = tpu.memref_slice %arg7[%add3A_545, %dma_wait3A_549] : memref<80x128xi32, #tpu.memory_space<vmem>> -> memref<1x128xi32, #tpu.memory_space<vmem>>
      %dma_wait3A_551 = tpu.memref_squeeze %dma_wait3A_550 : memref<1x128xi32, #tpu.memory_space<vmem>> -> memref<128xi32, #tpu.memory_space<vmem>>
      %dma_wait3A_552 = arith.constant 0 : i32
      %dma_wait3A_553 = arith.constant 0 : i32
      %dma_wait3A_554 = tpu.memref_slice %arg12[%dma_wait3A_552, %dma_wait3A_553] : memref<10112x40xf32, #tpu.memory_space<vmem_shared>> -> memref<10112x40xf32, #tpu.memory_space<vmem_shared>>
      tpu.wait_indirect_dma semaphore(%arg16 : memref<!tpu.dma_semaphore, #tpu.memory_space<semaphore_mem>>) src(%dma_wait3A_548 : memref<128x40xf32, #tpu.memory_space<vmem>>) dst(%dma_wait3A_554 : memref<10112x40xf32, #tpu.memory_space<vmem_shared>>)
      %mul3A_555 = arith.constant 5 : i32
      %mul3A_556 = arith.muli %add3A_528, %mul3A_555 : i32
      %add3A_557 = arith.constant 2 : i32
      %add3A_558 = arith.addi %mul3A_556, %add3A_557 : i32
      %dma_wait3A_559 = arith.constant 256 : i32
      %dma_wait3A_560 = arith.constant 0 : i32
      %dma_wait3A_561 = tpu.memref_slice %arg9[%dma_wait3A_559, %dma_wait3A_560] : memref<640x40xf32, #tpu.memory_space<vmem>> -> memref<128x40xf32, #tpu.memory_space<vmem>>
      %dma_wait3A_562 = arith.constant 0 : i32
      %dma_wait3A_563 = tpu.memref_slice %arg7[%add3A_558, %dma_wait3A_562] : memref<80x128xi32, #tpu.memory_space<vmem>> -> memref<1x128xi32, #tpu.memory_space<vmem>>
      %dma_wait3A_564 = tpu.memref_squeeze %dma_wait3A_563 : memref<1x128xi32, #tpu.memory_space<vmem>> -> memref<128xi32, #tpu.memory_space<vmem>>
      %dma_wait3A_565 = arith.constant 0 : i32
      %dma_wait3A_566 = arith.constant 0 : i32
      %dma_wait3A_567 = tpu.memref_slice %arg12[%dma_wait3A_565, %dma_wait3A_566] : memref<10112x40xf32, #tpu.memory_space<vmem_shared>> -> memref<10112x40xf32, #tpu.memory_space<vmem_shared>>
      tpu.wait_indirect_dma semaphore(%arg16 : memref<!tpu.dma_semaphore, #tpu.memory_space<semaphore_mem>>) src(%dma_wait3A_561 : memref<128x40xf32, #tpu.memory_space<vmem>>) dst(%dma_wait3A_567 : memref<10112x40xf32, #tpu.memory_space<vmem_shared>>)
      %mul3A_568 = arith.constant 5 : i32
      %mul3A_569 = arith.muli %add3A_528, %mul3A_568 : i32
      %add3A_570 = arith.constant 3 : i32
      %add3A_571 = arith.addi %mul3A_569, %add3A_570 : i32
      %dma_wait3A_572 = arith.constant 384 : i32
      %dma_wait3A_573 = arith.constant 0 : i32
      %dma_wait3A_574 = tpu.memref_slice %arg9[%dma_wait3A_572, %dma_wait3A_573] : memref<640x40xf32, #tpu.memory_space<vmem>> -> memref<128x40xf32, #tpu.memory_space<vmem>>
      %dma_wait3A_575 = arith.constant 0 : i32
      %dma_wait3A_576 = tpu.memref_slice %arg7[%add3A_571, %dma_wait3A_575] : memref<80x128xi32, #tpu.memory_space<vmem>> -> memref<1x128xi32, #tpu.memory_space<vmem>>
      %dma_wait3A_577 = tpu.memref_squeeze %dma_wait3A_576 : memref<1x128xi32, #tpu.memory_space<vmem>> -> memref<128xi32, #tpu.memory_space<vmem>>
      %dma_wait3A_578 = arith.constant 0 : i32
      %dma_wait3A_579 = arith.constant 0 : i32
      %dma_wait3A_580 = tpu.memref_slice %arg12[%dma_wait3A_578, %dma_wait3A_579] : memref<10112x40xf32, #tpu.memory_space<vmem_shared>> -> memref<10112x40xf32, #tpu.memory_space<vmem_shared>>
      tpu.wait_indirect_dma semaphore(%arg16 : memref<!tpu.dma_semaphore, #tpu.memory_space<semaphore_mem>>) src(%dma_wait3A_574 : memref<128x40xf32, #tpu.memory_space<vmem>>) dst(%dma_wait3A_580 : memref<10112x40xf32, #tpu.memory_space<vmem_shared>>)
      %mul3A_581 = arith.constant 5 : i32
      %mul3A_582 = arith.muli %add3A_528, %mul3A_581 : i32
      %add3A_583 = arith.constant 4 : i32
      %add3A_584 = arith.addi %mul3A_582, %add3A_583 : i32
      %dma_wait3A_585 = arith.constant 512 : i32
      %dma_wait3A_586 = arith.constant 0 : i32
      %dma_wait3A_587 = tpu.memref_slice %arg9[%dma_wait3A_585, %dma_wait3A_586] : memref<640x40xf32, #tpu.memory_space<vmem>> -> memref<128x40xf32, #tpu.memory_space<vmem>>
      %dma_wait3A_588 = arith.constant 0 : i32
      %dma_wait3A_589 = tpu.memref_slice %arg7[%add3A_584, %dma_wait3A_588] : memref<80x128xi32, #tpu.memory_space<vmem>> -> memref<1x128xi32, #tpu.memory_space<vmem>>
      %dma_wait3A_590 = tpu.memref_squeeze %dma_wait3A_589 : memref<1x128xi32, #tpu.memory_space<vmem>> -> memref<128xi32, #tpu.memory_space<vmem>>
      %dma_wait3A_591 = arith.constant 0 : i32
      %dma_wait3A_592 = arith.constant 0 : i32
      %dma_wait3A_593 = tpu.memref_slice %arg12[%dma_wait3A_591, %dma_wait3A_592] : memref<10112x40xf32, #tpu.memory_space<vmem_shared>> -> memref<10112x40xf32, #tpu.memory_space<vmem_shared>>
      tpu.wait_indirect_dma semaphore(%arg16 : memref<!tpu.dma_semaphore, #tpu.memory_space<semaphore_mem>>) src(%dma_wait3A_587 : memref<128x40xf32, #tpu.memory_space<vmem>>) dst(%dma_wait3A_593 : memref<10112x40xf32, #tpu.memory_space<vmem_shared>>)
    }
    %scan3A_116 = arith.constant 8 : i32
    %barrier3A_117 = arith.constant 0 : index
    tpu.barrier barrier_id(%barrier3A_117)
    "tpu.region"() ({
      %run_scoped3A_118 = tpu.sem_alloc : memref<!tpu.dma_semaphore, #tpu.memory_space<semaphore_mem>>
      %dma_start3A_119 = arith.constant 0 : i32
      %dma_start3A_120 = arith.constant 0 : i32
      %dma_start3A_121 = tpu.memref_slice %arg5[%arg0, %dma_start3A_119, %dma_start3A_120] : memref<2x10112x40xf32, #tpu.memory_space<hbm>> -> memref<1x10112x40xf32, #tpu.memory_space<hbm>>
      %dma_start3A_122 = tpu.memref_squeeze %dma_start3A_121 : memref<1x10112x40xf32, #tpu.memory_space<hbm>> -> memref<10112x40xf32, #tpu.memory_space<hbm>>
      %dma_start3A_123 = arith.constant 0 : i32
      %dma_start3A_124 = tpu.memref_slice %dma_start3A_122[%mul3A_2, %dma_start3A_123] : memref<10112x40xf32, #tpu.memory_space<hbm>> -> memref<632x40xf32, #tpu.memory_space<hbm>>
      %dma_start3A_125 = arith.constant 0 : i32
      %dma_start3A_126 = tpu.memref_slice %arg12[%mul3A_2, %dma_start3A_125] : memref<10112x40xf32, #tpu.memory_space<vmem_shared>> -> memref<632x40xf32, #tpu.memory_space<vmem_shared>>
      tpu.enqueue_dma source(%dma_start3A_126 : memref<632x40xf32, #tpu.memory_space<vmem_shared>>) target(%dma_start3A_124 : memref<632x40xf32, #tpu.memory_space<hbm>>) target_semaphore(%run_scoped3A_118 : memref<!tpu.dma_semaphore, #tpu.memory_space<semaphore_mem>>)
      %dma_wait3A_127 = arith.constant 0 : i32
      %dma_wait3A_128 = arith.constant 0 : i32
      %dma_wait3A_129 = tpu.memref_slice %arg5[%arg0, %dma_wait3A_127, %dma_wait3A_128] : memref<2x10112x40xf32, #tpu.memory_space<hbm>> -> memref<1x10112x40xf32, #tpu.memory_space<hbm>>
      %dma_wait3A_130 = tpu.memref_squeeze %dma_wait3A_129 : memref<1x10112x40xf32, #tpu.memory_space<hbm>> -> memref<10112x40xf32, #tpu.memory_space<hbm>>
      %dma_wait3A_131 = arith.constant 0 : i32
      %dma_wait3A_132 = tpu.memref_slice %dma_wait3A_130[%mul3A_2, %dma_wait3A_131] : memref<10112x40xf32, #tpu.memory_space<hbm>> -> memref<632x40xf32, #tpu.memory_space<hbm>>
      %dma_wait3A_133 = arith.constant 0 : i32
      %dma_wait3A_134 = tpu.memref_slice %arg12[%mul3A_2, %dma_wait3A_133] : memref<10112x40xf32, #tpu.memory_space<vmem_shared>> -> memref<632x40xf32, #tpu.memory_space<vmem_shared>>
      tpu.wait_dma2 semaphore(%run_scoped3A_118 : memref<!tpu.dma_semaphore, #tpu.memory_space<semaphore_mem>>) src(%dma_wait3A_134 : memref<632x40xf32, #tpu.memory_space<vmem_shared>>) dst(%dma_wait3A_132 : memref<632x40xf32, #tpu.memory_space<hbm>>)
      tpu.yield
    }) : () -> ()
    return
  }
}

#map = affine_map<(d0, d1) -> (0, 0, 0)>
#map1 = affine_map<(d0, d1) -> (0)>
#map2 = affine_map<(d0, d1) -> (0, 0, 0, 0)>
module attributes {stable_mosaic.version = 14 : i64} {
  func.func @hop(%arg0: i32, %arg1: i32, %arg2: memref<2x10112x40xf32, #tpu.memory_space<hbm>>, %arg3: memref<10240xf32, #tpu.memory_space<hbm>>, %arg4: memref<2x32x80x128xi32, #tpu.memory_space<hbm>>, %arg5: memref<2x10112x40xf32, #tpu.memory_space<hbm>>, %arg6: memref<80x128xi32, #tpu.memory_space<vmem>>, %arg7: memref<80x128xi32, #tpu.memory_space<vmem>>, %arg8: memref<640x40xf32, #tpu.memory_space<vmem>>, %arg9: memref<640x40xf32, #tpu.memory_space<vmem>>, %arg10: memref<632xf32, #tpu.memory_space<vmem>>, %arg11: memref<10112x40xf32, #tpu.memory_space<vmem_shared>>, %arg12: memref<10112x40xf32, #tpu.memory_space<vmem_shared>>, %arg13: memref<!tpu.dma_semaphore, #tpu.memory_space<semaphore_mem>>, %arg14: memref<!tpu.dma_semaphore, #tpu.memory_space<semaphore_mem>>, %arg15: memref<!tpu.dma_semaphore, #tpu.memory_space<semaphore_mem>>, %arg16: memref<!tpu.dma_semaphore, #tpu.memory_space<semaphore_mem>>) attributes {dimension_semantics = [#tpu.dimension_semantics<core_parallel>, #tpu.dimension_semantics<subcore_parallel>], iteration_bounds = array<i64: 2, 16>, scalar_prefetch = 0 : i64, scratch_operands = 11 : i64, tpu.core_type = #tpu.core_type<sc_vector_subcore>, window_params = [{transform_indices = #map}, {transform_indices = #map1}, {transform_indices = #map2}, {transform_indices = #map}]} {
    %mul3A = arith.constant 2 : i32
    %mul3A_0 = arith.muli %arg1, %mul3A : i32
    %add3A = arith.addi %mul3A_0, %arg0 : i32
    %mul3A_1 = arith.constant 632 : i32
    %mul3A_2 = arith.muli %arg1, %mul3A_1 : i32
    %dma_start3A = arith.constant 0 : i32
    %dma_start3A_3 = arith.constant 0 : i32
    %dma_start3A_4 = arith.constant 0 : i32
    %dma_start3A_5 = tpu.memref_slice %arg8[%dma_start3A_3, %dma_start3A_4] : memref<640x40xf32, #tpu.memory_space<vmem>> -> memref<632x40xf32, #tpu.memory_space<vmem>>
    %dma_start3A_6 = arith.constant 0 : i32
    %dma_start3A_7 = arith.constant 0 : i32
    %dma_start3A_8 = tpu.memref_slice %arg2[%dma_start3A, %dma_start3A_6, %dma_start3A_7] : memref<2x10112x40xf32, #tpu.memory_space<hbm>> -> memref<1x10112x40xf32, #tpu.memory_space<hbm>>
    %dma_start3A_9 = tpu.memref_squeeze %dma_start3A_8 : memref<1x10112x40xf32, #tpu.memory_space<hbm>> -> memref<10112x40xf32, #tpu.memory_space<hbm>>
    %dma_start3A_10 = arith.constant 0 : i32
    %dma_start3A_11 = tpu.memref_slice %dma_start3A_9[%mul3A_2, %dma_start3A_10] : memref<10112x40xf32, #tpu.memory_space<hbm>> -> memref<632x40xf32, #tpu.memory_space<hbm>>
    %dma_start3A_12 = arith.constant 0 : i32
    %dma_start3A_13 = arith.constant 0 : i32
    %dma_start3A_14 = tpu.memref_slice %arg8[%dma_start3A_12, %dma_start3A_13] : memref<640x40xf32, #tpu.memory_space<vmem>> -> memref<632x40xf32, #tpu.memory_space<vmem>>
    %dma_start3A_15 = arith.constant 0 : i32
    %dma_start3A_16 = arith.constant 0 : i32
    %dma_start3A_17 = tpu.memref_slice %arg2[%dma_start3A, %dma_start3A_15, %dma_start3A_16] : memref<2x10112x40xf32, #tpu.memory_space<hbm>> -> memref<1x10112x40xf32, #tpu.memory_space<hbm>>
    %dma_start3A_18 = tpu.memref_squeeze %dma_start3A_17 : memref<1x10112x40xf32, #tpu.memory_space<hbm>> -> memref<10112x40xf32, #tpu.memory_space<hbm>>
    %dma_start3A_19 = arith.constant 0 : i32
    %dma_start3A_20 = tpu.memref_slice %dma_start3A_18[%mul3A_2, %dma_start3A_19] : memref<10112x40xf32, #tpu.memory_space<hbm>> -> memref<632x40xf32, #tpu.memory_space<hbm>>
    tpu.enqueue_dma source(%dma_start3A_20 : memref<632x40xf32, #tpu.memory_space<hbm>>) target(%dma_start3A_14 : memref<632x40xf32, #tpu.memory_space<vmem>>) target_semaphore(%arg13 : memref<!tpu.dma_semaphore, #tpu.memory_space<semaphore_mem>>)
    %dma_start3A_21 = arith.constant 1 : i32
    %dma_start3A_22 = arith.constant 0 : i32
    %dma_start3A_23 = arith.constant 0 : i32
    %dma_start3A_24 = tpu.memref_slice %arg9[%dma_start3A_22, %dma_start3A_23] : memref<640x40xf32, #tpu.memory_space<vmem>> -> memref<632x40xf32, #tpu.memory_space<vmem>>
    %dma_start3A_25 = arith.constant 0 : i32
    %dma_start3A_26 = arith.constant 0 : i32
    %dma_start3A_27 = tpu.memref_slice %arg2[%dma_start3A_21, %dma_start3A_25, %dma_start3A_26] : memref<2x10112x40xf32, #tpu.memory_space<hbm>> -> memref<1x10112x40xf32, #tpu.memory_space<hbm>>
    %dma_start3A_28 = tpu.memref_squeeze %dma_start3A_27 : memref<1x10112x40xf32, #tpu.memory_space<hbm>> -> memref<10112x40xf32, #tpu.memory_space<hbm>>
    %dma_start3A_29 = arith.constant 0 : i32
    %dma_start3A_30 = tpu.memref_slice %dma_start3A_28[%mul3A_2, %dma_start3A_29] : memref<10112x40xf32, #tpu.memory_space<hbm>> -> memref<632x40xf32, #tpu.memory_space<hbm>>
    %dma_start3A_31 = arith.constant 0 : i32
    %dma_start3A_32 = arith.constant 0 : i32
    %dma_start3A_33 = tpu.memref_slice %arg9[%dma_start3A_31, %dma_start3A_32] : memref<640x40xf32, #tpu.memory_space<vmem>> -> memref<632x40xf32, #tpu.memory_space<vmem>>
    %dma_start3A_34 = arith.constant 0 : i32
    %dma_start3A_35 = arith.constant 0 : i32
    %dma_start3A_36 = tpu.memref_slice %arg2[%dma_start3A_21, %dma_start3A_34, %dma_start3A_35] : memref<2x10112x40xf32, #tpu.memory_space<hbm>> -> memref<1x10112x40xf32, #tpu.memory_space<hbm>>
    %dma_start3A_37 = tpu.memref_squeeze %dma_start3A_36 : memref<1x10112x40xf32, #tpu.memory_space<hbm>> -> memref<10112x40xf32, #tpu.memory_space<hbm>>
    %dma_start3A_38 = arith.constant 0 : i32
    %dma_start3A_39 = tpu.memref_slice %dma_start3A_37[%mul3A_2, %dma_start3A_38] : memref<10112x40xf32, #tpu.memory_space<hbm>> -> memref<632x40xf32, #tpu.memory_space<hbm>>
    tpu.enqueue_dma source(%dma_start3A_39 : memref<632x40xf32, #tpu.memory_space<hbm>>) target(%dma_start3A_33 : memref<632x40xf32, #tpu.memory_space<vmem>>) target_semaphore(%arg14 : memref<!tpu.dma_semaphore, #tpu.memory_space<semaphore_mem>>)
    %run_scoped3A = arith.constant 0 : i32
    "tpu.region"() ({
      %run_scoped3A_174 = tpu.sem_alloc : memref<!tpu.dma_semaphore, #tpu.memory_space<semaphore_mem>>
      %dma_start3A_175 = arith.constant 0 : i32
      %dma_start3A_176 = arith.constant 0 : i32
      %dma_start3A_177 = arith.constant 0 : i32
      %dma_start3A_178 = tpu.memref_slice %arg4[%run_scoped3A, %dma_start3A_175, %dma_start3A_176, %dma_start3A_177] : memref<2x32x80x128xi32, #tpu.memory_space<hbm>> -> memref<1x32x80x128xi32, #tpu.memory_space<hbm>>
      %dma_start3A_179 = tpu.memref_squeeze %dma_start3A_178 : memref<1x32x80x128xi32, #tpu.memory_space<hbm>> -> memref<32x80x128xi32, #tpu.memory_space<hbm>>
      %dma_start3A_180 = arith.constant 0 : i32
      %dma_start3A_181 = arith.constant 0 : i32
      %dma_start3A_182 = tpu.memref_slice %dma_start3A_179[%add3A, %dma_start3A_180, %dma_start3A_181] : memref<32x80x128xi32, #tpu.memory_space<hbm>> -> memref<1x80x128xi32, #tpu.memory_space<hbm>>
      %dma_start3A_183 = tpu.memref_squeeze %dma_start3A_182 : memref<1x80x128xi32, #tpu.memory_space<hbm>> -> memref<80x128xi32, #tpu.memory_space<hbm>>
      %dma_start3A_184 = arith.constant 0 : i32
      %dma_start3A_185 = arith.constant 0 : i32
      %dma_start3A_186 = arith.constant 0 : i32
      %dma_start3A_187 = tpu.memref_slice %arg4[%run_scoped3A, %dma_start3A_184, %dma_start3A_185, %dma_start3A_186] : memref<2x32x80x128xi32, #tpu.memory_space<hbm>> -> memref<1x32x80x128xi32, #tpu.memory_space<hbm>>
      %dma_start3A_188 = tpu.memref_squeeze %dma_start3A_187 : memref<1x32x80x128xi32, #tpu.memory_space<hbm>> -> memref<32x80x128xi32, #tpu.memory_space<hbm>>
      %dma_start3A_189 = arith.constant 0 : i32
      %dma_start3A_190 = arith.constant 0 : i32
      %dma_start3A_191 = tpu.memref_slice %dma_start3A_188[%add3A, %dma_start3A_189, %dma_start3A_190] : memref<32x80x128xi32, #tpu.memory_space<hbm>> -> memref<1x80x128xi32, #tpu.memory_space<hbm>>
      %dma_start3A_192 = tpu.memref_squeeze %dma_start3A_191 : memref<1x80x128xi32, #tpu.memory_space<hbm>> -> memref<80x128xi32, #tpu.memory_space<hbm>>
      tpu.enqueue_dma source(%dma_start3A_192 : memref<80x128xi32, #tpu.memory_space<hbm>>) target(%arg6 : memref<80x128xi32, #tpu.memory_space<vmem>>) target_semaphore(%run_scoped3A_174 : memref<!tpu.dma_semaphore, #tpu.memory_space<semaphore_mem>>)
      %dma_wait3A_193 = arith.constant 0 : i32
      %dma_wait3A_194 = arith.constant 0 : i32
      %dma_wait3A_195 = arith.constant 0 : i32
      %dma_wait3A_196 = tpu.memref_slice %arg4[%run_scoped3A, %dma_wait3A_193, %dma_wait3A_194, %dma_wait3A_195] : memref<2x32x80x128xi32, #tpu.memory_space<hbm>> -> memref<1x32x80x128xi32, #tpu.memory_space<hbm>>
      %dma_wait3A_197 = tpu.memref_squeeze %dma_wait3A_196 : memref<1x32x80x128xi32, #tpu.memory_space<hbm>> -> memref<32x80x128xi32, #tpu.memory_space<hbm>>
      %dma_wait3A_198 = arith.constant 0 : i32
      %dma_wait3A_199 = arith.constant 0 : i32
      %dma_wait3A_200 = tpu.memref_slice %dma_wait3A_197[%add3A, %dma_wait3A_198, %dma_wait3A_199] : memref<32x80x128xi32, #tpu.memory_space<hbm>> -> memref<1x80x128xi32, #tpu.memory_space<hbm>>
      %dma_wait3A_201 = tpu.memref_squeeze %dma_wait3A_200 : memref<1x80x128xi32, #tpu.memory_space<hbm>> -> memref<80x128xi32, #tpu.memory_space<hbm>>
      %dma_wait3A_202 = arith.constant 0 : i32
      %dma_wait3A_203 = arith.constant 0 : i32
      %dma_wait3A_204 = arith.constant 0 : i32
      %dma_wait3A_205 = tpu.memref_slice %arg4[%run_scoped3A, %dma_wait3A_202, %dma_wait3A_203, %dma_wait3A_204] : memref<2x32x80x128xi32, #tpu.memory_space<hbm>> -> memref<1x32x80x128xi32, #tpu.memory_space<hbm>>
      %dma_wait3A_206 = tpu.memref_squeeze %dma_wait3A_205 : memref<1x32x80x128xi32, #tpu.memory_space<hbm>> -> memref<32x80x128xi32, #tpu.memory_space<hbm>>
      %dma_wait3A_207 = arith.constant 0 : i32
      %dma_wait3A_208 = arith.constant 0 : i32
      %dma_wait3A_209 = tpu.memref_slice %dma_wait3A_206[%add3A, %dma_wait3A_207, %dma_wait3A_208] : memref<32x80x128xi32, #tpu.memory_space<hbm>> -> memref<1x80x128xi32, #tpu.memory_space<hbm>>
      %dma_wait3A_210 = tpu.memref_squeeze %dma_wait3A_209 : memref<1x80x128xi32, #tpu.memory_space<hbm>> -> memref<80x128xi32, #tpu.memory_space<hbm>>
      tpu.wait_dma2 semaphore(%run_scoped3A_174 : memref<!tpu.dma_semaphore, #tpu.memory_space<semaphore_mem>>) src(%dma_wait3A_210 : memref<80x128xi32, #tpu.memory_space<hbm>>) dst(%arg6 : memref<80x128xi32, #tpu.memory_space<vmem>>)
      tpu.yield
    }) : () -> ()
    %run_scoped3A_40 = arith.constant 1 : i32
    "tpu.region"() ({
      %run_scoped3A_174 = tpu.sem_alloc : memref<!tpu.dma_semaphore, #tpu.memory_space<semaphore_mem>>
      %dma_start3A_175 = arith.constant 0 : i32
      %dma_start3A_176 = arith.constant 0 : i32
      %dma_start3A_177 = arith.constant 0 : i32
      %dma_start3A_178 = tpu.memref_slice %arg4[%run_scoped3A_40, %dma_start3A_175, %dma_start3A_176, %dma_start3A_177] : memref<2x32x80x128xi32, #tpu.memory_space<hbm>> -> memref<1x32x80x128xi32, #tpu.memory_space<hbm>>
      %dma_start3A_179 = tpu.memref_squeeze %dma_start3A_178 : memref<1x32x80x128xi32, #tpu.memory_space<hbm>> -> memref<32x80x128xi32, #tpu.memory_space<hbm>>
      %dma_start3A_180 = arith.constant 0 : i32
      %dma_start3A_181 = arith.constant 0 : i32
      %dma_start3A_182 = tpu.memref_slice %dma_start3A_179[%add3A, %dma_start3A_180, %dma_start3A_181] : memref<32x80x128xi32, #tpu.memory_space<hbm>> -> memref<1x80x128xi32, #tpu.memory_space<hbm>>
      %dma_start3A_183 = tpu.memref_squeeze %dma_start3A_182 : memref<1x80x128xi32, #tpu.memory_space<hbm>> -> memref<80x128xi32, #tpu.memory_space<hbm>>
      %dma_start3A_184 = arith.constant 0 : i32
      %dma_start3A_185 = arith.constant 0 : i32
      %dma_start3A_186 = arith.constant 0 : i32
      %dma_start3A_187 = tpu.memref_slice %arg4[%run_scoped3A_40, %dma_start3A_184, %dma_start3A_185, %dma_start3A_186] : memref<2x32x80x128xi32, #tpu.memory_space<hbm>> -> memref<1x32x80x128xi32, #tpu.memory_space<hbm>>
      %dma_start3A_188 = tpu.memref_squeeze %dma_start3A_187 : memref<1x32x80x128xi32, #tpu.memory_space<hbm>> -> memref<32x80x128xi32, #tpu.memory_space<hbm>>
      %dma_start3A_189 = arith.constant 0 : i32
      %dma_start3A_190 = arith.constant 0 : i32
      %dma_start3A_191 = tpu.memref_slice %dma_start3A_188[%add3A, %dma_start3A_189, %dma_start3A_190] : memref<32x80x128xi32, #tpu.memory_space<hbm>> -> memref<1x80x128xi32, #tpu.memory_space<hbm>>
      %dma_start3A_192 = tpu.memref_squeeze %dma_start3A_191 : memref<1x80x128xi32, #tpu.memory_space<hbm>> -> memref<80x128xi32, #tpu.memory_space<hbm>>
      tpu.enqueue_dma source(%dma_start3A_192 : memref<80x128xi32, #tpu.memory_space<hbm>>) target(%arg7 : memref<80x128xi32, #tpu.memory_space<vmem>>) target_semaphore(%run_scoped3A_174 : memref<!tpu.dma_semaphore, #tpu.memory_space<semaphore_mem>>)
      %dma_wait3A_193 = arith.constant 0 : i32
      %dma_wait3A_194 = arith.constant 0 : i32
      %dma_wait3A_195 = arith.constant 0 : i32
      %dma_wait3A_196 = tpu.memref_slice %arg4[%run_scoped3A_40, %dma_wait3A_193, %dma_wait3A_194, %dma_wait3A_195] : memref<2x32x80x128xi32, #tpu.memory_space<hbm>> -> memref<1x32x80x128xi32, #tpu.memory_space<hbm>>
      %dma_wait3A_197 = tpu.memref_squeeze %dma_wait3A_196 : memref<1x32x80x128xi32, #tpu.memory_space<hbm>> -> memref<32x80x128xi32, #tpu.memory_space<hbm>>
      %dma_wait3A_198 = arith.constant 0 : i32
      %dma_wait3A_199 = arith.constant 0 : i32
      %dma_wait3A_200 = tpu.memref_slice %dma_wait3A_197[%add3A, %dma_wait3A_198, %dma_wait3A_199] : memref<32x80x128xi32, #tpu.memory_space<hbm>> -> memref<1x80x128xi32, #tpu.memory_space<hbm>>
      %dma_wait3A_201 = tpu.memref_squeeze %dma_wait3A_200 : memref<1x80x128xi32, #tpu.memory_space<hbm>> -> memref<80x128xi32, #tpu.memory_space<hbm>>
      %dma_wait3A_202 = arith.constant 0 : i32
      %dma_wait3A_203 = arith.constant 0 : i32
      %dma_wait3A_204 = arith.constant 0 : i32
      %dma_wait3A_205 = tpu.memref_slice %arg4[%run_scoped3A_40, %dma_wait3A_202, %dma_wait3A_203, %dma_wait3A_204] : memref<2x32x80x128xi32, #tpu.memory_space<hbm>> -> memref<1x32x80x128xi32, #tpu.memory_space<hbm>>
      %dma_wait3A_206 = tpu.memref_squeeze %dma_wait3A_205 : memref<1x32x80x128xi32, #tpu.memory_space<hbm>> -> memref<32x80x128xi32, #tpu.memory_space<hbm>>
      %dma_wait3A_207 = arith.constant 0 : i32
      %dma_wait3A_208 = arith.constant 0 : i32
      %dma_wait3A_209 = tpu.memref_slice %dma_wait3A_206[%add3A, %dma_wait3A_207, %dma_wait3A_208] : memref<32x80x128xi32, #tpu.memory_space<hbm>> -> memref<1x80x128xi32, #tpu.memory_space<hbm>>
      %dma_wait3A_210 = tpu.memref_squeeze %dma_wait3A_209 : memref<1x80x128xi32, #tpu.memory_space<hbm>> -> memref<80x128xi32, #tpu.memory_space<hbm>>
      tpu.wait_dma2 semaphore(%run_scoped3A_174 : memref<!tpu.dma_semaphore, #tpu.memory_space<semaphore_mem>>) src(%dma_wait3A_210 : memref<80x128xi32, #tpu.memory_space<hbm>>) dst(%arg7 : memref<80x128xi32, #tpu.memory_space<vmem>>)
      tpu.yield
    }) : () -> ()
    "tpu.region"() ({
      %run_scoped3A_174 = tpu.sem_alloc : memref<!tpu.dma_semaphore, #tpu.memory_space<semaphore_mem>>
      %dma_start3A_175 = tpu.memref_slice %arg3[%mul3A_2] : memref<10240xf32, #tpu.memory_space<hbm>> -> memref<632xf32, #tpu.memory_space<hbm>>
      %dma_start3A_176 = tpu.memref_slice %arg3[%mul3A_2] : memref<10240xf32, #tpu.memory_space<hbm>> -> memref<632xf32, #tpu.memory_space<hbm>>
      tpu.enqueue_dma source(%dma_start3A_176 : memref<632xf32, #tpu.memory_space<hbm>>) target(%arg10 : memref<632xf32, #tpu.memory_space<vmem>>) target_semaphore(%run_scoped3A_174 : memref<!tpu.dma_semaphore, #tpu.memory_space<semaphore_mem>>)
      %dma_wait3A_177 = tpu.memref_slice %arg3[%mul3A_2] : memref<10240xf32, #tpu.memory_space<hbm>> -> memref<632xf32, #tpu.memory_space<hbm>>
      %dma_wait3A_178 = tpu.memref_slice %arg3[%mul3A_2] : memref<10240xf32, #tpu.memory_space<hbm>> -> memref<632xf32, #tpu.memory_space<hbm>>
      tpu.wait_dma2 semaphore(%run_scoped3A_174 : memref<!tpu.dma_semaphore, #tpu.memory_space<semaphore_mem>>) src(%dma_wait3A_178 : memref<632xf32, #tpu.memory_space<hbm>>) dst(%arg10 : memref<632xf32, #tpu.memory_space<vmem>>)
      tpu.yield
    }) : () -> ()
    %dma_wait3A = arith.constant 0 : i32
    %dma_wait3A_41 = arith.constant 0 : i32
    %dma_wait3A_42 = arith.constant 0 : i32
    %dma_wait3A_43 = tpu.memref_slice %arg8[%dma_wait3A_41, %dma_wait3A_42] : memref<640x40xf32, #tpu.memory_space<vmem>> -> memref<632x40xf32, #tpu.memory_space<vmem>>
    %dma_wait3A_44 = arith.constant 0 : i32
    %dma_wait3A_45 = arith.constant 0 : i32
    %dma_wait3A_46 = tpu.memref_slice %arg2[%dma_wait3A, %dma_wait3A_44, %dma_wait3A_45] : memref<2x10112x40xf32, #tpu.memory_space<hbm>> -> memref<1x10112x40xf32, #tpu.memory_space<hbm>>
    %dma_wait3A_47 = tpu.memref_squeeze %dma_wait3A_46 : memref<1x10112x40xf32, #tpu.memory_space<hbm>> -> memref<10112x40xf32, #tpu.memory_space<hbm>>
    %dma_wait3A_48 = arith.constant 0 : i32
    %dma_wait3A_49 = tpu.memref_slice %dma_wait3A_47[%mul3A_2, %dma_wait3A_48] : memref<10112x40xf32, #tpu.memory_space<hbm>> -> memref<632x40xf32, #tpu.memory_space<hbm>>
    %dma_wait3A_50 = arith.constant 0 : i32
    %dma_wait3A_51 = arith.constant 0 : i32
    %dma_wait3A_52 = tpu.memref_slice %arg8[%dma_wait3A_50, %dma_wait3A_51] : memref<640x40xf32, #tpu.memory_space<vmem>> -> memref<632x40xf32, #tpu.memory_space<vmem>>
    %dma_wait3A_53 = arith.constant 0 : i32
    %dma_wait3A_54 = arith.constant 0 : i32
    %dma_wait3A_55 = tpu.memref_slice %arg2[%dma_wait3A, %dma_wait3A_53, %dma_wait3A_54] : memref<2x10112x40xf32, #tpu.memory_space<hbm>> -> memref<1x10112x40xf32, #tpu.memory_space<hbm>>
    %dma_wait3A_56 = tpu.memref_squeeze %dma_wait3A_55 : memref<1x10112x40xf32, #tpu.memory_space<hbm>> -> memref<10112x40xf32, #tpu.memory_space<hbm>>
    %dma_wait3A_57 = arith.constant 0 : i32
    %dma_wait3A_58 = tpu.memref_slice %dma_wait3A_56[%mul3A_2, %dma_wait3A_57] : memref<10112x40xf32, #tpu.memory_space<hbm>> -> memref<632x40xf32, #tpu.memory_space<hbm>>
    tpu.wait_dma2 semaphore(%arg13 : memref<!tpu.dma_semaphore, #tpu.memory_space<semaphore_mem>>) src(%dma_wait3A_58 : memref<632x40xf32, #tpu.memory_space<hbm>>) dst(%dma_wait3A_52 : memref<632x40xf32, #tpu.memory_space<vmem>>)
    %dma_wait3A_59 = arith.constant 1 : i32
    %dma_wait3A_60 = arith.constant 0 : i32
    %dma_wait3A_61 = arith.constant 0 : i32
    %dma_wait3A_62 = tpu.memref_slice %arg9[%dma_wait3A_60, %dma_wait3A_61] : memref<640x40xf32, #tpu.memory_space<vmem>> -> memref<632x40xf32, #tpu.memory_space<vmem>>
    %dma_wait3A_63 = arith.constant 0 : i32
    %dma_wait3A_64 = arith.constant 0 : i32
    %dma_wait3A_65 = tpu.memref_slice %arg2[%dma_wait3A_59, %dma_wait3A_63, %dma_wait3A_64] : memref<2x10112x40xf32, #tpu.memory_space<hbm>> -> memref<1x10112x40xf32, #tpu.memory_space<hbm>>
    %dma_wait3A_66 = tpu.memref_squeeze %dma_wait3A_65 : memref<1x10112x40xf32, #tpu.memory_space<hbm>> -> memref<10112x40xf32, #tpu.memory_space<hbm>>
    %dma_wait3A_67 = arith.constant 0 : i32
    %dma_wait3A_68 = tpu.memref_slice %dma_wait3A_66[%mul3A_2, %dma_wait3A_67] : memref<10112x40xf32, #tpu.memory_space<hbm>> -> memref<632x40xf32, #tpu.memory_space<hbm>>
    %dma_wait3A_69 = arith.constant 0 : i32
    %dma_wait3A_70 = arith.constant 0 : i32
    %dma_wait3A_71 = tpu.memref_slice %arg9[%dma_wait3A_69, %dma_wait3A_70] : memref<640x40xf32, #tpu.memory_space<vmem>> -> memref<632x40xf32, #tpu.memory_space<vmem>>
    %dma_wait3A_72 = arith.constant 0 : i32
    %dma_wait3A_73 = arith.constant 0 : i32
    %dma_wait3A_74 = tpu.memref_slice %arg2[%dma_wait3A_59, %dma_wait3A_72, %dma_wait3A_73] : memref<2x10112x40xf32, #tpu.memory_space<hbm>> -> memref<1x10112x40xf32, #tpu.memory_space<hbm>>
    %dma_wait3A_75 = tpu.memref_squeeze %dma_wait3A_74 : memref<1x10112x40xf32, #tpu.memory_space<hbm>> -> memref<10112x40xf32, #tpu.memory_space<hbm>>
    %dma_wait3A_76 = arith.constant 0 : i32
    %dma_wait3A_77 = tpu.memref_slice %dma_wait3A_75[%mul3A_2, %dma_wait3A_76] : memref<10112x40xf32, #tpu.memory_space<hbm>> -> memref<632x40xf32, #tpu.memory_space<hbm>>
    tpu.wait_dma2 semaphore(%arg14 : memref<!tpu.dma_semaphore, #tpu.memory_space<semaphore_mem>>) src(%dma_wait3A_77 : memref<632x40xf32, #tpu.memory_space<hbm>>) dst(%dma_wait3A_71 : memref<632x40xf32, #tpu.memory_space<vmem>>)
    %scan3A = arith.constant 0 : i32
    %scan3A_78 = arith.constant 316 : i32
    %scan3A_79 = arith.addi %scan3A, %scan3A_78 : i32
    %scan3A_80 = arith.constant 1 : i32
    scf.for %scan3A_174 = %scan3A to %scan3A_79 step %scan3A_80  : i32 {
      %mul3A_175 = arith.constant 2 : i32
      %mul3A_176 = arith.muli %scan3A_174, %mul3A_175 : i32
      %add3A_177 = arith.constant 0 : i32
      %add3A_178 = arith.addi %add3A_177, %mul3A_176 : i32
      %add3A_179 = arith.constant 0 : i32
      %add3A_180 = arith.addi %add3A_178, %add3A_179 : i32
      %broadcast_in_dim3A = vector.broadcast %add3A_180 : i32 to vector<16xi32>
      %gather3A = tpu.vector_load_idx %arg10[%broadcast_in_dim3A] : memref<632xf32, #tpu.memory_space<vmem>>[vector<16xi32>], vector<16xf32>,
      %add3A_181 = arith.constant 0 : i32
      %add3A_182 = arith.addi %add3A_178, %add3A_181 : i32
      %get3A = arith.index_cast %add3A_182 : i32 to index
      %get3A_183 = arith.constant 0 : index
      %get3A_184 = tpu.vector_load %arg8[%get3A, %get3A_183] {strides = array<i32>} : memref<640x40xf32, #tpu.memory_space<vmem>>, vector<16xf32>,
      %add3A_185 = arith.constant 0 : i32
      %add3A_186 = arith.addi %add3A_178, %add3A_185 : i32
      %get3A_187 = arith.index_cast %add3A_186 : i32 to index
      %get3A_188 = arith.constant 16 : index
      %get3A_189 = tpu.vector_load %arg8[%get3A_187, %get3A_188] {strides = array<i32>} : memref<640x40xf32, #tpu.memory_space<vmem>>, vector<16xf32>,
      %add3A_190 = arith.constant 0 : i32
      %add3A_191 = arith.addi %add3A_178, %add3A_190 : i32
      %get3A_192 = arith.index_cast %add3A_191 : i32 to index
      %get3A_193 = arith.constant 24 : index
      %get3A_194 = tpu.vector_load %arg8[%get3A_192, %get3A_193] {strides = array<i32>} : memref<640x40xf32, #tpu.memory_space<vmem>>, vector<16xf32>,
      %add3A_195 = arith.constant 0 : i32
      %add3A_196 = arith.addi %add3A_178, %add3A_195 : i32
      %get3A_197 = arith.index_cast %add3A_196 : i32 to index
      %get3A_198 = arith.constant 0 : index
      %get3A_199 = tpu.vector_load %arg9[%get3A_197, %get3A_198] {strides = array<i32>} : memref<640x40xf32, #tpu.memory_space<vmem>>, vector<16xf32>,
      %add3A_200 = arith.addf %get3A_184, %get3A_199 : vector<16xf32>
      %add3A_201 = arith.constant 0 : i32
      %add3A_202 = arith.addi %add3A_178, %add3A_201 : i32
      %get3A_203 = arith.index_cast %add3A_202 : i32 to index
      %get3A_204 = arith.constant 16 : index
      %get3A_205 = tpu.vector_load %arg9[%get3A_203, %get3A_204] {strides = array<i32>} : memref<640x40xf32, #tpu.memory_space<vmem>>, vector<16xf32>,
      %add3A_206 = arith.addf %get3A_189, %get3A_205 : vector<16xf32>
      %add3A_207 = arith.constant 0 : i32
      %add3A_208 = arith.addi %add3A_178, %add3A_207 : i32
      %get3A_209 = arith.index_cast %add3A_208 : i32 to index
      %get3A_210 = arith.constant 24 : index
      %get3A_211 = tpu.vector_load %arg9[%get3A_209, %get3A_210] {strides = array<i32>} : memref<640x40xf32, #tpu.memory_space<vmem>>, vector<16xf32>,
      %add3A_212 = arith.addf %get3A_194, %get3A_211 : vector<16xf32>
      %mul3A_213 = arith.mulf %add3A_200, %gather3A : vector<16xf32>
      %add3A_214 = arith.constant 0 : i32
      %add3A_215 = arith.addi %add3A_178, %add3A_214 : i32
      %swap3A = arith.index_cast %add3A_215 : i32 to index
      %swap3A_216 = arith.constant 0 : index
      %swap3A_217 = tpu.vector_load %arg8[%swap3A, %swap3A_216] {strides = array<i32>} : memref<640x40xf32, #tpu.memory_space<vmem>>, vector<16xf32>,
      tpu.vector_store %arg8[%swap3A, %swap3A_216], %mul3A_213 {strides = array<i32>} : memref<640x40xf32, #tpu.memory_space<vmem>>, vector<16xf32>,
      %mul3A_218 = arith.mulf %add3A_206, %gather3A : vector<16xf32>
      %add3A_219 = arith.constant 0 : i32
      %add3A_220 = arith.addi %add3A_178, %add3A_219 : i32
      %swap3A_221 = arith.index_cast %add3A_220 : i32 to index
      %swap3A_222 = arith.constant 16 : index
      %swap3A_223 = tpu.vector_load %arg8[%swap3A_221, %swap3A_222] {strides = array<i32>} : memref<640x40xf32, #tpu.memory_space<vmem>>, vector<16xf32>,
      tpu.vector_store %arg8[%swap3A_221, %swap3A_222], %mul3A_218 {strides = array<i32>} : memref<640x40xf32, #tpu.memory_space<vmem>>, vector<16xf32>,
      %mul3A_224 = arith.mulf %add3A_212, %gather3A : vector<16xf32>
      %add3A_225 = arith.constant 0 : i32
      %add3A_226 = arith.addi %add3A_178, %add3A_225 : i32
      %swap3A_227 = arith.index_cast %add3A_226 : i32 to index
      %swap3A_228 = arith.constant 24 : index
      %swap3A_229 = tpu.vector_load %arg8[%swap3A_227, %swap3A_228] {strides = array<i32>} : memref<640x40xf32, #tpu.memory_space<vmem>>, vector<16xf32>,
      tpu.vector_store %arg8[%swap3A_227, %swap3A_228], %mul3A_224 {strides = array<i32>} : memref<640x40xf32, #tpu.memory_space<vmem>>, vector<16xf32>,
      %add3A_230 = arith.constant 1 : i32
      %add3A_231 = arith.addi %add3A_178, %add3A_230 : i32
      %broadcast_in_dim3A_232 = vector.broadcast %add3A_231 : i32 to vector<16xi32>
      %gather3A_233 = tpu.vector_load_idx %arg10[%broadcast_in_dim3A_232] : memref<632xf32, #tpu.memory_space<vmem>>[vector<16xi32>], vector<16xf32>,
      %add3A_234 = arith.constant 1 : i32
      %add3A_235 = arith.addi %add3A_178, %add3A_234 : i32
      %get3A_236 = arith.index_cast %add3A_235 : i32 to index
      %get3A_237 = arith.constant 0 : index
      %get3A_238 = tpu.vector_load %arg8[%get3A_236, %get3A_237] {strides = array<i32>} : memref<640x40xf32, #tpu.memory_space<vmem>>, vector<16xf32>,
      %add3A_239 = arith.constant 1 : i32
      %add3A_240 = arith.addi %add3A_178, %add3A_239 : i32
      %get3A_241 = arith.index_cast %add3A_240 : i32 to index
      %get3A_242 = arith.constant 16 : index
      %get3A_243 = tpu.vector_load %arg8[%get3A_241, %get3A_242] {strides = array<i32>} : memref<640x40xf32, #tpu.memory_space<vmem>>, vector<16xf32>,
      %add3A_244 = arith.constant 1 : i32
      %add3A_245 = arith.addi %add3A_178, %add3A_244 : i32
      %get3A_246 = arith.index_cast %add3A_245 : i32 to index
      %get3A_247 = arith.constant 24 : index
      %get3A_248 = tpu.vector_load %arg8[%get3A_246, %get3A_247] {strides = array<i32>} : memref<640x40xf32, #tpu.memory_space<vmem>>, vector<16xf32>,
      %add3A_249 = arith.constant 1 : i32
      %add3A_250 = arith.addi %add3A_178, %add3A_249 : i32
      %get3A_251 = arith.index_cast %add3A_250 : i32 to index
      %get3A_252 = arith.constant 0 : index
      %get3A_253 = tpu.vector_load %arg9[%get3A_251, %get3A_252] {strides = array<i32>} : memref<640x40xf32, #tpu.memory_space<vmem>>, vector<16xf32>,
      %add3A_254 = arith.addf %get3A_238, %get3A_253 : vector<16xf32>
      %add3A_255 = arith.constant 1 : i32
      %add3A_256 = arith.addi %add3A_178, %add3A_255 : i32
      %get3A_257 = arith.index_cast %add3A_256 : i32 to index
      %get3A_258 = arith.constant 16 : index
      %get3A_259 = tpu.vector_load %arg9[%get3A_257, %get3A_258] {strides = array<i32>} : memref<640x40xf32, #tpu.memory_space<vmem>>, vector<16xf32>,
      %add3A_260 = arith.addf %get3A_243, %get3A_259 : vector<16xf32>
      %add3A_261 = arith.constant 1 : i32
      %add3A_262 = arith.addi %add3A_178, %add3A_261 : i32
      %get3A_263 = arith.index_cast %add3A_262 : i32 to index
      %get3A_264 = arith.constant 24 : index
      %get3A_265 = tpu.vector_load %arg9[%get3A_263, %get3A_264] {strides = array<i32>} : memref<640x40xf32, #tpu.memory_space<vmem>>, vector<16xf32>,
      %add3A_266 = arith.addf %get3A_248, %get3A_265 : vector<16xf32>
      %mul3A_267 = arith.mulf %add3A_254, %gather3A_233 : vector<16xf32>
      %add3A_268 = arith.constant 1 : i32
      %add3A_269 = arith.addi %add3A_178, %add3A_268 : i32
      %swap3A_270 = arith.index_cast %add3A_269 : i32 to index
      %swap3A_271 = arith.constant 0 : index
      %swap3A_272 = tpu.vector_load %arg8[%swap3A_270, %swap3A_271] {strides = array<i32>} : memref<640x40xf32, #tpu.memory_space<vmem>>, vector<16xf32>,
      tpu.vector_store %arg8[%swap3A_270, %swap3A_271], %mul3A_267 {strides = array<i32>} : memref<640x40xf32, #tpu.memory_space<vmem>>, vector<16xf32>,
      %mul3A_273 = arith.mulf %add3A_260, %gather3A_233 : vector<16xf32>
      %add3A_274 = arith.constant 1 : i32
      %add3A_275 = arith.addi %add3A_178, %add3A_274 : i32
      %swap3A_276 = arith.index_cast %add3A_275 : i32 to index
      %swap3A_277 = arith.constant 16 : index
      %swap3A_278 = tpu.vector_load %arg8[%swap3A_276, %swap3A_277] {strides = array<i32>} : memref<640x40xf32, #tpu.memory_space<vmem>>, vector<16xf32>,
      tpu.vector_store %arg8[%swap3A_276, %swap3A_277], %mul3A_273 {strides = array<i32>} : memref<640x40xf32, #tpu.memory_space<vmem>>, vector<16xf32>,
      %mul3A_279 = arith.mulf %add3A_266, %gather3A_233 : vector<16xf32>
      %add3A_280 = arith.constant 1 : i32
      %add3A_281 = arith.addi %add3A_178, %add3A_280 : i32
      %swap3A_282 = arith.index_cast %add3A_281 : i32 to index
      %swap3A_283 = arith.constant 24 : index
      %swap3A_284 = tpu.vector_load %arg8[%swap3A_282, %swap3A_283] {strides = array<i32>} : memref<640x40xf32, #tpu.memory_space<vmem>>, vector<16xf32>,
      tpu.vector_store %arg8[%swap3A_282, %swap3A_283], %mul3A_279 {strides = array<i32>} : memref<640x40xf32, #tpu.memory_space<vmem>>, vector<16xf32>,
    }
    %scan3A_81 = arith.constant 316 : i32
    %dma_start3A_82 = arith.constant 0 : i32
    %dma_start3A_83 = arith.constant 0 : i32
    %dma_start3A_84 = tpu.memref_slice %arg8[%dma_start3A_82, %dma_start3A_83] : memref<640x40xf32, #tpu.memory_space<vmem>> -> memref<632x40xf32, #tpu.memory_space<vmem>>
    %dma_start3A_85 = arith.constant 0 : i32
    %dma_start3A_86 = tpu.memref_slice %arg11[%mul3A_2, %dma_start3A_85] : memref<10112x40xf32, #tpu.memory_space<vmem_shared>> -> memref<632x40xf32, #tpu.memory_space<vmem_shared>>
    %dma_start3A_87 = arith.constant 0 : i32
    %dma_start3A_88 = tpu.memref_slice %arg11[%mul3A_2, %dma_start3A_87] : memref<10112x40xf32, #tpu.memory_space<vmem_shared>> -> memref<632x40xf32, #tpu.memory_space<vmem_shared>>
    %dma_start3A_89 = arith.constant 0 : i32
    %dma_start3A_90 = arith.constant 0 : i32
    %dma_start3A_91 = tpu.memref_slice %arg8[%dma_start3A_89, %dma_start3A_90] : memref<640x40xf32, #tpu.memory_space<vmem>> -> memref<632x40xf32, #tpu.memory_space<vmem>>
    tpu.enqueue_dma source(%dma_start3A_91 : memref<632x40xf32, #tpu.memory_space<vmem>>) target(%dma_start3A_88 : memref<632x40xf32, #tpu.memory_space<vmem_shared>>) target_semaphore(%arg13 : memref<!tpu.dma_semaphore, #tpu.memory_space<semaphore_mem>>)
    %eq3A = arith.constant 0 : i32
    %eq3A_92 = arith.cmpi eq, %arg0, %eq3A : i32
    %convert_element_type3A = arith.extui %eq3A_92 : i1 to i32
    %cond3A = arith.constant 0 : i32
    %cond3A_93 = arith.cmpi ne, %convert_element_type3A, %cond3A : i32
    scf.if %cond3A_93 {
      %dma_start3A_174 = arith.constant 0 : i32
      %dma_start3A_175 = arith.constant 0 : i32
      %dma_start3A_176 = tpu.memref_slice %arg8[%dma_start3A_174, %dma_start3A_175] : memref<640x40xf32, #tpu.memory_space<vmem>> -> memref<632x40xf32, #tpu.memory_space<vmem>>
      %dma_start3A_177 = arith.constant 0 : i32
      %dma_start3A_178 = tpu.memref_slice %arg12[%mul3A_2, %dma_start3A_177] : memref<10112x40xf32, #tpu.memory_space<vmem_shared>> -> memref<632x40xf32, #tpu.memory_space<vmem_shared>>
      %dma_start3A_179 = arith.constant 0 : i32
      %dma_start3A_180 = tpu.memref_slice %arg12[%mul3A_2, %dma_start3A_179] : memref<10112x40xf32, #tpu.memory_space<vmem_shared>> -> memref<632x40xf32, #tpu.memory_space<vmem_shared>>
      %dma_start3A_181 = arith.constant 0 : i32
      %dma_start3A_182 = arith.constant 0 : i32
      %dma_start3A_183 = tpu.memref_slice %arg8[%dma_start3A_181, %dma_start3A_182] : memref<640x40xf32, #tpu.memory_space<vmem>> -> memref<632x40xf32, #tpu.memory_space<vmem>>
      tpu.enqueue_dma source(%dma_start3A_183 : memref<632x40xf32, #tpu.memory_space<vmem>>) target(%dma_start3A_180 : memref<632x40xf32, #tpu.memory_space<vmem_shared>>) target_semaphore(%arg14 : memref<!tpu.dma_semaphore, #tpu.memory_space<semaphore_mem>>)
    } else {
    }
    %ne3A = arith.constant 0 : i32
    %ne3A_94 = arith.cmpi ne, %arg0, %ne3A : i32
    %convert_element_type3A_95 = arith.extui %ne3A_94 : i1 to i32
    %cond3A_96 = arith.constant 0 : i32
    %cond3A_97 = arith.cmpi ne, %convert_element_type3A_95, %cond3A_96 : i32
    scf.if %cond3A_97 {
      %scan3A_174 = arith.constant 0 : i32
      %scan3A_175 = arith.constant 632 : i32
      %scan3A_176 = arith.addi %scan3A_174, %scan3A_175 : i32
      %scan3A_177 = arith.constant 1 : i32
      scf.for %scan3A_189 = %scan3A_174 to %scan3A_176 step %scan3A_177  : i32 {
        %mul3A_190 = arith.constant 1 : i32
        %mul3A_191 = arith.muli %scan3A_189, %mul3A_190 : i32
        %add3A_192 = arith.constant 0 : i32
        %add3A_193 = arith.addi %add3A_192, %mul3A_191 : i32
        %broadcast_in_dim3A = arith.constant 0.000000e+00 : f32
        %broadcast_in_dim3A_194 = vector.broadcast %broadcast_in_dim3A : f32 to vector<16xf32>
        %swap3A = arith.index_cast %add3A_193 : i32 to index
        %swap3A_195 = arith.constant 0 : index
        %swap3A_196 = tpu.vector_load %arg9[%swap3A, %swap3A_195] {strides = array<i32>} : memref<640x40xf32, #tpu.memory_space<vmem>>, vector<16xf32>,
        tpu.vector_store %arg9[%swap3A, %swap3A_195], %broadcast_in_dim3A_194 {strides = array<i32>} : memref<640x40xf32, #tpu.memory_space<vmem>>, vector<16xf32>,
        %broadcast_in_dim3A_197 = arith.constant 0.000000e+00 : f32
        %broadcast_in_dim3A_198 = vector.broadcast %broadcast_in_dim3A_197 : f32 to vector<16xf32>
        %swap3A_199 = arith.index_cast %add3A_193 : i32 to index
        %swap3A_200 = arith.constant 16 : index
        %swap3A_201 = tpu.vector_load %arg9[%swap3A_199, %swap3A_200] {strides = array<i32>} : memref<640x40xf32, #tpu.memory_space<vmem>>, vector<16xf32>,
        tpu.vector_store %arg9[%swap3A_199, %swap3A_200], %broadcast_in_dim3A_198 {strides = array<i32>} : memref<640x40xf32, #tpu.memory_space<vmem>>, vector<16xf32>,
        %broadcast_in_dim3A_202 = arith.constant 0.000000e+00 : f32
        %broadcast_in_dim3A_203 = vector.broadcast %broadcast_in_dim3A_202 : f32 to vector<16xf32>
        %swap3A_204 = arith.index_cast %add3A_193 : i32 to index
        %swap3A_205 = arith.constant 24 : index
        %swap3A_206 = tpu.vector_load %arg9[%swap3A_204, %swap3A_205] {strides = array<i32>} : memref<640x40xf32, #tpu.memory_space<vmem>>, vector<16xf32>,
        tpu.vector_store %arg9[%swap3A_204, %swap3A_205], %broadcast_in_dim3A_203 {strides = array<i32>} : memref<640x40xf32, #tpu.memory_space<vmem>>, vector<16xf32>,
      }
      %scan3A_178 = arith.constant 632 : i32
      %dma_start3A_179 = arith.constant 0 : i32
      %dma_start3A_180 = arith.constant 0 : i32
      %dma_start3A_181 = tpu.memref_slice %arg9[%dma_start3A_179, %dma_start3A_180] : memref<640x40xf32, #tpu.memory_space<vmem>> -> memref<632x40xf32, #tpu.memory_space<vmem>>
      %dma_start3A_182 = arith.constant 0 : i32
      %dma_start3A_183 = tpu.memref_slice %arg12[%mul3A_2, %dma_start3A_182] : memref<10112x40xf32, #tpu.memory_space<vmem_shared>> -> memref<632x40xf32, #tpu.memory_space<vmem_shared>>
      %dma_start3A_184 = arith.constant 0 : i32
      %dma_start3A_185 = tpu.memref_slice %arg12[%mul3A_2, %dma_start3A_184] : memref<10112x40xf32, #tpu.memory_space<vmem_shared>> -> memref<632x40xf32, #tpu.memory_space<vmem_shared>>
      %dma_start3A_186 = arith.constant 0 : i32
      %dma_start3A_187 = arith.constant 0 : i32
      %dma_start3A_188 = tpu.memref_slice %arg9[%dma_start3A_186, %dma_start3A_187] : memref<640x40xf32, #tpu.memory_space<vmem>> -> memref<632x40xf32, #tpu.memory_space<vmem>>
      tpu.enqueue_dma source(%dma_start3A_188 : memref<632x40xf32, #tpu.memory_space<vmem>>) target(%dma_start3A_185 : memref<632x40xf32, #tpu.memory_space<vmem_shared>>) target_semaphore(%arg14 : memref<!tpu.dma_semaphore, #tpu.memory_space<semaphore_mem>>)
    } else {
    }
    %dma_wait3A_98 = arith.constant 0 : i32
    %dma_wait3A_99 = arith.constant 0 : i32
    %dma_wait3A_100 = tpu.memref_slice %arg8[%dma_wait3A_98, %dma_wait3A_99] : memref<640x40xf32, #tpu.memory_space<vmem>> -> memref<632x40xf32, #tpu.memory_space<vmem>>
    %dma_wait3A_101 = arith.constant 0 : i32
    %dma_wait3A_102 = tpu.memref_slice %arg11[%mul3A_2, %dma_wait3A_101] : memref<10112x40xf32, #tpu.memory_space<vmem_shared>> -> memref<632x40xf32, #tpu.memory_space<vmem_shared>>
    %dma_wait3A_103 = arith.constant 0 : i32
    %dma_wait3A_104 = tpu.memref_slice %arg11[%mul3A_2, %dma_wait3A_103] : memref<10112x40xf32, #tpu.memory_space<vmem_shared>> -> memref<632x40xf32, #tpu.memory_space<vmem_shared>>
    %dma_wait3A_105 = arith.constant 0 : i32
    %dma_wait3A_106 = arith.constant 0 : i32
    %dma_wait3A_107 = tpu.memref_slice %arg8[%dma_wait3A_105, %dma_wait3A_106] : memref<640x40xf32, #tpu.memory_space<vmem>> -> memref<632x40xf32, #tpu.memory_space<vmem>>
    tpu.wait_dma2 semaphore(%arg13 : memref<!tpu.dma_semaphore, #tpu.memory_space<semaphore_mem>>) src(%dma_wait3A_107 : memref<632x40xf32, #tpu.memory_space<vmem>>) dst(%dma_wait3A_104 : memref<632x40xf32, #tpu.memory_space<vmem_shared>>)
    %dma_wait3A_108 = arith.constant 0 : i32
    %dma_wait3A_109 = arith.constant 0 : i32
    %dma_wait3A_110 = tpu.memref_slice %arg8[%dma_wait3A_108, %dma_wait3A_109] : memref<640x40xf32, #tpu.memory_space<vmem>> -> memref<632x40xf32, #tpu.memory_space<vmem>>
    %dma_wait3A_111 = arith.constant 0 : i32
    %dma_wait3A_112 = tpu.memref_slice %arg12[%mul3A_2, %dma_wait3A_111] : memref<10112x40xf32, #tpu.memory_space<vmem_shared>> -> memref<632x40xf32, #tpu.memory_space<vmem_shared>>
    %dma_wait3A_113 = arith.constant 0 : i32
    %dma_wait3A_114 = tpu.memref_slice %arg12[%mul3A_2, %dma_wait3A_113] : memref<10112x40xf32, #tpu.memory_space<vmem_shared>> -> memref<632x40xf32, #tpu.memory_space<vmem_shared>>
    %dma_wait3A_115 = arith.constant 0 : i32
    %dma_wait3A_116 = arith.constant 0 : i32
    %dma_wait3A_117 = tpu.memref_slice %arg8[%dma_wait3A_115, %dma_wait3A_116] : memref<640x40xf32, #tpu.memory_space<vmem>> -> memref<632x40xf32, #tpu.memory_space<vmem>>
    tpu.wait_dma2 semaphore(%arg14 : memref<!tpu.dma_semaphore, #tpu.memory_space<semaphore_mem>>) src(%dma_wait3A_117 : memref<632x40xf32, #tpu.memory_space<vmem>>) dst(%dma_wait3A_114 : memref<632x40xf32, #tpu.memory_space<vmem_shared>>)
    %barrier3A = arith.constant 0 : index
    tpu.barrier barrier_id(%barrier3A)
    %dma_start3A_118 = arith.constant 0 : i32
    %dma_start3A_119 = arith.constant 0 : i32
    %dma_start3A_120 = arith.constant 0 : i32
    %dma_start3A_121 = tpu.memref_slice %arg8[%dma_start3A_119, %dma_start3A_120] : memref<640x40xf32, #tpu.memory_space<vmem>> -> memref<128x40xf32, #tpu.memory_space<vmem>>
    %dma_start3A_122 = arith.constant 0 : i32
    %dma_start3A_123 = tpu.memref_slice %arg6[%dma_start3A_118, %dma_start3A_122] : memref<80x128xi32, #tpu.memory_space<vmem>> -> memref<1x128xi32, #tpu.memory_space<vmem>>
    %dma_start3A_124 = tpu.memref_squeeze %dma_start3A_123 : memref<1x128xi32, #tpu.memory_space<vmem>> -> memref<128xi32, #tpu.memory_space<vmem>>
    %dma_start3A_125 = arith.constant 0 : i32
    %dma_start3A_126 = arith.constant 0 : i32
    %dma_start3A_127 = tpu.memref_slice %arg11[%dma_start3A_125, %dma_start3A_126] : memref<10112x40xf32, #tpu.memory_space<vmem_shared>> -> memref<10112x40xf32, #tpu.memory_space<vmem_shared>>
    tpu.enqueue_indirect_dma source(%dma_start3A_127 : memref<10112x40xf32, #tpu.memory_space<vmem_shared>>) target(%dma_start3A_121 : memref<128x40xf32, #tpu.memory_space<vmem>>) offsets(%dma_start3A_124 : memref<128xi32, #tpu.memory_space<vmem>>) semaphore(%arg13 : memref<!tpu.dma_semaphore, #tpu.memory_space<semaphore_mem>>)
    %dma_start3A_128 = arith.constant 1 : i32
    %dma_start3A_129 = arith.constant 128 : i32
    %dma_start3A_130 = arith.constant 0 : i32
    %dma_start3A_131 = tpu.memref_slice %arg8[%dma_start3A_129, %dma_start3A_130] : memref<640x40xf32, #tpu.memory_space<vmem>> -> memref<128x40xf32, #tpu.memory_space<vmem>>
    %dma_start3A_132 = arith.constant 0 : i32
    %dma_start3A_133 = tpu.memref_slice %arg6[%dma_start3A_128, %dma_start3A_132] : memref<80x128xi32, #tpu.memory_space<vmem>> -> memref<1x128xi32, #tpu.memory_space<vmem>>
    %dma_start3A_134 = tpu.memref_squeeze %dma_start3A_133 : memref<1x128xi32, #tpu.memory_space<vmem>> -> memref<128xi32, #tpu.memory_space<vmem>>
    %dma_start3A_135 = arith.constant 0 : i32
    %dma_start3A_136 = arith.constant 0 : i32
    %dma_start3A_137 = tpu.memref_slice %arg11[%dma_start3A_135, %dma_start3A_136] : memref<10112x40xf32, #tpu.memory_space<vmem_shared>> -> memref<10112x40xf32, #tpu.memory_space<vmem_shared>>
    tpu.enqueue_indirect_dma source(%dma_start3A_137 : memref<10112x40xf32, #tpu.memory_space<vmem_shared>>) target(%dma_start3A_131 : memref<128x40xf32, #tpu.memory_space<vmem>>) offsets(%dma_start3A_134 : memref<128xi32, #tpu.memory_space<vmem>>) semaphore(%arg13 : memref<!tpu.dma_semaphore, #tpu.memory_space<semaphore_mem>>)
    %dma_start3A_138 = arith.constant 2 : i32
    %dma_start3A_139 = arith.constant 256 : i32
    %dma_start3A_140 = arith.constant 0 : i32
    %dma_start3A_141 = tpu.memref_slice %arg8[%dma_start3A_139, %dma_start3A_140] : memref<640x40xf32, #tpu.memory_space<vmem>> -> memref<128x40xf32, #tpu.memory_space<vmem>>
    %dma_start3A_142 = arith.constant 0 : i32
    %dma_start3A_143 = tpu.memref_slice %arg6[%dma_start3A_138, %dma_start3A_142] : memref<80x128xi32, #tpu.memory_space<vmem>> -> memref<1x128xi32, #tpu.memory_space<vmem>>
    %dma_start3A_144 = tpu.memref_squeeze %dma_start3A_143 : memref<1x128xi32, #tpu.memory_space<vmem>> -> memref<128xi32, #tpu.memory_space<vmem>>
    %dma_start3A_145 = arith.constant 0 : i32
    %dma_start3A_146 = arith.constant 0 : i32
    %dma_start3A_147 = tpu.memref_slice %arg11[%dma_start3A_145, %dma_start3A_146] : memref<10112x40xf32, #tpu.memory_space<vmem_shared>> -> memref<10112x40xf32, #tpu.memory_space<vmem_shared>>
    tpu.enqueue_indirect_dma source(%dma_start3A_147 : memref<10112x40xf32, #tpu.memory_space<vmem_shared>>) target(%dma_start3A_141 : memref<128x40xf32, #tpu.memory_space<vmem>>) offsets(%dma_start3A_144 : memref<128xi32, #tpu.memory_space<vmem>>) semaphore(%arg13 : memref<!tpu.dma_semaphore, #tpu.memory_space<semaphore_mem>>)
    %dma_start3A_148 = arith.constant 3 : i32
    %dma_start3A_149 = arith.constant 384 : i32
    %dma_start3A_150 = arith.constant 0 : i32
    %dma_start3A_151 = tpu.memref_slice %arg8[%dma_start3A_149, %dma_start3A_150] : memref<640x40xf32, #tpu.memory_space<vmem>> -> memref<128x40xf32, #tpu.memory_space<vmem>>
    %dma_start3A_152 = arith.constant 0 : i32
    %dma_start3A_153 = tpu.memref_slice %arg6[%dma_start3A_148, %dma_start3A_152] : memref<80x128xi32, #tpu.memory_space<vmem>> -> memref<1x128xi32, #tpu.memory_space<vmem>>
    %dma_start3A_154 = tpu.memref_squeeze %dma_start3A_153 : memref<1x128xi32, #tpu.memory_space<vmem>> -> memref<128xi32, #tpu.memory_space<vmem>>
    %dma_start3A_155 = arith.constant 0 : i32
    %dma_start3A_156 = arith.constant 0 : i32
    %dma_start3A_157 = tpu.memref_slice %arg11[%dma_start3A_155, %dma_start3A_156] : memref<10112x40xf32, #tpu.memory_space<vmem_shared>> -> memref<10112x40xf32, #tpu.memory_space<vmem_shared>>
    tpu.enqueue_indirect_dma source(%dma_start3A_157 : memref<10112x40xf32, #tpu.memory_space<vmem_shared>>) target(%dma_start3A_151 : memref<128x40xf32, #tpu.memory_space<vmem>>) offsets(%dma_start3A_154 : memref<128xi32, #tpu.memory_space<vmem>>) semaphore(%arg13 : memref<!tpu.dma_semaphore, #tpu.memory_space<semaphore_mem>>)
    %dma_start3A_158 = arith.constant 4 : i32
    %dma_start3A_159 = arith.constant 512 : i32
    %dma_start3A_160 = arith.constant 0 : i32
    %dma_start3A_161 = tpu.memref_slice %arg8[%dma_start3A_159, %dma_start3A_160] : memref<640x40xf32, #tpu.memory_space<vmem>> -> memref<128x40xf32, #tpu.memory_space<vmem>>
    %dma_start3A_162 = arith.constant 0 : i32
    %dma_start3A_163 = tpu.memref_slice %arg6[%dma_start3A_158, %dma_start3A_162] : memref<80x128xi32, #tpu.memory_space<vmem>> -> memref<1x128xi32, #tpu.memory_space<vmem>>
    %dma_start3A_164 = tpu.memref_squeeze %dma_start3A_163 : memref<1x128xi32, #tpu.memory_space<vmem>> -> memref<128xi32, #tpu.memory_space<vmem>>
    %dma_start3A_165 = arith.constant 0 : i32
    %dma_start3A_166 = arith.constant 0 : i32
    %dma_start3A_167 = tpu.memref_slice %arg11[%dma_start3A_165, %dma_start3A_166] : memref<10112x40xf32, #tpu.memory_space<vmem_shared>> -> memref<10112x40xf32, #tpu.memory_space<vmem_shared>>
    tpu.enqueue_indirect_dma source(%dma_start3A_167 : memref<10112x40xf32, #tpu.memory_space<vmem_shared>>) target(%dma_start3A_161 : memref<128x40xf32, #tpu.memory_space<vmem>>) offsets(%dma_start3A_164 : memref<128xi32, #tpu.memory_space<vmem>>) semaphore(%arg13 : memref<!tpu.dma_semaphore, #tpu.memory_space<semaphore_mem>>)
    %scan3A_168 = arith.constant 0 : i32
    %scan3A_169 = arith.constant 8 : i32
    %scan3A_170 = arith.addi %scan3A_168, %scan3A_169 : i32
    %scan3A_171 = arith.constant 1 : i32
    scf.for %scan3A_174 = %scan3A_168 to %scan3A_170 step %scan3A_171  : i32 {
      %mul3A_175 = arith.constant 1 : i32
      %mul3A_176 = arith.muli %scan3A_174, %mul3A_175 : i32
      %add3A_177 = arith.constant 0 : i32
      %add3A_178 = arith.addi %add3A_177, %mul3A_176 : i32
      %mul3A_179 = arith.constant 2 : i32
      %mul3A_180 = arith.muli %add3A_178, %mul3A_179 : i32
      %add3A_181 = arith.constant 1 : i32
      %add3A_182 = arith.addi %mul3A_180, %add3A_181 : i32
      %mul3A_183 = arith.constant 5 : i32
      %mul3A_184 = arith.muli %add3A_182, %mul3A_183 : i32
      %add3A_185 = arith.constant 0 : i32
      %add3A_186 = arith.addi %mul3A_184, %add3A_185 : i32
      %dma_start3A_187 = arith.constant 0 : i32
      %dma_start3A_188 = arith.constant 0 : i32
      %dma_start3A_189 = tpu.memref_slice %arg9[%dma_start3A_187, %dma_start3A_188] : memref<640x40xf32, #tpu.memory_space<vmem>> -> memref<128x40xf32, #tpu.memory_space<vmem>>
      %dma_start3A_190 = arith.constant 0 : i32
      %dma_start3A_191 = tpu.memref_slice %arg6[%add3A_186, %dma_start3A_190] : memref<80x128xi32, #tpu.memory_space<vmem>> -> memref<1x128xi32, #tpu.memory_space<vmem>>
      %dma_start3A_192 = tpu.memref_squeeze %dma_start3A_191 : memref<1x128xi32, #tpu.memory_space<vmem>> -> memref<128xi32, #tpu.memory_space<vmem>>
      %dma_start3A_193 = arith.constant 0 : i32
      %dma_start3A_194 = arith.constant 0 : i32
      %dma_start3A_195 = tpu.memref_slice %arg11[%dma_start3A_193, %dma_start3A_194] : memref<10112x40xf32, #tpu.memory_space<vmem_shared>> -> memref<10112x40xf32, #tpu.memory_space<vmem_shared>>
      tpu.enqueue_indirect_dma source(%dma_start3A_195 : memref<10112x40xf32, #tpu.memory_space<vmem_shared>>) target(%dma_start3A_189 : memref<128x40xf32, #tpu.memory_space<vmem>>) offsets(%dma_start3A_192 : memref<128xi32, #tpu.memory_space<vmem>>) semaphore(%arg14 : memref<!tpu.dma_semaphore, #tpu.memory_space<semaphore_mem>>)
      %mul3A_196 = arith.constant 5 : i32
      %mul3A_197 = arith.muli %add3A_182, %mul3A_196 : i32
      %add3A_198 = arith.constant 1 : i32
      %add3A_199 = arith.addi %mul3A_197, %add3A_198 : i32
      %dma_start3A_200 = arith.constant 128 : i32
      %dma_start3A_201 = arith.constant 0 : i32
      %dma_start3A_202 = tpu.memref_slice %arg9[%dma_start3A_200, %dma_start3A_201] : memref<640x40xf32, #tpu.memory_space<vmem>> -> memref<128x40xf32, #tpu.memory_space<vmem>>
      %dma_start3A_203 = arith.constant 0 : i32
      %dma_start3A_204 = tpu.memref_slice %arg6[%add3A_199, %dma_start3A_203] : memref<80x128xi32, #tpu.memory_space<vmem>> -> memref<1x128xi32, #tpu.memory_space<vmem>>
      %dma_start3A_205 = tpu.memref_squeeze %dma_start3A_204 : memref<1x128xi32, #tpu.memory_space<vmem>> -> memref<128xi32, #tpu.memory_space<vmem>>
      %dma_start3A_206 = arith.constant 0 : i32
      %dma_start3A_207 = arith.constant 0 : i32
      %dma_start3A_208 = tpu.memref_slice %arg11[%dma_start3A_206, %dma_start3A_207] : memref<10112x40xf32, #tpu.memory_space<vmem_shared>> -> memref<10112x40xf32, #tpu.memory_space<vmem_shared>>
      tpu.enqueue_indirect_dma source(%dma_start3A_208 : memref<10112x40xf32, #tpu.memory_space<vmem_shared>>) target(%dma_start3A_202 : memref<128x40xf32, #tpu.memory_space<vmem>>) offsets(%dma_start3A_205 : memref<128xi32, #tpu.memory_space<vmem>>) semaphore(%arg14 : memref<!tpu.dma_semaphore, #tpu.memory_space<semaphore_mem>>)
      %mul3A_209 = arith.constant 5 : i32
      %mul3A_210 = arith.muli %add3A_182, %mul3A_209 : i32
      %add3A_211 = arith.constant 2 : i32
      %add3A_212 = arith.addi %mul3A_210, %add3A_211 : i32
      %dma_start3A_213 = arith.constant 256 : i32
      %dma_start3A_214 = arith.constant 0 : i32
      %dma_start3A_215 = tpu.memref_slice %arg9[%dma_start3A_213, %dma_start3A_214] : memref<640x40xf32, #tpu.memory_space<vmem>> -> memref<128x40xf32, #tpu.memory_space<vmem>>
      %dma_start3A_216 = arith.constant 0 : i32
      %dma_start3A_217 = tpu.memref_slice %arg6[%add3A_212, %dma_start3A_216] : memref<80x128xi32, #tpu.memory_space<vmem>> -> memref<1x128xi32, #tpu.memory_space<vmem>>
      %dma_start3A_218 = tpu.memref_squeeze %dma_start3A_217 : memref<1x128xi32, #tpu.memory_space<vmem>> -> memref<128xi32, #tpu.memory_space<vmem>>
      %dma_start3A_219 = arith.constant 0 : i32
      %dma_start3A_220 = arith.constant 0 : i32
      %dma_start3A_221 = tpu.memref_slice %arg11[%dma_start3A_219, %dma_start3A_220] : memref<10112x40xf32, #tpu.memory_space<vmem_shared>> -> memref<10112x40xf32, #tpu.memory_space<vmem_shared>>
      tpu.enqueue_indirect_dma source(%dma_start3A_221 : memref<10112x40xf32, #tpu.memory_space<vmem_shared>>) target(%dma_start3A_215 : memref<128x40xf32, #tpu.memory_space<vmem>>) offsets(%dma_start3A_218 : memref<128xi32, #tpu.memory_space<vmem>>) semaphore(%arg14 : memref<!tpu.dma_semaphore, #tpu.memory_space<semaphore_mem>>)
      %mul3A_222 = arith.constant 5 : i32
      %mul3A_223 = arith.muli %add3A_182, %mul3A_222 : i32
      %add3A_224 = arith.constant 3 : i32
      %add3A_225 = arith.addi %mul3A_223, %add3A_224 : i32
      %dma_start3A_226 = arith.constant 384 : i32
      %dma_start3A_227 = arith.constant 0 : i32
      %dma_start3A_228 = tpu.memref_slice %arg9[%dma_start3A_226, %dma_start3A_227] : memref<640x40xf32, #tpu.memory_space<vmem>> -> memref<128x40xf32, #tpu.memory_space<vmem>>
      %dma_start3A_229 = arith.constant 0 : i32
      %dma_start3A_230 = tpu.memref_slice %arg6[%add3A_225, %dma_start3A_229] : memref<80x128xi32, #tpu.memory_space<vmem>> -> memref<1x128xi32, #tpu.memory_space<vmem>>
      %dma_start3A_231 = tpu.memref_squeeze %dma_start3A_230 : memref<1x128xi32, #tpu.memory_space<vmem>> -> memref<128xi32, #tpu.memory_space<vmem>>
      %dma_start3A_232 = arith.constant 0 : i32
      %dma_start3A_233 = arith.constant 0 : i32
      %dma_start3A_234 = tpu.memref_slice %arg11[%dma_start3A_232, %dma_start3A_233] : memref<10112x40xf32, #tpu.memory_space<vmem_shared>> -> memref<10112x40xf32, #tpu.memory_space<vmem_shared>>
      tpu.enqueue_indirect_dma source(%dma_start3A_234 : memref<10112x40xf32, #tpu.memory_space<vmem_shared>>) target(%dma_start3A_228 : memref<128x40xf32, #tpu.memory_space<vmem>>) offsets(%dma_start3A_231 : memref<128xi32, #tpu.memory_space<vmem>>) semaphore(%arg14 : memref<!tpu.dma_semaphore, #tpu.memory_space<semaphore_mem>>)
      %mul3A_235 = arith.constant 5 : i32
      %mul3A_236 = arith.muli %add3A_182, %mul3A_235 : i32
      %add3A_237 = arith.constant 4 : i32
      %add3A_238 = arith.addi %mul3A_236, %add3A_237 : i32
      %dma_start3A_239 = arith.constant 512 : i32
      %dma_start3A_240 = arith.constant 0 : i32
      %dma_start3A_241 = tpu.memref_slice %arg9[%dma_start3A_239, %dma_start3A_240] : memref<640x40xf32, #tpu.memory_space<vmem>> -> memref<128x40xf32, #tpu.memory_space<vmem>>
      %dma_start3A_242 = arith.constant 0 : i32
      %dma_start3A_243 = tpu.memref_slice %arg6[%add3A_238, %dma_start3A_242] : memref<80x128xi32, #tpu.memory_space<vmem>> -> memref<1x128xi32, #tpu.memory_space<vmem>>
      %dma_start3A_244 = tpu.memref_squeeze %dma_start3A_243 : memref<1x128xi32, #tpu.memory_space<vmem>> -> memref<128xi32, #tpu.memory_space<vmem>>
      %dma_start3A_245 = arith.constant 0 : i32
      %dma_start3A_246 = arith.constant 0 : i32
      %dma_start3A_247 = tpu.memref_slice %arg11[%dma_start3A_245, %dma_start3A_246] : memref<10112x40xf32, #tpu.memory_space<vmem_shared>> -> memref<10112x40xf32, #tpu.memory_space<vmem_shared>>
      tpu.enqueue_indirect_dma source(%dma_start3A_247 : memref<10112x40xf32, #tpu.memory_space<vmem_shared>>) target(%dma_start3A_241 : memref<128x40xf32, #tpu.memory_space<vmem>>) offsets(%dma_start3A_244 : memref<128xi32, #tpu.memory_space<vmem>>) semaphore(%arg14 : memref<!tpu.dma_semaphore, #tpu.memory_space<semaphore_mem>>)
      %mul3A_248 = arith.constant 5 : i32
      %mul3A_249 = arith.muli %mul3A_180, %mul3A_248 : i32
      %add3A_250 = arith.constant 0 : i32
      %add3A_251 = arith.addi %mul3A_249, %add3A_250 : i32
      %dma_wait3A_252 = arith.constant 0 : i32
      %dma_wait3A_253 = arith.constant 0 : i32
      %dma_wait3A_254 = tpu.memref_slice %arg8[%dma_wait3A_252, %dma_wait3A_253] : memref<640x40xf32, #tpu.memory_space<vmem>> -> memref<128x40xf32, #tpu.memory_space<vmem>>
      %dma_wait3A_255 = arith.constant 0 : i32
      %dma_wait3A_256 = tpu.memref_slice %arg6[%add3A_251, %dma_wait3A_255] : memref<80x128xi32, #tpu.memory_space<vmem>> -> memref<1x128xi32, #tpu.memory_space<vmem>>
      %dma_wait3A_257 = tpu.memref_squeeze %dma_wait3A_256 : memref<1x128xi32, #tpu.memory_space<vmem>> -> memref<128xi32, #tpu.memory_space<vmem>>
      %dma_wait3A_258 = arith.constant 0 : i32
      %dma_wait3A_259 = arith.constant 0 : i32
      %dma_wait3A_260 = tpu.memref_slice %arg11[%dma_wait3A_258, %dma_wait3A_259] : memref<10112x40xf32, #tpu.memory_space<vmem_shared>> -> memref<10112x40xf32, #tpu.memory_space<vmem_shared>>
      tpu.wait_indirect_dma semaphore(%arg13 : memref<!tpu.dma_semaphore, #tpu.memory_space<semaphore_mem>>) src(%dma_wait3A_260 : memref<10112x40xf32, #tpu.memory_space<vmem_shared>>) dst(%dma_wait3A_254 : memref<128x40xf32, #tpu.memory_space<vmem>>)
      %mul3A_261 = arith.constant 5 : i32
      %mul3A_262 = arith.muli %mul3A_180, %mul3A_261 : i32
      %add3A_263 = arith.constant 1 : i32
      %add3A_264 = arith.addi %mul3A_262, %add3A_263 : i32
      %dma_wait3A_265 = arith.constant 128 : i32
      %dma_wait3A_266 = arith.constant 0 : i32
      %dma_wait3A_267 = tpu.memref_slice %arg8[%dma_wait3A_265, %dma_wait3A_266] : memref<640x40xf32, #tpu.memory_space<vmem>> -> memref<128x40xf32, #tpu.memory_space<vmem>>
      %dma_wait3A_268 = arith.constant 0 : i32
      %dma_wait3A_269 = tpu.memref_slice %arg6[%add3A_264, %dma_wait3A_268] : memref<80x128xi32, #tpu.memory_space<vmem>> -> memref<1x128xi32, #tpu.memory_space<vmem>>
      %dma_wait3A_270 = tpu.memref_squeeze %dma_wait3A_269 : memref<1x128xi32, #tpu.memory_space<vmem>> -> memref<128xi32, #tpu.memory_space<vmem>>
      %dma_wait3A_271 = arith.constant 0 : i32
      %dma_wait3A_272 = arith.constant 0 : i32
      %dma_wait3A_273 = tpu.memref_slice %arg11[%dma_wait3A_271, %dma_wait3A_272] : memref<10112x40xf32, #tpu.memory_space<vmem_shared>> -> memref<10112x40xf32, #tpu.memory_space<vmem_shared>>
      tpu.wait_indirect_dma semaphore(%arg13 : memref<!tpu.dma_semaphore, #tpu.memory_space<semaphore_mem>>) src(%dma_wait3A_273 : memref<10112x40xf32, #tpu.memory_space<vmem_shared>>) dst(%dma_wait3A_267 : memref<128x40xf32, #tpu.memory_space<vmem>>)
      %mul3A_274 = arith.constant 5 : i32
      %mul3A_275 = arith.muli %mul3A_180, %mul3A_274 : i32
      %add3A_276 = arith.constant 2 : i32
      %add3A_277 = arith.addi %mul3A_275, %add3A_276 : i32
      %dma_wait3A_278 = arith.constant 256 : i32
      %dma_wait3A_279 = arith.constant 0 : i32
      %dma_wait3A_280 = tpu.memref_slice %arg8[%dma_wait3A_278, %dma_wait3A_279] : memref<640x40xf32, #tpu.memory_space<vmem>> -> memref<128x40xf32, #tpu.memory_space<vmem>>
      %dma_wait3A_281 = arith.constant 0 : i32
      %dma_wait3A_282 = tpu.memref_slice %arg6[%add3A_277, %dma_wait3A_281] : memref<80x128xi32, #tpu.memory_space<vmem>> -> memref<1x128xi32, #tpu.memory_space<vmem>>
      %dma_wait3A_283 = tpu.memref_squeeze %dma_wait3A_282 : memref<1x128xi32, #tpu.memory_space<vmem>> -> memref<128xi32, #tpu.memory_space<vmem>>
      %dma_wait3A_284 = arith.constant 0 : i32
      %dma_wait3A_285 = arith.constant 0 : i32
      %dma_wait3A_286 = tpu.memref_slice %arg11[%dma_wait3A_284, %dma_wait3A_285] : memref<10112x40xf32, #tpu.memory_space<vmem_shared>> -> memref<10112x40xf32, #tpu.memory_space<vmem_shared>>
      tpu.wait_indirect_dma semaphore(%arg13 : memref<!tpu.dma_semaphore, #tpu.memory_space<semaphore_mem>>) src(%dma_wait3A_286 : memref<10112x40xf32, #tpu.memory_space<vmem_shared>>) dst(%dma_wait3A_280 : memref<128x40xf32, #tpu.memory_space<vmem>>)
      %mul3A_287 = arith.constant 5 : i32
      %mul3A_288 = arith.muli %mul3A_180, %mul3A_287 : i32
      %add3A_289 = arith.constant 3 : i32
      %add3A_290 = arith.addi %mul3A_288, %add3A_289 : i32
      %dma_wait3A_291 = arith.constant 384 : i32
      %dma_wait3A_292 = arith.constant 0 : i32
      %dma_wait3A_293 = tpu.memref_slice %arg8[%dma_wait3A_291, %dma_wait3A_292] : memref<640x40xf32, #tpu.memory_space<vmem>> -> memref<128x40xf32, #tpu.memory_space<vmem>>
      %dma_wait3A_294 = arith.constant 0 : i32
      %dma_wait3A_295 = tpu.memref_slice %arg6[%add3A_290, %dma_wait3A_294] : memref<80x128xi32, #tpu.memory_space<vmem>> -> memref<1x128xi32, #tpu.memory_space<vmem>>
      %dma_wait3A_296 = tpu.memref_squeeze %dma_wait3A_295 : memref<1x128xi32, #tpu.memory_space<vmem>> -> memref<128xi32, #tpu.memory_space<vmem>>
      %dma_wait3A_297 = arith.constant 0 : i32
      %dma_wait3A_298 = arith.constant 0 : i32
      %dma_wait3A_299 = tpu.memref_slice %arg11[%dma_wait3A_297, %dma_wait3A_298] : memref<10112x40xf32, #tpu.memory_space<vmem_shared>> -> memref<10112x40xf32, #tpu.memory_space<vmem_shared>>
      tpu.wait_indirect_dma semaphore(%arg13 : memref<!tpu.dma_semaphore, #tpu.memory_space<semaphore_mem>>) src(%dma_wait3A_299 : memref<10112x40xf32, #tpu.memory_space<vmem_shared>>) dst(%dma_wait3A_293 : memref<128x40xf32, #tpu.memory_space<vmem>>)
      %mul3A_300 = arith.constant 5 : i32
      %mul3A_301 = arith.muli %mul3A_180, %mul3A_300 : i32
      %add3A_302 = arith.constant 4 : i32
      %add3A_303 = arith.addi %mul3A_301, %add3A_302 : i32
      %dma_wait3A_304 = arith.constant 512 : i32
      %dma_wait3A_305 = arith.constant 0 : i32
      %dma_wait3A_306 = tpu.memref_slice %arg8[%dma_wait3A_304, %dma_wait3A_305] : memref<640x40xf32, #tpu.memory_space<vmem>> -> memref<128x40xf32, #tpu.memory_space<vmem>>
      %dma_wait3A_307 = arith.constant 0 : i32
      %dma_wait3A_308 = tpu.memref_slice %arg6[%add3A_303, %dma_wait3A_307] : memref<80x128xi32, #tpu.memory_space<vmem>> -> memref<1x128xi32, #tpu.memory_space<vmem>>
      %dma_wait3A_309 = tpu.memref_squeeze %dma_wait3A_308 : memref<1x128xi32, #tpu.memory_space<vmem>> -> memref<128xi32, #tpu.memory_space<vmem>>
      %dma_wait3A_310 = arith.constant 0 : i32
      %dma_wait3A_311 = arith.constant 0 : i32
      %dma_wait3A_312 = tpu.memref_slice %arg11[%dma_wait3A_310, %dma_wait3A_311] : memref<10112x40xf32, #tpu.memory_space<vmem_shared>> -> memref<10112x40xf32, #tpu.memory_space<vmem_shared>>
      tpu.wait_indirect_dma semaphore(%arg13 : memref<!tpu.dma_semaphore, #tpu.memory_space<semaphore_mem>>) src(%dma_wait3A_312 : memref<10112x40xf32, #tpu.memory_space<vmem_shared>>) dst(%dma_wait3A_306 : memref<128x40xf32, #tpu.memory_space<vmem>>)
      %mul3A_313 = arith.constant 5 : i32
      %mul3A_314 = arith.muli %mul3A_180, %mul3A_313 : i32
      %add3A_315 = arith.constant 0 : i32
      %add3A_316 = arith.addi %mul3A_314, %add3A_315 : i32
      %dma_start3A_317 = arith.constant 0 : i32
      %dma_start3A_318 = arith.constant 0 : i32
      %dma_start3A_319 = tpu.memref_slice %arg8[%dma_start3A_317, %dma_start3A_318] : memref<640x40xf32, #tpu.memory_space<vmem>> -> memref<128x40xf32, #tpu.memory_space<vmem>>
      %dma_start3A_320 = arith.constant 0 : i32
      %dma_start3A_321 = tpu.memref_slice %arg7[%add3A_316, %dma_start3A_320] : memref<80x128xi32, #tpu.memory_space<vmem>> -> memref<1x128xi32, #tpu.memory_space<vmem>>
      %dma_start3A_322 = tpu.memref_squeeze %dma_start3A_321 : memref<1x128xi32, #tpu.memory_space<vmem>> -> memref<128xi32, #tpu.memory_space<vmem>>
      %dma_start3A_323 = arith.constant 0 : i32
      %dma_start3A_324 = arith.constant 0 : i32
      %dma_start3A_325 = tpu.memref_slice %arg12[%dma_start3A_323, %dma_start3A_324] : memref<10112x40xf32, #tpu.memory_space<vmem_shared>> -> memref<10112x40xf32, #tpu.memory_space<vmem_shared>>
      tpu.enqueue_indirect_dma source(%dma_start3A_319 : memref<128x40xf32, #tpu.memory_space<vmem>>) target(%dma_start3A_325 : memref<10112x40xf32, #tpu.memory_space<vmem_shared>>) offsets(%dma_start3A_322 : memref<128xi32, #tpu.memory_space<vmem>>) semaphore(%arg15 : memref<!tpu.dma_semaphore, #tpu.memory_space<semaphore_mem>>) {add = true}
      %mul3A_326 = arith.constant 5 : i32
      %mul3A_327 = arith.muli %mul3A_180, %mul3A_326 : i32
      %add3A_328 = arith.constant 1 : i32
      %add3A_329 = arith.addi %mul3A_327, %add3A_328 : i32
      %dma_start3A_330 = arith.constant 128 : i32
      %dma_start3A_331 = arith.constant 0 : i32
      %dma_start3A_332 = tpu.memref_slice %arg8[%dma_start3A_330, %dma_start3A_331] : memref<640x40xf32, #tpu.memory_space<vmem>> -> memref<128x40xf32, #tpu.memory_space<vmem>>
      %dma_start3A_333 = arith.constant 0 : i32
      %dma_start3A_334 = tpu.memref_slice %arg7[%add3A_329, %dma_start3A_333] : memref<80x128xi32, #tpu.memory_space<vmem>> -> memref<1x128xi32, #tpu.memory_space<vmem>>
      %dma_start3A_335 = tpu.memref_squeeze %dma_start3A_334 : memref<1x128xi32, #tpu.memory_space<vmem>> -> memref<128xi32, #tpu.memory_space<vmem>>
      %dma_start3A_336 = arith.constant 0 : i32
      %dma_start3A_337 = arith.constant 0 : i32
      %dma_start3A_338 = tpu.memref_slice %arg12[%dma_start3A_336, %dma_start3A_337] : memref<10112x40xf32, #tpu.memory_space<vmem_shared>> -> memref<10112x40xf32, #tpu.memory_space<vmem_shared>>
      tpu.enqueue_indirect_dma source(%dma_start3A_332 : memref<128x40xf32, #tpu.memory_space<vmem>>) target(%dma_start3A_338 : memref<10112x40xf32, #tpu.memory_space<vmem_shared>>) offsets(%dma_start3A_335 : memref<128xi32, #tpu.memory_space<vmem>>) semaphore(%arg15 : memref<!tpu.dma_semaphore, #tpu.memory_space<semaphore_mem>>) {add = true}
      %mul3A_339 = arith.constant 5 : i32
      %mul3A_340 = arith.muli %mul3A_180, %mul3A_339 : i32
      %add3A_341 = arith.constant 2 : i32
      %add3A_342 = arith.addi %mul3A_340, %add3A_341 : i32
      %dma_start3A_343 = arith.constant 256 : i32
      %dma_start3A_344 = arith.constant 0 : i32
      %dma_start3A_345 = tpu.memref_slice %arg8[%dma_start3A_343, %dma_start3A_344] : memref<640x40xf32, #tpu.memory_space<vmem>> -> memref<128x40xf32, #tpu.memory_space<vmem>>
      %dma_start3A_346 = arith.constant 0 : i32
      %dma_start3A_347 = tpu.memref_slice %arg7[%add3A_342, %dma_start3A_346] : memref<80x128xi32, #tpu.memory_space<vmem>> -> memref<1x128xi32, #tpu.memory_space<vmem>>
      %dma_start3A_348 = tpu.memref_squeeze %dma_start3A_347 : memref<1x128xi32, #tpu.memory_space<vmem>> -> memref<128xi32, #tpu.memory_space<vmem>>
      %dma_start3A_349 = arith.constant 0 : i32
      %dma_start3A_350 = arith.constant 0 : i32
      %dma_start3A_351 = tpu.memref_slice %arg12[%dma_start3A_349, %dma_start3A_350] : memref<10112x40xf32, #tpu.memory_space<vmem_shared>> -> memref<10112x40xf32, #tpu.memory_space<vmem_shared>>
      tpu.enqueue_indirect_dma source(%dma_start3A_345 : memref<128x40xf32, #tpu.memory_space<vmem>>) target(%dma_start3A_351 : memref<10112x40xf32, #tpu.memory_space<vmem_shared>>) offsets(%dma_start3A_348 : memref<128xi32, #tpu.memory_space<vmem>>) semaphore(%arg15 : memref<!tpu.dma_semaphore, #tpu.memory_space<semaphore_mem>>) {add = true}
      %mul3A_352 = arith.constant 5 : i32
      %mul3A_353 = arith.muli %mul3A_180, %mul3A_352 : i32
      %add3A_354 = arith.constant 3 : i32
      %add3A_355 = arith.addi %mul3A_353, %add3A_354 : i32
      %dma_start3A_356 = arith.constant 384 : i32
      %dma_start3A_357 = arith.constant 0 : i32
      %dma_start3A_358 = tpu.memref_slice %arg8[%dma_start3A_356, %dma_start3A_357] : memref<640x40xf32, #tpu.memory_space<vmem>> -> memref<128x40xf32, #tpu.memory_space<vmem>>
      %dma_start3A_359 = arith.constant 0 : i32
      %dma_start3A_360 = tpu.memref_slice %arg7[%add3A_355, %dma_start3A_359] : memref<80x128xi32, #tpu.memory_space<vmem>> -> memref<1x128xi32, #tpu.memory_space<vmem>>
      %dma_start3A_361 = tpu.memref_squeeze %dma_start3A_360 : memref<1x128xi32, #tpu.memory_space<vmem>> -> memref<128xi32, #tpu.memory_space<vmem>>
      %dma_start3A_362 = arith.constant 0 : i32
      %dma_start3A_363 = arith.constant 0 : i32
      %dma_start3A_364 = tpu.memref_slice %arg12[%dma_start3A_362, %dma_start3A_363] : memref<10112x40xf32, #tpu.memory_space<vmem_shared>> -> memref<10112x40xf32, #tpu.memory_space<vmem_shared>>
      tpu.enqueue_indirect_dma source(%dma_start3A_358 : memref<128x40xf32, #tpu.memory_space<vmem>>) target(%dma_start3A_364 : memref<10112x40xf32, #tpu.memory_space<vmem_shared>>) offsets(%dma_start3A_361 : memref<128xi32, #tpu.memory_space<vmem>>) semaphore(%arg15 : memref<!tpu.dma_semaphore, #tpu.memory_space<semaphore_mem>>) {add = true}
      %mul3A_365 = arith.constant 5 : i32
      %mul3A_366 = arith.muli %mul3A_180, %mul3A_365 : i32
      %add3A_367 = arith.constant 4 : i32
      %add3A_368 = arith.addi %mul3A_366, %add3A_367 : i32
      %dma_start3A_369 = arith.constant 512 : i32
      %dma_start3A_370 = arith.constant 0 : i32
      %dma_start3A_371 = tpu.memref_slice %arg8[%dma_start3A_369, %dma_start3A_370] : memref<640x40xf32, #tpu.memory_space<vmem>> -> memref<128x40xf32, #tpu.memory_space<vmem>>
      %dma_start3A_372 = arith.constant 0 : i32
      %dma_start3A_373 = tpu.memref_slice %arg7[%add3A_368, %dma_start3A_372] : memref<80x128xi32, #tpu.memory_space<vmem>> -> memref<1x128xi32, #tpu.memory_space<vmem>>
      %dma_start3A_374 = tpu.memref_squeeze %dma_start3A_373 : memref<1x128xi32, #tpu.memory_space<vmem>> -> memref<128xi32, #tpu.memory_space<vmem>>
      %dma_start3A_375 = arith.constant 0 : i32
      %dma_start3A_376 = arith.constant 0 : i32
      %dma_start3A_377 = tpu.memref_slice %arg12[%dma_start3A_375, %dma_start3A_376] : memref<10112x40xf32, #tpu.memory_space<vmem_shared>> -> memref<10112x40xf32, #tpu.memory_space<vmem_shared>>
      tpu.enqueue_indirect_dma source(%dma_start3A_371 : memref<128x40xf32, #tpu.memory_space<vmem>>) target(%dma_start3A_377 : memref<10112x40xf32, #tpu.memory_space<vmem_shared>>) offsets(%dma_start3A_374 : memref<128xi32, #tpu.memory_space<vmem>>) semaphore(%arg15 : memref<!tpu.dma_semaphore, #tpu.memory_space<semaphore_mem>>) {add = true}
      %mul3A_378 = arith.constant 5 : i32
      %mul3A_379 = arith.muli %mul3A_180, %mul3A_378 : i32
      %add3A_380 = arith.constant 0 : i32
      %add3A_381 = arith.addi %mul3A_379, %add3A_380 : i32
      %dma_wait3A_382 = arith.constant 0 : i32
      %dma_wait3A_383 = arith.constant 0 : i32
      %dma_wait3A_384 = tpu.memref_slice %arg8[%dma_wait3A_382, %dma_wait3A_383] : memref<640x40xf32, #tpu.memory_space<vmem>> -> memref<128x40xf32, #tpu.memory_space<vmem>>
      %dma_wait3A_385 = arith.constant 0 : i32
      %dma_wait3A_386 = tpu.memref_slice %arg7[%add3A_381, %dma_wait3A_385] : memref<80x128xi32, #tpu.memory_space<vmem>> -> memref<1x128xi32, #tpu.memory_space<vmem>>
      %dma_wait3A_387 = tpu.memref_squeeze %dma_wait3A_386 : memref<1x128xi32, #tpu.memory_space<vmem>> -> memref<128xi32, #tpu.memory_space<vmem>>
      %dma_wait3A_388 = arith.constant 0 : i32
      %dma_wait3A_389 = arith.constant 0 : i32
      %dma_wait3A_390 = tpu.memref_slice %arg12[%dma_wait3A_388, %dma_wait3A_389] : memref<10112x40xf32, #tpu.memory_space<vmem_shared>> -> memref<10112x40xf32, #tpu.memory_space<vmem_shared>>
      tpu.wait_indirect_dma semaphore(%arg15 : memref<!tpu.dma_semaphore, #tpu.memory_space<semaphore_mem>>) src(%dma_wait3A_384 : memref<128x40xf32, #tpu.memory_space<vmem>>) dst(%dma_wait3A_390 : memref<10112x40xf32, #tpu.memory_space<vmem_shared>>)
      %mul3A_391 = arith.constant 5 : i32
      %mul3A_392 = arith.muli %mul3A_180, %mul3A_391 : i32
      %add3A_393 = arith.constant 1 : i32
      %add3A_394 = arith.addi %mul3A_392, %add3A_393 : i32
      %dma_wait3A_395 = arith.constant 128 : i32
      %dma_wait3A_396 = arith.constant 0 : i32
      %dma_wait3A_397 = tpu.memref_slice %arg8[%dma_wait3A_395, %dma_wait3A_396] : memref<640x40xf32, #tpu.memory_space<vmem>> -> memref<128x40xf32, #tpu.memory_space<vmem>>
      %dma_wait3A_398 = arith.constant 0 : i32
      %dma_wait3A_399 = tpu.memref_slice %arg7[%add3A_394, %dma_wait3A_398] : memref<80x128xi32, #tpu.memory_space<vmem>> -> memref<1x128xi32, #tpu.memory_space<vmem>>
      %dma_wait3A_400 = tpu.memref_squeeze %dma_wait3A_399 : memref<1x128xi32, #tpu.memory_space<vmem>> -> memref<128xi32, #tpu.memory_space<vmem>>
      %dma_wait3A_401 = arith.constant 0 : i32
      %dma_wait3A_402 = arith.constant 0 : i32
      %dma_wait3A_403 = tpu.memref_slice %arg12[%dma_wait3A_401, %dma_wait3A_402] : memref<10112x40xf32, #tpu.memory_space<vmem_shared>> -> memref<10112x40xf32, #tpu.memory_space<vmem_shared>>
      tpu.wait_indirect_dma semaphore(%arg15 : memref<!tpu.dma_semaphore, #tpu.memory_space<semaphore_mem>>) src(%dma_wait3A_397 : memref<128x40xf32, #tpu.memory_space<vmem>>) dst(%dma_wait3A_403 : memref<10112x40xf32, #tpu.memory_space<vmem_shared>>)
      %mul3A_404 = arith.constant 5 : i32
      %mul3A_405 = arith.muli %mul3A_180, %mul3A_404 : i32
      %add3A_406 = arith.constant 2 : i32
      %add3A_407 = arith.addi %mul3A_405, %add3A_406 : i32
      %dma_wait3A_408 = arith.constant 256 : i32
      %dma_wait3A_409 = arith.constant 0 : i32
      %dma_wait3A_410 = tpu.memref_slice %arg8[%dma_wait3A_408, %dma_wait3A_409] : memref<640x40xf32, #tpu.memory_space<vmem>> -> memref<128x40xf32, #tpu.memory_space<vmem>>
      %dma_wait3A_411 = arith.constant 0 : i32
      %dma_wait3A_412 = tpu.memref_slice %arg7[%add3A_407, %dma_wait3A_411] : memref<80x128xi32, #tpu.memory_space<vmem>> -> memref<1x128xi32, #tpu.memory_space<vmem>>
      %dma_wait3A_413 = tpu.memref_squeeze %dma_wait3A_412 : memref<1x128xi32, #tpu.memory_space<vmem>> -> memref<128xi32, #tpu.memory_space<vmem>>
      %dma_wait3A_414 = arith.constant 0 : i32
      %dma_wait3A_415 = arith.constant 0 : i32
      %dma_wait3A_416 = tpu.memref_slice %arg12[%dma_wait3A_414, %dma_wait3A_415] : memref<10112x40xf32, #tpu.memory_space<vmem_shared>> -> memref<10112x40xf32, #tpu.memory_space<vmem_shared>>
      tpu.wait_indirect_dma semaphore(%arg15 : memref<!tpu.dma_semaphore, #tpu.memory_space<semaphore_mem>>) src(%dma_wait3A_410 : memref<128x40xf32, #tpu.memory_space<vmem>>) dst(%dma_wait3A_416 : memref<10112x40xf32, #tpu.memory_space<vmem_shared>>)
      %mul3A_417 = arith.constant 5 : i32
      %mul3A_418 = arith.muli %mul3A_180, %mul3A_417 : i32
      %add3A_419 = arith.constant 3 : i32
      %add3A_420 = arith.addi %mul3A_418, %add3A_419 : i32
      %dma_wait3A_421 = arith.constant 384 : i32
      %dma_wait3A_422 = arith.constant 0 : i32
      %dma_wait3A_423 = tpu.memref_slice %arg8[%dma_wait3A_421, %dma_wait3A_422] : memref<640x40xf32, #tpu.memory_space<vmem>> -> memref<128x40xf32, #tpu.memory_space<vmem>>
      %dma_wait3A_424 = arith.constant 0 : i32
      %dma_wait3A_425 = tpu.memref_slice %arg7[%add3A_420, %dma_wait3A_424] : memref<80x128xi32, #tpu.memory_space<vmem>> -> memref<1x128xi32, #tpu.memory_space<vmem>>
      %dma_wait3A_426 = tpu.memref_squeeze %dma_wait3A_425 : memref<1x128xi32, #tpu.memory_space<vmem>> -> memref<128xi32, #tpu.memory_space<vmem>>
      %dma_wait3A_427 = arith.constant 0 : i32
      %dma_wait3A_428 = arith.constant 0 : i32
      %dma_wait3A_429 = tpu.memref_slice %arg12[%dma_wait3A_427, %dma_wait3A_428] : memref<10112x40xf32, #tpu.memory_space<vmem_shared>> -> memref<10112x40xf32, #tpu.memory_space<vmem_shared>>
      tpu.wait_indirect_dma semaphore(%arg15 : memref<!tpu.dma_semaphore, #tpu.memory_space<semaphore_mem>>) src(%dma_wait3A_423 : memref<128x40xf32, #tpu.memory_space<vmem>>) dst(%dma_wait3A_429 : memref<10112x40xf32, #tpu.memory_space<vmem_shared>>)
      %mul3A_430 = arith.constant 5 : i32
      %mul3A_431 = arith.muli %mul3A_180, %mul3A_430 : i32
      %add3A_432 = arith.constant 4 : i32
      %add3A_433 = arith.addi %mul3A_431, %add3A_432 : i32
      %dma_wait3A_434 = arith.constant 512 : i32
      %dma_wait3A_435 = arith.constant 0 : i32
      %dma_wait3A_436 = tpu.memref_slice %arg8[%dma_wait3A_434, %dma_wait3A_435] : memref<640x40xf32, #tpu.memory_space<vmem>> -> memref<128x40xf32, #tpu.memory_space<vmem>>
      %dma_wait3A_437 = arith.constant 0 : i32
      %dma_wait3A_438 = tpu.memref_slice %arg7[%add3A_433, %dma_wait3A_437] : memref<80x128xi32, #tpu.memory_space<vmem>> -> memref<1x128xi32, #tpu.memory_space<vmem>>
      %dma_wait3A_439 = tpu.memref_squeeze %dma_wait3A_438 : memref<1x128xi32, #tpu.memory_space<vmem>> -> memref<128xi32, #tpu.memory_space<vmem>>
      %dma_wait3A_440 = arith.constant 0 : i32
      %dma_wait3A_441 = arith.constant 0 : i32
      %dma_wait3A_442 = tpu.memref_slice %arg12[%dma_wait3A_440, %dma_wait3A_441] : memref<10112x40xf32, #tpu.memory_space<vmem_shared>> -> memref<10112x40xf32, #tpu.memory_space<vmem_shared>>
      tpu.wait_indirect_dma semaphore(%arg15 : memref<!tpu.dma_semaphore, #tpu.memory_space<semaphore_mem>>) src(%dma_wait3A_436 : memref<128x40xf32, #tpu.memory_space<vmem>>) dst(%dma_wait3A_442 : memref<10112x40xf32, #tpu.memory_space<vmem_shared>>)
      %add3A_443 = arith.constant 1 : i32
      %add3A_444 = arith.addi %add3A_178, %add3A_443 : i32
      %lt3A = arith.constant 8 : i32
      %lt3A_445 = arith.cmpi slt, %add3A_444, %lt3A : i32
      %convert_element_type3A_446 = arith.extui %lt3A_445 : i1 to i32
      %cond3A_447 = arith.constant 0 : i32
      %cond3A_448 = arith.cmpi ne, %convert_element_type3A_446, %cond3A_447 : i32
      scf.if %cond3A_448 {
        %add3A_650 = arith.constant 2 : i32
        %add3A_651 = arith.addi %mul3A_180, %add3A_650 : i32
        %mul3A_652 = arith.constant 5 : i32
        %mul3A_653 = arith.muli %add3A_651, %mul3A_652 : i32
        %add3A_654 = arith.constant 0 : i32
        %add3A_655 = arith.addi %mul3A_653, %add3A_654 : i32
        %dma_start3A_656 = arith.constant 0 : i32
        %dma_start3A_657 = arith.constant 0 : i32
        %dma_start3A_658 = tpu.memref_slice %arg8[%dma_start3A_656, %dma_start3A_657] : memref<640x40xf32, #tpu.memory_space<vmem>> -> memref<128x40xf32, #tpu.memory_space<vmem>>
        %dma_start3A_659 = arith.constant 0 : i32
        %dma_start3A_660 = tpu.memref_slice %arg6[%add3A_655, %dma_start3A_659] : memref<80x128xi32, #tpu.memory_space<vmem>> -> memref<1x128xi32, #tpu.memory_space<vmem>>
        %dma_start3A_661 = tpu.memref_squeeze %dma_start3A_660 : memref<1x128xi32, #tpu.memory_space<vmem>> -> memref<128xi32, #tpu.memory_space<vmem>>
        %dma_start3A_662 = arith.constant 0 : i32
        %dma_start3A_663 = arith.constant 0 : i32
        %dma_start3A_664 = tpu.memref_slice %arg11[%dma_start3A_662, %dma_start3A_663] : memref<10112x40xf32, #tpu.memory_space<vmem_shared>> -> memref<10112x40xf32, #tpu.memory_space<vmem_shared>>
        tpu.enqueue_indirect_dma source(%dma_start3A_664 : memref<10112x40xf32, #tpu.memory_space<vmem_shared>>) target(%dma_start3A_658 : memref<128x40xf32, #tpu.memory_space<vmem>>) offsets(%dma_start3A_661 : memref<128xi32, #tpu.memory_space<vmem>>) semaphore(%arg13 : memref<!tpu.dma_semaphore, #tpu.memory_space<semaphore_mem>>)
        %mul3A_665 = arith.constant 5 : i32
        %mul3A_666 = arith.muli %add3A_651, %mul3A_665 : i32
        %add3A_667 = arith.constant 1 : i32
        %add3A_668 = arith.addi %mul3A_666, %add3A_667 : i32
        %dma_start3A_669 = arith.constant 128 : i32
        %dma_start3A_670 = arith.constant 0 : i32
        %dma_start3A_671 = tpu.memref_slice %arg8[%dma_start3A_669, %dma_start3A_670] : memref<640x40xf32, #tpu.memory_space<vmem>> -> memref<128x40xf32, #tpu.memory_space<vmem>>
        %dma_start3A_672 = arith.constant 0 : i32
        %dma_start3A_673 = tpu.memref_slice %arg6[%add3A_668, %dma_start3A_672] : memref<80x128xi32, #tpu.memory_space<vmem>> -> memref<1x128xi32, #tpu.memory_space<vmem>>
        %dma_start3A_674 = tpu.memref_squeeze %dma_start3A_673 : memref<1x128xi32, #tpu.memory_space<vmem>> -> memref<128xi32, #tpu.memory_space<vmem>>
        %dma_start3A_675 = arith.constant 0 : i32
        %dma_start3A_676 = arith.constant 0 : i32
        %dma_start3A_677 = tpu.memref_slice %arg11[%dma_start3A_675, %dma_start3A_676] : memref<10112x40xf32, #tpu.memory_space<vmem_shared>> -> memref<10112x40xf32, #tpu.memory_space<vmem_shared>>
        tpu.enqueue_indirect_dma source(%dma_start3A_677 : memref<10112x40xf32, #tpu.memory_space<vmem_shared>>) target(%dma_start3A_671 : memref<128x40xf32, #tpu.memory_space<vmem>>) offsets(%dma_start3A_674 : memref<128xi32, #tpu.memory_space<vmem>>) semaphore(%arg13 : memref<!tpu.dma_semaphore, #tpu.memory_space<semaphore_mem>>)
        %mul3A_678 = arith.constant 5 : i32
        %mul3A_679 = arith.muli %add3A_651, %mul3A_678 : i32
        %add3A_680 = arith.constant 2 : i32
        %add3A_681 = arith.addi %mul3A_679, %add3A_680 : i32
        %dma_start3A_682 = arith.constant 256 : i32
        %dma_start3A_683 = arith.constant 0 : i32
        %dma_start3A_684 = tpu.memref_slice %arg8[%dma_start3A_682, %dma_start3A_683] : memref<640x40xf32, #tpu.memory_space<vmem>> -> memref<128x40xf32, #tpu.memory_space<vmem>>
        %dma_start3A_685 = arith.constant 0 : i32
        %dma_start3A_686 = tpu.memref_slice %arg6[%add3A_681, %dma_start3A_685] : memref<80x128xi32, #tpu.memory_space<vmem>> -> memref<1x128xi32, #tpu.memory_space<vmem>>
        %dma_start3A_687 = tpu.memref_squeeze %dma_start3A_686 : memref<1x128xi32, #tpu.memory_space<vmem>> -> memref<128xi32, #tpu.memory_space<vmem>>
        %dma_start3A_688 = arith.constant 0 : i32
        %dma_start3A_689 = arith.constant 0 : i32
        %dma_start3A_690 = tpu.memref_slice %arg11[%dma_start3A_688, %dma_start3A_689] : memref<10112x40xf32, #tpu.memory_space<vmem_shared>> -> memref<10112x40xf32, #tpu.memory_space<vmem_shared>>
        tpu.enqueue_indirect_dma source(%dma_start3A_690 : memref<10112x40xf32, #tpu.memory_space<vmem_shared>>) target(%dma_start3A_684 : memref<128x40xf32, #tpu.memory_space<vmem>>) offsets(%dma_start3A_687 : memref<128xi32, #tpu.memory_space<vmem>>) semaphore(%arg13 : memref<!tpu.dma_semaphore, #tpu.memory_space<semaphore_mem>>)
        %mul3A_691 = arith.constant 5 : i32
        %mul3A_692 = arith.muli %add3A_651, %mul3A_691 : i32
        %add3A_693 = arith.constant 3 : i32
        %add3A_694 = arith.addi %mul3A_692, %add3A_693 : i32
        %dma_start3A_695 = arith.constant 384 : i32
        %dma_start3A_696 = arith.constant 0 : i32
        %dma_start3A_697 = tpu.memref_slice %arg8[%dma_start3A_695, %dma_start3A_696] : memref<640x40xf32, #tpu.memory_space<vmem>> -> memref<128x40xf32, #tpu.memory_space<vmem>>
        %dma_start3A_698 = arith.constant 0 : i32
        %dma_start3A_699 = tpu.memref_slice %arg6[%add3A_694, %dma_start3A_698] : memref<80x128xi32, #tpu.memory_space<vmem>> -> memref<1x128xi32, #tpu.memory_space<vmem>>
        %dma_start3A_700 = tpu.memref_squeeze %dma_start3A_699 : memref<1x128xi32, #tpu.memory_space<vmem>> -> memref<128xi32, #tpu.memory_space<vmem>>
        %dma_start3A_701 = arith.constant 0 : i32
        %dma_start3A_702 = arith.constant 0 : i32
        %dma_start3A_703 = tpu.memref_slice %arg11[%dma_start3A_701, %dma_start3A_702] : memref<10112x40xf32, #tpu.memory_space<vmem_shared>> -> memref<10112x40xf32, #tpu.memory_space<vmem_shared>>
        tpu.enqueue_indirect_dma source(%dma_start3A_703 : memref<10112x40xf32, #tpu.memory_space<vmem_shared>>) target(%dma_start3A_697 : memref<128x40xf32, #tpu.memory_space<vmem>>) offsets(%dma_start3A_700 : memref<128xi32, #tpu.memory_space<vmem>>) semaphore(%arg13 : memref<!tpu.dma_semaphore, #tpu.memory_space<semaphore_mem>>)
        %mul3A_704 = arith.constant 5 : i32
        %mul3A_705 = arith.muli %add3A_651, %mul3A_704 : i32
        %add3A_706 = arith.constant 4 : i32
        %add3A_707 = arith.addi %mul3A_705, %add3A_706 : i32
        %dma_start3A_708 = arith.constant 512 : i32
        %dma_start3A_709 = arith.constant 0 : i32
        %dma_start3A_710 = tpu.memref_slice %arg8[%dma_start3A_708, %dma_start3A_709] : memref<640x40xf32, #tpu.memory_space<vmem>> -> memref<128x40xf32, #tpu.memory_space<vmem>>
        %dma_start3A_711 = arith.constant 0 : i32
        %dma_start3A_712 = tpu.memref_slice %arg6[%add3A_707, %dma_start3A_711] : memref<80x128xi32, #tpu.memory_space<vmem>> -> memref<1x128xi32, #tpu.memory_space<vmem>>
        %dma_start3A_713 = tpu.memref_squeeze %dma_start3A_712 : memref<1x128xi32, #tpu.memory_space<vmem>> -> memref<128xi32, #tpu.memory_space<vmem>>
        %dma_start3A_714 = arith.constant 0 : i32
        %dma_start3A_715 = arith.constant 0 : i32
        %dma_start3A_716 = tpu.memref_slice %arg11[%dma_start3A_714, %dma_start3A_715] : memref<10112x40xf32, #tpu.memory_space<vmem_shared>> -> memref<10112x40xf32, #tpu.memory_space<vmem_shared>>
        tpu.enqueue_indirect_dma source(%dma_start3A_716 : memref<10112x40xf32, #tpu.memory_space<vmem_shared>>) target(%dma_start3A_710 : memref<128x40xf32, #tpu.memory_space<vmem>>) offsets(%dma_start3A_713 : memref<128xi32, #tpu.memory_space<vmem>>) semaphore(%arg13 : memref<!tpu.dma_semaphore, #tpu.memory_space<semaphore_mem>>)
      } else {
      }
      %add3A_449 = arith.constant 1 : i32
      %add3A_450 = arith.addi %mul3A_180, %add3A_449 : i32
      %mul3A_451 = arith.constant 5 : i32
      %mul3A_452 = arith.muli %add3A_450, %mul3A_451 : i32
      %add3A_453 = arith.constant 0 : i32
      %add3A_454 = arith.addi %mul3A_452, %add3A_453 : i32
      %dma_wait3A_455 = arith.constant 0 : i32
      %dma_wait3A_456 = arith.constant 0 : i32
      %dma_wait3A_457 = tpu.memref_slice %arg9[%dma_wait3A_455, %dma_wait3A_456] : memref<640x40xf32, #tpu.memory_space<vmem>> -> memref<128x40xf32, #tpu.memory_space<vmem>>
      %dma_wait3A_458 = arith.constant 0 : i32
      %dma_wait3A_459 = tpu.memref_slice %arg6[%add3A_454, %dma_wait3A_458] : memref<80x128xi32, #tpu.memory_space<vmem>> -> memref<1x128xi32, #tpu.memory_space<vmem>>
      %dma_wait3A_460 = tpu.memref_squeeze %dma_wait3A_459 : memref<1x128xi32, #tpu.memory_space<vmem>> -> memref<128xi32, #tpu.memory_space<vmem>>
      %dma_wait3A_461 = arith.constant 0 : i32
      %dma_wait3A_462 = arith.constant 0 : i32
      %dma_wait3A_463 = tpu.memref_slice %arg11[%dma_wait3A_461, %dma_wait3A_462] : memref<10112x40xf32, #tpu.memory_space<vmem_shared>> -> memref<10112x40xf32, #tpu.memory_space<vmem_shared>>
      tpu.wait_indirect_dma semaphore(%arg14 : memref<!tpu.dma_semaphore, #tpu.memory_space<semaphore_mem>>) src(%dma_wait3A_463 : memref<10112x40xf32, #tpu.memory_space<vmem_shared>>) dst(%dma_wait3A_457 : memref<128x40xf32, #tpu.memory_space<vmem>>)
      %mul3A_464 = arith.constant 5 : i32
      %mul3A_465 = arith.muli %add3A_450, %mul3A_464 : i32
      %add3A_466 = arith.constant 1 : i32
      %add3A_467 = arith.addi %mul3A_465, %add3A_466 : i32
      %dma_wait3A_468 = arith.constant 128 : i32
      %dma_wait3A_469 = arith.constant 0 : i32
      %dma_wait3A_470 = tpu.memref_slice %arg9[%dma_wait3A_468, %dma_wait3A_469] : memref<640x40xf32, #tpu.memory_space<vmem>> -> memref<128x40xf32, #tpu.memory_space<vmem>>
      %dma_wait3A_471 = arith.constant 0 : i32
      %dma_wait3A_472 = tpu.memref_slice %arg6[%add3A_467, %dma_wait3A_471] : memref<80x128xi32, #tpu.memory_space<vmem>> -> memref<1x128xi32, #tpu.memory_space<vmem>>
      %dma_wait3A_473 = tpu.memref_squeeze %dma_wait3A_472 : memref<1x128xi32, #tpu.memory_space<vmem>> -> memref<128xi32, #tpu.memory_space<vmem>>
      %dma_wait3A_474 = arith.constant 0 : i32
      %dma_wait3A_475 = arith.constant 0 : i32
      %dma_wait3A_476 = tpu.memref_slice %arg11[%dma_wait3A_474, %dma_wait3A_475] : memref<10112x40xf32, #tpu.memory_space<vmem_shared>> -> memref<10112x40xf32, #tpu.memory_space<vmem_shared>>
      tpu.wait_indirect_dma semaphore(%arg14 : memref<!tpu.dma_semaphore, #tpu.memory_space<semaphore_mem>>) src(%dma_wait3A_476 : memref<10112x40xf32, #tpu.memory_space<vmem_shared>>) dst(%dma_wait3A_470 : memref<128x40xf32, #tpu.memory_space<vmem>>)
      %mul3A_477 = arith.constant 5 : i32
      %mul3A_478 = arith.muli %add3A_450, %mul3A_477 : i32
      %add3A_479 = arith.constant 2 : i32
      %add3A_480 = arith.addi %mul3A_478, %add3A_479 : i32
      %dma_wait3A_481 = arith.constant 256 : i32
      %dma_wait3A_482 = arith.constant 0 : i32
      %dma_wait3A_483 = tpu.memref_slice %arg9[%dma_wait3A_481, %dma_wait3A_482] : memref<640x40xf32, #tpu.memory_space<vmem>> -> memref<128x40xf32, #tpu.memory_space<vmem>>
      %dma_wait3A_484 = arith.constant 0 : i32
      %dma_wait3A_485 = tpu.memref_slice %arg6[%add3A_480, %dma_wait3A_484] : memref<80x128xi32, #tpu.memory_space<vmem>> -> memref<1x128xi32, #tpu.memory_space<vmem>>
      %dma_wait3A_486 = tpu.memref_squeeze %dma_wait3A_485 : memref<1x128xi32, #tpu.memory_space<vmem>> -> memref<128xi32, #tpu.memory_space<vmem>>
      %dma_wait3A_487 = arith.constant 0 : i32
      %dma_wait3A_488 = arith.constant 0 : i32
      %dma_wait3A_489 = tpu.memref_slice %arg11[%dma_wait3A_487, %dma_wait3A_488] : memref<10112x40xf32, #tpu.memory_space<vmem_shared>> -> memref<10112x40xf32, #tpu.memory_space<vmem_shared>>
      tpu.wait_indirect_dma semaphore(%arg14 : memref<!tpu.dma_semaphore, #tpu.memory_space<semaphore_mem>>) src(%dma_wait3A_489 : memref<10112x40xf32, #tpu.memory_space<vmem_shared>>) dst(%dma_wait3A_483 : memref<128x40xf32, #tpu.memory_space<vmem>>)
      %mul3A_490 = arith.constant 5 : i32
      %mul3A_491 = arith.muli %add3A_450, %mul3A_490 : i32
      %add3A_492 = arith.constant 3 : i32
      %add3A_493 = arith.addi %mul3A_491, %add3A_492 : i32
      %dma_wait3A_494 = arith.constant 384 : i32
      %dma_wait3A_495 = arith.constant 0 : i32
      %dma_wait3A_496 = tpu.memref_slice %arg9[%dma_wait3A_494, %dma_wait3A_495] : memref<640x40xf32, #tpu.memory_space<vmem>> -> memref<128x40xf32, #tpu.memory_space<vmem>>
      %dma_wait3A_497 = arith.constant 0 : i32
      %dma_wait3A_498 = tpu.memref_slice %arg6[%add3A_493, %dma_wait3A_497] : memref<80x128xi32, #tpu.memory_space<vmem>> -> memref<1x128xi32, #tpu.memory_space<vmem>>
      %dma_wait3A_499 = tpu.memref_squeeze %dma_wait3A_498 : memref<1x128xi32, #tpu.memory_space<vmem>> -> memref<128xi32, #tpu.memory_space<vmem>>
      %dma_wait3A_500 = arith.constant 0 : i32
      %dma_wait3A_501 = arith.constant 0 : i32
      %dma_wait3A_502 = tpu.memref_slice %arg11[%dma_wait3A_500, %dma_wait3A_501] : memref<10112x40xf32, #tpu.memory_space<vmem_shared>> -> memref<10112x40xf32, #tpu.memory_space<vmem_shared>>
      tpu.wait_indirect_dma semaphore(%arg14 : memref<!tpu.dma_semaphore, #tpu.memory_space<semaphore_mem>>) src(%dma_wait3A_502 : memref<10112x40xf32, #tpu.memory_space<vmem_shared>>) dst(%dma_wait3A_496 : memref<128x40xf32, #tpu.memory_space<vmem>>)
      %mul3A_503 = arith.constant 5 : i32
      %mul3A_504 = arith.muli %add3A_450, %mul3A_503 : i32
      %add3A_505 = arith.constant 4 : i32
      %add3A_506 = arith.addi %mul3A_504, %add3A_505 : i32
      %dma_wait3A_507 = arith.constant 512 : i32
      %dma_wait3A_508 = arith.constant 0 : i32
      %dma_wait3A_509 = tpu.memref_slice %arg9[%dma_wait3A_507, %dma_wait3A_508] : memref<640x40xf32, #tpu.memory_space<vmem>> -> memref<128x40xf32, #tpu.memory_space<vmem>>
      %dma_wait3A_510 = arith.constant 0 : i32
      %dma_wait3A_511 = tpu.memref_slice %arg6[%add3A_506, %dma_wait3A_510] : memref<80x128xi32, #tpu.memory_space<vmem>> -> memref<1x128xi32, #tpu.memory_space<vmem>>
      %dma_wait3A_512 = tpu.memref_squeeze %dma_wait3A_511 : memref<1x128xi32, #tpu.memory_space<vmem>> -> memref<128xi32, #tpu.memory_space<vmem>>
      %dma_wait3A_513 = arith.constant 0 : i32
      %dma_wait3A_514 = arith.constant 0 : i32
      %dma_wait3A_515 = tpu.memref_slice %arg11[%dma_wait3A_513, %dma_wait3A_514] : memref<10112x40xf32, #tpu.memory_space<vmem_shared>> -> memref<10112x40xf32, #tpu.memory_space<vmem_shared>>
      tpu.wait_indirect_dma semaphore(%arg14 : memref<!tpu.dma_semaphore, #tpu.memory_space<semaphore_mem>>) src(%dma_wait3A_515 : memref<10112x40xf32, #tpu.memory_space<vmem_shared>>) dst(%dma_wait3A_509 : memref<128x40xf32, #tpu.memory_space<vmem>>)
      %add3A_516 = arith.constant 1 : i32
      %add3A_517 = arith.addi %mul3A_180, %add3A_516 : i32
      %mul3A_518 = arith.constant 5 : i32
      %mul3A_519 = arith.muli %add3A_517, %mul3A_518 : i32
      %add3A_520 = arith.constant 0 : i32
      %add3A_521 = arith.addi %mul3A_519, %add3A_520 : i32
      %dma_start3A_522 = arith.constant 0 : i32
      %dma_start3A_523 = arith.constant 0 : i32
      %dma_start3A_524 = tpu.memref_slice %arg9[%dma_start3A_522, %dma_start3A_523] : memref<640x40xf32, #tpu.memory_space<vmem>> -> memref<128x40xf32, #tpu.memory_space<vmem>>
      %dma_start3A_525 = arith.constant 0 : i32
      %dma_start3A_526 = tpu.memref_slice %arg7[%add3A_521, %dma_start3A_525] : memref<80x128xi32, #tpu.memory_space<vmem>> -> memref<1x128xi32, #tpu.memory_space<vmem>>
      %dma_start3A_527 = tpu.memref_squeeze %dma_start3A_526 : memref<1x128xi32, #tpu.memory_space<vmem>> -> memref<128xi32, #tpu.memory_space<vmem>>
      %dma_start3A_528 = arith.constant 0 : i32
      %dma_start3A_529 = arith.constant 0 : i32
      %dma_start3A_530 = tpu.memref_slice %arg12[%dma_start3A_528, %dma_start3A_529] : memref<10112x40xf32, #tpu.memory_space<vmem_shared>> -> memref<10112x40xf32, #tpu.memory_space<vmem_shared>>
      tpu.enqueue_indirect_dma source(%dma_start3A_524 : memref<128x40xf32, #tpu.memory_space<vmem>>) target(%dma_start3A_530 : memref<10112x40xf32, #tpu.memory_space<vmem_shared>>) offsets(%dma_start3A_527 : memref<128xi32, #tpu.memory_space<vmem>>) semaphore(%arg16 : memref<!tpu.dma_semaphore, #tpu.memory_space<semaphore_mem>>) {add = true}
      %mul3A_531 = arith.constant 5 : i32
      %mul3A_532 = arith.muli %add3A_517, %mul3A_531 : i32
      %add3A_533 = arith.constant 1 : i32
      %add3A_534 = arith.addi %mul3A_532, %add3A_533 : i32
      %dma_start3A_535 = arith.constant 128 : i32
      %dma_start3A_536 = arith.constant 0 : i32
      %dma_start3A_537 = tpu.memref_slice %arg9[%dma_start3A_535, %dma_start3A_536] : memref<640x40xf32, #tpu.memory_space<vmem>> -> memref<128x40xf32, #tpu.memory_space<vmem>>
      %dma_start3A_538 = arith.constant 0 : i32
      %dma_start3A_539 = tpu.memref_slice %arg7[%add3A_534, %dma_start3A_538] : memref<80x128xi32, #tpu.memory_space<vmem>> -> memref<1x128xi32, #tpu.memory_space<vmem>>
      %dma_start3A_540 = tpu.memref_squeeze %dma_start3A_539 : memref<1x128xi32, #tpu.memory_space<vmem>> -> memref<128xi32, #tpu.memory_space<vmem>>
      %dma_start3A_541 = arith.constant 0 : i32
      %dma_start3A_542 = arith.constant 0 : i32
      %dma_start3A_543 = tpu.memref_slice %arg12[%dma_start3A_541, %dma_start3A_542] : memref<10112x40xf32, #tpu.memory_space<vmem_shared>> -> memref<10112x40xf32, #tpu.memory_space<vmem_shared>>
      tpu.enqueue_indirect_dma source(%dma_start3A_537 : memref<128x40xf32, #tpu.memory_space<vmem>>) target(%dma_start3A_543 : memref<10112x40xf32, #tpu.memory_space<vmem_shared>>) offsets(%dma_start3A_540 : memref<128xi32, #tpu.memory_space<vmem>>) semaphore(%arg16 : memref<!tpu.dma_semaphore, #tpu.memory_space<semaphore_mem>>) {add = true}
      %mul3A_544 = arith.constant 5 : i32
      %mul3A_545 = arith.muli %add3A_517, %mul3A_544 : i32
      %add3A_546 = arith.constant 2 : i32
      %add3A_547 = arith.addi %mul3A_545, %add3A_546 : i32
      %dma_start3A_548 = arith.constant 256 : i32
      %dma_start3A_549 = arith.constant 0 : i32
      %dma_start3A_550 = tpu.memref_slice %arg9[%dma_start3A_548, %dma_start3A_549] : memref<640x40xf32, #tpu.memory_space<vmem>> -> memref<128x40xf32, #tpu.memory_space<vmem>>
      %dma_start3A_551 = arith.constant 0 : i32
      %dma_start3A_552 = tpu.memref_slice %arg7[%add3A_547, %dma_start3A_551] : memref<80x128xi32, #tpu.memory_space<vmem>> -> memref<1x128xi32, #tpu.memory_space<vmem>>
      %dma_start3A_553 = tpu.memref_squeeze %dma_start3A_552 : memref<1x128xi32, #tpu.memory_space<vmem>> -> memref<128xi32, #tpu.memory_space<vmem>>
      %dma_start3A_554 = arith.constant 0 : i32
      %dma_start3A_555 = arith.constant 0 : i32
      %dma_start3A_556 = tpu.memref_slice %arg12[%dma_start3A_554, %dma_start3A_555] : memref<10112x40xf32, #tpu.memory_space<vmem_shared>> -> memref<10112x40xf32, #tpu.memory_space<vmem_shared>>
      tpu.enqueue_indirect_dma source(%dma_start3A_550 : memref<128x40xf32, #tpu.memory_space<vmem>>) target(%dma_start3A_556 : memref<10112x40xf32, #tpu.memory_space<vmem_shared>>) offsets(%dma_start3A_553 : memref<128xi32, #tpu.memory_space<vmem>>) semaphore(%arg16 : memref<!tpu.dma_semaphore, #tpu.memory_space<semaphore_mem>>) {add = true}
      %mul3A_557 = arith.constant 5 : i32
      %mul3A_558 = arith.muli %add3A_517, %mul3A_557 : i32
      %add3A_559 = arith.constant 3 : i32
      %add3A_560 = arith.addi %mul3A_558, %add3A_559 : i32
      %dma_start3A_561 = arith.constant 384 : i32
      %dma_start3A_562 = arith.constant 0 : i32
      %dma_start3A_563 = tpu.memref_slice %arg9[%dma_start3A_561, %dma_start3A_562] : memref<640x40xf32, #tpu.memory_space<vmem>> -> memref<128x40xf32, #tpu.memory_space<vmem>>
      %dma_start3A_564 = arith.constant 0 : i32
      %dma_start3A_565 = tpu.memref_slice %arg7[%add3A_560, %dma_start3A_564] : memref<80x128xi32, #tpu.memory_space<vmem>> -> memref<1x128xi32, #tpu.memory_space<vmem>>
      %dma_start3A_566 = tpu.memref_squeeze %dma_start3A_565 : memref<1x128xi32, #tpu.memory_space<vmem>> -> memref<128xi32, #tpu.memory_space<vmem>>
      %dma_start3A_567 = arith.constant 0 : i32
      %dma_start3A_568 = arith.constant 0 : i32
      %dma_start3A_569 = tpu.memref_slice %arg12[%dma_start3A_567, %dma_start3A_568] : memref<10112x40xf32, #tpu.memory_space<vmem_shared>> -> memref<10112x40xf32, #tpu.memory_space<vmem_shared>>
      tpu.enqueue_indirect_dma source(%dma_start3A_563 : memref<128x40xf32, #tpu.memory_space<vmem>>) target(%dma_start3A_569 : memref<10112x40xf32, #tpu.memory_space<vmem_shared>>) offsets(%dma_start3A_566 : memref<128xi32, #tpu.memory_space<vmem>>) semaphore(%arg16 : memref<!tpu.dma_semaphore, #tpu.memory_space<semaphore_mem>>) {add = true}
      %mul3A_570 = arith.constant 5 : i32
      %mul3A_571 = arith.muli %add3A_517, %mul3A_570 : i32
      %add3A_572 = arith.constant 4 : i32
      %add3A_573 = arith.addi %mul3A_571, %add3A_572 : i32
      %dma_start3A_574 = arith.constant 512 : i32
      %dma_start3A_575 = arith.constant 0 : i32
      %dma_start3A_576 = tpu.memref_slice %arg9[%dma_start3A_574, %dma_start3A_575] : memref<640x40xf32, #tpu.memory_space<vmem>> -> memref<128x40xf32, #tpu.memory_space<vmem>>
      %dma_start3A_577 = arith.constant 0 : i32
      %dma_start3A_578 = tpu.memref_slice %arg7[%add3A_573, %dma_start3A_577] : memref<80x128xi32, #tpu.memory_space<vmem>> -> memref<1x128xi32, #tpu.memory_space<vmem>>
      %dma_start3A_579 = tpu.memref_squeeze %dma_start3A_578 : memref<1x128xi32, #tpu.memory_space<vmem>> -> memref<128xi32, #tpu.memory_space<vmem>>
      %dma_start3A_580 = arith.constant 0 : i32
      %dma_start3A_581 = arith.constant 0 : i32
      %dma_start3A_582 = tpu.memref_slice %arg12[%dma_start3A_580, %dma_start3A_581] : memref<10112x40xf32, #tpu.memory_space<vmem_shared>> -> memref<10112x40xf32, #tpu.memory_space<vmem_shared>>
      tpu.enqueue_indirect_dma source(%dma_start3A_576 : memref<128x40xf32, #tpu.memory_space<vmem>>) target(%dma_start3A_582 : memref<10112x40xf32, #tpu.memory_space<vmem_shared>>) offsets(%dma_start3A_579 : memref<128xi32, #tpu.memory_space<vmem>>) semaphore(%arg16 : memref<!tpu.dma_semaphore, #tpu.memory_space<semaphore_mem>>) {add = true}
      %add3A_583 = arith.constant 1 : i32
      %add3A_584 = arith.addi %mul3A_180, %add3A_583 : i32
      %mul3A_585 = arith.constant 5 : i32
      %mul3A_586 = arith.muli %add3A_584, %mul3A_585 : i32
      %add3A_587 = arith.constant 0 : i32
      %add3A_588 = arith.addi %mul3A_586, %add3A_587 : i32
      %dma_wait3A_589 = arith.constant 0 : i32
      %dma_wait3A_590 = arith.constant 0 : i32
      %dma_wait3A_591 = tpu.memref_slice %arg9[%dma_wait3A_589, %dma_wait3A_590] : memref<640x40xf32, #tpu.memory_space<vmem>> -> memref<128x40xf32, #tpu.memory_space<vmem>>
      %dma_wait3A_592 = arith.constant 0 : i32
      %dma_wait3A_593 = tpu.memref_slice %arg7[%add3A_588, %dma_wait3A_592] : memref<80x128xi32, #tpu.memory_space<vmem>> -> memref<1x128xi32, #tpu.memory_space<vmem>>
      %dma_wait3A_594 = tpu.memref_squeeze %dma_wait3A_593 : memref<1x128xi32, #tpu.memory_space<vmem>> -> memref<128xi32, #tpu.memory_space<vmem>>
      %dma_wait3A_595 = arith.constant 0 : i32
      %dma_wait3A_596 = arith.constant 0 : i32
      %dma_wait3A_597 = tpu.memref_slice %arg12[%dma_wait3A_595, %dma_wait3A_596] : memref<10112x40xf32, #tpu.memory_space<vmem_shared>> -> memref<10112x40xf32, #tpu.memory_space<vmem_shared>>
      tpu.wait_indirect_dma semaphore(%arg16 : memref<!tpu.dma_semaphore, #tpu.memory_space<semaphore_mem>>) src(%dma_wait3A_591 : memref<128x40xf32, #tpu.memory_space<vmem>>) dst(%dma_wait3A_597 : memref<10112x40xf32, #tpu.memory_space<vmem_shared>>)
      %mul3A_598 = arith.constant 5 : i32
      %mul3A_599 = arith.muli %add3A_584, %mul3A_598 : i32
      %add3A_600 = arith.constant 1 : i32
      %add3A_601 = arith.addi %mul3A_599, %add3A_600 : i32
      %dma_wait3A_602 = arith.constant 128 : i32
      %dma_wait3A_603 = arith.constant 0 : i32
      %dma_wait3A_604 = tpu.memref_slice %arg9[%dma_wait3A_602, %dma_wait3A_603] : memref<640x40xf32, #tpu.memory_space<vmem>> -> memref<128x40xf32, #tpu.memory_space<vmem>>
      %dma_wait3A_605 = arith.constant 0 : i32
      %dma_wait3A_606 = tpu.memref_slice %arg7[%add3A_601, %dma_wait3A_605] : memref<80x128xi32, #tpu.memory_space<vmem>> -> memref<1x128xi32, #tpu.memory_space<vmem>>
      %dma_wait3A_607 = tpu.memref_squeeze %dma_wait3A_606 : memref<1x128xi32, #tpu.memory_space<vmem>> -> memref<128xi32, #tpu.memory_space<vmem>>
      %dma_wait3A_608 = arith.constant 0 : i32
      %dma_wait3A_609 = arith.constant 0 : i32
      %dma_wait3A_610 = tpu.memref_slice %arg12[%dma_wait3A_608, %dma_wait3A_609] : memref<10112x40xf32, #tpu.memory_space<vmem_shared>> -> memref<10112x40xf32, #tpu.memory_space<vmem_shared>>
      tpu.wait_indirect_dma semaphore(%arg16 : memref<!tpu.dma_semaphore, #tpu.memory_space<semaphore_mem>>) src(%dma_wait3A_604 : memref<128x40xf32, #tpu.memory_space<vmem>>) dst(%dma_wait3A_610 : memref<10112x40xf32, #tpu.memory_space<vmem_shared>>)
      %mul3A_611 = arith.constant 5 : i32
      %mul3A_612 = arith.muli %add3A_584, %mul3A_611 : i32
      %add3A_613 = arith.constant 2 : i32
      %add3A_614 = arith.addi %mul3A_612, %add3A_613 : i32
      %dma_wait3A_615 = arith.constant 256 : i32
      %dma_wait3A_616 = arith.constant 0 : i32
      %dma_wait3A_617 = tpu.memref_slice %arg9[%dma_wait3A_615, %dma_wait3A_616] : memref<640x40xf32, #tpu.memory_space<vmem>> -> memref<128x40xf32, #tpu.memory_space<vmem>>
      %dma_wait3A_618 = arith.constant 0 : i32
      %dma_wait3A_619 = tpu.memref_slice %arg7[%add3A_614, %dma_wait3A_618] : memref<80x128xi32, #tpu.memory_space<vmem>> -> memref<1x128xi32, #tpu.memory_space<vmem>>
      %dma_wait3A_620 = tpu.memref_squeeze %dma_wait3A_619 : memref<1x128xi32, #tpu.memory_space<vmem>> -> memref<128xi32, #tpu.memory_space<vmem>>
      %dma_wait3A_621 = arith.constant 0 : i32
      %dma_wait3A_622 = arith.constant 0 : i32
      %dma_wait3A_623 = tpu.memref_slice %arg12[%dma_wait3A_621, %dma_wait3A_622] : memref<10112x40xf32, #tpu.memory_space<vmem_shared>> -> memref<10112x40xf32, #tpu.memory_space<vmem_shared>>
      tpu.wait_indirect_dma semaphore(%arg16 : memref<!tpu.dma_semaphore, #tpu.memory_space<semaphore_mem>>) src(%dma_wait3A_617 : memref<128x40xf32, #tpu.memory_space<vmem>>) dst(%dma_wait3A_623 : memref<10112x40xf32, #tpu.memory_space<vmem_shared>>)
      %mul3A_624 = arith.constant 5 : i32
      %mul3A_625 = arith.muli %add3A_584, %mul3A_624 : i32
      %add3A_626 = arith.constant 3 : i32
      %add3A_627 = arith.addi %mul3A_625, %add3A_626 : i32
      %dma_wait3A_628 = arith.constant 384 : i32
      %dma_wait3A_629 = arith.constant 0 : i32
      %dma_wait3A_630 = tpu.memref_slice %arg9[%dma_wait3A_628, %dma_wait3A_629] : memref<640x40xf32, #tpu.memory_space<vmem>> -> memref<128x40xf32, #tpu.memory_space<vmem>>
      %dma_wait3A_631 = arith.constant 0 : i32
      %dma_wait3A_632 = tpu.memref_slice %arg7[%add3A_627, %dma_wait3A_631] : memref<80x128xi32, #tpu.memory_space<vmem>> -> memref<1x128xi32, #tpu.memory_space<vmem>>
      %dma_wait3A_633 = tpu.memref_squeeze %dma_wait3A_632 : memref<1x128xi32, #tpu.memory_space<vmem>> -> memref<128xi32, #tpu.memory_space<vmem>>
      %dma_wait3A_634 = arith.constant 0 : i32
      %dma_wait3A_635 = arith.constant 0 : i32
      %dma_wait3A_636 = tpu.memref_slice %arg12[%dma_wait3A_634, %dma_wait3A_635] : memref<10112x40xf32, #tpu.memory_space<vmem_shared>> -> memref<10112x40xf32, #tpu.memory_space<vmem_shared>>
      tpu.wait_indirect_dma semaphore(%arg16 : memref<!tpu.dma_semaphore, #tpu.memory_space<semaphore_mem>>) src(%dma_wait3A_630 : memref<128x40xf32, #tpu.memory_space<vmem>>) dst(%dma_wait3A_636 : memref<10112x40xf32, #tpu.memory_space<vmem_shared>>)
      %mul3A_637 = arith.constant 5 : i32
      %mul3A_638 = arith.muli %add3A_584, %mul3A_637 : i32
      %add3A_639 = arith.constant 4 : i32
      %add3A_640 = arith.addi %mul3A_638, %add3A_639 : i32
      %dma_wait3A_641 = arith.constant 512 : i32
      %dma_wait3A_642 = arith.constant 0 : i32
      %dma_wait3A_643 = tpu.memref_slice %arg9[%dma_wait3A_641, %dma_wait3A_642] : memref<640x40xf32, #tpu.memory_space<vmem>> -> memref<128x40xf32, #tpu.memory_space<vmem>>
      %dma_wait3A_644 = arith.constant 0 : i32
      %dma_wait3A_645 = tpu.memref_slice %arg7[%add3A_640, %dma_wait3A_644] : memref<80x128xi32, #tpu.memory_space<vmem>> -> memref<1x128xi32, #tpu.memory_space<vmem>>
      %dma_wait3A_646 = tpu.memref_squeeze %dma_wait3A_645 : memref<1x128xi32, #tpu.memory_space<vmem>> -> memref<128xi32, #tpu.memory_space<vmem>>
      %dma_wait3A_647 = arith.constant 0 : i32
      %dma_wait3A_648 = arith.constant 0 : i32
      %dma_wait3A_649 = tpu.memref_slice %arg12[%dma_wait3A_647, %dma_wait3A_648] : memref<10112x40xf32, #tpu.memory_space<vmem_shared>> -> memref<10112x40xf32, #tpu.memory_space<vmem_shared>>
      tpu.wait_indirect_dma semaphore(%arg16 : memref<!tpu.dma_semaphore, #tpu.memory_space<semaphore_mem>>) src(%dma_wait3A_643 : memref<128x40xf32, #tpu.memory_space<vmem>>) dst(%dma_wait3A_649 : memref<10112x40xf32, #tpu.memory_space<vmem_shared>>)
    }
    %scan3A_172 = arith.constant 8 : i32
    %barrier3A_173 = arith.constant 0 : index
    tpu.barrier barrier_id(%barrier3A_173)
    "tpu.region"() ({
      %run_scoped3A_174 = tpu.sem_alloc : memref<!tpu.dma_semaphore, #tpu.memory_space<semaphore_mem>>
      %dma_start3A_175 = arith.constant 0 : i32
      %dma_start3A_176 = arith.constant 0 : i32
      %dma_start3A_177 = tpu.memref_slice %arg5[%arg0, %dma_start3A_175, %dma_start3A_176] : memref<2x10112x40xf32, #tpu.memory_space<hbm>> -> memref<1x10112x40xf32, #tpu.memory_space<hbm>>
      %dma_start3A_178 = tpu.memref_squeeze %dma_start3A_177 : memref<1x10112x40xf32, #tpu.memory_space<hbm>> -> memref<10112x40xf32, #tpu.memory_space<hbm>>
      %dma_start3A_179 = arith.constant 0 : i32
      %dma_start3A_180 = tpu.memref_slice %dma_start3A_178[%mul3A_2, %dma_start3A_179] : memref<10112x40xf32, #tpu.memory_space<hbm>> -> memref<632x40xf32, #tpu.memory_space<hbm>>
      %dma_start3A_181 = arith.constant 0 : i32
      %dma_start3A_182 = tpu.memref_slice %arg12[%mul3A_2, %dma_start3A_181] : memref<10112x40xf32, #tpu.memory_space<vmem_shared>> -> memref<632x40xf32, #tpu.memory_space<vmem_shared>>
      tpu.enqueue_dma source(%dma_start3A_182 : memref<632x40xf32, #tpu.memory_space<vmem_shared>>) target(%dma_start3A_180 : memref<632x40xf32, #tpu.memory_space<hbm>>) target_semaphore(%run_scoped3A_174 : memref<!tpu.dma_semaphore, #tpu.memory_space<semaphore_mem>>)
      %dma_wait3A_183 = arith.constant 0 : i32
      %dma_wait3A_184 = arith.constant 0 : i32
      %dma_wait3A_185 = tpu.memref_slice %arg5[%arg0, %dma_wait3A_183, %dma_wait3A_184] : memref<2x10112x40xf32, #tpu.memory_space<hbm>> -> memref<1x10112x40xf32, #tpu.memory_space<hbm>>
      %dma_wait3A_186 = tpu.memref_squeeze %dma_wait3A_185 : memref<1x10112x40xf32, #tpu.memory_space<hbm>> -> memref<10112x40xf32, #tpu.memory_space<hbm>>
      %dma_wait3A_187 = arith.constant 0 : i32
      %dma_wait3A_188 = tpu.memref_slice %dma_wait3A_186[%mul3A_2, %dma_wait3A_187] : memref<10112x40xf32, #tpu.memory_space<hbm>> -> memref<632x40xf32, #tpu.memory_space<hbm>>
      %dma_wait3A_189 = arith.constant 0 : i32
      %dma_wait3A_190 = tpu.memref_slice %arg12[%mul3A_2, %dma_wait3A_189] : memref<10112x40xf32, #tpu.memory_space<vmem_shared>> -> memref<632x40xf32, #tpu.memory_space<vmem_shared>>
      tpu.wait_dma2 semaphore(%run_scoped3A_174 : memref<!tpu.dma_semaphore, #tpu.memory_space<semaphore_mem>>) src(%dma_wait3A_190 : memref<632x40xf32, #tpu.memory_space<vmem_shared>>) dst(%dma_wait3A_188 : memref<632x40xf32, #tpu.memory_space<hbm>>)
      tpu.yield
    }) : () -> ()
    return
  }
}

module attributes {stable_mosaic.version = 14 : i64} {
  func.func @body(%arg0: memref<10000x128xf32, #tpu.memory_space<vmem>>, %arg1: memref<128x40xf32, #tpu.memory_space<vmem>>, %arg2: memref<10112x40xf32, #tpu.memory_space<vmem>>) attributes {dimension_semantics = [], scalar_prefetch = 0 : i64, scratch_operands = 0 : i64, tpu.core_type = #tpu.core_type<tc>} {
    %get3A = arith.constant 0 : index
    %get3A_0 = arith.constant 0 : index
    %get3A_1 = vector.load %arg0[%get3A, %get3A_0] : memref<10000x128xf32, #tpu.memory_space<vmem>>, vector<10000x128xf32>
    %get3A_2 = arith.constant 0 : index
    %get3A_3 = arith.constant 0 : index
    %get3A_4 = vector.load %arg1[%get3A_2, %get3A_3] : memref<128x40xf32, #tpu.memory_space<vmem>>, vector<128x40xf32>
    %dot_general3A = arith.constant dense<0.000000e+00> : vector<10000x40xf32>
    %dot_general3A_5 = tpu.matmul %get3A_1, %get3A_4, %dot_general3A {dimension_numbers = #tpu.dot_dimension_numbers<[1], [0], [0], [1], [0, 0, 1, 1], [], []>, transpose_lhs_hint = false} : vector<10000x128xf32>, vector<128x40xf32>, vector<10000x40xf32> -> vector<10000x40xf32>
    %swap3A = arith.constant 0 : index
    %swap3A_6 = arith.constant 0 : index
    %swap3A_7 = vector.load %arg2[%swap3A, %swap3A_6] : memref<10112x40xf32, #tpu.memory_space<vmem>>, vector<10000x40xf32>
    tpu.vector_store %arg2[%swap3A, %swap3A_6], %dot_general3A_5 {strides = array<i32>} : memref<10112x40xf32, #tpu.memory_space<vmem>>, vector<10000x40xf32>,
    %broadcast_in_dim3A = arith.constant 0.000000e+00 : f32
    %broadcast_in_dim3A_8 = vector.broadcast %broadcast_in_dim3A : f32 to vector<112x40xf32>
    %swap3A_9 = arith.constant 10000 : index
    %swap3A_10 = arith.constant 0 : index
    %swap3A_11 = vector.load %arg2[%swap3A_9, %swap3A_10] : memref<10112x40xf32, #tpu.memory_space<vmem>>, vector<112x40xf32>
    tpu.vector_store %arg2[%swap3A_9, %swap3A_10], %broadcast_in_dim3A_8 {strides = array<i32>} : memref<10112x40xf32, #tpu.memory_space<vmem>>, vector<112x40xf32>,
    return
  }
}

module attributes {stable_mosaic.version = 14 : i64} {
  func.func @body(%arg0: memref<2x10240xf32, #tpu.memory_space<vmem>>, %arg1: memref<10240xf32, #tpu.memory_space<vmem>>, %arg2: memref<10240xf32, #tpu.memory_space<vmem>>) attributes {dimension_semantics = [], scalar_prefetch = 0 : i64, scratch_operands = 0 : i64, tpu.core_type = #tpu.core_type<tc>} {
    %get3A = arith.constant 0 : index
    %get3A_0 = arith.constant 0 : index
    %get3A_1 = vector.load %arg0[%get3A, %get3A_0] : memref<2x10240xf32, #tpu.memory_space<vmem>>, vector<1x10240xf32>
    %get3A_2 = arith.constant 1 : index
    %get3A_3 = arith.constant 0 : index
    %get3A_4 = vector.load %arg0[%get3A_2, %get3A_3] : memref<2x10240xf32, #tpu.memory_space<vmem>>, vector<1x10240xf32>
    %add3A = arith.addf %get3A_1, %get3A_4 : vector<1x10240xf32>
    %add3A_5 = arith.constant 1.000000e+00 : f32
    %add3A_6 = vector.broadcast %add3A_5 : f32 to vector<1x10240xf32>
    %add3A_7 = arith.addf %add3A, %add3A_6 : vector<1x10240xf32>
    %rsqrt3A = math.rsqrt %add3A_7 : vector<1x10240xf32>
    %reshape3A = vector.shape_cast %rsqrt3A : vector<1x10240xf32> to vector<10240xf32>
    %swap3A = arith.constant 0 : index
    %swap3A_8 = vector.load %arg1[%swap3A] : memref<10240xf32, #tpu.memory_space<vmem>>, vector<10240xf32>
    tpu.vector_store %arg1[%swap3A], %reshape3A {strides = array<i32>} : memref<10240xf32, #tpu.memory_space<vmem>>, vector<10240xf32>,
    %div3A = arith.constant 1.000000e+00 : f32
    %div3A_9 = vector.broadcast %div3A : f32 to vector<1x10240xf32>
    %div3A_10 = arith.divf %div3A_9, %add3A_7 : vector<1x10240xf32>
    %reshape3A_11 = vector.shape_cast %div3A_10 : vector<1x10240xf32> to vector<10240xf32>
    %swap3A_12 = arith.constant 0 : index
    %swap3A_13 = vector.load %arg2[%swap3A_12] : memref<10240xf32, #tpu.memory_space<vmem>>, vector<10240xf32>
    tpu.vector_store %arg2[%swap3A_12], %reshape3A_11 {strides = array<i32>} : memref<10240xf32, #tpu.memory_space<vmem>>, vector<10240xf32>,
    return
  }
}

module attributes {stable_mosaic.version = 14 : i64} {
  func.func @body(%arg0: memref<2x10112x40xf32, #tpu.memory_space<vmem>>, %arg1: memref<10240xf32, #tpu.memory_space<vmem>>, %arg2: memref<1x40xf32, #tpu.memory_space<vmem>>, %arg3: memref<10000x40xf32, #tpu.memory_space<vmem>>) attributes {dimension_semantics = [], scalar_prefetch = 0 : i64, scratch_operands = 0 : i64, tpu.core_type = #tpu.core_type<tc>} {
    %get3A = arith.constant 0 : index
    %get3A_0 = vector.load %arg1[%get3A] : memref<10240xf32, #tpu.memory_space<vmem>>, vector<10000xf32>
    %reshape3A = vector.shape_cast %get3A_0 : vector<10000xf32> to vector<10000x1xf32>
    %get3A_1 = arith.constant 0 : index
    %get3A_2 = arith.constant 0 : index
    %get3A_3 = arith.constant 0 : index
    %get3A_4 = vector.load %arg0[%get3A_1, %get3A_2, %get3A_3] : memref<2x10112x40xf32, #tpu.memory_space<vmem>>, vector<1x10000x40xf32>
    %get3A_5 = vector.shape_cast %get3A_4 : vector<1x10000x40xf32> to vector<10000x40xf32>
    %get3A_6 = arith.constant 1 : index
    %get3A_7 = arith.constant 0 : index
    %get3A_8 = arith.constant 0 : index
    %get3A_9 = vector.load %arg0[%get3A_6, %get3A_7, %get3A_8] : memref<2x10112x40xf32, #tpu.memory_space<vmem>>, vector<1x10000x40xf32>
    %get3A_10 = vector.shape_cast %get3A_9 : vector<1x10000x40xf32> to vector<10000x40xf32>
    %add3A = arith.addf %get3A_5, %get3A_10 : vector<10000x40xf32>
    %mul3A = vector.broadcast %reshape3A : vector<10000x1xf32> to vector<10000x40xf32>
    %mul3A_11 = arith.mulf %add3A, %mul3A : vector<10000x40xf32>
    %get3A_12 = arith.constant 0 : index
    %get3A_13 = arith.constant 0 : index
    %get3A_14 = vector.load %arg2[%get3A_12, %get3A_13] : memref<1x40xf32, #tpu.memory_space<vmem>>, vector<1x40xf32>
    %add3A_15 = vector.broadcast %get3A_14 : vector<1x40xf32> to vector<10000x40xf32>
    %add3A_16 = arith.addf %mul3A_11, %add3A_15 : vector<10000x40xf32>
    %reduce_max3A = arith.constant dense<0xFF800000> : vector<10000xf32>
    %reduce_max3A_17 = vector.multi_reduction <maximumf>, %add3A_16, %reduce_max3A [1] : vector<10000x40xf32> to vector<10000xf32>
    %broadcast_in_dim3A = vector.shape_cast %reduce_max3A_17 : vector<10000xf32> to vector<10000x1xf32>
    %sub3A = vector.broadcast %broadcast_in_dim3A : vector<10000x1xf32> to vector<10000x40xf32>
    %sub3A_18 = arith.subf %add3A_16, %sub3A : vector<10000x40xf32>
    %exp3A = math.exp %sub3A_18 : vector<10000x40xf32>
    %reduce_sum3A = arith.constant dense<0.000000e+00> : vector<10000xf32>
    %reduce_sum3A_19 = vector.multi_reduction <add>, %exp3A, %reduce_sum3A [1] : vector<10000x40xf32> to vector<10000xf32>
    %broadcast_in_dim3A_20 = vector.shape_cast %reduce_sum3A_19 : vector<10000xf32> to vector<10000x1xf32>
    %log3A = math.log %broadcast_in_dim3A_20 : vector<10000x1xf32>
    %add3A_21 = arith.addf %log3A, %broadcast_in_dim3A : vector<10000x1xf32>
    %sub3A_22 = vector.broadcast %add3A_21 : vector<10000x1xf32> to vector<10000x40xf32>
    %sub3A_23 = arith.subf %add3A_16, %sub3A_22 : vector<10000x40xf32>
    %swap3A = arith.constant 0 : index
    %swap3A_24 = arith.constant 0 : index
    %swap3A_25 = vector.load %arg3[%swap3A, %swap3A_24] : memref<10000x40xf32, #tpu.memory_space<vmem>>, vector<10000x40xf32>
    tpu.vector_store %arg3[%swap3A, %swap3A_24], %sub3A_23 {strides = array<i32>} : memref<10000x40xf32, #tpu.memory_space<vmem>>, vector<10000x40xf32>,
    return
  }
}

</mosaic_0001>

<sc_bundles>
// kernel: kernel.11.cloned.1.call-start
scs
__scs_entry_jumppad:
0x0: {  	(pc) =	sbr.rel $0x88, $3  }
0x1: {  	(tag) =	ssettag $0x0;
	lr =	simm.s32 $0x1  }
0x2: {  	[smem:$0x3F9D] =	sst lr;
	_ =	strace $0xD0000000  }
0x3: {  	_ = 	snop  }
0x4: {  	_ = 	snop  }
0x5: {  	_ = 	snop  }
0x6: {  	_ = 	snop  }
0x7: {  	_ = 	snop  }
__scs_overlays_trampoline_lowered:
0x8: {  	[smem:$0x3FAC] =	sst s0  }
0x9: {  	[smem:$0x3FAD] =	sst s1  }
0xa: {  	[smem:$0x3FAE] =	sst s2  }
0xb: {  	[smem:$0x3FAF] =	sst s3  }
0xc: {  	[smem:$0x3FB0] =	sst s4  }
0xd: {  	[smem:$0x3FB1] =	sst s5  }
0xe: {  	[smem:$0x3FB2] =	sst s6  }
0xf: {  	[smem:$0x3FB3] =	sst s7  }
0x10: {  	[smem:$0x3FB4] =	sst s8  }
0x11: {  	[smem:$0x3FB5] =	sst s9;
	s0 =	simm.s32 @!p0 $0x0  }
0x12: {  	s1 =	sld [smem:$0x3F9B];
	s0 =	simm.s32 @p0 $0x1  }
0x13: {  	[smem:$0x3FB6] =	sst s0;
	s0 =	simm.s32 @!p1 $0x0  }
0x14: {  	s2 =	sld [smem:$0x3F9A];
	s0 =	simm.s32 @p1 $0x1  }
0x15: {  	[smem:$0x3FB7] =	sst s0;
	s0 =	simm.s32 @!p2 $0x0  }
0x16: {  	s3 =	sld [smem:$0x3FDB];
	s0 =	simm.s32 @p2 $0x1  }
0x17: {  	s4 =	simm.s32 $0x1BF5;
	[smem:$0x3FB9] =	sst s0  }
0x18: {  	s0 =	sld [smem:$0x3F9C];
	_ =	swait.ge [sflag:s4], $0x0  }
0x19: {  	s7 =	sld [smem:$0x3F9D]  }
0x1a: {  	s8 =	sadd.s32 $0xFFFFE003, lr  }
0x1b: {  	s9 =	sadd.s32 $0xFFFFFEF7, lr;
	s5 =	simm.s32 $0xFFFFFFFF;
	p2 =	slt.u32 s8, $0xFFFFF086  }
0x1c: {  	p1 =	slt.u32 s9, $0xF7A;
	s5 =	simm.s32 @!p2 $0x0  }
0x1d: {  	s5 =	simm.s32 @p1 $0x1;
	p0 =	seq.s32 s7, s2  }
0x1e: {  	s7 =	smul.u32 @!p0 $0xF7A, s2;
	p2 =	seq.s32 @!p0 s5, $0x0  }
0x1f: {  	s9 =	smul.u32 $0xF7A, s1;
	s8 =	simm.s32 @!p0 $0x1BF5;
	p2 =	por !p2, p0  }
0x20: {  	[sflag:s8] =	ssyncset.s32 @!p0 $0xFFFFF086;
	s6 =	sadd.s32 @!p0 s3, s7;
	s7 =	simm.s32 @!p0 $0x108  }
0x21: {  	s3 =	sadd.s32 s3, s9;
	s6 =	sadd.s32 @!p0 $0x88, s6;
	s7 =	simm.s32 @p2 $0x1082  }
0x22: {  	[simem:s7], [sflag:s8] =	dma.local @!p0 [hbm:s6], $0xF7A  }
0x23: {  	s9 =	sor.u32 $0xD0000000, s2;
	s6 =	simm.s32 $0x108;
	_ =	swait.ge @!p0 [sflag:s8], $0x0  }
0x24: {  	s3 =	sadd.s32 $0x88, s3;
	s6 =	simm.s32 @!p1 $0x1082;
	[sflag:s4] =	ssyncset.s32 $0xFFFFF086  }
0x25: {  	[simem:s6], [sflag:s4] =	dma.local [hbm:s3], $0xF7A  }
0x26: {  	[smem:$0x3F9D] =	sst s1;
	(tag) =	ssettag s2;
	_ =	strace s9  }
0x27: {  	s1 =	sld [smem:$0x3FAD]  }
0x28: {  	s2 =	sld [smem:$0x3FAE]  }
0x29: {  	s4 =	sld [smem:$0x3FB0]  }
0x2a: {  	p0 =	seq.s32 s5, $0x0;
	s5 =	sld [smem:$0x3FB1]  }
0x2b: {  	s6 =	sld [smem:$0x3FB2]  }
0x2c: {  	s7 =	sld [smem:$0x3FB3]  }
0x2d: {  	s3 =	simm.s32 $0x108;
	s8 =	sld [smem:$0x3FB4]  }
0x2e: {  	s3 =	simm.s32 @!p0 $0x1082;
	s9 =	sld [smem:$0x3FB5]  }
0x2f: {  	lr =	sadd.s32 s0, s3;
	s0 =	sld [smem:$0x3FAC]  }
0x30: {  	s3 =	sld [smem:$0x3FAF]  }
0x31: {  	[smem:$0x3FB8] =	sst s10  }
0x32: {  	s10 =	sld [smem:$0x3FB6];
	_ =	sdelay $0x3  }
0x33: {  	p0 =	seq.s32 s10, $0x1;
	s10 =	sld [smem:$0x3FB8];
	_ =	sdelay $0x3  }
0x34: {  	[smem:$0x3FB8] =	sst s10  }
0x35: {  	s10 =	sld [smem:$0x3FB7];
	_ =	sdelay $0x3  }
0x36: {  	p1 =	seq.s32 s10, $0x1;
	s10 =	sld [smem:$0x3FB8];
	_ =	sdelay $0x3  }
0x37: {  	[smem:$0x3FB8] =	sst s10  }
0x38: {  	s10 =	sld [smem:$0x3FB9]  }
0x39: {  	_ = 	snop;
	(pc) =	sbr.ind lr, $3  }
0x3a: {  	_ = 	snop  }
0x3b: {  	_ = 	snop  }
0x3c: {  	p2 =	seq.s32 s10, $0x1;
	s10 =	sld [smem:$0x3FB8]  }
0x3d: {  	_ =	shalt  }
0x3e: {  	_ =	shalt  }
0x3f: {  	_ =	shalt  }
0x40: {  	_ =	shalt  }
0x41: {  	_ =	shalt  }
0x42: {  	_ =	shalt  }
0x43: {  	_ =	shalt  }
0x44: {  	_ =	shalt  }
0x45: {  	_ =	shalt  }
0x46: {  	_ =	shalt  }
0x47: {  	_ =	shalt  }
0x48: {  	_ =	shalt  }
0x49: {  	_ =	shalt  }
0x4a: {  	_ =	shalt  }
0x4b: {  	_ =	shalt  }
0x4c: {  	_ =	shalt  }
0x4d: {  	_ =	shalt  }
0x4e: {  	_ =	shalt  }
0x4f: {  	_ =	shalt  }
0x50: {  	_ =	shalt  }
0x51: {  	_ =	shalt  }
0x52: {  	_ =	shalt  }
0x53: {  	_ =	shalt  }
0x54: {  	_ =	shalt  }
0x55: {  	_ =	shalt  }
0x56: {  	_ =	shalt  }
0x57: {  	_ =	shalt  }
0x58: {  	_ =	shalt  }
0x59: {  	_ =	shalt  }
0x5a: {  	_ =	shalt  }
0x5b: {  	_ =	shalt  }
0x5c: {  	_ =	shalt  }
0x5d: {  	_ =	shalt  }
0x5e: {  	_ =	shalt  }
0x5f: {  	_ =	shalt  }
0x60: {  	_ =	shalt  }
0x61: {  	_ =	shalt  }
0x62: {  	_ =	shalt  }
0x63: {  	_ =	shalt  }
0x64: {  	_ =	shalt  }
0x65: {  	_ =	shalt  }
0x66: {  	_ =	shalt  }
0x67: {  	_ =	shalt  }
0x68: {  	_ =	shalt  }
0x69: {  	_ =	shalt  }
0x6a: {  	_ =	shalt  }
0x6b: {  	_ =	shalt  }
0x6c: {  	_ =	shalt  }
0x6d: {  	_ =	shalt  }
0x6e: {  	_ =	shalt  }
0x6f: {  	_ =	shalt  }
0x70: {  	_ =	shalt  }
0x71: {  	_ =	shalt  }
0x72: {  	_ =	shalt  }
0x73: {  	_ =	shalt  }
0x74: {  	_ =	shalt  }
0x75: {  	_ =	shalt  }
0x76: {  	_ =	shalt  }
0x77: {  	_ =	shalt  }
0x78: {  	_ =	shalt  }
0x79: {  	_ =	shalt  }
0x7a: {  	_ =	shalt  }
0x7b: {  	_ =	shalt  }
0x7c: {  	_ =	shalt  }
0x7d: {  	_ =	shalt  }
0x7e: {  	_ =	shalt  }
0x7f: {  	_ =	shalt  }
0x80: {  	_ =	shalt  }
0x81: {  	_ =	shalt  }
0x82: {  	_ =	shalt  }
0x83: {  	_ =	shalt  }
0x84: {  	_ =	shalt  }
0x85: {  	_ =	shalt  }
0x86: {  	_ =	shalt  }
0x87: {  	_ =	shalt  }
.Lfunc_end0:
.L_simem_size_0:
called_computation.1_lowered:
.L_overlay_start_0:
0x88: {  	s2 =	sld [smem:$0x3FD9]  }
0x89: {  	s3 =	sld [smem:$0x3FFE];
	_ =	sdelay $0x1  }
0x8a: {  	s1 =	srdreg.scid  }
0x8b: {  	s0 =	sand.u32 $0x1, s1  }
0x8c: {  	s17 =	sshll.u32 s0, $0xA;
	s2 =	sadd.s32 s3, s2  }
0x8d: {  	s2 =	sadd.s32 s2, s17  }
0x8e: {  	[smem:$0x3FC4] =	sst s2  }
0x8f: {  	_ = 	snop  }
0x90: {  	s2 =	sld [smem:$0x3FD0];
	(tm) =	ssettm $0x1  }
0x91: {  	s18 =	sld [smem:$0x3FFB];
	_ =	sdelay $0x3  }
0x92: {  	_ =	strace s18  }
0x93: {  	s3 =	sld [smem:$0x3FFC];
	_ =	sdelay $0x3  }
0x94: {  	_ =	strace s3  }
0x95: {  	s3 =	sld [smem:$0x3FFD];
	_ =	sdelay $0x3  }
0x96: {  	_ =	strace s3  }
0x97: {  	_ =	strace $0x8FFFFFFF  }
0x98: {  	s19 =	sld [smem:$0x3FDB];
	_ =	sdelay $0x1  }
0x99: {  	s4 =	simm.s32 $_scs_section_size  }
0x9a: {  	s5 =	simm.s32 $_size__tile_overlayer_lowered;
	s6 =	simm.s32 $_tile_overlayer_lowered  }
0x9b: {  	s22 =	simm.s32 $0x1BFF;
	s21 =	sshll.u32 s6, $0x1;
	s3 =	sadd.s32 s4, s19  }
0x9c: {  	s7 =	simm.s32 $0x0;
	s20 =	sshll.u32 s5, $0x1;
	s5 =	sadd.s32 s21, s3  }
0x9d: {  	[timem:s7], [sflag:s22] =	dma.local [hbm:s5], s20  }
0x9e: {  	_ =	swait.ge [sflag:s22], s20  }
0x9f: {  	s4 =	ssub.s32 $0x0, s20;
	[sflag:s22] =	ssyncset.done $0x0  }
0xa0: {  	[sflag:s22] =	ssyncadd.s32 s4;
	_ =	sdelay $0x1  }
0xa1: {  	s23 =	simm.s32 $0x1B8B  }
0xa2: {  	_ =	swait.ge [sflag:s23], $0x1  }
0xa3: {  	[sflag:s23] =	ssyncset.done $0x0  }
0xa4: {  	s25 =	simm.s32 $0x1B8E;
	s24 =	sld [smem:$0x3FFE];
	[sflag:s23] =	ssyncadd.s32 $0xFFFFFFFF  }
0xa5: {  	s26 =	simm.s32 $execute0_lowered;
	[smem:$0x3FD2] =	sst s25  }
0xa6: {  	s5 =	sshll.u32 s26, $0x1;
	_ =	strace $0x80000049;
	[dreg:$0x1] =	wrdreg $0xFFFFFFFF  }
0xa7: {  	s28 =	simm.s32 $_size_execute0_lowered;
	s3 =	sadd.s32 s3, s5;
	[dreg:$0x0] =	wrdreg $0x0  }
0xa8: {  	s5 =	sshll.u32 s28, $0x1;
	[dreg:$0x2] =	wrdreg s3  }
0xa9: {  	[dreg:$0x3] =	wrdreg s5  }
0xaa: {  	[dreg:$0x4] =	wrdreg $0xC0  }
0xab: {  	_ =	task [dreg:s7], $0x5FFFF  }
0xac: {  	[dreg:$0x1] =	wrdreg $0xFFFFFFFF  }
0xad: {  	[dreg:$0x0] =	wrdreg $0x60  }
0xae: {  	[dreg:$0x2] =	wrdreg s2  }
0xaf: {  	[dreg:$0x3] =	wrdreg s24  }
0xb0: {  	[dreg:$0x4] =	wrdreg $0x11A780  }
0xb1: {  	[dreg:$0x5] =	wrdreg $0x17D380  }
0xb2: {  	[dreg:$0x6] =	wrdreg $0x9  }
0xb3: {  	_ =	task.clear_ibuf [dreg:s7], $0x7FFFF;
	_ =	strace $0x90000049  }
0xb4: {  	s29 =	simm.s32 $0x9;
	_ =	strace $0x8000004B  }
0xb5: {  	_ =	swait.ge [sflag:s29], $0x1  }
0xb6: {  	[sflag:s29] =	ssyncadd.s32 $0xFFFFFFFF  }
0xb7: {  	_ =	strace $0x9000004B  }
0xb8: {  	_ =	sfence  }
0xb9: {  	s30 =	sld [smem:$0x0];
	_ =	sdelay $0x2  }
0xba: {  	s31 =	sshll.u32 s1, $0xD;
	s1 =	sshrl.u32 s1, $0x2  }
0xbb: {  	s3 =	sand.u32 $0x4000, s31;
	s1 =	sadd.s32 s1, s30  }
0xbc: {  	s0 =	sor.u32 s3, s0;
	s1 =	sshll.u32 s1, $0x11  }
0xbd: {  	s0 =	sor.u32 s1, s0  }
0xbe: {  	s0 =	sadd.s32 $0x8F2B, s0  }
0xbf: {  	[sflag:s0] =	ssyncadd.remote.s32 $0x1  }
0xc0: {  	_ =	sfence.sel $0xFFFF  }
0xc1: {  	[dreg:$0x0] =	wrdreg $0xFFFFFFFF;
	(pc) =	sbr.abs _section_cstart, $3  }
0xc2: {  	[dreg:$0x1] =	wrdreg $0xFFFFFFFF  }
0xc3: {  	_ =	task.clear_ibuf [dreg:s7], $0x2FFFF;
	_ =	strace $0x9FFFFFFF  }
0xc4: {  	(tm) =	ssettm $0x7FFFFFFF  }
0xc5: {  	_ =	shalt  }
tec
execute0_lowered:
.L_overlay_start_1:
0x0: {  	(tag) =	ssettag $0x1  }
0x1: {  	s0 =	rddreg [dreg:$0x0]  }
0x2: {  	s1 =	rddreg [dreg:$0x1];
	s9 =	stileid.u32  }
0x3: {  	s3 =	srdreg.scid;
	s2 =	rddreg [dreg:$0x2]  }
0x4: {  	s15 =	simm.s32 $0x11800;
	s16 =	simm.s32 $0x1;
	s17 =	simm.s32 $0x2  }
0x5: {  	s18 =	simm.s32 $0x80;
	s28 =	simm.s32 $0xB400;
	s29 =	simm.s32 $0xC800  }
0x6: {  	s30 =	simm.s32 $0xDC00;
	s31 =	simm.s32 $0xF000;
	s5 =	sand.u32 $0x1, s3  }
0x7: {  	s4 =	sshll.u32 s9, $0x1;
	s3 =	rddreg [dreg:$0x3];
	s6 =	smul.u32 $0x4F, s9  }
0x8: {  	s9 =	smul.u32 $0x62C0, s9;
	s21 =	sadd.s32 $0xC000, s1;
	s7 =	sor.u32 s5, s4  }
0x9: {  	s4 =	simm.s32 $0x0;
	s19 =	smul.u32 $0xC580, s5;
	s8 =	ssub.s32 $0x2, s5  }
0xa: {  	p0 =	seq.s32 s5, $0x0;
	s13 =	smul.u32 $0x500, s7;
	[smem:$0x7FF] =	sst s4  }
0xb: {  	s6 =	sadd.s32 s6, s1;
	s11 =	sshrl.u32 s8, $0x1;
	s14 =	sshrl.u32 s9, $0x3  }
0xc: {  	s23 =	sadd.s32 s9, s2;
	s9 =	sadd.s32 s9, s3;
	_ =	strace $0x8000004A  }
0xd: {  	s12 =	sadd.s32 s19, s1;
	s11 =	ssub.s32 s8, s11;
	s0 =	sadd.s32 s0, s14  }
0xe: {  	s22 =	sadd.s32 $0x16000, s6;
	[dreg:$0x8] =	wrdreg s23;
	s19 =	simm.s32 $0x6400  }
0xf: {  	s23 =	simm.s32 $0x8C00;
	s10 =	sadd.s32 s13, s1;
	[dreg:$0x5] =	wrdreg s0  }
0x10: {  	[dreg:$0x7] =	wrdreg s22;
	s24 =	sadd.s32 $0x16C00, s12;
	s25 =	smax.u32 s11, $0x1  }
0x11: {  	s11 =	simm.s32 $0x5000;
	s12 =	simm.s32 $0x5;
	s0 =	sadd.s32 s13, s21  }
0x12: {  	s21 =	simm.s32 $0x7800;
	s1 =	simm.s32 $0x10400;
	[dreg:$0x9] =	wrdreg s25  }
0x13: {  	s22 =	simm.s32 $0x0;
	s20 =	sadd.s32 $0x2000, s10;
	[dreg:$0xa] =	wrdreg s0  }
0x14: {  	s26 =	sadd.s32 s14, s24;
	s14 =	simm.s32 $0x3;
	[dreg:$0x6] =	wrdreg s20  }
0x15: {  	v0 =	vimm.f32 $0.0e+00;
	[dreg:$0xb] =	wrdreg s26;
	s26 =	simm.s32 $0xA000;
	s20 =	simm.s32 $0x4  }
.LBB2_1:
0x16: {  	s0 =	rddreg [dreg:$0x5]  }
0x17: {  	[tilespmem:s11], [sflag:$0x1] =	stream.linear.gather [hbm4b:s0+s4], $0x62C0, $0x38;
	[tilespmem:$0x1DFF8] =	vst v63  }
0x18: {  	s8 =	rddreg [dreg:$0x6]  }
0x19: {  	[tilespmem:s4], [sflag:$0x5] =	stream.linear.gather [hbm4b:s8+s4], $0x2800, $0x38;
	[tilespmem:$0x1DFF8] =	vst v63  }
0x1a: {  	_ =	swait.ge [sflag:s12], $0x2800  }
0x1b: {  	[sflag:s12] =	ssyncset.done $0x0  }
0x1c: {  	s5 =	simm.s32 $0x2800;
	s10 =	rddreg [dreg:$0xa];
	[sflag:s12] =	ssyncadd.s32 $0xFFFFD800  }
0x1d: {  	[tilespmem:s5], [sflag:$0x5] =	stream.linear.gather [hbm4b:s10+s4], $0x2800, $0x38;
	[tilespmem:$0x1DFF8] =	vst v63  }
0x1e: {  	_ =	swait.ge [sflag:s12], $0x2800  }
0x1f: {  	[sflag:s12] =	ssyncset.done $0x0  }
0x20: {  	s13 =	simm.s32 $0x0;
	s24 =	rddreg [dreg:$0x7];
	[sflag:s12] =	ssyncadd.s32 $0xFFFFD800  }
0x21: {  	v1 =	vmov s13;
	[tilespmem:s15], [sflag:$0x5] =	stream.linear.gather [hbm4b:s24+s4], $0x278, $0x38;
	[tilespmem:$0x1DFF8] =	vst v63  }
0x22: {  	v1 =	vand.u32 $0xFFFFFFFE, v1;
	_ =	swait.ge [sflag:s12], $0x278  }
0x23: {  	v1 =	vbroadcast v1, $0x0;
	[sflag:s12] =	ssyncset.done $0x0  }
0x24: {  	[sflag:s12] =	ssyncadd.s32 $0xFFFFFD88  }
0x25: {  	_ =	swait.ge [sflag:s16], $0x62C0  }
0x26: {  	[sflag:s16] =	ssyncset.done $0x0  }
0x27: {  	s0 =	simm.s32 $0x5028;
	[sflag:s16] =	ssyncadd.s32 $0xFFFF9D40  }
0x28: {  	v2 =	vld [tilespmem:s0+$0xFFFFFFD8]  }
0x29: {  	v1 =	vld.idx.msk [tilespmem:v1+s15+$0x0], $0xffff  }
0x2a: {  	v3 =	vld [tilespmem:s0+$0xFFFFFFF0]  }
0x2b: {  	v4 =	vld [tilespmem:s0+$0xFFFFFFE8];
	_ =	sdelay $0x2  }
0x2c: {  	v5 =	vmov s16;
	v2 =	vmul.f32 v2, v1  }
0x2d: {  	v3 =	vmul.f32 v3, v1  }
0x2e: {  	v1 =	vmul.f32 v4, v1;
	[tilespmem:s0+$0xFFFFFFD8] =	vst v2  }
0x2f: {  	v6 =	vld [tilespmem:s0+$0x10];
	[tilespmem:s0+$0xFFFFFFF0] =	vst v3  }
0x30: {  	[tilespmem:s0+$0xFFFFFFE8] =	vst v1;
	v3 =	vld [tilespmem:s0+$0x0]  }
0x31: {  	v2 =	vld.idx.msk [tilespmem:v5+s15+$0x0], $0xffff  }
0x32: {  	s25 =	simm.s32 $0x2  }
0x33: {  	v4 =	vld [tilespmem:s0+$0x18];
	v1 =	vmov s25  }
0x34: {  	v1 =	vand.u32 $0xFFFFFFFE, v1  }
0x35: {  	v1 =	vbroadcast v1, $0x0  }
0x36: {  	s6 =	simm.s32 $0x5028;
	s5 =	simm.s32 $0x3;
	s25 =	simm.s32 $0x5;
	v3 =	vmul.f32 v3, v2;
	v5 =	vmul.f32 v6, v2  }
.LBB2_2:
0x37: {  	p1 =	sne.s32 s25, $0x277  }
0x38: {  	v2 =	vmul.f32 v4, v2;
	s0 =	sadd.s32 $0x50, s0;
	s7 =	smov.u32 s25;
	s25 =	sadd.s32 $0x2, s25  }
0x39: {  	[tilespmem:s6+$0x10] =	vst v5  }
0x3a: {  	v4 =	vld [tilespmem:s0+$0xFFFFFFF0];
	[tilespmem:s6+$0x18] =	vst v2  }
0x3b: {  	v2 =	vld [tilespmem:s0+$0xFFFFFFD8];
	[tilespmem:s6+$0x0] =	vst v3;
	s6 =	smov.u32 s0  }
0x3c: {  	v1 =	vld.idx.msk [tilespmem:v1+s15+$0x0], $0xffff  }
0x3d: {  	v3 =	vld [tilespmem:s0+$0xFFFFFFE8];
	_ =	sdelay $0x4  }
0x3e: {  	v5 =	vmov s5;
	s5 =	smov.u32 s7;
	v2 =	vmul.f32 v2, v1;
	v3 =	vmul.f32 v3, v1  }
0x3f: {  	v1 =	vmul.f32 v4, v1  }
0x40: {  	[tilespmem:s0+$0xFFFFFFD8] =	vst v2  }
0x41: {  	[tilespmem:s0+$0xFFFFFFF0] =	vst v1  }
0x42: {  	[tilespmem:s0+$0xFFFFFFE8] =	vst v3;
	v6 =	vld [tilespmem:s0+$0x10]  }
0x43: {  	v2 =	vld.idx.msk [tilespmem:v5+s15+$0x0], $0xffff  }
0x44: {  	v3 =	vld [tilespmem:s0+$0x0]  }
.Ltmp0:
0x45: {  	s7 =	sadd.s32 $0xFFFFFFFF, s5;
	v4 =	vld [tilespmem:s0+$0x18];
	(pc) =	sbr.rel @p1 .LBB2_2-.Ltmp0, $4  }
0x46: {  	v1 =	vmov s7  }
0x47: {  	v1 =	vand.u32 $0xFFFFFFFE, v1  }
0x48: {  	v1 =	vbroadcast v1, $0x0  }
0x49: {  	v5 =	vmul.f32 v6, v2;
	v3 =	vmul.f32 v3, v2  }
0x4a: {  	v2 =	vmul.f32 v4, v2  }
0x4b: {  	s0 =	sadd.s32 $0x50, s0;
	[tilespmem:s6+$0x10] =	vst v5  }
0x4c: {  	v61 =	vld [tilespmem:s0+$0xFFFFFFF0];
	[tilespmem:s6+$0x18] =	vst v2  }
0x4d: {  	v2 =	vld [tilespmem:s0+$0xFFFFFFD8];
	[tilespmem:s6+$0x0] =	vst v3  }
0x4e: {  	v1 =	vld.idx.msk [tilespmem:v1+s15+$0x0], $0xffff;
	_ =	sdelay $0x1  }
0x4f: {  	v3 =	vld [tilespmem:s0+$0xFFFFFFE8];
	_ =	sdelay $0x2  }
0x50: {  	v62 =	vmov s5;
	v2 =	vmul.f32 v2, v1  }
0x51: {  	v4 =	vmul.f32 v61, v1  }
0x52: {  	v1 =	vmul.f32 v3, v1;
	[tilespmem:s0+$0xFFFFFFD8] =	vst v2  }
0x53: {  	v63 =	vld [tilespmem:s0+$0x0];
	[tilespmem:s0+$0xFFFFFFF0] =	vst v4  }
0x54: {  	[tilespmem:s0+$0xFFFFFFE8] =	vst v1;
	v1 =	vld [tilespmem:s0+$0x10]  }
0x55: {  	v2 =	vld.idx.msk [tilespmem:v62+s15+$0x0], $0xffff  }
0x56: {  	v3 =	vld [tilespmem:s0+$0x18];
	_ =	sdelay $0x3  }
0x57: {  	v1 =	vmul.f32 v1, v2  }
.Ltmp1:
0x58: {  	v3 =	vmul.f32 v3, v2;
	v2 =	vmul.f32 v63, v2;
	(pc) =	sbr.rel @p0 .LBB2_6-.Ltmp1, $4  }
0x59: {  	[tilespmem:s0+$0x10] =	vst v1  }
0x5a: {  	[tilespmem:s0+$0x0] =	vst v2  }
0x5b: {  	s5 =	simm.s32 $0x5000;
	s25 =	rddreg [dreg:$0x8];
	[tilespmem:s0+$0x18] =	vst v3;
	s0 =	simm.s32 $0x0  }
0x5c: {  	[spmem:s25] =	stream.linear.scatter [tilespmem:s5], [sflag:$0x1], $0x62C0, $0x38;
	[tilespmem:$0x1DFF8] =	vst v63  }
.LBB2_4:
0x5d: {  	p1 =	sne.s32 s0, $0x18A60  }
.Ltmp2:
0x5e: {  	_ = 	snop;
	(pc) =	sbr.rel @p1 .LBB2_4-.Ltmp2, $4  }
0x5f: {  	s5 =	sshra.s32 s0, $0x2  }
0x60: {  	[tilespmem:s5+$0xB400] =	vst v0  }
0x61: {  	[tilespmem:s5+$0xB410] =	vst v0  }
0x62: {  	s0 =	sadd.s32 $0xA0, s0;
	[tilespmem:s5+$0xB418] =	vst v0  }
0x63: {  	s5 =	simm.s32 $0xB400  }
.LBB2_6:
0x64: {  	[spmem:s9] =	stream.linear.scatter [tilespmem:s5], [sflag:$0x2], $0x62C0, $0x38;
	[tilespmem:$0x1DFF8] =	vst v63  }
0x65: {  	_ =	swait.ge [sflag:s16], $0x62C0  }
0x66: {  	[sflag:s16] =	ssyncset.done $0x0  }
0x67: {  	[sflag:s16] =	ssyncadd.s32 $0xFFFF9D40  }
0x68: {  	_ =	swait.ge [sflag:s17], $0x62C0  }
0x69: {  	[sflag:s17] =	ssyncset.done $0x0  }
0x6a: {  	[sflag:s17] =	ssyncadd.s32 $0xFFFF9D40  }
0x6b: {  	s0 =	simm.s32 $0x0;
	[bflag:$0x0] =	sbarrier.arrive $0xFFFF  }
0x6c: {  	[tilespmem:s11], [sflag:$0x1] =	stream.indirect.gather [spmem:s2], $0x28, s0, s18, $0xb8;
	[tilespmem:$0x1DFF8] =	vst v63  }
0x6d: {  	_ = 	snop  }
0x6e: {  	[tilespmem:s19], [sflag:$0x1] =	stream.indirect.gather [spmem:s2], $0x28, s18, s18, $0xb8;
	[tilespmem:$0x1DFF8] =	vst v63  }
0x6f: {  	s24 =	simm.s32 $0x100  }
0x70: {  	[tilespmem:s21], [sflag:$0x1] =	stream.indirect.gather [spmem:s2], $0x28, s24, s18, $0xb8;
	[tilespmem:$0x1DFF8] =	vst v63  }
0x71: {  	s25 =	simm.s32 $0x180  }
0x72: {  	[tilespmem:s23], [sflag:$0x1] =	stream.indirect.gather [spmem:s2], $0x28, s25, s18, $0xb8;
	[tilespmem:$0x1DFF8] =	vst v63  }
0x73: {  	s5 =	simm.s32 $0x200  }
0x74: {  	[tilespmem:s26], [sflag:$0x1] =	stream.indirect.gather [spmem:s2], $0x28, s5, s18, $0xb8;
	[tilespmem:$0x1DFF8] =	vst v63  }
0x75: {  	s6 =	simm.s32 $0x280  }
0x76: {  	[tilespmem:s28], [sflag:$0x2] =	stream.indirect.gather [spmem:s2], $0x28, s6, s18, $0xb8;
	[tilespmem:$0x1DFF8] =	vst v63  }
0x77: {  	s7 =	simm.s32 $0x300  }
0x78: {  	[tilespmem:s29], [sflag:$0x2] =	stream.indirect.gather [spmem:s2], $0x28, s7, s18, $0xb8;
	[tilespmem:$0x1DFF8] =	vst v63  }
0x79: {  	s8 =	simm.s32 $0x380  }
0x7a: {  	[tilespmem:s30], [sflag:$0x2] =	stream.indirect.gather [spmem:s2], $0x28, s8, s18, $0xb8;
	[tilespmem:$0x1DFF8] =	vst v63  }
0x7b: {  	s10 =	simm.s32 $0x400  }
0x7c: {  	[tilespmem:s31], [sflag:$0x2] =	stream.indirect.gather [spmem:s2], $0x28, s10, s18, $0xb8;
	[tilespmem:$0x1DFF8] =	vst v63  }
0x7d: {  	s13 =	simm.s32 $0x480  }
0x7e: {  	[tilespmem:s1], [sflag:$0x2] =	stream.indirect.gather [spmem:s2], $0x28, s13, s18, $0xb8;
	[tilespmem:$0x1DFF8] =	vst v63  }
0x7f: {  	_ =	swait.ge [sflag:s16], $0x1400  }
0x80: {  	[sflag:s16] =	ssyncset.done $0x0  }
0x81: {  	[sflag:s16] =	ssyncadd.s32 $0xFFFFEC00  }
0x82: {  	_ =	swait.ge [sflag:s16], $0x1400  }
0x83: {  	[sflag:s16] =	ssyncset.done $0x0  }
0x84: {  	[sflag:s16] =	ssyncadd.s32 $0xFFFFEC00  }
0x85: {  	_ =	swait.ge [sflag:s16], $0x1400  }
0x86: {  	[sflag:s16] =	ssyncset.done $0x0  }
0x87: {  	[sflag:s16] =	ssyncadd.s32 $0xFFFFEC00  }
0x88: {  	_ =	swait.ge [sflag:s16], $0x1400  }
0x89: {  	[sflag:s16] =	ssyncset.done $0x0  }
0x8a: {  	[sflag:s16] =	ssyncadd.s32 $0xFFFFEC00  }
0x8b: {  	_ =	swait.ge [sflag:s16], $0x1400  }
0x8c: {  	[sflag:s16] =	ssyncset.done $0x0  }
0x8d: {  	s24 =	simm.s32 $0x2800;
	[sflag:s16] =	ssyncadd.s32 $0xFFFFEC00  }
0x8e: {  	[spmem:s3] =	stream.indirect.scatter.add.f32 [tilespmem:s11], [sflag:$0x3], $0x28, s24, s18, $0xb8;
	[tilespmem:$0x1DFF8] =	vst v63  }
0x8f: {  	s25 =	simm.s32 $0x2880  }
0x90: {  	[spmem:s3] =	stream.indirect.scatter.add.f32 [tilespmem:s19], [sflag:$0x3], $0x28, s25, s18, $0xb8;
	[tilespmem:$0x1DFF8] =	vst v63  }
0x91: {  	s5 =	simm.s32 $0x2900  }
0x92: {  	[spmem:s3] =	stream.indirect.scatter.add.f32 [tilespmem:s21], [sflag:$0x3], $0x28, s5, s18, $0xb8;
	[tilespmem:$0x1DFF8] =	vst v63  }
0x93: {  	s6 =	simm.s32 $0x2980  }
0x94: {  	[spmem:s3] =	stream.indirect.scatter.add.f32 [tilespmem:s23], [sflag:$0x3], $0x28, s6, s18, $0xb8;
	[tilespmem:$0x1DFF8] =	vst v63  }
0x95: {  	s7 =	simm.s32 $0x2A00  }
0x96: {  	[spmem:s3] =	stream.indirect.scatter.add.f32 [tilespmem:s26], [sflag:$0x3], $0x28, s7, s18, $0xb8;
	[tilespmem:$0x1DFF8] =	vst v63  }
0x97: {  	_ =	swait.ge [sflag:s14], $0x1400  }
0x98: {  	[sflag:s14] =	ssyncset.done $0x0  }
0x99: {  	[sflag:s14] =	ssyncadd.s32 $0xFFFFEC00  }
0x9a: {  	_ =	swait.ge [sflag:s14], $0x1400  }
0x9b: {  	[sflag:s14] =	ssyncset.done $0x0  }
0x9c: {  	[sflag:s14] =	ssyncadd.s32 $0xFFFFEC00  }
0x9d: {  	_ =	swait.ge [sflag:s14], $0x1400  }
0x9e: {  	[sflag:s14] =	ssyncset.done $0x0  }
0x9f: {  	[sflag:s14] =	ssyncadd.s32 $0xFFFFEC00  }
0xa0: {  	_ =	swait.ge [sflag:s14], $0x1400  }
0xa1: {  	[sflag:s14] =	ssyncset.done $0x0  }
0xa2: {  	[sflag:s14] =	ssyncadd.s32 $0xFFFFEC00  }
0xa3: {  	p1 =	por $0x0, $0x0;
	_ =	swait.ge [sflag:s14], $0x1400  }
0xa4: {  	s0 =	simm.s32 @!p1 $0x5000;
	[sflag:s14] =	ssyncset.done $0x0  }
0xa5: {  	s5 =	simm.s32 @!p1 $0x500;
	s6 =	simm.s32 @!p1 $0x80;
	[sflag:s14] =	ssyncadd.s32 $0xFFFFEC00  }
0xa6: {  	[tilespmem:s0], [sflag:$0x1] =	stream.indirect.gather @!p1 [spmem:s2], $0x28, s5, s6, $0xb8;
	[tilespmem:$0x1DFF8] =	vst v63  }
0xa7: {  	s0 =	simm.s32 @!p1 $0x580;
	s5 =	simm.s32 @!p1 $0x6400  }
0xa8: {  	[tilespmem:s5], [sflag:$0x1] =	stream.indirect.gather @!p1 [spmem:s2], $0x28, s0, s6, $0xb8;
	[tilespmem:$0x1DFF8] =	vst v63  }
0xa9: {  	s0 =	simm.s32 @!p1 $0x600;
	s5 =	simm.s32 @!p1 $0x7800  }
0xaa: {  	[tilespmem:s5], [sflag:$0x1] =	stream.indirect.gather @!p1 [spmem:s2], $0x28, s0, s6, $0xb8;
	[tilespmem:$0x1DFF8] =	vst v63  }
0xab: {  	s0 =	simm.s32 @!p1 $0x680;
	s5 =	simm.s32 @!p1 $0x8C00  }
0xac: {  	[tilespmem:s5], [sflag:$0x1] =	stream.indirect.gather @!p1 [spmem:s2], $0x28, s0, s6, $0xb8;
	[tilespmem:$0x1DFF8] =	vst v63  }
0xad: {  	s0 =	simm.s32 @!p1 $0x700;
	s5 =	simm.s32 @!p1 $0xA000  }
0xae: {  	[tilespmem:s5], [sflag:$0x1] =	stream.indirect.gather @!p1 [spmem:s2], $0x28, s0, s6, $0xb8;
	[tilespmem:$0x1DFF8] =	vst v63  }
0xaf: {  	_ =	swait.ge [sflag:s17], $0x1400  }
0xb0: {  	[sflag:s17] =	ssyncset.done $0x0  }
0xb1: {  	[sflag:s17] =	ssyncadd.s32 $0xFFFFEC00  }
0xb2: {  	_ =	swait.ge [sflag:s17], $0x1400  }
0xb3: {  	[sflag:s17] =	ssyncset.done $0x0  }
0xb4: {  	[sflag:s17] =	ssyncadd.s32 $0xFFFFEC00  }
0xb5: {  	_ =	swait.ge [sflag:s17], $0x1400  }
0xb6: {  	[sflag:s17] =	ssyncset.done $0x0  }
0xb7: {  	[sflag:s17] =	ssyncadd.s32 $0xFFFFEC00  }
0xb8: {  	_ =	swait.ge [sflag:s17], $0x1400  }
0xb9: {  	[sflag:s17] =	ssyncset.done $0x0  }
0xba: {  	[sflag:s17] =	ssyncadd.s32 $0xFFFFEC00  }
0xbb: {  	_ =	swait.ge [sflag:s17], $0x1400  }
0xbc: {  	[sflag:s17] =	ssyncset.done $0x0  }
0xbd: {  	s8 =	simm.s32 $0x2A80;
	[sflag:s17] =	ssyncadd.s32 $0xFFFFEC00  }
0xbe: {  	[spmem:s3] =	stream.indirect.scatter.add.f32 [tilespmem:s28], [sflag:$0x4], $0x28, s8, s18, $0xb8;
	[tilespmem:$0x1DFF8] =	vst v63  }
0xbf: {  	s10 =	simm.s32 $0x2B00  }
0xc0: {  	[spmem:s3] =	stream.indirect.scatter.add.f32 [tilespmem:s29], [sflag:$0x4], $0x28, s10, s18, $0xb8;
	[tilespmem:$0x1DFF8] =	vst v63  }
0xc1: {  	s13 =	simm.s32 $0x2B80  }
0xc2: {  	[spmem:s3] =	stream.indirect.scatter.add.f32 [tilespmem:s30], [sflag:$0x4], $0x28, s13, s18, $0xb8;
	[tilespmem:$0x1DFF8] =	vst v63  }
0xc3: {  	s24 =	simm.s32 $0x2C00  }
0xc4: {  	[spmem:s3] =	stream.indirect.scatter.add.f32 [tilespmem:s31], [sflag:$0x4], $0x28, s24, s18, $0xb8;
	[tilespmem:$0x1DFF8] =	vst v63  }
0xc5: {  	s25 =	simm.s32 $0x2C80  }
0xc6: {  	[spmem:s3] =	stream.indirect.scatter.add.f32 [tilespmem:s1], [sflag:$0x4], $0x28, s25, s18, $0xb8;
	[tilespmem:$0x1DFF8] =	vst v63  }
0xc7: {  	_ =	swait.ge [sflag:s20], $0x1400  }
0xc8: {  	[sflag:s20] =	ssyncset.done $0x0  }
0xc9: {  	[sflag:s20] =	ssyncadd.s32 $0xFFFFEC00  }
0xca: {  	_ =	swait.ge [sflag:s20], $0x1400  }
0xcb: {  	[sflag:s20] =	ssyncset.done $0x0  }
0xcc: {  	[sflag:s20] =	ssyncadd.s32 $0xFFFFEC00  }
0xcd: {  	_ =	swait.ge [sflag:s20], $0x1400  }
0xce: {  	[sflag:s20] =	ssyncset.done $0x0  }
0xcf: {  	[sflag:s20] =	ssyncadd.s32 $0xFFFFEC00  }
0xd0: {  	_ =	swait.ge [sflag:s20], $0x1400  }
0xd1: {  	[sflag:s20] =	ssyncset.done $0x0  }
0xd2: {  	[sflag:s20] =	ssyncadd.s32 $0xFFFFEC00  }
0xd3: {  	s0 =	simm.s32 $0x1400;
	_ =	swait.ge [sflag:s20], $0x1400  }
0xd4: {  	s5 =	simm.s32 $0x2800;
	s25 =	simm.s32 $0x500;
	[sflag:s20] =	ssyncset.done $0x0  }
.LBB2_7:
0xd5: {  	s7 =	sadd.s32 $0x280, s25  }
0xd6: {  	[sflag:s20] =	ssyncadd.s32 $0xFFFFEC00;
	s6 =	smov.u32 s5;
	s5 =	sadd.s32 $0x1400, s5  }
0xd7: {  	[tilespmem:s28], [sflag:$0x2] =	stream.indirect.gather [spmem:s2], $0x28, s7, s18, $0xb8;
	[tilespmem:$0x1DFF8] =	vst v63  }
0xd8: {  	p1 =	sne.s32 s5, $0xA000;
	s7 =	sadd.s32 $0x300, s25  }
0xd9: {  	[tilespmem:s29], [sflag:$0x2] =	stream.indirect.gather [spmem:s2], $0x28, s7, s18, $0xb8;
	[tilespmem:$0x1DFF8] =	vst v63  }
0xda: {  	s7 =	sadd.s32 $0x380, s25  }
0xdb: {  	[tilespmem:s30], [sflag:$0x2] =	stream.indirect.gather [spmem:s2], $0x28, s7, s18, $0xb8;
	[tilespmem:$0x1DFF8] =	vst v63  }
0xdc: {  	s7 =	sadd.s32 $0x400, s25  }
0xdd: {  	[tilespmem:s31], [sflag:$0x2] =	stream.indirect.gather [spmem:s2], $0x28, s7, s18, $0xb8;
	[tilespmem:$0x1DFF8] =	vst v63  }
0xde: {  	s7 =	sadd.s32 $0x480, s25  }
0xdf: {  	[tilespmem:s1], [sflag:$0x2] =	stream.indirect.gather [spmem:s2], $0x28, s7, s18, $0xb8;
	[tilespmem:$0x1DFF8] =	vst v63  }
0xe0: {  	_ =	swait.ge [sflag:s16], $0x1400  }
0xe1: {  	[sflag:s16] =	ssyncset.done $0x0  }
0xe2: {  	[sflag:s16] =	ssyncadd.s32 $0xFFFFEC00  }
0xe3: {  	_ =	swait.ge [sflag:s16], $0x1400  }
0xe4: {  	[sflag:s16] =	ssyncset.done $0x0  }
0xe5: {  	[sflag:s16] =	ssyncadd.s32 $0xFFFFEC00  }
0xe6: {  	_ =	swait.ge [sflag:s16], $0x1400  }
0xe7: {  	[sflag:s16] =	ssyncset.done $0x0  }
0xe8: {  	[sflag:s16] =	ssyncadd.s32 $0xFFFFEC00  }
0xe9: {  	_ =	swait.ge [sflag:s16], $0x1400  }
0xea: {  	[sflag:s16] =	ssyncset.done $0x0  }
0xeb: {  	[sflag:s16] =	ssyncadd.s32 $0xFFFFEC00  }
0xec: {  	_ =	swait.ge [sflag:s16], $0x1400  }
0xed: {  	[sflag:s16] =	ssyncset.done $0x0  }
0xee: {  	s7 =	sadd.s32 $0x2800, s25;
	[sflag:s16] =	ssyncadd.s32 $0xFFFFEC00  }
0xef: {  	[spmem:s3] =	stream.indirect.scatter.add.f32 [tilespmem:s11], [sflag:$0x3], $0x28, s7, s18, $0xb8;
	[tilespmem:$0x1DFF8] =	vst v63  }
0xf0: {  	s7 =	sadd.s32 $0x2880, s25  }
0xf1: {  	[spmem:s3] =	stream.indirect.scatter.add.f32 [tilespmem:s19], [sflag:$0x3], $0x28, s7, s18, $0xb8;
	[tilespmem:$0x1DFF8] =	vst v63  }
0xf2: {  	s7 =	sadd.s32 $0x2900, s25  }
0xf3: {  	[spmem:s3] =	stream.indirect.scatter.add.f32 [tilespmem:s21], [sflag:$0x3], $0x28, s7, s18, $0xb8;
	[tilespmem:$0x1DFF8] =	vst v63  }
0xf4: {  	s7 =	sadd.s32 $0x2980, s25  }
0xf5: {  	[spmem:s3] =	stream.indirect.scatter.add.f32 [tilespmem:s23], [sflag:$0x3], $0x28, s7, s18, $0xb8;
	[tilespmem:$0x1DFF8] =	vst v63  }
0xf6: {  	s7 =	sadd.s32 $0x2A00, s25  }
0xf7: {  	[spmem:s3] =	stream.indirect.scatter.add.f32 [tilespmem:s26], [sflag:$0x3], $0x28, s7, s18, $0xb8;
	[tilespmem:$0x1DFF8] =	vst v63  }
0xf8: {  	_ =	swait.ge [sflag:s14], $0x1400  }
0xf9: {  	[sflag:s14] =	ssyncset.done $0x0  }
0xfa: {  	[sflag:s14] =	ssyncadd.s32 $0xFFFFEC00  }
0xfb: {  	_ =	swait.ge [sflag:s14], $0x1400  }
0xfc: {  	[sflag:s14] =	ssyncset.done $0x0  }
0xfd: {  	[sflag:s14] =	ssyncadd.s32 $0xFFFFEC00  }
0xfe: {  	_ =	swait.ge [sflag:s14], $0x1400  }
0xff: {  	[sflag:s14] =	ssyncset.done $0x0  }
0x100: {  	[sflag:s14] =	ssyncadd.s32 $0xFFFFEC00  }
0x101: {  	_ =	swait.ge [sflag:s14], $0x1400  }
0x102: {  	[sflag:s14] =	ssyncset.done $0x0  }
0x103: {  	[sflag:s14] =	ssyncadd.s32 $0xFFFFEC00  }
0x104: {  	p2 =	seq.s32 s0, $0x8C00;
	_ =	swait.ge [sflag:s14], $0x1400  }
0x105: {  	s0 =	sshra.s32 @!p2 s0, $0x2;
	s7 =	simm.s32 @!p2 $0x5000;
	[sflag:s14] =	ssyncset.done $0x0  }
0x106: {  	s10 =	simm.s32 @!p2 $0x80;
	s8 =	sadd.s32 @!p2 $0x500, s0;
	[sflag:s14] =	ssyncadd.s32 $0xFFFFEC00  }
0x107: {  	[tilespmem:s7], [sflag:$0x1] =	stream.indirect.gather @!p2 [spmem:s2], $0x28, s8, s10, $0xb8;
	[tilespmem:$0x1DFF8] =	vst v63  }
0x108: {  	s13 =	sadd.s32 @!p2 $0x600, s0;
	s7 =	sadd.s32 @!p2 $0x580, s0;
	s8 =	simm.s32 @!p2 $0x6400  }
0x109: {  	[tilespmem:s8], [sflag:$0x1] =	stream.indirect.gather @!p2 [spmem:s2], $0x28, s7, s10, $0xb8;
	[tilespmem:$0x1DFF8] =	vst v63  }
0x10a: {  	s24 =	sadd.s32 @!p2 $0x700, s0;
	s7 =	simm.s32 @!p2 $0x7800;
	s8 =	sadd.s32 @!p2 $0x680, s0  }
0x10b: {  	[tilespmem:s7], [sflag:$0x1] =	stream.indirect.gather @!p2 [spmem:s2], $0x28, s13, s10, $0xb8;
	[tilespmem:$0x1DFF8] =	vst v63  }
0x10c: {  	s0 =	smov.u32 s6;
	s7 =	simm.s32 @!p2 $0x8C00  }
0x10d: {  	[tilespmem:s7], [sflag:$0x1] =	stream.indirect.gather @!p2 [spmem:s2], $0x28, s8, s10, $0xb8;
	[tilespmem:$0x1DFF8] =	vst v63  }
0x10e: {  	s6 =	simm.s32 @!p2 $0xA000  }
0x10f: {  	[tilespmem:s6], [sflag:$0x1] =	stream.indirect.gather @!p2 [spmem:s2], $0x28, s24, s10, $0xb8;
	[tilespmem:$0x1DFF8] =	vst v63  }
0x110: {  	_ =	swait.ge [sflag:s17], $0x1400  }
0x111: {  	[sflag:s17] =	ssyncset.done $0x0  }
0x112: {  	[sflag:s17] =	ssyncadd.s32 $0xFFFFEC00  }
0x113: {  	_ =	swait.ge [sflag:s17], $0x1400  }
0x114: {  	[sflag:s17] =	ssyncset.done $0x0  }
0x115: {  	[sflag:s17] =	ssyncadd.s32 $0xFFFFEC00  }
0x116: {  	_ =	swait.ge [sflag:s17], $0x1400  }
0x117: {  	[sflag:s17] =	ssyncset.done $0x0  }
0x118: {  	[sflag:s17] =	ssyncadd.s32 $0xFFFFEC00  }
0x119: {  	_ =	swait.ge [sflag:s17], $0x1400  }
0x11a: {  	[sflag:s17] =	ssyncset.done $0x0  }
0x11b: {  	[sflag:s17] =	ssyncadd.s32 $0xFFFFEC00  }
0x11c: {  	_ =	swait.ge [sflag:s17], $0x1400  }
0x11d: {  	[sflag:s17] =	ssyncset.done $0x0  }
0x11e: {  	s6 =	sadd.s32 $0x2A80, s25;
	[sflag:s17] =	ssyncadd.s32 $0xFFFFEC00  }
0x11f: {  	[spmem:s3] =	stream.indirect.scatter.add.f32 [tilespmem:s28], [sflag:$0x4], $0x28, s6, s18, $0xb8;
	[tilespmem:$0x1DFF8] =	vst v63  }
0x120: {  	s6 =	sadd.s32 $0x2B00, s25  }
0x121: {  	[spmem:s3] =	stream.indirect.scatter.add.f32 [tilespmem:s29], [sflag:$0x4], $0x28, s6, s18, $0xb8;
	[tilespmem:$0x1DFF8] =	vst v63  }
0x122: {  	s6 =	sadd.s32 $0x2B80, s25  }
0x123: {  	[spmem:s3] =	stream.indirect.scatter.add.f32 [tilespmem:s30], [sflag:$0x4], $0x28, s6, s18, $0xb8;
	[tilespmem:$0x1DFF8] =	vst v63  }
0x124: {  	s6 =	sadd.s32 $0x2C00, s25  }
0x125: {  	[spmem:s3] =	stream.indirect.scatter.add.f32 [tilespmem:s31], [sflag:$0x4], $0x28, s6, s18, $0xb8;
	[tilespmem:$0x1DFF8] =	vst v63  }
0x126: {  	s6 =	sadd.s32 $0x2C80, s25  }
0x127: {  	[spmem:s3] =	stream.indirect.scatter.add.f32 [tilespmem:s1], [sflag:$0x4], $0x28, s6, s18, $0xb8;
	[tilespmem:$0x1DFF8] =	vst v63  }
0x128: {  	_ =	swait.ge [sflag:s20], $0x1400  }
0x129: {  	[sflag:s20] =	ssyncset.done $0x0  }
0x12a: {  	[sflag:s20] =	ssyncadd.s32 $0xFFFFEC00  }
0x12b: {  	_ =	swait.ge [sflag:s20], $0x1400  }
0x12c: {  	[sflag:s20] =	ssyncset.done $0x0  }
0x12d: {  	[sflag:s20] =	ssyncadd.s32 $0xFFFFEC00  }
0x12e: {  	_ =	swait.ge [sflag:s20], $0x1400  }
0x12f: {  	[sflag:s20] =	ssyncset.done $0x0  }
0x130: {  	[sflag:s20] =	ssyncadd.s32 $0xFFFFEC00  }
.Ltmp3:
0x131: {  	_ =	swait.ge [sflag:s20], $0x1400;
	(pc) =	sbr.rel @p1 .LBB2_7-.Ltmp3, $4  }
0x132: {  	[sflag:s20] =	ssyncset.done $0x0  }
0x133: {  	[sflag:s20] =	ssyncadd.s32 $0xFFFFEC00  }
0x134: {  	_ =	swait.ge [sflag:s20], $0x1400  }
0x135: {  	s25 =	sshra.s32 s0, $0x2;
	[sflag:s20] =	ssyncset.done $0x0  }
0x136: {  	s5 =	sadd.s32 $0x280, s25;
	[sflag:s20] =	ssyncadd.s32 $0xFFFFEC00  }
0x137: {  	[tilespmem:s28], [sflag:$0x2] =	stream.indirect.gather [spmem:s2], $0x28, s5, s18, $0xb8;
	[tilespmem:$0x1DFF8] =	vst v63  }
0x138: {  	s8 =	sadd.s32 $0x300, s25  }
0x139: {  	[tilespmem:s29], [sflag:$0x2] =	stream.indirect.gather [spmem:s2], $0x28, s8, s18, $0xb8;
	[tilespmem:$0x1DFF8] =	vst v63  }
0x13a: {  	s10 =	sadd.s32 $0x380, s25  }
0x13b: {  	[tilespmem:s30], [sflag:$0x2] =	stream.indirect.gather [spmem:s2], $0x28, s10, s18, $0xb8;
	[tilespmem:$0x1DFF8] =	vst v63  }
0x13c: {  	s13 =	sadd.s32 $0x400, s25  }
0x13d: {  	[tilespmem:s31], [sflag:$0x2] =	stream.indirect.gather [spmem:s2], $0x28, s13, s18, $0xb8;
	[tilespmem:$0x1DFF8] =	vst v63  }
0x13e: {  	s24 =	sadd.s32 $0x480, s25  }
0x13f: {  	[tilespmem:s1], [sflag:$0x2] =	stream.indirect.gather [spmem:s2], $0x28, s24, s18, $0xb8;
	[tilespmem:$0x1DFF8] =	vst v63  }
0x140: {  	_ =	swait.ge [sflag:s16], $0x1400  }
0x141: {  	[sflag:s16] =	ssyncset.done $0x0  }
0x142: {  	[sflag:s16] =	ssyncadd.s32 $0xFFFFEC00  }
0x143: {  	_ =	swait.ge [sflag:s16], $0x1400  }
0x144: {  	[sflag:s16] =	ssyncset.done $0x0  }
0x145: {  	[sflag:s16] =	ssyncadd.s32 $0xFFFFEC00  }
0x146: {  	_ =	swait.ge [sflag:s16], $0x1400  }
0x147: {  	[sflag:s16] =	ssyncset.done $0x0  }
0x148: {  	[sflag:s16] =	ssyncadd.s32 $0xFFFFEC00  }
0x149: {  	_ =	swait.ge [sflag:s16], $0x1400  }
0x14a: {  	[sflag:s16] =	ssyncset.done $0x0  }
0x14b: {  	[sflag:s16] =	ssyncadd.s32 $0xFFFFEC00  }
0x14c: {  	_ =	swait.ge [sflag:s16], $0x1400  }
0x14d: {  	[sflag:s16] =	ssyncset.done $0x0  }
0x14e: {  	s6 =	sadd.s32 $0x2800, s25;
	[sflag:s16] =	ssyncadd.s32 $0xFFFFEC00  }
0x14f: {  	[spmem:s3] =	stream.indirect.scatter.add.f32 [tilespmem:s11], [sflag:$0x3], $0x28, s6, s18, $0xb8;
	[tilespmem:$0x1DFF8] =	vst v63  }
0x150: {  	s7 =	sadd.s32 $0x2880, s25  }
0x151: {  	[spmem:s3] =	stream.indirect.scatter.add.f32 [tilespmem:s19], [sflag:$0x3], $0x28, s7, s18, $0xb8;
	[tilespmem:$0x1DFF8] =	vst v63  }
0x152: {  	s8 =	sadd.s32 $0x2900, s25  }
0x153: {  	[spmem:s3] =	stream.indirect.scatter.add.f32 [tilespmem:s21], [sflag:$0x3], $0x28, s8, s18, $0xb8;
	[tilespmem:$0x1DFF8] =	vst v63  }
0x154: {  	s10 =	sadd.s32 $0x2980, s25  }
0x155: {  	[spmem:s3] =	stream.indirect.scatter.add.f32 [tilespmem:s23], [sflag:$0x3], $0x28, s10, s18, $0xb8;
	[tilespmem:$0x1DFF8] =	vst v63  }
0x156: {  	s13 =	sadd.s32 $0x2A00, s25  }
0x157: {  	[spmem:s3] =	stream.indirect.scatter.add.f32 [tilespmem:s26], [sflag:$0x3], $0x28, s13, s18, $0xb8;
	[tilespmem:$0x1DFF8] =	vst v63  }
0x158: {  	_ =	swait.ge [sflag:s14], $0x1400  }
0x159: {  	[sflag:s14] =	ssyncset.done $0x0  }
0x15a: {  	[sflag:s14] =	ssyncadd.s32 $0xFFFFEC00  }
0x15b: {  	_ =	swait.ge [sflag:s14], $0x1400  }
0x15c: {  	[sflag:s14] =	ssyncset.done $0x0  }
0x15d: {  	[sflag:s14] =	ssyncadd.s32 $0xFFFFEC00  }
0x15e: {  	_ =	swait.ge [sflag:s14], $0x1400  }
0x15f: {  	[sflag:s14] =	ssyncset.done $0x0  }
0x160: {  	[sflag:s14] =	ssyncadd.s32 $0xFFFFEC00  }
0x161: {  	_ =	swait.ge [sflag:s14], $0x1400  }
0x162: {  	[sflag:s14] =	ssyncset.done $0x0  }
0x163: {  	[sflag:s14] =	ssyncadd.s32 $0xFFFFEC00  }
0x164: {  	p1 =	seq.s32 s0, $0x8C00;
	_ =	swait.ge [sflag:s14], $0x1400  }
0x165: {  	s0 =	sshra.s32 @!p1 s0, $0x2;
	s5 =	simm.s32 @!p1 $0x5000;
	[sflag:s14] =	ssyncset.done $0x0  }
0x166: {  	s6 =	sadd.s32 @!p1 $0x500, s0;
	s7 =	simm.s32 @!p1 $0x80;
	[sflag:s14] =	ssyncadd.s32 $0xFFFFEC00  }
0x167: {  	[tilespmem:s5], [sflag:$0x1] =	stream.indirect.gather @!p1 [spmem:s2], $0x28, s6, s7, $0xb8;
	[tilespmem:$0x1DFF8] =	vst v63  }
0x168: {  	s5 =	sadd.s32 @!p1 $0x580, s0;
	s6 =	simm.s32 @!p1 $0x6400  }
0x169: {  	[tilespmem:s6], [sflag:$0x1] =	stream.indirect.gather @!p1 [spmem:s2], $0x28, s5, s7, $0xb8;
	[tilespmem:$0x1DFF8] =	vst v63  }
0x16a: {  	s5 =	sadd.s32 @!p1 $0x600, s0;
	s6 =	simm.s32 @!p1 $0x7800  }
0x16b: {  	[tilespmem:s6], [sflag:$0x1] =	stream.indirect.gather @!p1 [spmem:s2], $0x28, s5, s7, $0xb8;
	[tilespmem:$0x1DFF8] =	vst v63  }
0x16c: {  	s5 =	sadd.s32 @!p1 $0x680, s0;
	s6 =	simm.s32 @!p1 $0x8C00  }
0x16d: {  	[tilespmem:s6], [sflag:$0x1] =	stream.indirect.gather @!p1 [spmem:s2], $0x28, s5, s7, $0xb8;
	[tilespmem:$0x1DFF8] =	vst v63  }
0x16e: {  	s0 =	sadd.s32 @!p1 $0x700, s0;
	s5 =	simm.s32 @!p1 $0xA000  }
0x16f: {  	[tilespmem:s5], [sflag:$0x1] =	stream.indirect.gather @!p1 [spmem:s2], $0x28, s0, s7, $0xb8;
	[tilespmem:$0x1DFF8] =	vst v63  }
0x170: {  	_ =	swait.ge [sflag:s17], $0x1400  }
0x171: {  	[sflag:s17] =	ssyncset.done $0x0  }
0x172: {  	[sflag:s17] =	ssyncadd.s32 $0xFFFFEC00  }
0x173: {  	_ =	swait.ge [sflag:s17], $0x1400  }
0x174: {  	[sflag:s17] =	ssyncset.done $0x0  }
0x175: {  	[sflag:s17] =	ssyncadd.s32 $0xFFFFEC00  }
0x176: {  	_ =	swait.ge [sflag:s17], $0x1400  }
0x177: {  	[sflag:s17] =	ssyncset.done $0x0  }
0x178: {  	[sflag:s17] =	ssyncadd.s32 $0xFFFFEC00  }
0x179: {  	_ =	swait.ge [sflag:s17], $0x1400  }
0x17a: {  	[sflag:s17] =	ssyncset.done $0x0  }
0x17b: {  	[sflag:s17] =	ssyncadd.s32 $0xFFFFEC00  }
0x17c: {  	_ =	swait.ge [sflag:s17], $0x1400  }
0x17d: {  	[sflag:s17] =	ssyncset.done $0x0  }
0x17e: {  	s24 =	sadd.s32 $0x2A80, s25;
	[sflag:s17] =	ssyncadd.s32 $0xFFFFEC00  }
0x17f: {  	[spmem:s3] =	stream.indirect.scatter.add.f32 [tilespmem:s28], [sflag:$0x4], $0x28, s24, s18, $0xb8;
	[tilespmem:$0x1DFF8] =	vst v63  }
0x180: {  	s5 =	sadd.s32 $0x2B00, s25  }
0x181: {  	[spmem:s3] =	stream.indirect.scatter.add.f32 [tilespmem:s29], [sflag:$0x4], $0x28, s5, s18, $0xb8;
	[tilespmem:$0x1DFF8] =	vst v63  }
0x182: {  	s6 =	sadd.s32 $0x2B80, s25  }
0x183: {  	[spmem:s3] =	stream.indirect.scatter.add.f32 [tilespmem:s30], [sflag:$0x4], $0x28, s6, s18, $0xb8;
	[tilespmem:$0x1DFF8] =	vst v63  }
0x184: {  	s7 =	sadd.s32 $0x2C00, s25  }
0x185: {  	[spmem:s3] =	stream.indirect.scatter.add.f32 [tilespmem:s31], [sflag:$0x4], $0x28, s7, s18, $0xb8;
	[tilespmem:$0x1DFF8] =	vst v63  }
0x186: {  	s8 =	sadd.s32 $0x2C80, s25  }
0x187: {  	[spmem:s3] =	stream.indirect.scatter.add.f32 [tilespmem:s1], [sflag:$0x4], $0x28, s8, s18, $0xb8;
	[tilespmem:$0x1DFF8] =	vst v63  }
0x188: {  	_ =	swait.ge [sflag:s20], $0x1400  }
0x189: {  	[sflag:s20] =	ssyncset.done $0x0  }
0x18a: {  	[sflag:s20] =	ssyncadd.s32 $0xFFFFEC00  }
0x18b: {  	_ =	swait.ge [sflag:s20], $0x1400  }
0x18c: {  	[sflag:s20] =	ssyncset.done $0x0  }
0x18d: {  	[sflag:s20] =	ssyncadd.s32 $0xFFFFEC00  }
0x18e: {  	_ =	swait.ge [sflag:s20], $0x1400  }
0x18f: {  	[sflag:s20] =	ssyncset.done $0x0  }
0x190: {  	[sflag:s20] =	ssyncadd.s32 $0xFFFFEC00  }
0x191: {  	_ =	swait.ge [sflag:s20], $0x1400  }
0x192: {  	[sflag:s20] =	ssyncset.done $0x0  }
0x193: {  	[sflag:s20] =	ssyncadd.s32 $0xFFFFEC00  }
0x194: {  	_ =	swait.ge [sflag:s20], $0x1400  }
0x195: {  	[sflag:s20] =	ssyncset.done $0x0  }
0x196: {  	s10 =	stileid.u32;
	[sflag:s20] =	ssyncadd.s32 $0xFFFFEC00  }
0x197: {  	s0 =	sshll.u32 s10, $0x6;
	[bflag:$0x0] =	sbarrier.arrive $0xFFFF  }
0x198: {  	s13 =	sshrl.u32 s9, $0x3;
	s0 =	sor.u32 $0x1C05, s0;
	s24 =	rddreg [dreg:$0xb]  }
0x199: {  	[hbm:s24], [sflag:s0] =	dma.local [spmem:s13], $0xC58  }
0x19a: {  	_ =	swait.ge [sflag:s12], $0xC58  }
0x19b: {  	s22 =	sadd.s32 $0x1, s22;
	s25 =	rddreg [dreg:$0x9]  }
0x19c: {  	p1 =	sne.s32 s22, s25  }
.Ltmp4:
0x19d: {  	_ = 	snop;
	(pc) =	sbr.rel @p1 .LBB2_1-.Ltmp4, $3  }
0x19e: {  	_ =	sdelay $0x1  }
0x19f: {  	[sflag:s12] =	ssyncset.done $0x0  }
0x1a0: {  	[sflag:s12] =	ssyncadd.s32 $0xFFFFF3A8  }
0x1a1: {  	_ =	sfence.sel $0x180000  }
0x1a2: {  	[bflag:$0x0] =	sbarrier.arrive $0xFFFF  }
0x1a3: {  	_ =	strace $0x9000004A  }
0x1a4: {  	s0 =	stileid.u32;
	[bflag:$0x2] =	sbarrier.arrive $0xFFFF  }
0x1a5: {  	p0 =	sne.s32 s0, $0x0;
	s0 =	rddreg [dreg:$0x4]  }
0x1a6: {  	s0 =	sadd.s32 @!p0 $0x100000, s0  }
0x1a7: {  	[sflag:s0] =	ssyncadd.tile.s32 @!p0 $0x1;
	_ =	shalt  }
.Lfunc_end2:
_tile_overlayer_lowered:
.L_overlay_start_2:
0x1a8: {  	(tag) =	ssettag $0x2  }
0x1a9: {  	s0 =	rddreg [dreg:$0x0];
	s2 =	stileid.u32  }
0x1aa: {  	s1 =	rddreg [dreg:$0x1];
	p0 =	sne.s32 s2, $0x0  }
0x1ab: {  	s3 =	rddreg [dreg:$0x2];
	[bflag:$0x3] =	sbarrier.arrive $0xFFFF;
	s2 =	simm.s32 @!p0 $0x1C05  }
0x1ac: {  	[timem:s3], [sflag:s2] =	dma.local @!p0 [hbm:s0], s1  }
0x1ad: {  	s0 =	simm.s32 @!p0 $0x5  }
0x1ae: {  	_ =	swait.ge @!p0 [sflag:s0], s1  }
0x1af: {  	s1 =	ssub.s32 @!p0 $0x0, s1;
	[sflag:s0] =	ssyncset.done @!p0 $0x0  }
0x1b0: {  	[sflag:s0] =	ssyncadd.s32 @!p0 s1  }
0x1b1: {  	[bflag:$0x3] =	sbarrier.arrive $0xFFFF  }
0x1b2: {  	_ =	shalt  }

// kernel: kernel.14.cloned.1.call-start
scs
__scs_entry_jumppad:
0x0: {  	(pc) =	sbr.rel $0x88, $3  }
0x1: {  	(tag) =	ssettag $0x0;
	lr =	simm.s32 $0x1  }
0x2: {  	[smem:$0x3F9D] =	sst lr;
	_ =	strace $0xD0000000  }
0x3: {  	_ = 	snop  }
0x4: {  	_ = 	snop  }
0x5: {  	_ = 	snop  }
0x6: {  	_ = 	snop  }
0x7: {  	_ = 	snop  }
__scs_overlays_trampoline_lowered:
0x8: {  	[smem:$0x3FAC] =	sst s0  }
0x9: {  	[smem:$0x3FAD] =	sst s1  }
0xa: {  	[smem:$0x3FAE] =	sst s2  }
0xb: {  	[smem:$0x3FAF] =	sst s3  }
0xc: {  	[smem:$0x3FB0] =	sst s4  }
0xd: {  	[smem:$0x3FB1] =	sst s5  }
0xe: {  	[smem:$0x3FB2] =	sst s6  }
0xf: {  	[smem:$0x3FB3] =	sst s7  }
0x10: {  	[smem:$0x3FB4] =	sst s8  }
0x11: {  	[smem:$0x3FB5] =	sst s9;
	s0 =	simm.s32 @!p0 $0x0  }
0x12: {  	s1 =	sld [smem:$0x3F9B];
	s0 =	simm.s32 @p0 $0x1  }
0x13: {  	[smem:$0x3FB6] =	sst s0;
	s0 =	simm.s32 @!p1 $0x0  }
0x14: {  	s2 =	sld [smem:$0x3F9A];
	s0 =	simm.s32 @p1 $0x1  }
0x15: {  	[smem:$0x3FB7] =	sst s0;
	s0 =	simm.s32 @!p2 $0x0  }
0x16: {  	s3 =	sld [smem:$0x3FDB];
	s0 =	simm.s32 @p2 $0x1  }
0x17: {  	s4 =	simm.s32 $0x1BF5;
	[smem:$0x3FB9] =	sst s0  }
0x18: {  	s0 =	sld [smem:$0x3F9C];
	_ =	swait.ge [sflag:s4], $0x0  }
0x19: {  	s7 =	sld [smem:$0x3F9D]  }
0x1a: {  	s8 =	sadd.s32 $0xFFFFE003, lr  }
0x1b: {  	s9 =	sadd.s32 $0xFFFFFEF7, lr;
	s5 =	simm.s32 $0xFFFFFFFF;
	p2 =	slt.u32 s8, $0xFFFFF086  }
0x1c: {  	p1 =	slt.u32 s9, $0xF7A;
	s5 =	simm.s32 @!p2 $0x0  }
0x1d: {  	s5 =	simm.s32 @p1 $0x1;
	p0 =	seq.s32 s7, s2  }
0x1e: {  	s7 =	smul.u32 @!p0 $0xF7A, s2;
	p2 =	seq.s32 @!p0 s5, $0x0  }
0x1f: {  	s9 =	smul.u32 $0xF7A, s1;
	s8 =	simm.s32 @!p0 $0x1BF5;
	p2 =	por !p2, p0  }
0x20: {  	[sflag:s8] =	ssyncset.s32 @!p0 $0xFFFFF086;
	s6 =	sadd.s32 @!p0 s3, s7;
	s7 =	simm.s32 @!p0 $0x108  }
0x21: {  	s3 =	sadd.s32 s3, s9;
	s6 =	sadd.s32 @!p0 $0x88, s6;
	s7 =	simm.s32 @p2 $0x1082  }
0x22: {  	[simem:s7], [sflag:s8] =	dma.local @!p0 [hbm:s6], $0xF7A  }
0x23: {  	s9 =	sor.u32 $0xD0000000, s2;
	s6 =	simm.s32 $0x108;
	_ =	swait.ge @!p0 [sflag:s8], $0x0  }
0x24: {  	s3 =	sadd.s32 $0x88, s3;
	s6 =	simm.s32 @!p1 $0x1082;
	[sflag:s4] =	ssyncset.s32 $0xFFFFF086  }
0x25: {  	[simem:s6], [sflag:s4] =	dma.local [hbm:s3], $0xF7A  }
0x26: {  	[smem:$0x3F9D] =	sst s1;
	(tag) =	ssettag s2;
	_ =	strace s9  }
0x27: {  	s1 =	sld [smem:$0x3FAD]  }
0x28: {  	s2 =	sld [smem:$0x3FAE]  }
0x29: {  	s4 =	sld [smem:$0x3FB0]  }
0x2a: {  	p0 =	seq.s32 s5, $0x0;
	s5 =	sld [smem:$0x3FB1]  }
0x2b: {  	s6 =	sld [smem:$0x3FB2]  }
0x2c: {  	s7 =	sld [smem:$0x3FB3]  }
0x2d: {  	s3 =	simm.s32 $0x108;
	s8 =	sld [smem:$0x3FB4]  }
0x2e: {  	s3 =	simm.s32 @!p0 $0x1082;
	s9 =	sld [smem:$0x3FB5]  }
0x2f: {  	lr =	sadd.s32 s0, s3;
	s0 =	sld [smem:$0x3FAC]  }
0x30: {  	s3 =	sld [smem:$0x3FAF]  }
0x31: {  	[smem:$0x3FB8] =	sst s10  }
0x32: {  	s10 =	sld [smem:$0x3FB6];
	_ =	sdelay $0x3  }
0x33: {  	p0 =	seq.s32 s10, $0x1;
	s10 =	sld [smem:$0x3FB8];
	_ =	sdelay $0x3  }
0x34: {  	[smem:$0x3FB8] =	sst s10  }
0x35: {  	s10 =	sld [smem:$0x3FB7];
	_ =	sdelay $0x3  }
0x36: {  	p1 =	seq.s32 s10, $0x1;
	s10 =	sld [smem:$0x3FB8];
	_ =	sdelay $0x3  }
0x37: {  	[smem:$0x3FB8] =	sst s10  }
0x38: {  	s10 =	sld [smem:$0x3FB9]  }
0x39: {  	_ = 	snop;
	(pc) =	sbr.ind lr, $3  }
0x3a: {  	_ = 	snop  }
0x3b: {  	_ = 	snop  }
0x3c: {  	p2 =	seq.s32 s10, $0x1;
	s10 =	sld [smem:$0x3FB8]  }
0x3d: {  	_ =	shalt  }
0x3e: {  	_ =	shalt  }
0x3f: {  	_ =	shalt  }
0x40: {  	_ =	shalt  }
0x41: {  	_ =	shalt  }
0x42: {  	_ =	shalt  }
0x43: {  	_ =	shalt  }
0x44: {  	_ =	shalt  }
0x45: {  	_ =	shalt  }
0x46: {  	_ =	shalt  }
0x47: {  	_ =	shalt  }
0x48: {  	_ =	shalt  }
0x49: {  	_ =	shalt  }
0x4a: {  	_ =	shalt  }
0x4b: {  	_ =	shalt  }
0x4c: {  	_ =	shalt  }
0x4d: {  	_ =	shalt  }
0x4e: {  	_ =	shalt  }
0x4f: {  	_ =	shalt  }
0x50: {  	_ =	shalt  }
0x51: {  	_ =	shalt  }
0x52: {  	_ =	shalt  }
0x53: {  	_ =	shalt  }
0x54: {  	_ =	shalt  }
0x55: {  	_ =	shalt  }
0x56: {  	_ =	shalt  }
0x57: {  	_ =	shalt  }
0x58: {  	_ =	shalt  }
0x59: {  	_ =	shalt  }
0x5a: {  	_ =	shalt  }
0x5b: {  	_ =	shalt  }
0x5c: {  	_ =	shalt  }
0x5d: {  	_ =	shalt  }
0x5e: {  	_ =	shalt  }
0x5f: {  	_ =	shalt  }
0x60: {  	_ =	shalt  }
0x61: {  	_ =	shalt  }
0x62: {  	_ =	shalt  }
0x63: {  	_ =	shalt  }
0x64: {  	_ =	shalt  }
0x65: {  	_ =	shalt  }
0x66: {  	_ =	shalt  }
0x67: {  	_ =	shalt  }
0x68: {  	_ =	shalt  }
0x69: {  	_ =	shalt  }
0x6a: {  	_ =	shalt  }
0x6b: {  	_ =	shalt  }
0x6c: {  	_ =	shalt  }
0x6d: {  	_ =	shalt  }
0x6e: {  	_ =	shalt  }
0x6f: {  	_ =	shalt  }
0x70: {  	_ =	shalt  }
0x71: {  	_ =	shalt  }
0x72: {  	_ =	shalt  }
0x73: {  	_ =	shalt  }
0x74: {  	_ =	shalt  }
0x75: {  	_ =	shalt  }
0x76: {  	_ =	shalt  }
0x77: {  	_ =	shalt  }
0x78: {  	_ =	shalt  }
0x79: {  	_ =	shalt  }
0x7a: {  	_ =	shalt  }
0x7b: {  	_ =	shalt  }
0x7c: {  	_ =	shalt  }
0x7d: {  	_ =	shalt  }
0x7e: {  	_ =	shalt  }
0x7f: {  	_ =	shalt  }
0x80: {  	_ =	shalt  }
0x81: {  	_ =	shalt  }
0x82: {  	_ =	shalt  }
0x83: {  	_ =	shalt  }
0x84: {  	_ =	shalt  }
0x85: {  	_ =	shalt  }
0x86: {  	_ =	shalt  }
0x87: {  	_ =	shalt  }
.Lfunc_end0:
.L_simem_size_0:
called_computation.2_lowered:
.L_overlay_start_0:
0x88: {  	s2 =	sld [smem:$0x3FD9]  }
0x89: {  	s3 =	sld [smem:$0x3FFE];
	_ =	sdelay $0x1  }
0x8a: {  	s1 =	srdreg.scid  }
0x8b: {  	s0 =	sand.u32 $0x1, s1  }
0x8c: {  	s16 =	sshll.u32 s0, $0xA;
	s2 =	sadd.s32 s3, s2  }
0x8d: {  	s2 =	sadd.s32 s2, s16  }
0x8e: {  	[smem:$0x3FC4] =	sst s2  }
0x8f: {  	_ = 	snop  }
0x90: {  	(tm) =	ssettm $0x1  }
0x91: {  	s17 =	sld [smem:$0x3FFB];
	_ =	sdelay $0x3  }
0x92: {  	_ =	strace s17  }
0x93: {  	s2 =	sld [smem:$0x3FFC];
	_ =	sdelay $0x3  }
0x94: {  	_ =	strace s2  }
0x95: {  	s2 =	sld [smem:$0x3FFD];
	_ =	sdelay $0x3  }
0x96: {  	_ =	strace s2  }
0x97: {  	_ =	strace $0x8FFFFFFF  }
0x98: {  	s18 =	sld [smem:$0x3FDB];
	_ =	sdelay $0x1  }
0x99: {  	s19 =	simm.s32 $_scs_section_size  }
0x9a: {  	s4 =	simm.s32 $_size__tile_overlayer_lowered;
	s5 =	simm.s32 $_tile_overlayer_lowered  }
0x9b: {  	s22 =	simm.s32 $0x1BFF;
	s21 =	sshll.u32 s5, $0x1;
	s2 =	sadd.s32 s19, s18  }
0x9c: {  	s6 =	simm.s32 $0x0;
	s20 =	sshll.u32 s4, $0x1;
	s4 =	sadd.s32 s21, s2  }
0x9d: {  	[timem:s6], [sflag:s22] =	dma.local [hbm:s4], s20  }
0x9e: {  	_ =	swait.ge [sflag:s22], s20  }
0x9f: {  	s3 =	ssub.s32 $0x0, s20;
	[sflag:s22] =	ssyncset.done $0x0  }
0xa0: {  	[sflag:s22] =	ssyncadd.s32 s3;
	_ =	sdelay $0x1  }
0xa1: {  	s23 =	simm.s32 $0x1B8B  }
0xa2: {  	_ =	swait.ge [sflag:s23], $0x1  }
0xa3: {  	[sflag:s23] =	ssyncset.done $0x0  }
0xa4: {  	s25 =	simm.s32 $0x1B8E;
	s24 =	sld [smem:$0x3FFE];
	[sflag:s23] =	ssyncadd.s32 $0xFFFFFFFF  }
0xa5: {  	s26 =	simm.s32 $execute0_lowered;
	[smem:$0x3FD2] =	sst s25  }
0xa6: {  	s4 =	sshll.u32 s26, $0x1;
	_ =	strace $0x8000004C;
	[dreg:$0x1] =	wrdreg $0xFFFFFFFF  }
0xa7: {  	s28 =	simm.s32 $_size_execute0_lowered;
	s2 =	sadd.s32 s2, s4;
	[dreg:$0x0] =	wrdreg $0x0  }
0xa8: {  	s4 =	sshll.u32 s28, $0x1;
	[dreg:$0x2] =	wrdreg s2  }
0xa9: {  	[dreg:$0x3] =	wrdreg s4  }
0xaa: {  	[dreg:$0x4] =	wrdreg $0xC0  }
0xab: {  	_ =	task [dreg:s6], $0x5FFFF  }
0xac: {  	[dreg:$0x1] =	wrdreg $0xFFFFFFFF  }
0xad: {  	[dreg:$0x0] =	wrdreg $0x60  }
0xae: {  	[dreg:$0x2] =	wrdreg s24  }
0xaf: {  	[dreg:$0x3] =	wrdreg $0x11A780  }
0xb0: {  	[dreg:$0x4] =	wrdreg $0x17D380  }
0xb1: {  	[dreg:$0x5] =	wrdreg $0x9  }
0xb2: {  	_ =	task.clear_ibuf [dreg:s6], $0x6FFFF;
	_ =	strace $0x9000004C  }
0xb3: {  	s29 =	simm.s32 $0x9;
	_ =	strace $0x8000004E  }
0xb4: {  	_ =	swait.ge [sflag:s29], $0x1  }
0xb5: {  	[sflag:s29] =	ssyncadd.s32 $0xFFFFFFFF  }
0xb6: {  	_ =	strace $0x9000004E  }
0xb7: {  	_ =	sfence  }
0xb8: {  	s30 =	sld [smem:$0x0];
	_ =	sdelay $0x2  }
0xb9: {  	s31 =	sshll.u32 s1, $0xD;
	s1 =	sshrl.u32 s1, $0x2  }
0xba: {  	s3 =	sand.u32 $0x4000, s31;
	s1 =	sadd.s32 s1, s30  }
0xbb: {  	s0 =	sor.u32 s3, s0;
	s1 =	sshll.u32 s1, $0x11  }
0xbc: {  	s0 =	sor.u32 s1, s0  }
0xbd: {  	s0 =	sadd.s32 $0x8F2B, s0  }
0xbe: {  	[sflag:s0] =	ssyncadd.remote.s32 $0x1  }
0xbf: {  	_ =	sfence.sel $0xFFFF  }
0xc0: {  	[dreg:$0x0] =	wrdreg $0xFFFFFFFF;
	(pc) =	sbr.abs _section_cstart, $3  }
0xc1: {  	[dreg:$0x1] =	wrdreg $0xFFFFFFFF  }
0xc2: {  	_ =	task.clear_ibuf [dreg:s6], $0x2FFFF;
	_ =	strace $0x9FFFFFFF  }
0xc3: {  	(tm) =	ssettm $0x7FFFFFFF  }
tec
execute0_lowered:
.L_overlay_start_1:
0x0: {  	(tag) =	ssettag $0x1  }
0x1: {  	s0 =	rddreg [dreg:$0x0]  }
0x2: {  	s2 =	rddreg [dreg:$0x1]  }
0x3: {  	s3 =	rddreg [dreg:$0x2];
	s7 =	simm.s32 $0x0;
	s6 =	stileid.u32  }
0x4: {  	s1 =	srdreg.scid;
	s17 =	simm.s32 $0x11800;
	s18 =	simm.s32 $0x2  }
0x5: {  	s19 =	simm.s32 $0x1;
	s20 =	simm.s32 $0x80;
	s21 =	simm.s32 $0x6400  }
0x6: {  	s23 =	simm.s32 $0x7800;
	s29 =	simm.s32 $0xA000;
	s30 =	simm.s32 $0xC800  }
0x7: {  	s31 =	simm.s32 $0xDC00;
	s16 =	simm.s32 $0x10400;
	s28 =	simm.s32 $0x0  }
0x8: {  	s4 =	smul.u32 $0x62C0, s6;
	s1 =	sand.u32 $0x1, s1;
	s5 =	sshll.u32 s6, $0x1  }
0x9: {  	[smem:$0x7FF] =	sst s7;
	s6 =	smul.u32 $0x4F, s6;
	s5 =	sor.u32 s1, s5  }
0xa: {  	_ =	strace $0x8000004D;
	s9 =	smul.u32 $0xC580, s1;
	s10 =	ssub.s32 $0x2, s1  }
0xb: {  	p0 =	seq.s32 s1, $0x0;
	s22 =	sshrl.u32 s4, $0x3;
	s5 =	smul.u32 $0x500, s5  }
0xc: {  	s6 =	sadd.s32 s6, s0;
	s12 =	sshrl.u32 s10, $0x1;
	s14 =	sadd.s32 s4, s2  }
0xd: {  	s15 =	sadd.s32 s4, s3;
	s8 =	sadd.s32 s22, s0;
	s9 =	sadd.s32 s9, s0  }
0xe: {  	s10 =	ssub.s32 s10, s12;
	s6 =	sadd.s32 $0x16600, s6;
	[dreg:$0x8] =	wrdreg s14  }
0xf: {  	s12 =	simm.s32 $0x5000;
	s14 =	simm.s32 $0x5;
	[dreg:$0x9] =	wrdreg s15  }
0x10: {  	s11 =	sadd.s32 s5, s0;
	s26 =	sadd.s32 $0x16C00, s8;
	[dreg:$0x7] =	wrdreg s6  }
0x11: {  	s8 =	sadd.s32 $0x23180, s8;
	s0 =	sadd.s32 $0xC000, s0;
	[dreg:$0x4] =	wrdreg s26  }
0x12: {  	s24 =	sadd.s32 $0x2F800, s9;
	s25 =	smax.u32 s10, $0x1;
	[dreg:$0x5] =	wrdreg s8  }
0x13: {  	s13 =	sadd.s32 $0x2000, s11;
	[dreg:$0xa] =	wrdreg s25;
	s0 =	sadd.s32 s5, s0  }
0x14: {  	s26 =	sadd.s32 s22, s24;
	s22 =	simm.s32 $0x3;
	[dreg:$0x6] =	wrdreg s13  }
0x15: {  	s25 =	simm.s32 $0x4;
	s13 =	simm.s32 $0xB400;
	[dreg:$0xb] =	wrdreg s0  }
0x16: {  	v0 =	vimm.f32 $0.0e+00;
	[dreg:$0xc] =	wrdreg s26;
	s26 =	simm.s32 $0x8C00;
	s0 =	simm.s32 $0xF000  }
.LBB2_1:
0x17: {  	s1 =	simm.s32 $0x0;
	s4 =	rddreg [dreg:$0x4]  }
0x18: {  	[tilespmem:s12], [sflag:$0x1] =	stream.linear.gather [hbm4b:s4+s1], $0x62C0, $0x38;
	[tilespmem:$0x1DFF8] =	vst v63  }
0x19: {  	s5 =	rddreg [dreg:$0x5]  }
0x1a: {  	[tilespmem:s13], [sflag:$0x2] =	stream.linear.gather [hbm4b:s5+s1], $0x62C0, $0x38;
	[tilespmem:$0x1DFF8] =	vst v63  }
0x1b: {  	s6 =	rddreg [dreg:$0x6]  }
0x1c: {  	[tilespmem:s1], [sflag:$0x5] =	stream.linear.gather [hbm4b:s6+s1], $0x2800, $0x38;
	[tilespmem:$0x1DFF8] =	vst v63  }
0x1d: {  	_ =	swait.ge [sflag:s14], $0x2800  }
0x1e: {  	[sflag:s14] =	ssyncset.done $0x0  }
0x1f: {  	s5 =	simm.s32 $0x2800;
	s7 =	rddreg [dreg:$0xb];
	[sflag:s14] =	ssyncadd.s32 $0xFFFFD800  }
0x20: {  	[tilespmem:s5], [sflag:$0x5] =	stream.linear.gather [hbm4b:s7+s1], $0x2800, $0x38;
	[tilespmem:$0x1DFF8] =	vst v63  }
0x21: {  	_ =	swait.ge [sflag:s14], $0x2800  }
0x22: {  	[sflag:s14] =	ssyncset.done $0x0  }
0x23: {  	s8 =	rddreg [dreg:$0x7];
	[sflag:s14] =	ssyncadd.s32 $0xFFFFD800  }
0x24: {  	[tilespmem:s17], [sflag:$0x5] =	stream.linear.gather [hbm4b:s8+s1], $0x278, $0x38;
	[tilespmem:$0x1DFF8] =	vst v63  }
0x25: {  	_ =	swait.ge [sflag:s14], $0x278  }
0x26: {  	[sflag:s14] =	ssyncset.done $0x0  }
0x27: {  	[sflag:s14] =	ssyncadd.s32 $0xFFFFFD88  }
0x28: {  	s9 =	simm.s32 $0x0;
	_ =	swait.ge [sflag:s19], $0x62C0  }
0x29: {  	v1 =	vmov s9;
	[sflag:s19] =	ssyncset.done $0x0  }
0x2a: {  	v1 =	vand.u32 $0xFFFFFFFE, v1;
	[sflag:s19] =	ssyncadd.s32 $0xFFFF9D40  }
0x2b: {  	v1 =	vbroadcast v1, $0x0;
	_ =	swait.ge [sflag:s18], $0x62C0  }
0x2c: {  	[sflag:s18] =	ssyncset.done $0x0  }
0x2d: {  	s8 =	simm.s32 $0x5028;
	[sflag:s18] =	ssyncadd.s32 $0xFFFF9D40  }
0x2e: {  	v6 =	vld [tilespmem:s8+$0xFFFFFFF0]  }
0x2f: {  	v3 =	vld [tilespmem:s8+$0xFFFFFFD8]  }
0x30: {  	v4 =	vld [tilespmem:s8+$0xFFFFFFE8]  }
0x31: {  	s15 =	simm.s32 $0xB428;
	v2 =	vld.idx.msk [tilespmem:v1+s17+$0x0], $0xffff  }
0x32: {  	v1 =	vld [tilespmem:s15+$0xFFFFFFE8]  }
0x33: {  	v5 =	vld [tilespmem:s15+$0xFFFFFFD8]  }
0x34: {  	v7 =	vld [tilespmem:s15+$0xFFFFFFF0]  }
0x35: {  	s10 =	simm.s32 $0x2  }
0x36: {  	v8 =	vmov s10  }
0x37: {  	s24 =	simm.s32 $0x7;
	s11 =	simm.s32 $0x4;
	v8 =	vand.u32 $0xFFFFFFFE, v8;
	v9 =	vadd.f32 v1, v4  }
0x38: {  	s9 =	simm.s32 $0x3;
	s6 =	simm.s32 $0x5078;
	s7 =	simm.s32 $0x5078;
	v1 =	vbroadcast v8, $0x0;
	v5 =	vadd.f32 v5, v3;
	v4 =	vmov s19  }
0x39: {  	s5 =	simm.s32 $0xB478;
	s1 =	simm.s32 $0x5;
	v3 =	vmov s11;
	v6 =	vadd.f32 v7, v6;
	s11 =	simm.s32 $0xB478;
	v7 =	vmul.f32 v9, v2  }
.LBB2_2:
0x3a: {  	s7 =	sadd.s32 $0x50, s7  }
0x3b: {  	v3 =	vand.u32 $0xFFFFFFFE, v3;
	s5 =	sadd.s32 $0x50, s5;
	v5 =	vmul.f32 v5, v2;
	s10 =	smov.u32 s24;
	s4 =	sadd.s32 $0x2, s24  }
0x3c: {  	p1 =	sne.s32 s24, $0x277;
	v3 =	vbroadcast v3, $0x0;
	[tilespmem:s8+$0xFFFFFFE8] =	vst v7;
	v2 =	vmul.f32 v6, v2;
	v6 =	vld [tilespmem:s8+$0x18]  }
0x3d: {  	[tilespmem:s8+$0xFFFFFFD8] =	vst v5;
	v5 =	vld [tilespmem:s8+$0x0]  }
0x3e: {  	[tilespmem:s8+$0xFFFFFFF0] =	vst v2;
	v2 =	vld [tilespmem:s8+$0x10]  }
0x3f: {  	v4 =	vld.idx.msk [tilespmem:v4+s17+$0x0], $0xffff  }
0x40: {  	v7 =	vld [tilespmem:s15+$0x10]  }
0x41: {  	v8 =	vld [tilespmem:s15+$0x0]  }
0x42: {  	v9 =	vld [tilespmem:s15+$0x18];
	s15 =	smov.u32 s11;
	s11 =	smov.u32 s5;
	_ =	sdelay $0x2  }
0x43: {  	v2 =	vadd.f32 v7, v2  }
0x44: {  	v5 =	vadd.f32 v8, v5  }
0x45: {  	v6 =	vadd.f32 v9, v6;
	v2 =	vmul.f32 v2, v4  }
0x46: {  	v5 =	vmul.f32 v5, v4  }
0x47: {  	v7 =	vld [tilespmem:s6+$0xFFFFFFF0];
	[tilespmem:s8+$0x10] =	vst v2;
	v2 =	vmul.f32 v6, v4  }
0x48: {  	v4 =	vld [tilespmem:s6+$0xFFFFFFD8];
	[tilespmem:s8+$0x0] =	vst v5  }
0x49: {  	v5 =	vld [tilespmem:s6+$0xFFFFFFE8];
	[tilespmem:s8+$0x18] =	vst v2;
	s8 =	smov.u32 s6;
	s6 =	smov.u32 s7  }
0x4a: {  	v2 =	vld.idx.msk [tilespmem:v1+s17+$0x0], $0xffff;
	v1 =	vmov v3  }
0x4b: {  	v3 =	vld [tilespmem:s15+$0xFFFFFFE8]  }
0x4c: {  	v6 =	vld [tilespmem:s15+$0xFFFFFFD8]  }
0x4d: {  	v8 =	vld [tilespmem:s15+$0xFFFFFFF0]  }
.Ltmp0:
0x4e: {  	(pc) =	sbr.rel @p1 .LBB2_2-.Ltmp0, $4  }
0x4f: {  	_ = 	snop  }
0x50: {  	v9 =	vadd.f32 v3, v5  }
0x51: {  	s24 =	sadd.s32 $0xFFFFFFFF, s10;
	v5 =	vadd.f32 v6, v4;
	v4 =	vmov s9;
	s9 =	smov.u32 s1;
	s1 =	smov.u32 s10  }
0x52: {  	v3 =	vmov s24;
	s24 =	smov.u32 s4;
	v6 =	vadd.f32 v8, v7;
	v7 =	vmul.f32 v9, v2  }
0x53: {  	v5 =	vmul.f32 v5, v2  }
0x54: {  	v45 =	vld [tilespmem:s8+$0x18];
	[tilespmem:s8+$0xFFFFFFE8] =	vst v7;
	v2 =	vmul.f32 v6, v2  }
0x55: {  	v46 =	vld [tilespmem:s8+$0x0];
	[tilespmem:s8+$0xFFFFFFD8] =	vst v5  }
0x56: {  	[tilespmem:s8+$0xFFFFFFF0] =	vst v2;
	v2 =	vld [tilespmem:s8+$0x10]  }
0x57: {  	v7 =	vld [tilespmem:s15+$0x10]  }
0x58: {  	v4 =	vld.idx.msk [tilespmem:v4+s17+$0x0], $0xffff  }
0x59: {  	v8 =	vld [tilespmem:s15+$0x0]  }
0x5a: {  	v9 =	vld [tilespmem:s15+$0x18];
	_ =	sdelay $0x2  }
0x5b: {  	v2 =	vadd.f32 v7, v2  }
0x5c: {  	v5 =	vadd.f32 v8, v46  }
0x5d: {  	v6 =	vadd.f32 v9, v45;
	v2 =	vmul.f32 v2, v4  }
0x5e: {  	v5 =	vmul.f32 v5, v4  }
0x5f: {  	v47 =	vld [tilespmem:s6+$0xFFFFFFF0];
	v4 =	vmul.f32 v6, v4;
	[tilespmem:s8+$0x10] =	vst v2  }
0x60: {  	v2 =	vld [tilespmem:s6+$0xFFFFFFD8];
	[tilespmem:s8+$0x0] =	vst v5  }
0x61: {  	v5 =	vld [tilespmem:s6+$0xFFFFFFE8];
	[tilespmem:s8+$0x18] =	vst v4  }
0x62: {  	v4 =	vld [tilespmem:s11+$0xFFFFFFE8]  }
0x63: {  	v48 =	vld [tilespmem:s11+$0xFFFFFFD8]  }
0x64: {  	v1 =	vld.idx.msk [tilespmem:v1+s17+$0x0], $0xffff  }
0x65: {  	v49 =	vld [tilespmem:s11+$0xFFFFFFF0];
	_ =	sdelay $0x2  }
0x66: {  	v4 =	vadd.f32 v4, v5  }
0x67: {  	v2 =	vadd.f32 v48, v2  }
0x68: {  	v50 =	vadd.f32 v49, v47;
	v4 =	vmul.f32 v4, v1  }
0x69: {  	v51 =	vmov s9;
	v2 =	vmul.f32 v2, v1  }
0x6a: {  	v52 =	vld [tilespmem:s6+$0x18];
	v1 =	vmul.f32 v50, v1;
	[tilespmem:s6+$0xFFFFFFE8] =	vst v4  }
0x6b: {  	[tilespmem:s6+$0xFFFFFFD8] =	vst v2;
	v2 =	vld [tilespmem:s6+$0x0]  }
0x6c: {  	[tilespmem:s6+$0xFFFFFFF0] =	vst v1;
	v1 =	vld [tilespmem:s6+$0x10]  }
0x6d: {  	v53 =	vld [tilespmem:s11+$0x10]  }
0x6e: {  	v4 =	vld.idx.msk [tilespmem:v51+s17+$0x0], $0xffff  }
0x6f: {  	v54 =	vld [tilespmem:s11+$0x0]  }
0x70: {  	v55 =	vld [tilespmem:s11+$0x18];
	_ =	sdelay $0x2  }
0x71: {  	v3 =	vand.u32 $0xFFFFFFFE, v3;
	v1 =	vadd.f32 v53, v1  }
0x72: {  	v3 =	vbroadcast v3, $0x0;
	v2 =	vadd.f32 v54, v2  }
0x73: {  	v5 =	vadd.f32 v55, v52;
	v1 =	vmul.f32 v1, v4  }
0x74: {  	s4 =	sadd.s32 $0x50, s7;
	v2 =	vmul.f32 v2, v4  }
0x75: {  	v56 =	vld [tilespmem:s4+$0xFFFFFFF0];
	v4 =	vmul.f32 v5, v4;
	[tilespmem:s6+$0x10] =	vst v1  }
0x76: {  	v1 =	vld [tilespmem:s4+$0xFFFFFFD8];
	[tilespmem:s6+$0x0] =	vst v2  }
0x77: {  	v2 =	vld [tilespmem:s4+$0xFFFFFFE8];
	[tilespmem:s6+$0x18] =	vst v4  }
0x78: {  	s5 =	sadd.s32 $0x50, s5;
	v3 =	vld.idx.msk [tilespmem:v3+s17+$0x0], $0xffff  }
0x79: {  	v4 =	vld [tilespmem:s5+$0xFFFFFFE8]  }
0x7a: {  	v57 =	vld [tilespmem:s5+$0xFFFFFFD8]  }
0x7b: {  	v58 =	vld [tilespmem:s5+$0xFFFFFFF0];
	_ =	sdelay $0x2  }
0x7c: {  	v2 =	vadd.f32 v4, v2  }
0x7d: {  	v1 =	vadd.f32 v57, v1  }
0x7e: {  	v59 =	vmov s1;
	v60 =	vadd.f32 v58, v56;
	v2 =	vmul.f32 v2, v3  }
0x7f: {  	v1 =	vmul.f32 v1, v3  }
0x80: {  	[tilespmem:s4+$0xFFFFFFE8] =	vst v2;
	v2 =	vmul.f32 v60, v3;
	v3 =	vld [tilespmem:s4+$0x18]  }
0x81: {  	[tilespmem:s4+$0xFFFFFFD8] =	vst v1;
	v1 =	vld [tilespmem:s4+$0x0]  }
0x82: {  	[tilespmem:s4+$0xFFFFFFF0] =	vst v2;
	v2 =	vld [tilespmem:s4+$0x10]  }
0x83: {  	v4 =	vld.idx.msk [tilespmem:v59+s17+$0x0], $0xffff  }
0x84: {  	v61 =	vld [tilespmem:s5+$0x10]  }
0x85: {  	v62 =	vld [tilespmem:s5+$0x0]  }
0x86: {  	v63 =	vld [tilespmem:s5+$0x18];
	_ =	sdelay $0x2  }
0x87: {  	v2 =	vadd.f32 v61, v2  }
0x88: {  	v1 =	vadd.f32 v62, v1  }
0x89: {  	v3 =	vadd.f32 v63, v3;
	v2 =	vmul.f32 v2, v4  }
.Ltmp1:
0x8a: {  	v1 =	vmul.f32 v1, v4;
	(pc) =	sbr.rel @p0 .LBB2_6-.Ltmp1, $4  }
0x8b: {  	[tilespmem:s4+$0x10] =	vst v2;
	v2 =	vmul.f32 v3, v4  }
0x8c: {  	[tilespmem:s4+$0x0] =	vst v1  }
0x8d: {  	s24 =	rddreg [dreg:$0x8];
	s1 =	simm.s32 $0x0;
	[tilespmem:s4+$0x18] =	vst v2;
	s4 =	simm.s32 $0x5000  }
0x8e: {  	[spmem:s24] =	stream.linear.scatter [tilespmem:s4], [sflag:$0x1], $0x62C0, $0x38;
	[tilespmem:$0x1DFF8] =	vst v63  }
.LBB2_4:
0x8f: {  	p1 =	sne.s32 s1, $0x18A60  }
.Ltmp2:
0x90: {  	_ = 	snop;
	(pc) =	sbr.rel @p1 .LBB2_4-.Ltmp2, $4  }
0x91: {  	s4 =	sshra.s32 s1, $0x2  }
0x92: {  	[tilespmem:s4+$0xB400] =	vst v0  }
0x93: {  	[tilespmem:s4+$0xB410] =	vst v0  }
0x94: {  	s1 =	sadd.s32 $0xA0, s1;
	[tilespmem:s4+$0xB418] =	vst v0  }
0x95: {  	s4 =	simm.s32 $0xB400  }
.LBB2_6:
0x96: {  	s11 =	rddreg [dreg:$0x9]  }
0x97: {  	[spmem:s11] =	stream.linear.scatter [tilespmem:s4], [sflag:$0x2], $0x62C0, $0x38;
	[tilespmem:$0x1DFF8] =	vst v63  }
0x98: {  	_ =	swait.ge [sflag:s19], $0x62C0  }
0x99: {  	[sflag:s19] =	ssyncset.done $0x0  }
0x9a: {  	[sflag:s19] =	ssyncadd.s32 $0xFFFF9D40  }
0x9b: {  	_ =	swait.ge [sflag:s18], $0x62C0  }
0x9c: {  	[sflag:s18] =	ssyncset.done $0x0  }
0x9d: {  	[sflag:s18] =	ssyncadd.s32 $0xFFFF9D40  }
0x9e: {  	s1 =	simm.s32 $0x0;
	[bflag:$0x0] =	sbarrier.arrive $0xFFFF  }
0x9f: {  	[tilespmem:s12], [sflag:$0x1] =	stream.indirect.gather [spmem:s2], $0x28, s1, s20, $0xb8;
	[tilespmem:$0x1DFF8] =	vst v63  }
0xa0: {  	_ = 	snop  }
0xa1: {  	[tilespmem:s21], [sflag:$0x1] =	stream.indirect.gather [spmem:s2], $0x28, s20, s20, $0xb8;
	[tilespmem:$0x1DFF8] =	vst v63  }
0xa2: {  	s4 =	simm.s32 $0x100  }
0xa3: {  	[tilespmem:s23], [sflag:$0x1] =	stream.indirect.gather [spmem:s2], $0x28, s4, s20, $0xb8;
	[tilespmem:$0x1DFF8] =	vst v63  }
0xa4: {  	s5 =	simm.s32 $0x180  }
0xa5: {  	[tilespmem:s26], [sflag:$0x1] =	stream.indirect.gather [spmem:s2], $0x28, s5, s20, $0xb8;
	[tilespmem:$0x1DFF8] =	vst v63  }
0xa6: {  	s6 =	simm.s32 $0x200  }
0xa7: {  	[tilespmem:s29], [sflag:$0x1] =	stream.indirect.gather [spmem:s2], $0x28, s6, s20, $0xb8;
	[tilespmem:$0x1DFF8] =	vst v63  }
0xa8: {  	s7 =	simm.s32 $0x280  }
0xa9: {  	[tilespmem:s13], [sflag:$0x2] =	stream.indirect.gather [spmem:s2], $0x28, s7, s20, $0xb8;
	[tilespmem:$0x1DFF8] =	vst v63  }
0xaa: {  	s8 =	simm.s32 $0x300  }
0xab: {  	[tilespmem:s30], [sflag:$0x2] =	stream.indirect.gather [spmem:s2], $0x28, s8, s20, $0xb8;
	[tilespmem:$0x1DFF8] =	vst v63  }
0xac: {  	s9 =	simm.s32 $0x380  }
0xad: {  	[tilespmem:s31], [sflag:$0x2] =	stream.indirect.gather [spmem:s2], $0x28, s9, s20, $0xb8;
	[tilespmem:$0x1DFF8] =	vst v63  }
0xae: {  	s10 =	simm.s32 $0x400  }
0xaf: {  	[tilespmem:s0], [sflag:$0x2] =	stream.indirect.gather [spmem:s2], $0x28, s10, s20, $0xb8;
	[tilespmem:$0x1DFF8] =	vst v63  }
0xb0: {  	s15 =	simm.s32 $0x480  }
0xb1: {  	[tilespmem:s16], [sflag:$0x2] =	stream.indirect.gather [spmem:s2], $0x28, s15, s20, $0xb8;
	[tilespmem:$0x1DFF8] =	vst v63  }
0xb2: {  	_ =	swait.ge [sflag:s19], $0x1400  }
0xb3: {  	[sflag:s19] =	ssyncset.done $0x0  }
0xb4: {  	[sflag:s19] =	ssyncadd.s32 $0xFFFFEC00  }
0xb5: {  	_ =	swait.ge [sflag:s19], $0x1400  }
0xb6: {  	[sflag:s19] =	ssyncset.done $0x0  }
0xb7: {  	[sflag:s19] =	ssyncadd.s32 $0xFFFFEC00  }
0xb8: {  	_ =	swait.ge [sflag:s19], $0x1400  }
0xb9: {  	[sflag:s19] =	ssyncset.done $0x0  }
0xba: {  	[sflag:s19] =	ssyncadd.s32 $0xFFFFEC00  }
0xbb: {  	_ =	swait.ge [sflag:s19], $0x1400  }
0xbc: {  	[sflag:s19] =	ssyncset.done $0x0  }
0xbd: {  	[sflag:s19] =	ssyncadd.s32 $0xFFFFEC00  }
0xbe: {  	_ =	swait.ge [sflag:s19], $0x1400  }
0xbf: {  	[sflag:s19] =	ssyncset.done $0x0  }
0xc0: {  	s24 =	simm.s32 $0x2800;
	[sflag:s19] =	ssyncadd.s32 $0xFFFFEC00  }
0xc1: {  	[spmem:s3] =	stream.indirect.scatter.add.f32 [tilespmem:s12], [sflag:$0x3], $0x28, s24, s20, $0xb8;
	[tilespmem:$0x1DFF8] =	vst v63  }
0xc2: {  	s4 =	simm.s32 $0x2880  }
0xc3: {  	[spmem:s3] =	stream.indirect.scatter.add.f32 [tilespmem:s21], [sflag:$0x3], $0x28, s4, s20, $0xb8;
	[tilespmem:$0x1DFF8] =	vst v63  }
0xc4: {  	s5 =	simm.s32 $0x2900  }
0xc5: {  	[spmem:s3] =	stream.indirect.scatter.add.f32 [tilespmem:s23], [sflag:$0x3], $0x28, s5, s20, $0xb8;
	[tilespmem:$0x1DFF8] =	vst v63  }
0xc6: {  	s6 =	simm.s32 $0x2980  }
0xc7: {  	[spmem:s3] =	stream.indirect.scatter.add.f32 [tilespmem:s26], [sflag:$0x3], $0x28, s6, s20, $0xb8;
	[tilespmem:$0x1DFF8] =	vst v63  }
0xc8: {  	s7 =	simm.s32 $0x2A00  }
0xc9: {  	[spmem:s3] =	stream.indirect.scatter.add.f32 [tilespmem:s29], [sflag:$0x3], $0x28, s7, s20, $0xb8;
	[tilespmem:$0x1DFF8] =	vst v63  }
0xca: {  	_ =	swait.ge [sflag:s22], $0x1400  }
0xcb: {  	[sflag:s22] =	ssyncset.done $0x0  }
0xcc: {  	[sflag:s22] =	ssyncadd.s32 $0xFFFFEC00  }
0xcd: {  	_ =	swait.ge [sflag:s22], $0x1400  }
0xce: {  	[sflag:s22] =	ssyncset.done $0x0  }
0xcf: {  	[sflag:s22] =	ssyncadd.s32 $0xFFFFEC00  }
0xd0: {  	_ =	swait.ge [sflag:s22], $0x1400  }
0xd1: {  	[sflag:s22] =	ssyncset.done $0x0  }
0xd2: {  	[sflag:s22] =	ssyncadd.s32 $0xFFFFEC00  }
0xd3: {  	_ =	swait.ge [sflag:s22], $0x1400  }
0xd4: {  	[sflag:s22] =	ssyncset.done $0x0  }
0xd5: {  	[sflag:s22] =	ssyncadd.s32 $0xFFFFEC00  }
0xd6: {  	p1 =	por $0x0, $0x0;
	_ =	swait.ge [sflag:s22], $0x1400  }
0xd7: {  	s1 =	simm.s32 @!p1 $0x5000;
	[sflag:s22] =	ssyncset.done $0x0  }
0xd8: {  	s4 =	simm.s32 @!p1 $0x500;
	s5 =	simm.s32 @!p1 $0x80;
	[sflag:s22] =	ssyncadd.s32 $0xFFFFEC00  }
0xd9: {  	[tilespmem:s1], [sflag:$0x1] =	stream.indirect.gather @!p1 [spmem:s2], $0x28, s4, s5, $0xb8;
	[tilespmem:$0x1DFF8] =	vst v63  }
0xda: {  	s1 =	simm.s32 @!p1 $0x580;
	s4 =	simm.s32 @!p1 $0x6400  }
0xdb: {  	[tilespmem:s4], [sflag:$0x1] =	stream.indirect.gather @!p1 [spmem:s2], $0x28, s1, s5, $0xb8;
	[tilespmem:$0x1DFF8] =	vst v63  }
0xdc: {  	s1 =	simm.s32 @!p1 $0x600;
	s4 =	simm.s32 @!p1 $0x7800  }
0xdd: {  	[tilespmem:s4], [sflag:$0x1] =	stream.indirect.gather @!p1 [spmem:s2], $0x28, s1, s5, $0xb8;
	[tilespmem:$0x1DFF8] =	vst v63  }
0xde: {  	s1 =	simm.s32 @!p1 $0x680;
	s4 =	simm.s32 @!p1 $0x8C00  }
0xdf: {  	[tilespmem:s4], [sflag:$0x1] =	stream.indirect.gather @!p1 [spmem:s2], $0x28, s1, s5, $0xb8;
	[tilespmem:$0x1DFF8] =	vst v63  }
0xe0: {  	s1 =	simm.s32 @!p1 $0x700;
	s4 =	simm.s32 @!p1 $0xA000  }
0xe1: {  	[tilespmem:s4], [sflag:$0x1] =	stream.indirect.gather @!p1 [spmem:s2], $0x28, s1, s5, $0xb8;
	[tilespmem:$0x1DFF8] =	vst v63  }
0xe2: {  	_ =	swait.ge [sflag:s18], $0x1400  }
0xe3: {  	[sflag:s18] =	ssyncset.done $0x0  }
0xe4: {  	[sflag:s18] =	ssyncadd.s32 $0xFFFFEC00  }
0xe5: {  	_ =	swait.ge [sflag:s18], $0x1400  }
0xe6: {  	[sflag:s18] =	ssyncset.done $0x0  }
0xe7: {  	[sflag:s18] =	ssyncadd.s32 $0xFFFFEC00  }
0xe8: {  	_ =	swait.ge [sflag:s18], $0x1400  }
0xe9: {  	[sflag:s18] =	ssyncset.done $0x0  }
0xea: {  	[sflag:s18] =	ssyncadd.s32 $0xFFFFEC00  }
0xeb: {  	_ =	swait.ge [sflag:s18], $0x1400  }
0xec: {  	[sflag:s18] =	ssyncset.done $0x0  }
0xed: {  	[sflag:s18] =	ssyncadd.s32 $0xFFFFEC00  }
0xee: {  	_ =	swait.ge [sflag:s18], $0x1400  }
0xef: {  	[sflag:s18] =	ssyncset.done $0x0  }
0xf0: {  	s8 =	simm.s32 $0x2A80;
	[sflag:s18] =	ssyncadd.s32 $0xFFFFEC00  }
0xf1: {  	[spmem:s3] =	stream.indirect.scatter.add.f32 [tilespmem:s13], [sflag:$0x4], $0x28, s8, s20, $0xb8;
	[tilespmem:$0x1DFF8] =	vst v63  }
0xf2: {  	s9 =	simm.s32 $0x2B00  }
0xf3: {  	[spmem:s3] =	stream.indirect.scatter.add.f32 [tilespmem:s30], [sflag:$0x4], $0x28, s9, s20, $0xb8;
	[tilespmem:$0x1DFF8] =	vst v63  }
0xf4: {  	s10 =	simm.s32 $0x2B80  }
0xf5: {  	[spmem:s3] =	stream.indirect.scatter.add.f32 [tilespmem:s31], [sflag:$0x4], $0x28, s10, s20, $0xb8;
	[tilespmem:$0x1DFF8] =	vst v63  }
0xf6: {  	s15 =	simm.s32 $0x2C00  }
0xf7: {  	[spmem:s3] =	stream.indirect.scatter.add.f32 [tilespmem:s0], [sflag:$0x4], $0x28, s15, s20, $0xb8;
	[tilespmem:$0x1DFF8] =	vst v63  }
0xf8: {  	s24 =	simm.s32 $0x2C80  }
0xf9: {  	[spmem:s3] =	stream.indirect.scatter.add.f32 [tilespmem:s16], [sflag:$0x4], $0x28, s24, s20, $0xb8;
	[tilespmem:$0x1DFF8] =	vst v63  }
0xfa: {  	_ =	swait.ge [sflag:s25], $0x1400  }
0xfb: {  	[sflag:s25] =	ssyncset.done $0x0  }
0xfc: {  	[sflag:s25] =	ssyncadd.s32 $0xFFFFEC00  }
0xfd: {  	_ =	swait.ge [sflag:s25], $0x1400  }
0xfe: {  	[sflag:s25] =	ssyncset.done $0x0  }
0xff: {  	[sflag:s25] =	ssyncadd.s32 $0xFFFFEC00  }
0x100: {  	_ =	swait.ge [sflag:s25], $0x1400  }
0x101: {  	[sflag:s25] =	ssyncset.done $0x0  }
0x102: {  	[sflag:s25] =	ssyncadd.s32 $0xFFFFEC00  }
0x103: {  	_ =	swait.ge [sflag:s25], $0x1400  }
0x104: {  	[sflag:s25] =	ssyncset.done $0x0  }
0x105: {  	[sflag:s25] =	ssyncadd.s32 $0xFFFFEC00  }
0x106: {  	s6 =	simm.s32 $0x2800;
	_ =	swait.ge [sflag:s25], $0x1400  }
0x107: {  	s5 =	simm.s32 $0x1400;
	s1 =	simm.s32 $0x500;
	[sflag:s25] =	ssyncset.done $0x0  }
.LBB2_7:
0x108: {  	s4 =	sadd.s32 $0x280, s1  }
0x109: {  	[sflag:s25] =	ssyncadd.s32 $0xFFFFEC00;
	s7 =	smov.u32 s6;
	s6 =	sadd.s32 $0x1400, s6  }
0x10a: {  	[tilespmem:s13], [sflag:$0x2] =	stream.indirect.gather [spmem:s2], $0x28, s4, s20, $0xb8;
	[tilespmem:$0x1DFF8] =	vst v63  }
0x10b: {  	p1 =	sne.s32 s6, $0xA000;
	s4 =	sadd.s32 $0x300, s1  }
0x10c: {  	[tilespmem:s30], [sflag:$0x2] =	stream.indirect.gather [spmem:s2], $0x28, s4, s20, $0xb8;
	[tilespmem:$0x1DFF8] =	vst v63  }
0x10d: {  	s4 =	sadd.s32 $0x380, s1  }
0x10e: {  	[tilespmem:s31], [sflag:$0x2] =	stream.indirect.gather [spmem:s2], $0x28, s4, s20, $0xb8;
	[tilespmem:$0x1DFF8] =	vst v63  }
0x10f: {  	s4 =	sadd.s32 $0x400, s1  }
0x110: {  	[tilespmem:s0], [sflag:$0x2] =	stream.indirect.gather [spmem:s2], $0x28, s4, s20, $0xb8;
	[tilespmem:$0x1DFF8] =	vst v63  }
0x111: {  	s4 =	sadd.s32 $0x480, s1  }
0x112: {  	[tilespmem:s16], [sflag:$0x2] =	stream.indirect.gather [spmem:s2], $0x28, s4, s20, $0xb8;
	[tilespmem:$0x1DFF8] =	vst v63  }
0x113: {  	_ =	swait.ge [sflag:s19], $0x1400  }
0x114: {  	[sflag:s19] =	ssyncset.done $0x0  }
0x115: {  	[sflag:s19] =	ssyncadd.s32 $0xFFFFEC00  }
0x116: {  	_ =	swait.ge [sflag:s19], $0x1400  }
0x117: {  	[sflag:s19] =	ssyncset.done $0x0  }
0x118: {  	[sflag:s19] =	ssyncadd.s32 $0xFFFFEC00  }
0x119: {  	_ =	swait.ge [sflag:s19], $0x1400  }
0x11a: {  	[sflag:s19] =	ssyncset.done $0x0  }
0x11b: {  	[sflag:s19] =	ssyncadd.s32 $0xFFFFEC00  }
0x11c: {  	_ =	swait.ge [sflag:s19], $0x1400  }
0x11d: {  	[sflag:s19] =	ssyncset.done $0x0  }
0x11e: {  	[sflag:s19] =	ssyncadd.s32 $0xFFFFEC00  }
0x11f: {  	_ =	swait.ge [sflag:s19], $0x1400  }
0x120: {  	[sflag:s19] =	ssyncset.done $0x0  }
0x121: {  	s4 =	sadd.s32 $0x2800, s1;
	[sflag:s19] =	ssyncadd.s32 $0xFFFFEC00  }
0x122: {  	[spmem:s3] =	stream.indirect.scatter.add.f32 [tilespmem:s12], [sflag:$0x3], $0x28, s4, s20, $0xb8;
	[tilespmem:$0x1DFF8] =	vst v63  }
0x123: {  	s4 =	sadd.s32 $0x2880, s1  }
0x124: {  	[spmem:s3] =	stream.indirect.scatter.add.f32 [tilespmem:s21], [sflag:$0x3], $0x28, s4, s20, $0xb8;
	[tilespmem:$0x1DFF8] =	vst v63  }
0x125: {  	s4 =	sadd.s32 $0x2900, s1  }
0x126: {  	[spmem:s3] =	stream.indirect.scatter.add.f32 [tilespmem:s23], [sflag:$0x3], $0x28, s4, s20, $0xb8;
	[tilespmem:$0x1DFF8] =	vst v63  }
0x127: {  	s4 =	sadd.s32 $0x2980, s1  }
0x128: {  	[spmem:s3] =	stream.indirect.scatter.add.f32 [tilespmem:s26], [sflag:$0x3], $0x28, s4, s20, $0xb8;
	[tilespmem:$0x1DFF8] =	vst v63  }
0x129: {  	s4 =	sadd.s32 $0x2A00, s1  }
0x12a: {  	[spmem:s3] =	stream.indirect.scatter.add.f32 [tilespmem:s29], [sflag:$0x3], $0x28, s4, s20, $0xb8;
	[tilespmem:$0x1DFF8] =	vst v63  }
0x12b: {  	_ =	swait.ge [sflag:s22], $0x1400  }
0x12c: {  	[sflag:s22] =	ssyncset.done $0x0  }
0x12d: {  	[sflag:s22] =	ssyncadd.s32 $0xFFFFEC00  }
0x12e: {  	_ =	swait.ge [sflag:s22], $0x1400  }
0x12f: {  	[sflag:s22] =	ssyncset.done $0x0  }
0x130: {  	[sflag:s22] =	ssyncadd.s32 $0xFFFFEC00  }
0x131: {  	_ =	swait.ge [sflag:s22], $0x1400  }
0x132: {  	[sflag:s22] =	ssyncset.done $0x0  }
0x133: {  	[sflag:s22] =	ssyncadd.s32 $0xFFFFEC00  }
0x134: {  	_ =	swait.ge [sflag:s22], $0x1400  }
0x135: {  	[sflag:s22] =	ssyncset.done $0x0  }
0x136: {  	[sflag:s22] =	ssyncadd.s32 $0xFFFFEC00  }
0x137: {  	p2 =	seq.s32 s5, $0x8C00;
	_ =	swait.ge [sflag:s22], $0x1400  }
0x138: {  	s4 =	sshra.s32 @!p2 s5, $0x2;
	s5 =	simm.s32 @!p2 $0x5000;
	[sflag:s22] =	ssyncset.done $0x0  }
0x139: {  	s9 =	simm.s32 @!p2 $0x80;
	s8 =	sadd.s32 @!p2 $0x500, s4;
	[sflag:s22] =	ssyncadd.s32 $0xFFFFEC00  }
0x13a: {  	[tilespmem:s5], [sflag:$0x1] =	stream.indirect.gather @!p2 [spmem:s2], $0x28, s8, s9, $0xb8;
	[tilespmem:$0x1DFF8] =	vst v63  }
0x13b: {  	s10 =	sadd.s32 @!p2 $0x600, s4;
	s5 =	sadd.s32 @!p2 $0x580, s4;
	s8 =	simm.s32 @!p2 $0x6400  }
0x13c: {  	[tilespmem:s8], [sflag:$0x1] =	stream.indirect.gather @!p2 [spmem:s2], $0x28, s5, s9, $0xb8;
	[tilespmem:$0x1DFF8] =	vst v63  }
0x13d: {  	s5 =	simm.s32 @!p2 $0x7800;
	s8 =	sadd.s32 @!p2 $0x680, s4;
	s4 =	sadd.s32 @!p2 $0x700, s4  }
0x13e: {  	[tilespmem:s5], [sflag:$0x1] =	stream.indirect.gather @!p2 [spmem:s2], $0x28, s10, s9, $0xb8;
	[tilespmem:$0x1DFF8] =	vst v63  }
0x13f: {  	s10 =	simm.s32 @!p2 $0x8C00;
	s5 =	smov.u32 s7  }
0x140: {  	[tilespmem:s10], [sflag:$0x1] =	stream.indirect.gather @!p2 [spmem:s2], $0x28, s8, s9, $0xb8;
	[tilespmem:$0x1DFF8] =	vst v63  }
0x141: {  	s7 =	simm.s32 @!p2 $0xA000  }
0x142: {  	[tilespmem:s7], [sflag:$0x1] =	stream.indirect.gather @!p2 [spmem:s2], $0x28, s4, s9, $0xb8;
	[tilespmem:$0x1DFF8] =	vst v63  }
0x143: {  	_ =	swait.ge [sflag:s18], $0x1400  }
0x144: {  	[sflag:s18] =	ssyncset.done $0x0  }
0x145: {  	[sflag:s18] =	ssyncadd.s32 $0xFFFFEC00  }
0x146: {  	_ =	swait.ge [sflag:s18], $0x1400  }
0x147: {  	[sflag:s18] =	ssyncset.done $0x0  }
0x148: {  	[sflag:s18] =	ssyncadd.s32 $0xFFFFEC00  }
0x149: {  	_ =	swait.ge [sflag:s18], $0x1400  }
0x14a: {  	[sflag:s18] =	ssyncset.done $0x0  }
0x14b: {  	[sflag:s18] =	ssyncadd.s32 $0xFFFFEC00  }
0x14c: {  	_ =	swait.ge [sflag:s18], $0x1400  }
0x14d: {  	[sflag:s18] =	ssyncset.done $0x0  }
0x14e: {  	[sflag:s18] =	ssyncadd.s32 $0xFFFFEC00  }
0x14f: {  	_ =	swait.ge [sflag:s18], $0x1400  }
0x150: {  	[sflag:s18] =	ssyncset.done $0x0  }
0x151: {  	s4 =	sadd.s32 $0x2A80, s1;
	[sflag:s18] =	ssyncadd.s32 $0xFFFFEC00  }
0x152: {  	[spmem:s3] =	stream.indirect.scatter.add.f32 [tilespmem:s13], [sflag:$0x4], $0x28, s4, s20, $0xb8;
	[tilespmem:$0x1DFF8] =	vst v63  }
0x153: {  	s4 =	sadd.s32 $0x2B00, s1  }
0x154: {  	[spmem:s3] =	stream.indirect.scatter.add.f32 [tilespmem:s30], [sflag:$0x4], $0x28, s4, s20, $0xb8;
	[tilespmem:$0x1DFF8] =	vst v63  }
0x155: {  	s4 =	sadd.s32 $0x2B80, s1  }
0x156: {  	[spmem:s3] =	stream.indirect.scatter.add.f32 [tilespmem:s31], [sflag:$0x4], $0x28, s4, s20, $0xb8;
	[tilespmem:$0x1DFF8] =	vst v63  }
0x157: {  	s4 =	sadd.s32 $0x2C00, s1  }
0x158: {  	[spmem:s3] =	stream.indirect.scatter.add.f32 [tilespmem:s0], [sflag:$0x4], $0x28, s4, s20, $0xb8;
	[tilespmem:$0x1DFF8] =	vst v63  }
0x159: {  	s1 =	sadd.s32 $0x2C80, s1  }
0x15a: {  	[spmem:s3] =	stream.indirect.scatter.add.f32 [tilespmem:s16], [sflag:$0x4], $0x28, s1, s20, $0xb8;
	[tilespmem:$0x1DFF8] =	vst v63  }
0x15b: {  	_ =	swait.ge [sflag:s25], $0x1400  }
0x15c: {  	[sflag:s25] =	ssyncset.done $0x0  }
0x15d: {  	[sflag:s25] =	ssyncadd.s32 $0xFFFFEC00  }
0x15e: {  	_ =	swait.ge [sflag:s25], $0x1400  }
0x15f: {  	[sflag:s25] =	ssyncset.done $0x0  }
0x160: {  	[sflag:s25] =	ssyncadd.s32 $0xFFFFEC00  }
0x161: {  	_ =	swait.ge [sflag:s25], $0x1400  }
0x162: {  	[sflag:s25] =	ssyncset.done $0x0  }
0x163: {  	[sflag:s25] =	ssyncadd.s32 $0xFFFFEC00  }
.Ltmp3:
0x164: {  	_ =	swait.ge [sflag:s25], $0x1400;
	(pc) =	sbr.rel @p1 .LBB2_7-.Ltmp3, $4  }
0x165: {  	[sflag:s25] =	ssyncset.done $0x0  }
0x166: {  	[sflag:s25] =	ssyncadd.s32 $0xFFFFEC00  }
0x167: {  	_ =	swait.ge [sflag:s25], $0x1400  }
0x168: {  	s1 =	sshra.s32 s5, $0x2;
	[sflag:s25] =	ssyncset.done $0x0  }
0x169: {  	s4 =	sadd.s32 $0x280, s1;
	[sflag:s25] =	ssyncadd.s32 $0xFFFFEC00  }
0x16a: {  	[tilespmem:s13], [sflag:$0x2] =	stream.indirect.gather [spmem:s2], $0x28, s4, s20, $0xb8;
	[tilespmem:$0x1DFF8] =	vst v63  }
0x16b: {  	s15 =	sadd.s32 $0x300, s1  }
0x16c: {  	[tilespmem:s30], [sflag:$0x2] =	stream.indirect.gather [spmem:s2], $0x28, s15, s20, $0xb8;
	[tilespmem:$0x1DFF8] =	vst v63  }
0x16d: {  	s24 =	sadd.s32 $0x380, s1  }
0x16e: {  	[tilespmem:s31], [sflag:$0x2] =	stream.indirect.gather [spmem:s2], $0x28, s24, s20, $0xb8;
	[tilespmem:$0x1DFF8] =	vst v63  }
0x16f: {  	s6 =	sadd.s32 $0x400, s1  }
0x170: {  	[tilespmem:s0], [sflag:$0x2] =	stream.indirect.gather [spmem:s2], $0x28, s6, s20, $0xb8;
	[tilespmem:$0x1DFF8] =	vst v63  }
0x171: {  	s7 =	sadd.s32 $0x480, s1  }
0x172: {  	[tilespmem:s16], [sflag:$0x2] =	stream.indirect.gather [spmem:s2], $0x28, s7, s20, $0xb8;
	[tilespmem:$0x1DFF8] =	vst v63  }
0x173: {  	_ =	swait.ge [sflag:s19], $0x1400  }
0x174: {  	[sflag:s19] =	ssyncset.done $0x0  }
0x175: {  	[sflag:s19] =	ssyncadd.s32 $0xFFFFEC00  }
0x176: {  	_ =	swait.ge [sflag:s19], $0x1400  }
0x177: {  	[sflag:s19] =	ssyncset.done $0x0  }
0x178: {  	[sflag:s19] =	ssyncadd.s32 $0xFFFFEC00  }
0x179: {  	_ =	swait.ge [sflag:s19], $0x1400  }
0x17a: {  	[sflag:s19] =	ssyncset.done $0x0  }
0x17b: {  	[sflag:s19] =	ssyncadd.s32 $0xFFFFEC00  }
0x17c: {  	_ =	swait.ge [sflag:s19], $0x1400  }
0x17d: {  	[sflag:s19] =	ssyncset.done $0x0  }
0x17e: {  	[sflag:s19] =	ssyncadd.s32 $0xFFFFEC00  }
0x17f: {  	_ =	swait.ge [sflag:s19], $0x1400  }
0x180: {  	[sflag:s19] =	ssyncset.done $0x0  }
0x181: {  	s8 =	sadd.s32 $0x2800, s1;
	[sflag:s19] =	ssyncadd.s32 $0xFFFFEC00  }
0x182: {  	[spmem:s3] =	stream.indirect.scatter.add.f32 [tilespmem:s12], [sflag:$0x3], $0x28, s8, s20, $0xb8;
	[tilespmem:$0x1DFF8] =	vst v63  }
0x183: {  	s9 =	sadd.s32 $0x2880, s1  }
0x184: {  	[spmem:s3] =	stream.indirect.scatter.add.f32 [tilespmem:s21], [sflag:$0x3], $0x28, s9, s20, $0xb8;
	[tilespmem:$0x1DFF8] =	vst v63  }
0x185: {  	s10 =	sadd.s32 $0x2900, s1  }
0x186: {  	[spmem:s3] =	stream.indirect.scatter.add.f32 [tilespmem:s23], [sflag:$0x3], $0x28, s10, s20, $0xb8;
	[tilespmem:$0x1DFF8] =	vst v63  }
0x187: {  	s15 =	sadd.s32 $0x2980, s1  }
0x188: {  	[spmem:s3] =	stream.indirect.scatter.add.f32 [tilespmem:s26], [sflag:$0x3], $0x28, s15, s20, $0xb8;
	[tilespmem:$0x1DFF8] =	vst v63  }
0x189: {  	s24 =	sadd.s32 $0x2A00, s1  }
0x18a: {  	[spmem:s3] =	stream.indirect.scatter.add.f32 [tilespmem:s29], [sflag:$0x3], $0x28, s24, s20, $0xb8;
	[tilespmem:$0x1DFF8] =	vst v63  }
0x18b: {  	_ =	swait.ge [sflag:s22], $0x1400  }
0x18c: {  	[sflag:s22] =	ssyncset.done $0x0  }
0x18d: {  	[sflag:s22] =	ssyncadd.s32 $0xFFFFEC00  }
0x18e: {  	_ =	swait.ge [sflag:s22], $0x1400  }
0x18f: {  	[sflag:s22] =	ssyncset.done $0x0  }
0x190: {  	[sflag:s22] =	ssyncadd.s32 $0xFFFFEC00  }
0x191: {  	_ =	swait.ge [sflag:s22], $0x1400  }
0x192: {  	[sflag:s22] =	ssyncset.done $0x0  }
0x193: {  	[sflag:s22] =	ssyncadd.s32 $0xFFFFEC00  }
0x194: {  	_ =	swait.ge [sflag:s22], $0x1400  }
0x195: {  	[sflag:s22] =	ssyncset.done $0x0  }
0x196: {  	[sflag:s22] =	ssyncadd.s32 $0xFFFFEC00  }
0x197: {  	p1 =	seq.s32 s5, $0x8C00;
	_ =	swait.ge [sflag:s22], $0x1400  }
0x198: {  	s4 =	sshra.s32 @!p1 s5, $0x2;
	s5 =	simm.s32 @!p1 $0x5000;
	[sflag:s22] =	ssyncset.done $0x0  }
0x199: {  	s6 =	sadd.s32 @!p1 $0x500, s4;
	s7 =	simm.s32 @!p1 $0x80;
	[sflag:s22] =	ssyncadd.s32 $0xFFFFEC00  }
0x19a: {  	[tilespmem:s5], [sflag:$0x1] =	stream.indirect.gather @!p1 [spmem:s2], $0x28, s6, s7, $0xb8;
	[tilespmem:$0x1DFF8] =	vst v63  }
0x19b: {  	s5 =	sadd.s32 @!p1 $0x580, s4;
	s6 =	simm.s32 @!p1 $0x6400  }
0x19c: {  	[tilespmem:s6], [sflag:$0x1] =	stream.indirect.gather @!p1 [spmem:s2], $0x28, s5, s7, $0xb8;
	[tilespmem:$0x1DFF8] =	vst v63  }
0x19d: {  	s5 =	sadd.s32 @!p1 $0x600, s4;
	s6 =	simm.s32 @!p1 $0x7800  }
0x19e: {  	[tilespmem:s6], [sflag:$0x1] =	stream.indirect.gather @!p1 [spmem:s2], $0x28, s5, s7, $0xb8;
	[tilespmem:$0x1DFF8] =	vst v63  }
0x19f: {  	s5 =	sadd.s32 @!p1 $0x680, s4;
	s6 =	simm.s32 @!p1 $0x8C00  }
0x1a0: {  	[tilespmem:s6], [sflag:$0x1] =	stream.indirect.gather @!p1 [spmem:s2], $0x28, s5, s7, $0xb8;
	[tilespmem:$0x1DFF8] =	vst v63  }
0x1a1: {  	s4 =	sadd.s32 @!p1 $0x700, s4;
	s5 =	simm.s32 @!p1 $0xA000  }
0x1a2: {  	[tilespmem:s5], [sflag:$0x1] =	stream.indirect.gather @!p1 [spmem:s2], $0x28, s4, s7, $0xb8;
	[tilespmem:$0x1DFF8] =	vst v63  }
0x1a3: {  	_ =	swait.ge [sflag:s18], $0x1400  }
0x1a4: {  	[sflag:s18] =	ssyncset.done $0x0  }
0x1a5: {  	[sflag:s18] =	ssyncadd.s32 $0xFFFFEC00  }
0x1a6: {  	_ =	swait.ge [sflag:s18], $0x1400  }
0x1a7: {  	[sflag:s18] =	ssyncset.done $0x0  }
0x1a8: {  	[sflag:s18] =	ssyncadd.s32 $0xFFFFEC00  }
0x1a9: {  	_ =	swait.ge [sflag:s18], $0x1400  }
0x1aa: {  	[sflag:s18] =	ssyncset.done $0x0  }
0x1ab: {  	[sflag:s18] =	ssyncadd.s32 $0xFFFFEC00  }
0x1ac: {  	_ =	swait.ge [sflag:s18], $0x1400  }
0x1ad: {  	[sflag:s18] =	ssyncset.done $0x0  }
0x1ae: {  	[sflag:s18] =	ssyncadd.s32 $0xFFFFEC00  }
0x1af: {  	_ =	swait.ge [sflag:s18], $0x1400  }
0x1b0: {  	[sflag:s18] =	ssyncset.done $0x0  }
0x1b1: {  	s5 =	sadd.s32 $0x2A80, s1;
	[sflag:s18] =	ssyncadd.s32 $0xFFFFEC00  }
0x1b2: {  	[spmem:s3] =	stream.indirect.scatter.add.f32 [tilespmem:s13], [sflag:$0x4], $0x28, s5, s20, $0xb8;
	[tilespmem:$0x1DFF8] =	vst v63  }
0x1b3: {  	s6 =	sadd.s32 $0x2B00, s1  }
0x1b4: {  	[spmem:s3] =	stream.indirect.scatter.add.f32 [tilespmem:s30], [sflag:$0x4], $0x28, s6, s20, $0xb8;
	[tilespmem:$0x1DFF8] =	vst v63  }
0x1b5: {  	s7 =	sadd.s32 $0x2B80, s1  }
0x1b6: {  	[spmem:s3] =	stream.indirect.scatter.add.f32 [tilespmem:s31], [sflag:$0x4], $0x28, s7, s20, $0xb8;
	[tilespmem:$0x1DFF8] =	vst v63  }
0x1b7: {  	s8 =	sadd.s32 $0x2C00, s1  }
0x1b8: {  	[spmem:s3] =	stream.indirect.scatter.add.f32 [tilespmem:s0], [sflag:$0x4], $0x28, s8, s20, $0xb8;
	[tilespmem:$0x1DFF8] =	vst v63  }
0x1b9: {  	s9 =	sadd.s32 $0x2C80, s1  }
0x1ba: {  	[spmem:s3] =	stream.indirect.scatter.add.f32 [tilespmem:s16], [sflag:$0x4], $0x28, s9, s20, $0xb8;
	[tilespmem:$0x1DFF8] =	vst v63  }
0x1bb: {  	_ =	swait.ge [sflag:s25], $0x1400  }
0x1bc: {  	[sflag:s25] =	ssyncset.done $0x0  }
0x1bd: {  	[sflag:s25] =	ssyncadd.s32 $0xFFFFEC00  }
0x1be: {  	_ =	swait.ge [sflag:s25], $0x1400  }
0x1bf: {  	[sflag:s25] =	ssyncset.done $0x0  }
0x1c0: {  	[sflag:s25] =	ssyncadd.s32 $0xFFFFEC00  }
0x1c1: {  	_ =	swait.ge [sflag:s25], $0x1400  }
0x1c2: {  	[sflag:s25] =	ssyncset.done $0x0  }
0x1c3: {  	[sflag:s25] =	ssyncadd.s32 $0xFFFFEC00  }
0x1c4: {  	_ =	swait.ge [sflag:s25], $0x1400  }
0x1c5: {  	[sflag:s25] =	ssyncset.done $0x0  }
0x1c6: {  	[sflag:s25] =	ssyncadd.s32 $0xFFFFEC00  }
0x1c7: {  	_ =	swait.ge [sflag:s25], $0x1400  }
0x1c8: {  	[sflag:s25] =	ssyncset.done $0x0  }
0x1c9: {  	s10 =	stileid.u32;
	[sflag:s25] =	ssyncadd.s32 $0xFFFFEC00  }
0x1ca: {  	s1 =	sshll.u32 s10, $0x6;
	[bflag:$0x0] =	sbarrier.arrive $0xFFFF  }
0x1cb: {  	s11 =	sshrl.u32 s11, $0x3;
	s1 =	sor.u32 $0x1C05, s1;
	s15 =	rddreg [dreg:$0xc]  }
0x1cc: {  	[hbm:s15], [sflag:s1] =	dma.local [spmem:s11], $0xC58  }
0x1cd: {  	_ =	swait.ge [sflag:s14], $0xC58  }
0x1ce: {  	s28 =	sadd.s32 $0x1, s28;
	s24 =	rddreg [dreg:$0xa]  }
0x1cf: {  	p1 =	sne.s32 s28, s24  }
.Ltmp4:
0x1d0: {  	_ = 	snop;
	(pc) =	sbr.rel @p1 .LBB2_1-.Ltmp4, $3  }
0x1d1: {  	_ =	sdelay $0x1  }
0x1d2: {  	[sflag:s14] =	ssyncset.done $0x0  }
0x1d3: {  	[sflag:s14] =	ssyncadd.s32 $0xFFFFF3A8  }
0x1d4: {  	_ =	sfence.sel $0x180000  }
0x1d5: {  	[bflag:$0x0] =	sbarrier.arrive $0xFFFF  }
0x1d6: {  	_ =	strace $0x9000004D  }
0x1d7: {  	s0 =	stileid.u32;
	[bflag:$0x2] =	sbarrier.arrive $0xFFFF  }
0x1d8: {  	p0 =	sne.s32 s0, $0x0;
	s0 =	rddreg [dreg:$0x3]  }
0x1d9: {  	s0 =	sadd.s32 @!p0 $0x100000, s0  }
0x1da: {  	[sflag:s0] =	ssyncadd.tile.s32 @!p0 $0x1;
	_ =	shalt  }
.Lfunc_end2:
_tile_overlayer_lowered:
.L_overlay_start_2:
0x1db: {  	(tag) =	ssettag $0x2  }
0x1dc: {  	s0 =	rddreg [dreg:$0x0];
	s2 =	stileid.u32  }
0x1dd: {  	s1 =	rddreg [dreg:$0x1];
	p0 =	sne.s32 s2, $0x0  }
0x1de: {  	s3 =	rddreg [dreg:$0x2];
	[bflag:$0x3] =	sbarrier.arrive $0xFFFF;
	s2 =	simm.s32 @!p0 $0x1C05  }
0x1df: {  	[timem:s3], [sflag:s2] =	dma.local @!p0 [hbm:s0], s1  }
0x1e0: {  	s0 =	simm.s32 @!p0 $0x5  }
0x1e1: {  	_ =	swait.ge @!p0 [sflag:s0], s1  }
0x1e2: {  	s1 =	ssub.s32 @!p0 $0x0, s1;
	[sflag:s0] =	ssyncset.done @!p0 $0x0  }
0x1e3: {  	[sflag:s0] =	ssyncadd.s32 @!p0 s1  }
0x1e4: {  	[bflag:$0x3] =	sbarrier.arrive $0xFFFF  }
0x1e5: {  	_ =	shalt  }

// kernel: kernel.8.cloned.1.call-start
scs
__scs_entry_jumppad:
0x0: {  	(pc) =	sbr.rel $0x88, $3  }
0x1: {  	(tag) =	ssettag $0x0;
	lr =	simm.s32 $0x1  }
0x2: {  	[smem:$0x3F9D] =	sst lr;
	_ =	strace $0xD0000000  }
0x3: {  	_ = 	snop  }
0x4: {  	_ = 	snop  }
0x5: {  	_ = 	snop  }
0x6: {  	_ = 	snop  }
0x7: {  	_ = 	snop  }
__scs_overlays_trampoline_lowered:
0x8: {  	[smem:$0x3FAC] =	sst s0  }
0x9: {  	[smem:$0x3FAD] =	sst s1  }
0xa: {  	[smem:$0x3FAE] =	sst s2  }
0xb: {  	[smem:$0x3FAF] =	sst s3  }
0xc: {  	[smem:$0x3FB0] =	sst s4  }
0xd: {  	[smem:$0x3FB1] =	sst s5  }
0xe: {  	[smem:$0x3FB2] =	sst s6  }
0xf: {  	[smem:$0x3FB3] =	sst s7  }
0x10: {  	[smem:$0x3FB4] =	sst s8  }
0x11: {  	[smem:$0x3FB5] =	sst s9;
	s0 =	simm.s32 @!p0 $0x0  }
0x12: {  	s1 =	sld [smem:$0x3F9B];
	s0 =	simm.s32 @p0 $0x1  }
0x13: {  	[smem:$0x3FB6] =	sst s0;
	s0 =	simm.s32 @!p1 $0x0  }
0x14: {  	s2 =	sld [smem:$0x3F9A];
	s0 =	simm.s32 @p1 $0x1  }
0x15: {  	[smem:$0x3FB7] =	sst s0;
	s0 =	simm.s32 @!p2 $0x0  }
0x16: {  	s3 =	sld [smem:$0x3FDB];
	s0 =	simm.s32 @p2 $0x1  }
0x17: {  	s4 =	simm.s32 $0x1BF5;
	[smem:$0x3FB9] =	sst s0  }
0x18: {  	s0 =	sld [smem:$0x3F9C];
	_ =	swait.ge [sflag:s4], $0x0  }
0x19: {  	s7 =	sld [smem:$0x3F9D]  }
0x1a: {  	s8 =	sadd.s32 $0xFFFFE003, lr  }
0x1b: {  	s9 =	sadd.s32 $0xFFFFFEF7, lr;
	s5 =	simm.s32 $0xFFFFFFFF;
	p2 =	slt.u32 s8, $0xFFFFF086  }
0x1c: {  	p1 =	slt.u32 s9, $0xF7A;
	s5 =	simm.s32 @!p2 $0x0  }
0x1d: {  	s5 =	simm.s32 @p1 $0x1;
	p0 =	seq.s32 s7, s2  }
0x1e: {  	s7 =	smul.u32 @!p0 $0xF7A, s2;
	p2 =	seq.s32 @!p0 s5, $0x0  }
0x1f: {  	s9 =	smul.u32 $0xF7A, s1;
	s8 =	simm.s32 @!p0 $0x1BF5;
	p2 =	por !p2, p0  }
0x20: {  	[sflag:s8] =	ssyncset.s32 @!p0 $0xFFFFF086;
	s6 =	sadd.s32 @!p0 s3, s7;
	s7 =	simm.s32 @!p0 $0x108  }
0x21: {  	s3 =	sadd.s32 s3, s9;
	s6 =	sadd.s32 @!p0 $0x88, s6;
	s7 =	simm.s32 @p2 $0x1082  }
0x22: {  	[simem:s7], [sflag:s8] =	dma.local @!p0 [hbm:s6], $0xF7A  }
0x23: {  	s9 =	sor.u32 $0xD0000000, s2;
	s6 =	simm.s32 $0x108;
	_ =	swait.ge @!p0 [sflag:s8], $0x0  }
0x24: {  	s3 =	sadd.s32 $0x88, s3;
	s6 =	simm.s32 @!p1 $0x1082;
	[sflag:s4] =	ssyncset.s32 $0xFFFFF086  }
0x25: {  	[simem:s6], [sflag:s4] =	dma.local [hbm:s3], $0xF7A  }
0x26: {  	[smem:$0x3F9D] =	sst s1;
	(tag) =	ssettag s2;
	_ =	strace s9  }
0x27: {  	s1 =	sld [smem:$0x3FAD]  }
0x28: {  	s2 =	sld [smem:$0x3FAE]  }
0x29: {  	s4 =	sld [smem:$0x3FB0]  }
0x2a: {  	p0 =	seq.s32 s5, $0x0;
	s5 =	sld [smem:$0x3FB1]  }
0x2b: {  	s6 =	sld [smem:$0x3FB2]  }
0x2c: {  	s7 =	sld [smem:$0x3FB3]  }
0x2d: {  	s3 =	simm.s32 $0x108;
	s8 =	sld [smem:$0x3FB4]  }
0x2e: {  	s3 =	simm.s32 @!p0 $0x1082;
	s9 =	sld [smem:$0x3FB5]  }
0x2f: {  	lr =	sadd.s32 s0, s3;
	s0 =	sld [smem:$0x3FAC]  }
0x30: {  	s3 =	sld [smem:$0x3FAF]  }
0x31: {  	[smem:$0x3FB8] =	sst s10  }
0x32: {  	s10 =	sld [smem:$0x3FB6];
	_ =	sdelay $0x3  }
0x33: {  	p0 =	seq.s32 s10, $0x1;
	s10 =	sld [smem:$0x3FB8];
	_ =	sdelay $0x3  }
0x34: {  	[smem:$0x3FB8] =	sst s10  }
0x35: {  	s10 =	sld [smem:$0x3FB7];
	_ =	sdelay $0x3  }
0x36: {  	p1 =	seq.s32 s10, $0x1;
	s10 =	sld [smem:$0x3FB8];
	_ =	sdelay $0x3  }
0x37: {  	[smem:$0x3FB8] =	sst s10  }
0x38: {  	s10 =	sld [smem:$0x3FB9]  }
0x39: {  	_ = 	snop;
	(pc) =	sbr.ind lr, $3  }
0x3a: {  	_ = 	snop  }
0x3b: {  	_ = 	snop  }
0x3c: {  	p2 =	seq.s32 s10, $0x1;
	s10 =	sld [smem:$0x3FB8]  }
0x3d: {  	_ =	shalt  }
0x3e: {  	_ =	shalt  }
0x3f: {  	_ =	shalt  }
0x40: {  	_ =	shalt  }
0x41: {  	_ =	shalt  }
0x42: {  	_ =	shalt  }
0x43: {  	_ =	shalt  }
0x44: {  	_ =	shalt  }
0x45: {  	_ =	shalt  }
0x46: {  	_ =	shalt  }
0x47: {  	_ =	shalt  }
0x48: {  	_ =	shalt  }
0x49: {  	_ =	shalt  }
0x4a: {  	_ =	shalt  }
0x4b: {  	_ =	shalt  }
0x4c: {  	_ =	shalt  }
0x4d: {  	_ =	shalt  }
0x4e: {  	_ =	shalt  }
0x4f: {  	_ =	shalt  }
0x50: {  	_ =	shalt  }
0x51: {  	_ =	shalt  }
0x52: {  	_ =	shalt  }
0x53: {  	_ =	shalt  }
0x54: {  	_ =	shalt  }
0x55: {  	_ =	shalt  }
0x56: {  	_ =	shalt  }
0x57: {  	_ =	shalt  }
0x58: {  	_ =	shalt  }
0x59: {  	_ =	shalt  }
0x5a: {  	_ =	shalt  }
0x5b: {  	_ =	shalt  }
0x5c: {  	_ =	shalt  }
0x5d: {  	_ =	shalt  }
0x5e: {  	_ =	shalt  }
0x5f: {  	_ =	shalt  }
0x60: {  	_ =	shalt  }
0x61: {  	_ =	shalt  }
0x62: {  	_ =	shalt  }
0x63: {  	_ =	shalt  }
0x64: {  	_ =	shalt  }
0x65: {  	_ =	shalt  }
0x66: {  	_ =	shalt  }
0x67: {  	_ =	shalt  }
0x68: {  	_ =	shalt  }
0x69: {  	_ =	shalt  }
0x6a: {  	_ =	shalt  }
0x6b: {  	_ =	shalt  }
0x6c: {  	_ =	shalt  }
0x6d: {  	_ =	shalt  }
0x6e: {  	_ =	shalt  }
0x6f: {  	_ =	shalt  }
0x70: {  	_ =	shalt  }
0x71: {  	_ =	shalt  }
0x72: {  	_ =	shalt  }
0x73: {  	_ =	shalt  }
0x74: {  	_ =	shalt  }
0x75: {  	_ =	shalt  }
0x76: {  	_ =	shalt  }
0x77: {  	_ =	shalt  }
0x78: {  	_ =	shalt  }
0x79: {  	_ =	shalt  }
0x7a: {  	_ =	shalt  }
0x7b: {  	_ =	shalt  }
0x7c: {  	_ =	shalt  }
0x7d: {  	_ =	shalt  }
0x7e: {  	_ =	shalt  }
0x7f: {  	_ =	shalt  }
0x80: {  	_ =	shalt  }
0x81: {  	_ =	shalt  }
0x82: {  	_ =	shalt  }
0x83: {  	_ =	shalt  }
0x84: {  	_ =	shalt  }
0x85: {  	_ =	shalt  }
0x86: {  	_ =	shalt  }
0x87: {  	_ =	shalt  }
.Lfunc_end0:
.L_simem_size_0:
called_computation_lowered:
.L_overlay_start_0:
0x88: {  	s2 =	sld [smem:$0x3FD9]  }
0x89: {  	s3 =	sld [smem:$0x3FFE];
	_ =	sdelay $0x1  }
0x8a: {  	s1 =	srdreg.scid  }
0x8b: {  	s0 =	sand.u32 $0x1, s1  }
0x8c: {  	s16 =	sshll.u32 s0, $0xA;
	s2 =	sadd.s32 s3, s2  }
0x8d: {  	s2 =	sadd.s32 s2, s16  }
0x8e: {  	[smem:$0x3FC4] =	sst s2  }
0x8f: {  	_ = 	snop  }
0x90: {  	(tm) =	ssettm $0x1  }
0x91: {  	s17 =	sld [smem:$0x3FFB];
	_ =	sdelay $0x3  }
0x92: {  	_ =	strace s17  }
0x93: {  	s2 =	sld [smem:$0x3FFC];
	_ =	sdelay $0x3  }
0x94: {  	_ =	strace s2  }
0x95: {  	s2 =	sld [smem:$0x3FFD];
	_ =	sdelay $0x3  }
0x96: {  	_ =	strace s2  }
0x97: {  	_ =	strace $0x8FFFFFFF  }
0x98: {  	s18 =	sld [smem:$0x3FDB];
	_ =	sdelay $0x1  }
0x99: {  	s19 =	simm.s32 $_scs_section_size  }
0x9a: {  	s4 =	simm.s32 $_size__tile_overlayer_lowered;
	s5 =	simm.s32 $_tile_overlayer_lowered  }
0x9b: {  	s22 =	simm.s32 $0x1BFF;
	s21 =	sshll.u32 s5, $0x1;
	s2 =	sadd.s32 s19, s18  }
0x9c: {  	s6 =	simm.s32 $0x0;
	s20 =	sshll.u32 s4, $0x1;
	s4 =	sadd.s32 s21, s2  }
0x9d: {  	[timem:s6], [sflag:s22] =	dma.local [hbm:s4], s20  }
0x9e: {  	_ =	swait.ge [sflag:s22], s20  }
0x9f: {  	s3 =	ssub.s32 $0x0, s20;
	[sflag:s22] =	ssyncset.done $0x0  }
0xa0: {  	[sflag:s22] =	ssyncadd.s32 s3;
	_ =	sdelay $0x1  }
0xa1: {  	s23 =	simm.s32 $0x1B8B  }
0xa2: {  	_ =	swait.ge [sflag:s23], $0x1  }
0xa3: {  	[sflag:s23] =	ssyncset.done $0x0  }
0xa4: {  	s25 =	simm.s32 $0x1B8E;
	s24 =	sld [smem:$0x3FFE];
	[sflag:s23] =	ssyncadd.s32 $0xFFFFFFFF  }
0xa5: {  	s26 =	simm.s32 $execute0_lowered;
	[smem:$0x3FD2] =	sst s25  }
0xa6: {  	s4 =	sshll.u32 s26, $0x1;
	_ =	strace $0x80000046;
	[dreg:$0x1] =	wrdreg $0xFFFFFFFF  }
0xa7: {  	s28 =	simm.s32 $_size_execute0_lowered;
	s2 =	sadd.s32 s2, s4;
	[dreg:$0x0] =	wrdreg $0x0  }
0xa8: {  	s4 =	sshll.u32 s28, $0x1;
	[dreg:$0x2] =	wrdreg s2  }
0xa9: {  	[dreg:$0x3] =	wrdreg s4  }
0xaa: {  	[dreg:$0x4] =	wrdreg $0xC0  }
0xab: {  	_ =	task [dreg:s6], $0x5FFFF  }
0xac: {  	[dreg:$0x1] =	wrdreg $0xFFFFFFFF  }
0xad: {  	[dreg:$0x0] =	wrdreg $0x60  }
0xae: {  	[dreg:$0x2] =	wrdreg s24  }
0xaf: {  	[dreg:$0x3] =	wrdreg $0x2B000  }
0xb0: {  	[dreg:$0x4] =	wrdreg $0x9  }
0xb1: {  	_ =	task.clear_ibuf [dreg:s6], $0x5FFFF;
	_ =	strace $0x90000046  }
0xb2: {  	s29 =	simm.s32 $0x9;
	_ =	strace $0x80000048  }
0xb3: {  	_ =	swait.ge [sflag:s29], $0x1  }
0xb4: {  	[sflag:s29] =	ssyncadd.s32 $0xFFFFFFFF  }
0xb5: {  	_ =	strace $0x90000048  }
0xb6: {  	_ =	sfence  }
0xb7: {  	s30 =	sld [smem:$0x0];
	_ =	sdelay $0x2  }
0xb8: {  	s31 =	sshll.u32 s1, $0xD;
	s1 =	sshrl.u32 s1, $0x2  }
0xb9: {  	s3 =	sand.u32 $0x4000, s31;
	s1 =	sadd.s32 s1, s30  }
0xba: {  	s0 =	sor.u32 s3, s0;
	s1 =	sshll.u32 s1, $0x11  }
0xbb: {  	s0 =	sor.u32 s1, s0  }
0xbc: {  	s0 =	sadd.s32 $0x8F2B, s0  }
0xbd: {  	[sflag:s0] =	ssyncadd.remote.s32 $0x1  }
0xbe: {  	_ =	sfence.sel $0xFFFF  }
0xbf: {  	[dreg:$0x0] =	wrdreg $0xFFFFFFFF;
	(pc) =	sbr.abs _section_cstart, $3  }
0xc0: {  	[dreg:$0x1] =	wrdreg $0xFFFFFFFF  }
0xc1: {  	_ =	task.clear_ibuf [dreg:s6], $0x2FFFF;
	_ =	strace $0x9FFFFFFF  }
0xc2: {  	(tm) =	ssettm $0x7FFFFFFF  }
0xc3: {  	_ =	shalt  }
tec
execute0_lowered:
.L_overlay_start_1:
0x0: {  	(tag) =	ssettag $0x1  }
0x1: {  	s5 =	rddreg [dreg:$0x0]  }
0x2: {  	s1 =	rddreg [dreg:$0x1]  }
0x3: {  	s0 =	rddreg [dreg:$0x2];
	s2 =	simm.s32 $0x0  }
0x4: {  	s3 =	srdreg.scid;
	s11 =	simm.s32 $0x1;
	[smem:$0x7FF] =	sst s2  }
0x5: {  	s4 =	sand.u32 $0x1, s3;
	s3 =	stileid.u32;
	s10 =	sadd.s32 $0xC000, s5  }
0x6: {  	s6 =	smul.u32 $0x500, s4;
	s7 =	ssub.s32 $0x2, s4;
	_ =	strace $0x80000047  }
0x7: {  	s9 =	smul.u32 $0x280, s3;
	s31 =	sshll.u32 s3, $0x1;
	s8 =	sshrl.u32 s7, $0x1  }
0x8: {  	s6 =	sadd.s32 s6, s5;
	s7 =	ssub.s32 s7, s8;
	s8 =	sor.u32 s4, s31  }
0x9: {  	s4 =	sadd.s32 s9, s1;
	s13 =	sshrl.u32 s9, $0x3;
	s9 =	simm.s32 $0x80  }
0xa: {  	s8 =	smul.u32 $0x500, s8;
	s12 =	sadd.s32 $0x16000, s6;
	s5 =	smax.u32 s7, $0x1  }
0xb: {  	s6 =	simm.s32 $0x2880;
	s7 =	simm.s32 $0x2;
	s12 =	sadd.s32 s13, s12  }
0xc: {  	v0 =	vimm.f32 $1.000000000e+00;
	v1 =	vimm.f32 $0.0e+00;
	s13 =	simm.s32 $0x0;
	s8 =	sadd.s32 s8, s10;
	s10 =	simm.s32 $0x2800  }
.LBB2_1:
0xd: {  	[tilespmem:$0x2800] =	vst v0  }
0xe: {  	[tilespmem:$0x2810] =	vst v0  }
0xf: {  	[tilespmem:$0x2820] =	vst v0  }
0x10: {  	[tilespmem:$0x2830] =	vst v0  }
0x11: {  	[tilespmem:$0x2840] =	vst v0  }
0x12: {  	[tilespmem:$0x2850] =	vst v0  }
0x13: {  	[tilespmem:$0x2860] =	vst v0  }
0x14: {  	[tilespmem:$0x2870] =	vst v0  }
0x15: {  	[tilespmem:$0x2880] =	vst v1  }
0x16: {  	[tilespmem:$0x2890] =	vst v1  }
0x17: {  	[tilespmem:$0x28A0] =	vst v1  }
0x18: {  	[tilespmem:$0x28B0] =	vst v1  }
0x19: {  	[tilespmem:$0x28C0] =	vst v1  }
0x1a: {  	[tilespmem:$0x28D0] =	vst v1  }
0x1b: {  	[tilespmem:$0x28E0] =	vst v1  }
0x1c: {  	[tilespmem:$0x28F0] =	vst v1  }
0x1d: {  	[tilespmem:$0x2900] =	vst v1  }
0x1e: {  	[tilespmem:$0x2910] =	vst v1  }
0x1f: {  	[tilespmem:$0x2920] =	vst v1  }
0x20: {  	[tilespmem:$0x2930] =	vst v1  }
0x21: {  	[tilespmem:$0x2940] =	vst v1  }
0x22: {  	[tilespmem:$0x2950] =	vst v1  }
0x23: {  	[tilespmem:$0x2960] =	vst v1  }
0x24: {  	[tilespmem:$0x2970] =	vst v1  }
0x25: {  	[tilespmem:$0x2980] =	vst v1  }
0x26: {  	[tilespmem:$0x2990] =	vst v1  }
0x27: {  	[tilespmem:$0x29A0] =	vst v1  }
0x28: {  	[tilespmem:$0x29B0] =	vst v1  }
0x29: {  	[tilespmem:$0x29C0] =	vst v1  }
0x2a: {  	[tilespmem:$0x29D0] =	vst v1  }
0x2b: {  	[tilespmem:$0x29E0] =	vst v1  }
0x2c: {  	[tilespmem:$0x29F0] =	vst v1  }
0x2d: {  	[tilespmem:$0x2A00] =	vst v1  }
0x2e: {  	[tilespmem:$0x2A10] =	vst v1  }
0x2f: {  	[tilespmem:$0x2A20] =	vst v1  }
0x30: {  	[tilespmem:$0x2A30] =	vst v1  }
0x31: {  	[tilespmem:$0x2A40] =	vst v1  }
0x32: {  	[tilespmem:$0x2A50] =	vst v1  }
0x33: {  	[tilespmem:$0x2A60] =	vst v1  }
0x34: {  	[tilespmem:$0x2A70] =	vst v1  }
0x35: {  	[tilespmem:$0x2A80] =	vst v1  }
0x36: {  	[tilespmem:$0x2A90] =	vst v1  }
0x37: {  	[tilespmem:$0x2AA0] =	vst v1  }
0x38: {  	[tilespmem:$0x2AB0] =	vst v1  }
0x39: {  	[tilespmem:$0x2AC0] =	vst v1  }
0x3a: {  	[tilespmem:$0x2AD0] =	vst v1  }
0x3b: {  	[tilespmem:$0x2AE0] =	vst v1  }
0x3c: {  	[tilespmem:$0x2AF0] =	vst v1  }
0x3d: {  	[spmem:s4] =	stream.linear.scatter [tilespmem:s6], [sflag:$0x2], $0x280, $0x38;
	[tilespmem:$0x2D80] =	vst v63  }
0x3e: {  	_ =	swait.ge [sflag:s7], $0x280  }
0x3f: {  	[sflag:s7] =	ssyncset.done $0x0  }
0x40: {  	[sflag:s7] =	ssyncadd.s32 $0xFFFFFD80  }
0x41: {  	[tilespmem:s2], [sflag:$0x2] =	stream.linear.gather [hbm4b:s8+s2], $0x2800, $0x38;
	[tilespmem:$0x2D80] =	vst v63  }
0x42: {  	_ =	swait.ge [sflag:s7], $0x2800  }
0x43: {  	[sflag:s7] =	ssyncset.done $0x0  }
0x44: {  	[sflag:s7] =	ssyncadd.s32 $0xFFFFD800  }
0x45: {  	s14 =	simm.s32 $0x0;
	[bflag:$0x0] =	sbarrier.arrive $0xFFFF  }
0x46: {  	[spmem:s1] =	stream.indirect.scatter.add.f32 [tilespmem:s10], [sflag:$0x1], $0x1, s14, s9, $0xb8;
	[tilespmem:$0x2D80] =	vst v63  }
0x47: {  	s22 =	simm.s32 $0x80  }
0x48: {  	[spmem:s1] =	stream.indirect.scatter.add.f32 [tilespmem:s10], [sflag:$0x1], $0x1, s22, s9, $0xb8;
	[tilespmem:$0x2D80] =	vst v63  }
0x49: {  	s23 =	simm.s32 $0x100  }
0x4a: {  	[spmem:s1] =	stream.indirect.scatter.add.f32 [tilespmem:s10], [sflag:$0x1], $0x1, s23, s9, $0xb8;
	[tilespmem:$0x2D80] =	vst v63  }
0x4b: {  	s24 =	simm.s32 $0x180  }
0x4c: {  	[spmem:s1] =	stream.indirect.scatter.add.f32 [tilespmem:s10], [sflag:$0x1], $0x1, s24, s9, $0xb8;
	[tilespmem:$0x2D80] =	vst v63  }
0x4d: {  	s25 =	simm.s32 $0x200  }
0x4e: {  	[spmem:s1] =	stream.indirect.scatter.add.f32 [tilespmem:s10], [sflag:$0x1], $0x1, s25, s9, $0xb8;
	[tilespmem:$0x2D80] =	vst v63  }
0x4f: {  	s26 =	simm.s32 $0x280  }
0x50: {  	[spmem:s1] =	stream.indirect.scatter.add.f32 [tilespmem:s10], [sflag:$0x1], $0x1, s26, s9, $0xb8;
	[tilespmem:$0x2D80] =	vst v63  }
0x51: {  	s28 =	simm.s32 $0x300  }
0x52: {  	[spmem:s1] =	stream.indirect.scatter.add.f32 [tilespmem:s10], [sflag:$0x1], $0x1, s28, s9, $0xb8;
	[tilespmem:$0x2D80] =	vst v63  }
0x53: {  	s29 =	simm.s32 $0x380  }
0x54: {  	[spmem:s1] =	stream.indirect.scatter.add.f32 [tilespmem:s10], [sflag:$0x1], $0x1, s29, s9, $0xb8;
	[tilespmem:$0x2D80] =	vst v63  }
0x55: {  	s30 =	simm.s32 $0x400  }
0x56: {  	[spmem:s1] =	stream.indirect.scatter.add.f32 [tilespmem:s10], [sflag:$0x1], $0x1, s30, s9, $0xb8;
	[tilespmem:$0x2D80] =	vst v63  }
0x57: {  	s31 =	simm.s32 $0x480  }
0x58: {  	[spmem:s1] =	stream.indirect.scatter.add.f32 [tilespmem:s10], [sflag:$0x1], $0x1, s31, s9, $0xb8;
	[tilespmem:$0x2D80] =	vst v63  }
0x59: {  	_ =	swait.ge [sflag:s11], $0x80  }
0x5a: {  	[sflag:s11] =	ssyncset.done $0x0  }
0x5b: {  	[sflag:s11] =	ssyncadd.s32 $0xFFFFFF80  }
0x5c: {  	_ =	swait.ge [sflag:s11], $0x80  }
0x5d: {  	[sflag:s11] =	ssyncset.done $0x0  }
0x5e: {  	[sflag:s11] =	ssyncadd.s32 $0xFFFFFF80  }
0x5f: {  	_ =	swait.ge [sflag:s11], $0x80  }
0x60: {  	[sflag:s11] =	ssyncset.done $0x0  }
0x61: {  	[sflag:s11] =	ssyncadd.s32 $0xFFFFFF80  }
0x62: {  	_ =	swait.ge [sflag:s11], $0x80  }
0x63: {  	[sflag:s11] =	ssyncset.done $0x0  }
0x64: {  	[sflag:s11] =	ssyncadd.s32 $0xFFFFFF80  }
0x65: {  	_ =	swait.ge [sflag:s11], $0x80  }
0x66: {  	[sflag:s11] =	ssyncset.done $0x0  }
0x67: {  	[sflag:s11] =	ssyncadd.s32 $0xFFFFFF80  }
0x68: {  	_ =	swait.ge [sflag:s11], $0x80  }
0x69: {  	[sflag:s11] =	ssyncset.done $0x0  }
0x6a: {  	[sflag:s11] =	ssyncadd.s32 $0xFFFFFF80  }
0x6b: {  	_ =	swait.ge [sflag:s11], $0x80  }
0x6c: {  	[sflag:s11] =	ssyncset.done $0x0  }
0x6d: {  	[sflag:s11] =	ssyncadd.s32 $0xFFFFFF80  }
0x6e: {  	_ =	swait.ge [sflag:s11], $0x80  }
0x6f: {  	[sflag:s11] =	ssyncset.done $0x0  }
0x70: {  	[sflag:s11] =	ssyncadd.s32 $0xFFFFFF80  }
0x71: {  	_ =	swait.ge [sflag:s11], $0x80  }
0x72: {  	[sflag:s11] =	ssyncset.done $0x0  }
0x73: {  	[sflag:s11] =	ssyncadd.s32 $0xFFFFFF80  }
0x74: {  	_ =	swait.ge [sflag:s11], $0x80  }
0x75: {  	s16 =	simm.s32 $0x2800;
	s14 =	simm.s32 $0x1400;
	[sflag:s11] =	ssyncset.done $0x0  }
.LBB2_2:
0x76: {  	s17 =	sshra.s32 s14, $0x2  }
0x77: {  	[sflag:s11] =	ssyncadd.s32 $0xFFFFFF80;
	s14 =	smov.u32 s16;
	s15 =	sadd.s32 $0x1400, s16  }
0x78: {  	[spmem:s1] =	stream.indirect.scatter.add.f32 [tilespmem:s10], [sflag:$0x1], $0x1, s17, s9, $0xb8;
	[tilespmem:$0x2D80] =	vst v63  }
0x79: {  	p0 =	sne.s32 s16, $0x8C00;
	s16 =	sadd.s32 $0x80, s17  }
0x7a: {  	[spmem:s1] =	stream.indirect.scatter.add.f32 [tilespmem:s10], [sflag:$0x1], $0x1, s16, s9, $0xb8;
	[tilespmem:$0x2D80] =	vst v63  }
0x7b: {  	s16 =	sadd.s32 $0x100, s17  }
0x7c: {  	[spmem:s1] =	stream.indirect.scatter.add.f32 [tilespmem:s10], [sflag:$0x1], $0x1, s16, s9, $0xb8;
	[tilespmem:$0x2D80] =	vst v63  }
0x7d: {  	s16 =	sadd.s32 $0x180, s17  }
0x7e: {  	[spmem:s1] =	stream.indirect.scatter.add.f32 [tilespmem:s10], [sflag:$0x1], $0x1, s16, s9, $0xb8;
	[tilespmem:$0x2D80] =	vst v63  }
0x7f: {  	s16 =	sadd.s32 $0x200, s17  }
0x80: {  	[spmem:s1] =	stream.indirect.scatter.add.f32 [tilespmem:s10], [sflag:$0x1], $0x1, s16, s9, $0xb8;
	[tilespmem:$0x2D80] =	vst v63  }
0x81: {  	s16 =	sadd.s32 $0x280, s17  }
0x82: {  	[spmem:s1] =	stream.indirect.scatter.add.f32 [tilespmem:s10], [sflag:$0x1], $0x1, s16, s9, $0xb8;
	[tilespmem:$0x2D80] =	vst v63  }
0x83: {  	s16 =	sadd.s32 $0x300, s17  }
0x84: {  	[spmem:s1] =	stream.indirect.scatter.add.f32 [tilespmem:s10], [sflag:$0x1], $0x1, s16, s9, $0xb8;
	[tilespmem:$0x2D80] =	vst v63  }
0x85: {  	s16 =	sadd.s32 $0x380, s17  }
0x86: {  	[spmem:s1] =	stream.indirect.scatter.add.f32 [tilespmem:s10], [sflag:$0x1], $0x1, s16, s9, $0xb8;
	[tilespmem:$0x2D80] =	vst v63  }
0x87: {  	s16 =	sadd.s32 $0x400, s17  }
0x88: {  	[spmem:s1] =	stream.indirect.scatter.add.f32 [tilespmem:s10], [sflag:$0x1], $0x1, s16, s9, $0xb8;
	[tilespmem:$0x2D80] =	vst v63  }
0x89: {  	s16 =	sadd.s32 $0x480, s17  }
0x8a: {  	[spmem:s1] =	stream.indirect.scatter.add.f32 [tilespmem:s10], [sflag:$0x1], $0x1, s16, s9, $0xb8;
	[tilespmem:$0x2D80] =	vst v63  }
0x8b: {  	_ =	swait.ge [sflag:s11], $0x80  }
0x8c: {  	[sflag:s11] =	ssyncset.done $0x0  }
0x8d: {  	[sflag:s11] =	ssyncadd.s32 $0xFFFFFF80  }
0x8e: {  	_ =	swait.ge [sflag:s11], $0x80  }
0x8f: {  	[sflag:s11] =	ssyncset.done $0x0  }
0x90: {  	[sflag:s11] =	ssyncadd.s32 $0xFFFFFF80  }
0x91: {  	_ =	swait.ge [sflag:s11], $0x80  }
0x92: {  	[sflag:s11] =	ssyncset.done $0x0  }
0x93: {  	[sflag:s11] =	ssyncadd.s32 $0xFFFFFF80  }
0x94: {  	_ =	swait.ge [sflag:s11], $0x80  }
0x95: {  	[sflag:s11] =	ssyncset.done $0x0  }
0x96: {  	[sflag:s11] =	ssyncadd.s32 $0xFFFFFF80  }
0x97: {  	_ =	swait.ge [sflag:s11], $0x80  }
0x98: {  	[sflag:s11] =	ssyncset.done $0x0  }
0x99: {  	[sflag:s11] =	ssyncadd.s32 $0xFFFFFF80  }
0x9a: {  	_ =	swait.ge [sflag:s11], $0x80  }
0x9b: {  	[sflag:s11] =	ssyncset.done $0x0  }
0x9c: {  	[sflag:s11] =	ssyncadd.s32 $0xFFFFFF80  }
0x9d: {  	_ =	swait.ge [sflag:s11], $0x80  }
0x9e: {  	[sflag:s11] =	ssyncset.done $0x0  }
0x9f: {  	[sflag:s11] =	ssyncadd.s32 $0xFFFFFF80  }
0xa0: {  	_ =	swait.ge [sflag:s11], $0x80  }
0xa1: {  	[sflag:s11] =	ssyncset.done $0x0  }
0xa2: {  	[sflag:s11] =	ssyncadd.s32 $0xFFFFFF80  }
.Ltmp0:
0xa3: {  	_ =	swait.ge [sflag:s11], $0x80;
	(pc) =	sbr.rel @p0 .LBB2_2-.Ltmp0, $4  }
0xa4: {  	[sflag:s11] =	ssyncset.done $0x0  }
0xa5: {  	[sflag:s11] =	ssyncadd.s32 $0xFFFFFF80  }
0xa6: {  	_ =	swait.ge [sflag:s11], $0x80  }
0xa7: {  	s16 =	smov.u32 s15;
	[sflag:s11] =	ssyncset.done $0x0  }
0xa8: {  	s14 =	sshra.s32 s14, $0x2;
	[sflag:s11] =	ssyncadd.s32 $0xFFFFFF80  }
0xa9: {  	[spmem:s1] =	stream.indirect.scatter.add.f32 [tilespmem:s10], [sflag:$0x1], $0x1, s14, s9, $0xb8;
	[tilespmem:$0x2D80] =	vst v63  }
0xaa: {  	s15 =	sadd.s32 $0x80, s14  }
0xab: {  	[spmem:s1] =	stream.indirect.scatter.add.f32 [tilespmem:s10], [sflag:$0x1], $0x1, s15, s9, $0xb8;
	[tilespmem:$0x2D80] =	vst v63  }
0xac: {  	s24 =	sadd.s32 $0x100, s14  }
0xad: {  	[spmem:s1] =	stream.indirect.scatter.add.f32 [tilespmem:s10], [sflag:$0x1], $0x1, s24, s9, $0xb8;
	[tilespmem:$0x2D80] =	vst v63  }
0xae: {  	s25 =	sadd.s32 $0x180, s14  }
0xaf: {  	[spmem:s1] =	stream.indirect.scatter.add.f32 [tilespmem:s10], [sflag:$0x1], $0x1, s25, s9, $0xb8;
	[tilespmem:$0x2D80] =	vst v63  }
0xb0: {  	s26 =	sadd.s32 $0x200, s14  }
0xb1: {  	[spmem:s1] =	stream.indirect.scatter.add.f32 [tilespmem:s10], [sflag:$0x1], $0x1, s26, s9, $0xb8;
	[tilespmem:$0x2D80] =	vst v63  }
0xb2: {  	s28 =	sadd.s32 $0x280, s14  }
0xb3: {  	[spmem:s1] =	stream.indirect.scatter.add.f32 [tilespmem:s10], [sflag:$0x1], $0x1, s28, s9, $0xb8;
	[tilespmem:$0x2D80] =	vst v63  }
0xb4: {  	s29 =	sadd.s32 $0x300, s14  }
0xb5: {  	[spmem:s1] =	stream.indirect.scatter.add.f32 [tilespmem:s10], [sflag:$0x1], $0x1, s29, s9, $0xb8;
	[tilespmem:$0x2D80] =	vst v63  }
0xb6: {  	s30 =	sadd.s32 $0x380, s14  }
0xb7: {  	[spmem:s1] =	stream.indirect.scatter.add.f32 [tilespmem:s10], [sflag:$0x1], $0x1, s30, s9, $0xb8;
	[tilespmem:$0x2D80] =	vst v63  }
0xb8: {  	s31 =	sadd.s32 $0x400, s14  }
0xb9: {  	[spmem:s1] =	stream.indirect.scatter.add.f32 [tilespmem:s10], [sflag:$0x1], $0x1, s31, s9, $0xb8;
	[tilespmem:$0x2D80] =	vst v63  }
0xba: {  	s14 =	sadd.s32 $0x480, s14  }
0xbb: {  	[spmem:s1] =	stream.indirect.scatter.add.f32 [tilespmem:s10], [sflag:$0x1], $0x1, s14, s9, $0xb8;
	[tilespmem:$0x2D80] =	vst v63  }
0xbc: {  	_ =	swait.ge [sflag:s11], $0x80  }
0xbd: {  	[sflag:s11] =	ssyncset.done $0x0  }
0xbe: {  	[sflag:s11] =	ssyncadd.s32 $0xFFFFFF80  }
0xbf: {  	_ =	swait.ge [sflag:s11], $0x80  }
0xc0: {  	[sflag:s11] =	ssyncset.done $0x0  }
0xc1: {  	[sflag:s11] =	ssyncadd.s32 $0xFFFFFF80  }
0xc2: {  	_ =	swait.ge [sflag:s11], $0x80  }
0xc3: {  	[sflag:s11] =	ssyncset.done $0x0  }
0xc4: {  	[sflag:s11] =	ssyncadd.s32 $0xFFFFFF80  }
0xc5: {  	_ =	swait.ge [sflag:s11], $0x80  }
0xc6: {  	[sflag:s11] =	ssyncset.done $0x0  }
0xc7: {  	[sflag:s11] =	ssyncadd.s32 $0xFFFFFF80  }
0xc8: {  	_ =	swait.ge [sflag:s11], $0x80  }
0xc9: {  	[sflag:s11] =	ssyncset.done $0x0  }
0xca: {  	[sflag:s11] =	ssyncadd.s32 $0xFFFFFF80  }
0xcb: {  	_ =	swait.ge [sflag:s11], $0x80  }
0xcc: {  	[sflag:s11] =	ssyncset.done $0x0  }
0xcd: {  	[sflag:s11] =	ssyncadd.s32 $0xFFFFFF80  }
0xce: {  	_ =	swait.ge [sflag:s11], $0x80  }
0xcf: {  	[sflag:s11] =	ssyncset.done $0x0  }
0xd0: {  	[sflag:s11] =	ssyncadd.s32 $0xFFFFFF80  }
0xd1: {  	_ =	swait.ge [sflag:s11], $0x80  }
0xd2: {  	[sflag:s11] =	ssyncset.done $0x0  }
0xd3: {  	[sflag:s11] =	ssyncadd.s32 $0xFFFFFF80  }
0xd4: {  	_ =	swait.ge [sflag:s11], $0x80  }
0xd5: {  	[sflag:s11] =	ssyncset.done $0x0  }
0xd6: {  	[sflag:s11] =	ssyncadd.s32 $0xFFFFFF80  }
0xd7: {  	_ =	swait.ge [sflag:s11], $0x80  }
0xd8: {  	[sflag:s11] =	ssyncset.done $0x0  }
0xd9: {  	[sflag:s11] =	ssyncadd.s32 $0xFFFFFF80  }
0xda: {  	[bflag:$0x0] =	sbarrier.arrive $0xFFFF  }
0xdb: {  	[tilespmem:s6], [sflag:$0x2] =	stream.linear.gather [spmem:s4], $0x280, $0x38;
	[tilespmem:$0x2D80] =	vst v63  }
0xdc: {  	s13 =	sadd.s32 $0x1, s13;
	_ =	swait.ge [sflag:s7], $0x280  }
0xdd: {  	p0 =	sne.s32 s13, s5;
	[sflag:s7] =	ssyncset.done $0x0  }
.Ltmp1:
0xde: {  	[sflag:s7] =	ssyncadd.s32 $0xFFFFFD80;
	(pc) =	sbr.rel @p0 .LBB2_1-.Ltmp1, $4  }
0xdf: {  	[hbm4b:s12+s2] =	stream.linear.scatter [tilespmem:s6], [sflag:$0x2], $0x280, $0x38;
	[tilespmem:$0x2D80] =	vst v63  }
0xe0: {  	_ =	swait.ge [sflag:s7], $0x280  }
0xe1: {  	[sflag:s7] =	ssyncset.done $0x0  }
0xe2: {  	[sflag:s7] =	ssyncadd.s32 $0xFFFFFD80  }
0xe3: {  	_ =	sfence.sel $0x180000  }
0xe4: {  	[bflag:$0x0] =	sbarrier.arrive $0xFFFF  }
0xe5: {  	p0 =	sne.s32 s3, $0x0;
	_ =	strace $0x90000047  }
0xe6: {  	s0 =	sadd.s32 @!p0 $0x100000, s0;
	[bflag:$0x2] =	sbarrier.arrive $0xFFFF  }
0xe7: {  	[sflag:s0] =	ssyncadd.tile.s32 @!p0 $0x1;
	_ =	shalt  }
.Lfunc_end2:
_tile_overlayer_lowered:
.L_overlay_start_2:
0xe8: {  	(tag) =	ssettag $0x2  }
0xe9: {  	s0 =	rddreg [dreg:$0x0];
	s2 =	stileid.u32  }
0xea: {  	s1 =	rddreg [dreg:$0x1];
	p0 =	sne.s32 s2, $0x0  }
0xeb: {  	s3 =	rddreg [dreg:$0x2];
	[bflag:$0x3] =	sbarrier.arrive $0xFFFF;
	s2 =	simm.s32 @!p0 $0x1C02  }
0xec: {  	[timem:s3], [sflag:s2] =	dma.local @!p0 [hbm:s0], s1  }
0xed: {  	s0 =	simm.s32 @!p0 $0x2  }
0xee: {  	_ =	swait.ge @!p0 [sflag:s0], s1  }
0xef: {  	s1 =	ssub.s32 @!p0 $0x0, s1;
	[sflag:s0] =	ssyncset.done @!p0 $0x0  }
0xf0: {  	[sflag:s0] =	ssyncadd.s32 @!p0 s1  }
0xf1: {  	[bflag:$0x3] =	sbarrier.arrive $0xFFFF  }
0xf2: {  	_ =	shalt  }

</sc_bundles>
